<compile_context>
chip_gen: v7x
topology: tpu7x:2x2x1
jax: 0.10.2.dev20260603
libtpu: 0.0.44.dev20260713+nightly
codegen_flags: <defaults>
</compile_context>

<pallas_src>
import functools

import jax
import jax.numpy as jnp
from jax import lax
from jax.experimental import pallas as pl
from jax.experimental.pallas import tpu as pltpu
from jax.experimental.pallas import tpu_sc as plsc

_VOCAB = 100000
_EMBED = 300
_LANES = 16
_NC = 2
_NS = 16
_NW = _NC * _NS

_SC_COLS = 36864
_SC_COLS_W = _SC_COLS // _NW
_SC_CHUNK = 128
_TC_COLS = _VOCAB - _SC_COLS
_COLS_BLK = 9216
_TC_BLK0 = _SC_COLS // _COLS_BLK

_CHUNK = 6400


def _proj_body(t_ref, w_ref, b_ref, o_ref):
    t = t_ref[...]
    w = w_ref[...]
    z = jnp.sum(t * w, axis=0, keepdims=True) + b_ref[0, 0]
    o_ref[...] = jax.nn.sigmoid(jnp.maximum(z, 0.0))


def _project_table_tc(tT, W, b):
    return pl.pallas_call(
        _proj_body,
        grid=(pl.cdiv(_TC_COLS, _COLS_BLK),),
        in_specs=[
            pl.BlockSpec((_EMBED, _COLS_BLK), lambda i: (0, i + _TC_BLK0)),
            pl.BlockSpec((_EMBED, 1), lambda i: (0, 0)),
            pl.BlockSpec((1, 1), lambda i: (0, 0)),
        ],
        out_specs=pl.BlockSpec((1, _COLS_BLK), lambda i: (0, i)),
        out_shape=jax.ShapeDtypeStruct((1, _TC_COLS), jnp.float32),
    )(tT, W.reshape(_EMBED, 1), b.reshape(1, 1))


def _make_sc_proj():
    mesh = plsc.VectorSubcoreMesh(core_axis_name="c", subcore_axis_name="s")
    n_groups = _SC_CHUNK // _LANES

    @functools.partial(
        pl.kernel,
        mesh=mesh,
        out_type=jax.ShapeDtypeStruct((_SC_COLS,), jnp.float32),
        scratch_types=[
            pltpu.VMEM((_EMBED, _SC_CHUNK), jnp.float32),
            pltpu.VMEM((_EMBED, _SC_CHUNK), jnp.float32),
            pltpu.VMEM((_EMBED,), jnp.float32),
            pltpu.VMEM((_LANES,), jnp.float32),
            pltpu.VMEM((_SC_COLS_W,), jnp.float32),
            pltpu.SemaphoreType.DMA,
            pltpu.SemaphoreType.DMA,
        ],
        compiler_params=pltpu.CompilerParams(needs_layout_passes=False),
    )
    def sc_proj_k(tT_hbm, w_hbm, b_hbm, s_hbm, buf0, buf1, w_v, b_v, out_v,
                  sem_b0, sem_b1):
        bufs = (buf0, buf1)
        wid = lax.axis_index("s") * _NC + lax.axis_index("c")
        col0 = wid * _SC_COLS_W
        n_chunks = _SC_COLS_W // _SC_CHUNK
        sem_b = (sem_b0, sem_b1)
        pltpu.sync_copy(w_hbm, w_v)
        pltpu.sync_copy(b_hbm, b_v)
        b_vec = b_v[...]
        cp = {}
        for c in range(min(2, n_chunks)):
            cp[c] = pltpu.async_copy(
                tT_hbm.at[:, pl.ds(col0 + c * _SC_CHUNK, _SC_CHUNK)],
                bufs[c % 2], sem_b[c % 2])
        for c in range(n_chunks):
            sl = c % 2
            buf = bufs[sl]
            cp[c].wait()

            def body(d, accs):
                wb = plsc.load_gather(
                    w_v, [jnp.full((_LANES,), d, jnp.int32)])
                return tuple(
                    a + buf[d, pl.ds(g * _LANES, _LANES)] * wb
                    for g, a in enumerate(accs))

            accs = lax.fori_loop(
                0, _EMBED, body,
                tuple(jnp.zeros((_LANES,), jnp.float32)
                      for _ in range(n_groups)))
            for g in range(n_groups):
                z = jnp.maximum(accs[g] + b_vec, 0.0)
                out_v[pl.ds(c * _SC_CHUNK + g * _LANES, _LANES)] = (
                    1.0 / (1.0 + jnp.exp(-z)))
            if c + 2 < n_chunks:
                cp[c + 2] = pltpu.async_copy(
                    tT_hbm.at[:, pl.ds(col0 + (c + 2) * _SC_CHUNK,
                                       _SC_CHUNK)],
                    bufs[sl], sem_b[sl])
        pltpu.sync_copy(out_v, s_hbm.at[pl.ds(col0, _SC_COLS_W)])

    return sc_proj_k


@functools.lru_cache(maxsize=None)
def _make_gather(total):
    per_w = total // _NW
    n_chunks = per_w // _CHUNK
    mesh = plsc.VectorSubcoreMesh(core_axis_name="c", subcore_axis_name="s")

    @functools.partial(
        pl.kernel,
        mesh=mesh,
        out_type=jax.ShapeDtypeStruct((total,), jnp.float32),
        scratch_types=[
            pltpu.VMEM((_VOCAB,), jnp.float32),
            pltpu.VMEM((2, _CHUNK), jnp.int32),
            pltpu.VMEM((2, _CHUNK), jnp.float32),
            pltpu.SemaphoreType.DMA,
            pltpu.SemaphoreType.DMA,
            pltpu.SemaphoreType.DMA,
            pltpu.SemaphoreType.DMA,
            pltpu.SemaphoreType.DMA,
            pltpu.SemaphoreType.DMA,
        ],
        compiler_params=pltpu.CompilerParams(needs_layout_passes=False),
    )
    def gather_k(s_sc_hbm, s_tc_hbm, idx_hbm, out_hbm, s_v, idx_v, out_v,
                 sem_s0, sem_s1, sem_i0, sem_i1, sem_o0, sem_o1):
        wid = lax.axis_index("s") * _NC + lax.axis_index("c")
        base = wid * per_w
        sem_i = (sem_i0, sem_i1)
        sem_o = (sem_o0, sem_o1)

        cp_s0 = pltpu.async_copy(
            s_sc_hbm, s_v.at[pl.ds(0, _SC_COLS)], sem_s0)
        cp_s1 = pltpu.async_copy(
            s_tc_hbm.at[0], s_v.at[pl.ds(_SC_COLS, _TC_COLS)], sem_s1)
        cp_i = {}
        for c in range(min(2, n_chunks)):
            cp_i[c] = pltpu.async_copy(
                idx_hbm.at[pl.ds(base + c * _CHUNK, _CHUNK)],
                idx_v.at[c % 2], sem_i[c % 2])
        cp_s0.wait()
        cp_s1.wait()

        cp_o = {}
        for c in range(n_chunks):
            sl = c % 2
            cp_i[c].wait()
            if c >= 2:
                cp_o[c - 2].wait()

            @plsc.parallel_loop(0, _CHUNK // _LANES, unroll=8)
            def _(i):
                idx16 = idx_v[sl, pl.ds(i * _LANES, _LANES)]
                out_v[sl, pl.ds(i * _LANES, _LANES)] = plsc.load_gather(
                    s_v, [idx16])

            cp_o[c] = pltpu.async_copy(
                out_v.at[sl], out_hbm.at[pl.ds(base + c * _CHUNK, _CHUNK)],
                sem_o[sl])
            if c + 2 < n_chunks:
                cp_i[c + 2] = pltpu.async_copy(
                    idx_hbm.at[pl.ds(base + (c + 2) * _CHUNK, _CHUNK)],
                    idx_v.at[sl], sem_i[sl])

        for c in range(max(0, n_chunks - 2), n_chunks):
            cp_o[c].wait()

    return gather_k


def kernel(x, table, W, b):
    tT = table.T
    s_sc = _make_sc_proj()(tT, W.reshape(_EMBED), jnp.broadcast_to(b, (16,)))
    s_tc = _project_table_tc(tT, W, b)
    xf = x.reshape(-1)
    out = _make_gather(xf.size)(s_sc, s_tc, xf)
    return out.reshape(-1, 1)

# --- scband reference (transcript-rebuilt; emitter-appended) ---
"""Pipeline reference for scband-base-sentiment-82480551952849 (READ-ONLY COPY).

The authoritative reference and input builder live on the scoring server;
editing this copy changes nothing except your own understanding.
"""

import jax, jax.numpy as jnp
import numpy as np

VOCAB = 100000
EMBED = 300
B = 4096
L = 200

def setup_inputs(seed: int = 0) -> dict:
    key = jax.random.key(seed)
    k1, k2, k3, k4 = jax.random.split(key, 4)
    x = jax.random.randint(k1, (B, L), 0, VOCAB, dtype=jnp.int64 if jax.config.jax_enable_x64 else jnp.int32)
    table = jax.random.normal(k2, (VOCAB, EMBED), dtype=jnp.float32) * 0.02
    W = jax.random.normal(k3, (1, EMBED), dtype=jnp.float32) * (1.0 / np.sqrt(EMBED))
    b = jax.random.normal(k4, (1,), dtype=jnp.float32) * 0.01
    return {"x": x, "table": table, "W": W, "b": b}

def reference(x, table, W, b):
    # 1. Embedding lookup (gather)
    emb = jnp.take(table, x, axis=0)           # [B, L, EMBED]
    # 2. Flatten to (-1, 300) as in torch view(-1, 300)
    flat = emb.reshape(-1, EMBED)               # [B*L, EMBED]
    # 3. Linear -> ReLU -> Sigmoid
    logits = flat @ W.T + b                     # [B*L, 1]
    out = jax.nn.sigmoid(jax.nn.relu(logits))
    return out

if __name__ == "__main__":
    import jax
    _d = setup_inputs()
    print(jax.jit(kernel)(*tuple(_d.values())))

</pallas_src>

<mosaic_0001>
#map = affine_map<(d0, d1) -> (0, 0)>
#map1 = affine_map<(d0, d1) -> (0)>
module attributes {stable_mosaic.version = 14 : i64} {
  func.func @sc_proj_k(%arg0: i32, %arg1: i32, %arg2: memref<300x100000xf32, #tpu.memory_space<hbm>>, %arg3: memref<300xf32, #tpu.memory_space<hbm>>, %arg4: memref<16xf32, #tpu.memory_space<hbm>>, %arg5: memref<36864xf32, #tpu.memory_space<hbm>>, %arg6: memref<300x128xf32, #tpu.memory_space<vmem>>, %arg7: memref<300x128xf32, #tpu.memory_space<vmem>>, %arg8: memref<300xf32, #tpu.memory_space<vmem>>, %arg9: memref<16xf32, #tpu.memory_space<vmem>>, %arg10: memref<1152xf32, #tpu.memory_space<vmem>>, %arg11: memref<!tpu.dma_semaphore, #tpu.memory_space<semaphore_mem>>, %arg12: memref<!tpu.dma_semaphore, #tpu.memory_space<semaphore_mem>>) attributes {dimension_semantics = [#tpu.dimension_semantics<core_parallel>, #tpu.dimension_semantics<subcore_parallel>], iteration_bounds = array<i64: 2, 16>, scalar_prefetch = 0 : i64, scratch_operands = 7 : i64, tpu.core_type = #tpu.core_type<sc_vector_subcore>, window_params = [{transform_indices = #map}, {transform_indices = #map1}, {transform_indices = #map1}, {transform_indices = #map1}]} {
    %mul3A = arith.constant 2 : i32
    %mul3A_0 = arith.muli %arg1, %mul3A : i32
    %add3A = arith.addi %mul3A_0, %arg0 : i32
    %mul3A_1 = arith.constant 1152 : i32
    %mul3A_2 = arith.muli %add3A, %mul3A_1 : i32
    "tpu.region"() ({
      %run_scoped3A = tpu.sem_alloc : memref<!tpu.dma_semaphore, #tpu.memory_space<semaphore_mem>>
      tpu.enqueue_dma source(%arg3 : memref<300xf32, #tpu.memory_space<hbm>>) target(%arg8 : memref<300xf32, #tpu.memory_space<vmem>>) target_semaphore(%run_scoped3A : memref<!tpu.dma_semaphore, #tpu.memory_space<semaphore_mem>>)
      tpu.wait_dma2 semaphore(%run_scoped3A : memref<!tpu.dma_semaphore, #tpu.memory_space<semaphore_mem>>) src(%arg3 : memref<300xf32, #tpu.memory_space<hbm>>) dst(%arg8 : memref<300xf32, #tpu.memory_space<vmem>>)
      tpu.yield
    }) : () -> ()
    "tpu.region"() ({
      %run_scoped3A = tpu.sem_alloc : memref<!tpu.dma_semaphore, #tpu.memory_space<semaphore_mem>>
      tpu.enqueue_dma source(%arg4 : memref<16xf32, #tpu.memory_space<hbm>>) target(%arg9 : memref<16xf32, #tpu.memory_space<vmem>>) target_semaphore(%run_scoped3A : memref<!tpu.dma_semaphore, #tpu.memory_space<semaphore_mem>>)
      tpu.wait_dma2 semaphore(%run_scoped3A : memref<!tpu.dma_semaphore, #tpu.memory_space<semaphore_mem>>) src(%arg4 : memref<16xf32, #tpu.memory_space<hbm>>) dst(%arg9 : memref<16xf32, #tpu.memory_space<vmem>>)
      tpu.yield
    }) : () -> ()
    %get3A = arith.constant 0 : index
    %get3A_3 = tpu.vector_load %arg9[%get3A] {strides = array<i32>} : memref<16xf32, #tpu.memory_space<vmem>>, vector<16xf32>,
    %add3A_4 = arith.constant 0 : i32
    %add3A_5 = arith.addi %mul3A_2, %add3A_4 : i32
    %dma_start3A = arith.constant 0 : i32
    %dma_start3A_6 = tpu.memref_slice %arg2[%dma_start3A, %add3A_5] : memref<300x100000xf32, #tpu.memory_space<hbm>> -> memref<300x128xf32, #tpu.memory_space<hbm>>
    %dma_start3A_7 = arith.constant 0 : i32
    %dma_start3A_8 = tpu.memref_slice %arg2[%dma_start3A_7, %add3A_5] : memref<300x100000xf32, #tpu.memory_space<hbm>> -> memref<300x128xf32, #tpu.memory_space<hbm>>
    tpu.enqueue_dma source(%dma_start3A_8 : memref<300x128xf32, #tpu.memory_space<hbm>>) target(%arg6 : memref<300x128xf32, #tpu.memory_space<vmem>>) target_semaphore(%arg11 : memref<!tpu.dma_semaphore, #tpu.memory_space<semaphore_mem>>)
    %add3A_9 = arith.constant 128 : i32
    %add3A_10 = arith.addi %mul3A_2, %add3A_9 : i32
    %dma_start3A_11 = arith.constant 0 : i32
    %dma_start3A_12 = tpu.memref_slice %arg2[%dma_start3A_11, %add3A_10] : memref<300x100000xf32, #tpu.memory_space<hbm>> -> memref<300x128xf32, #tpu.memory_space<hbm>>
    %dma_start3A_13 = arith.constant 0 : i32
    %dma_start3A_14 = tpu.memref_slice %arg2[%dma_start3A_13, %add3A_10] : memref<300x100000xf32, #tpu.memory_space<hbm>> -> memref<300x128xf32, #tpu.memory_space<hbm>>
    tpu.enqueue_dma source(%dma_start3A_14 : memref<300x128xf32, #tpu.memory_space<hbm>>) target(%arg7 : memref<300x128xf32, #tpu.memory_space<vmem>>) target_semaphore(%arg12 : memref<!tpu.dma_semaphore, #tpu.memory_space<semaphore_mem>>)
    %dma_wait3A = arith.constant 0 : i32
    %dma_wait3A_15 = tpu.memref_slice %arg2[%dma_wait3A, %add3A_5] : memref<300x100000xf32, #tpu.memory_space<hbm>> -> memref<300x128xf32, #tpu.memory_space<hbm>>
    %dma_wait3A_16 = arith.constant 0 : i32
    %dma_wait3A_17 = tpu.memref_slice %arg2[%dma_wait3A_16, %add3A_5] : memref<300x100000xf32, #tpu.memory_space<hbm>> -> memref<300x128xf32, #tpu.memory_space<hbm>>
    tpu.wait_dma2 semaphore(%arg11 : memref<!tpu.dma_semaphore, #tpu.memory_space<semaphore_mem>>) src(%dma_wait3A_17 : memref<300x128xf32, #tpu.memory_space<hbm>>) dst(%arg6 : memref<300x128xf32, #tpu.memory_space<vmem>>)
    %broadcast_in_dim3A = arith.constant 0.000000e+00 : f32
    %broadcast_in_dim3A_18 = vector.broadcast %broadcast_in_dim3A : f32 to vector<16xf32>
    %broadcast_in_dim3A_19 = arith.constant 0.000000e+00 : f32
    %broadcast_in_dim3A_20 = vector.broadcast %broadcast_in_dim3A_19 : f32 to vector<16xf32>
    %broadcast_in_dim3A_21 = arith.constant 0.000000e+00 : f32
    %broadcast_in_dim3A_22 = vector.broadcast %broadcast_in_dim3A_21 : f32 to vector<16xf32>
    %broadcast_in_dim3A_23 = arith.constant 0.000000e+00 : f32
    %broadcast_in_dim3A_24 = vector.broadcast %broadcast_in_dim3A_23 : f32 to vector<16xf32>
    %broadcast_in_dim3A_25 = arith.constant 0.000000e+00 : f32
    %broadcast_in_dim3A_26 = vector.broadcast %broadcast_in_dim3A_25 : f32 to vector<16xf32>
    %broadcast_in_dim3A_27 = arith.constant 0.000000e+00 : f32
    %broadcast_in_dim3A_28 = vector.broadcast %broadcast_in_dim3A_27 : f32 to vector<16xf32>
    %broadcast_in_dim3A_29 = arith.constant 0.000000e+00 : f32
    %broadcast_in_dim3A_30 = vector.broadcast %broadcast_in_dim3A_29 : f32 to vector<16xf32>
    %broadcast_in_dim3A_31 = arith.constant 0.000000e+00 : f32
    %broadcast_in_dim3A_32 = vector.broadcast %broadcast_in_dim3A_31 : f32 to vector<16xf32>
    %scan3A = arith.constant 0 : i32
    %scan3A_33 = arith.constant 300 : i32
    %scan3A_34 = arith.addi %scan3A, %scan3A_33 : i32
    %scan3A_35 = arith.constant 1 : i32
    %scan3A_36:8 = scf.for %scan3A_1435 = %scan3A to %scan3A_34 step %scan3A_35 iter_args(%scan3A_1436 = %broadcast_in_dim3A_18, %scan3A_1437 = %broadcast_in_dim3A_20, %scan3A_1438 = %broadcast_in_dim3A_22, %scan3A_1439 = %broadcast_in_dim3A_24, %scan3A_1440 = %broadcast_in_dim3A_26, %scan3A_1441 = %broadcast_in_dim3A_28, %scan3A_1442 = %broadcast_in_dim3A_30, %scan3A_1443 = %broadcast_in_dim3A_32) -> (vector<16xf32>, vector<16xf32>, vector<16xf32>, vector<16xf32>, vector<16xf32>, vector<16xf32>, vector<16xf32>, vector<16xf32>)  : i32 {
      %broadcast_in_dim3A_1444 = vector.broadcast %scan3A_1435 : i32 to vector<16xi32>
      %gather3A = tpu.vector_load_idx %arg8[%broadcast_in_dim3A_1444] : memref<300xf32, #tpu.memory_space<vmem>>[vector<16xi32>], vector<16xf32>,
      %get3A_1445 = arith.index_cast %scan3A_1435 : i32 to index
      %get3A_1446 = arith.constant 0 : index
      %get3A_1447 = tpu.vector_load %arg6[%get3A_1445, %get3A_1446] {strides = array<i32>} : memref<300x128xf32, #tpu.memory_space<vmem>>, vector<16xf32>,
      %mul3A_1448 = arith.mulf %get3A_1447, %gather3A : vector<16xf32>
      %add3A_1449 = arith.addf %scan3A_1436, %mul3A_1448 : vector<16xf32>
      %get3A_1450 = arith.index_cast %scan3A_1435 : i32 to index
      %get3A_1451 = arith.constant 16 : index
      %get3A_1452 = tpu.vector_load %arg6[%get3A_1450, %get3A_1451] {strides = array<i32>} : memref<300x128xf32, #tpu.memory_space<vmem>>, vector<16xf32>,
      %mul3A_1453 = arith.mulf %get3A_1452, %gather3A : vector<16xf32>
      %add3A_1454 = arith.addf %scan3A_1437, %mul3A_1453 : vector<16xf32>
      %get3A_1455 = arith.index_cast %scan3A_1435 : i32 to index
      %get3A_1456 = arith.constant 32 : index
      %get3A_1457 = tpu.vector_load %arg6[%get3A_1455, %get3A_1456] {strides = array<i32>} : memref<300x128xf32, #tpu.memory_space<vmem>>, vector<16xf32>,
      %mul3A_1458 = arith.mulf %get3A_1457, %gather3A : vector<16xf32>
      %add3A_1459 = arith.addf %scan3A_1438, %mul3A_1458 : vector<16xf32>
      %get3A_1460 = arith.index_cast %scan3A_1435 : i32 to index
      %get3A_1461 = arith.constant 48 : index
      %get3A_1462 = tpu.vector_load %arg6[%get3A_1460, %get3A_1461] {strides = array<i32>} : memref<300x128xf32, #tpu.memory_space<vmem>>, vector<16xf32>,
      %mul3A_1463 = arith.mulf %get3A_1462, %gather3A : vector<16xf32>
      %add3A_1464 = arith.addf %scan3A_1439, %mul3A_1463 : vector<16xf32>
      %get3A_1465 = arith.index_cast %scan3A_1435 : i32 to index
      %get3A_1466 = arith.constant 64 : index
      %get3A_1467 = tpu.vector_load %arg6[%get3A_1465, %get3A_1466] {strides = array<i32>} : memref<300x128xf32, #tpu.memory_space<vmem>>, vector<16xf32>,
      %mul3A_1468 = arith.mulf %get3A_1467, %gather3A : vector<16xf32>
      %add3A_1469 = arith.addf %scan3A_1440, %mul3A_1468 : vector<16xf32>
      %get3A_1470 = arith.index_cast %scan3A_1435 : i32 to index
      %get3A_1471 = arith.constant 80 : index
      %get3A_1472 = tpu.vector_load %arg6[%get3A_1470, %get3A_1471] {strides = array<i32>} : memref<300x128xf32, #tpu.memory_space<vmem>>, vector<16xf32>,
      %mul3A_1473 = arith.mulf %get3A_1472, %gather3A : vector<16xf32>
      %add3A_1474 = arith.addf %scan3A_1441, %mul3A_1473 : vector<16xf32>
      %get3A_1475 = arith.index_cast %scan3A_1435 : i32 to index
      %get3A_1476 = arith.constant 96 : index
      %get3A_1477 = tpu.vector_load %arg6[%get3A_1475, %get3A_1476] {strides = array<i32>} : memref<300x128xf32, #tpu.memory_space<vmem>>, vector<16xf32>,
      %mul3A_1478 = arith.mulf %get3A_1477, %gather3A : vector<16xf32>
      %add3A_1479 = arith.addf %scan3A_1442, %mul3A_1478 : vector<16xf32>
      %get3A_1480 = arith.index_cast %scan3A_1435 : i32 to index
      %get3A_1481 = arith.constant 112 : index
      %get3A_1482 = tpu.vector_load %arg6[%get3A_1480, %get3A_1481] {strides = array<i32>} : memref<300x128xf32, #tpu.memory_space<vmem>>, vector<16xf32>,
      %mul3A_1483 = arith.mulf %get3A_1482, %gather3A : vector<16xf32>
      %add3A_1484 = arith.addf %scan3A_1443, %mul3A_1483 : vector<16xf32>
      scf.yield %add3A_1449, %add3A_1454, %add3A_1459, %add3A_1464, %add3A_1469, %add3A_1474, %add3A_1479, %add3A_1484 : vector<16xf32>, vector<16xf32>, vector<16xf32>, vector<16xf32>, vector<16xf32>, vector<16xf32>, vector<16xf32>, vector<16xf32>
    }
    %scan3A_37 = arith.constant 300 : i32
    %add3A_38 = arith.addf %scan3A_36#0, %get3A_3 : vector<16xf32>
    %max3A = arith.constant 0.000000e+00 : f32
    %max3A_39 = vector.broadcast %max3A : f32 to vector<16xf32>
    %max3A_40 = arith.maximumf %add3A_38, %max3A_39 : vector<16xf32>
    %neg3A = arith.constant 0.000000e+00 : f32
    %neg3A_41 = vector.broadcast %neg3A : f32 to vector<16xf32>
    %neg3A_42 = arith.subf %neg3A_41, %max3A_40 : vector<16xf32>
    %exp3A = math.exp %neg3A_42 : vector<16xf32>
    %add3A_43 = arith.constant 1.000000e+00 : f32
    %add3A_44 = vector.broadcast %add3A_43 : f32 to vector<16xf32>
    %add3A_45 = arith.addf %add3A_44, %exp3A : vector<16xf32>
    %div3A = arith.constant 1.000000e+00 : f32
    %div3A_46 = vector.broadcast %div3A : f32 to vector<16xf32>
    %div3A_47 = arith.divf %div3A_46, %add3A_45 : vector<16xf32>
    %swap3A = arith.constant 0 : index
    %swap3A_48 = tpu.vector_load %arg10[%swap3A] {strides = array<i32>} : memref<1152xf32, #tpu.memory_space<vmem>>, vector<16xf32>,
    tpu.vector_store %arg10[%swap3A], %div3A_47 {strides = array<i32>} : memref<1152xf32, #tpu.memory_space<vmem>>, vector<16xf32>,
    %add3A_49 = arith.addf %scan3A_36#1, %get3A_3 : vector<16xf32>
    %max3A_50 = arith.constant 0.000000e+00 : f32
    %max3A_51 = vector.broadcast %max3A_50 : f32 to vector<16xf32>
    %max3A_52 = arith.maximumf %add3A_49, %max3A_51 : vector<16xf32>
    %neg3A_53 = arith.constant 0.000000e+00 : f32
    %neg3A_54 = vector.broadcast %neg3A_53 : f32 to vector<16xf32>
    %neg3A_55 = arith.subf %neg3A_54, %max3A_52 : vector<16xf32>
    %exp3A_56 = math.exp %neg3A_55 : vector<16xf32>
    %add3A_57 = arith.constant 1.000000e+00 : f32
    %add3A_58 = vector.broadcast %add3A_57 : f32 to vector<16xf32>
    %add3A_59 = arith.addf %add3A_58, %exp3A_56 : vector<16xf32>
    %div3A_60 = arith.constant 1.000000e+00 : f32
    %div3A_61 = vector.broadcast %div3A_60 : f32 to vector<16xf32>
    %div3A_62 = arith.divf %div3A_61, %add3A_59 : vector<16xf32>
    %swap3A_63 = arith.constant 16 : index
    %swap3A_64 = tpu.vector_load %arg10[%swap3A_63] {strides = array<i32>} : memref<1152xf32, #tpu.memory_space<vmem>>, vector<16xf32>,
    tpu.vector_store %arg10[%swap3A_63], %div3A_62 {strides = array<i32>} : memref<1152xf32, #tpu.memory_space<vmem>>, vector<16xf32>,
    %add3A_65 = arith.addf %scan3A_36#2, %get3A_3 : vector<16xf32>
    %max3A_66 = arith.constant 0.000000e+00 : f32
    %max3A_67 = vector.broadcast %max3A_66 : f32 to vector<16xf32>
    %max3A_68 = arith.maximumf %add3A_65, %max3A_67 : vector<16xf32>
    %neg3A_69 = arith.constant 0.000000e+00 : f32
    %neg3A_70 = vector.broadcast %neg3A_69 : f32 to vector<16xf32>
    %neg3A_71 = arith.subf %neg3A_70, %max3A_68 : vector<16xf32>
    %exp3A_72 = math.exp %neg3A_71 : vector<16xf32>
    %add3A_73 = arith.constant 1.000000e+00 : f32
    %add3A_74 = vector.broadcast %add3A_73 : f32 to vector<16xf32>
    %add3A_75 = arith.addf %add3A_74, %exp3A_72 : vector<16xf32>
    %div3A_76 = arith.constant 1.000000e+00 : f32
    %div3A_77 = vector.broadcast %div3A_76 : f32 to vector<16xf32>
    %div3A_78 = arith.divf %div3A_77, %add3A_75 : vector<16xf32>
    %swap3A_79 = arith.constant 32 : index
    %swap3A_80 = tpu.vector_load %arg10[%swap3A_79] {strides = array<i32>} : memref<1152xf32, #tpu.memory_space<vmem>>, vector<16xf32>,
    tpu.vector_store %arg10[%swap3A_79], %div3A_78 {strides = array<i32>} : memref<1152xf32, #tpu.memory_space<vmem>>, vector<16xf32>,
    %add3A_81 = arith.addf %scan3A_36#3, %get3A_3 : vector<16xf32>
    %max3A_82 = arith.constant 0.000000e+00 : f32
    %max3A_83 = vector.broadcast %max3A_82 : f32 to vector<16xf32>
    %max3A_84 = arith.maximumf %add3A_81, %max3A_83 : vector<16xf32>
    %neg3A_85 = arith.constant 0.000000e+00 : f32
    %neg3A_86 = vector.broadcast %neg3A_85 : f32 to vector<16xf32>
    %neg3A_87 = arith.subf %neg3A_86, %max3A_84 : vector<16xf32>
    %exp3A_88 = math.exp %neg3A_87 : vector<16xf32>
    %add3A_89 = arith.constant 1.000000e+00 : f32
    %add3A_90 = vector.broadcast %add3A_89 : f32 to vector<16xf32>
    %add3A_91 = arith.addf %add3A_90, %exp3A_88 : vector<16xf32>
    %div3A_92 = arith.constant 1.000000e+00 : f32
    %div3A_93 = vector.broadcast %div3A_92 : f32 to vector<16xf32>
    %div3A_94 = arith.divf %div3A_93, %add3A_91 : vector<16xf32>
    %swap3A_95 = arith.constant 48 : index
    %swap3A_96 = tpu.vector_load %arg10[%swap3A_95] {strides = array<i32>} : memref<1152xf32, #tpu.memory_space<vmem>>, vector<16xf32>,
    tpu.vector_store %arg10[%swap3A_95], %div3A_94 {strides = array<i32>} : memref<1152xf32, #tpu.memory_space<vmem>>, vector<16xf32>,
    %add3A_97 = arith.addf %scan3A_36#4, %get3A_3 : vector<16xf32>
    %max3A_98 = arith.constant 0.000000e+00 : f32
    %max3A_99 = vector.broadcast %max3A_98 : f32 to vector<16xf32>
    %max3A_100 = arith.maximumf %add3A_97, %max3A_99 : vector<16xf32>
    %neg3A_101 = arith.constant 0.000000e+00 : f32
    %neg3A_102 = vector.broadcast %neg3A_101 : f32 to vector<16xf32>
    %neg3A_103 = arith.subf %neg3A_102, %max3A_100 : vector<16xf32>
    %exp3A_104 = math.exp %neg3A_103 : vector<16xf32>
    %add3A_105 = arith.constant 1.000000e+00 : f32
    %add3A_106 = vector.broadcast %add3A_105 : f32 to vector<16xf32>
    %add3A_107 = arith.addf %add3A_106, %exp3A_104 : vector<16xf32>
    %div3A_108 = arith.constant 1.000000e+00 : f32
    %div3A_109 = vector.broadcast %div3A_108 : f32 to vector<16xf32>
    %div3A_110 = arith.divf %div3A_109, %add3A_107 : vector<16xf32>
    %swap3A_111 = arith.constant 64 : index
    %swap3A_112 = tpu.vector_load %arg10[%swap3A_111] {strides = array<i32>} : memref<1152xf32, #tpu.memory_space<vmem>>, vector<16xf32>,
    tpu.vector_store %arg10[%swap3A_111], %div3A_110 {strides = array<i32>} : memref<1152xf32, #tpu.memory_space<vmem>>, vector<16xf32>,
    %add3A_113 = arith.addf %scan3A_36#5, %get3A_3 : vector<16xf32>
    %max3A_114 = arith.constant 0.000000e+00 : f32
    %max3A_115 = vector.broadcast %max3A_114 : f32 to vector<16xf32>
    %max3A_116 = arith.maximumf %add3A_113, %max3A_115 : vector<16xf32>
    %neg3A_117 = arith.constant 0.000000e+00 : f32
    %neg3A_118 = vector.broadcast %neg3A_117 : f32 to vector<16xf32>
    %neg3A_119 = arith.subf %neg3A_118, %max3A_116 : vector<16xf32>
    %exp3A_120 = math.exp %neg3A_119 : vector<16xf32>
    %add3A_121 = arith.constant 1.000000e+00 : f32
    %add3A_122 = vector.broadcast %add3A_121 : f32 to vector<16xf32>
    %add3A_123 = arith.addf %add3A_122, %exp3A_120 : vector<16xf32>
    %div3A_124 = arith.constant 1.000000e+00 : f32
    %div3A_125 = vector.broadcast %div3A_124 : f32 to vector<16xf32>
    %div3A_126 = arith.divf %div3A_125, %add3A_123 : vector<16xf32>
    %swap3A_127 = arith.constant 80 : index
    %swap3A_128 = tpu.vector_load %arg10[%swap3A_127] {strides = array<i32>} : memref<1152xf32, #tpu.memory_space<vmem>>, vector<16xf32>,
    tpu.vector_store %arg10[%swap3A_127], %div3A_126 {strides = array<i32>} : memref<1152xf32, #tpu.memory_space<vmem>>, vector<16xf32>,
    %add3A_129 = arith.addf %scan3A_36#6, %get3A_3 : vector<16xf32>
    %max3A_130 = arith.constant 0.000000e+00 : f32
    %max3A_131 = vector.broadcast %max3A_130 : f32 to vector<16xf32>
    %max3A_132 = arith.maximumf %add3A_129, %max3A_131 : vector<16xf32>
    %neg3A_133 = arith.constant 0.000000e+00 : f32
    %neg3A_134 = vector.broadcast %neg3A_133 : f32 to vector<16xf32>
    %neg3A_135 = arith.subf %neg3A_134, %max3A_132 : vector<16xf32>
    %exp3A_136 = math.exp %neg3A_135 : vector<16xf32>
    %add3A_137 = arith.constant 1.000000e+00 : f32
    %add3A_138 = vector.broadcast %add3A_137 : f32 to vector<16xf32>
    %add3A_139 = arith.addf %add3A_138, %exp3A_136 : vector<16xf32>
    %div3A_140 = arith.constant 1.000000e+00 : f32
    %div3A_141 = vector.broadcast %div3A_140 : f32 to vector<16xf32>
    %div3A_142 = arith.divf %div3A_141, %add3A_139 : vector<16xf32>
    %swap3A_143 = arith.constant 96 : index
    %swap3A_144 = tpu.vector_load %arg10[%swap3A_143] {strides = array<i32>} : memref<1152xf32, #tpu.memory_space<vmem>>, vector<16xf32>,
    tpu.vector_store %arg10[%swap3A_143], %div3A_142 {strides = array<i32>} : memref<1152xf32, #tpu.memory_space<vmem>>, vector<16xf32>,
    %add3A_145 = arith.addf %scan3A_36#7, %get3A_3 : vector<16xf32>
    %max3A_146 = arith.constant 0.000000e+00 : f32
    %max3A_147 = vector.broadcast %max3A_146 : f32 to vector<16xf32>
    %max3A_148 = arith.maximumf %add3A_145, %max3A_147 : vector<16xf32>
    %neg3A_149 = arith.constant 0.000000e+00 : f32
    %neg3A_150 = vector.broadcast %neg3A_149 : f32 to vector<16xf32>
    %neg3A_151 = arith.subf %neg3A_150, %max3A_148 : vector<16xf32>
    %exp3A_152 = math.exp %neg3A_151 : vector<16xf32>
    %add3A_153 = arith.constant 1.000000e+00 : f32
    %add3A_154 = vector.broadcast %add3A_153 : f32 to vector<16xf32>
    %add3A_155 = arith.addf %add3A_154, %exp3A_152 : vector<16xf32>
    %div3A_156 = arith.constant 1.000000e+00 : f32
    %div3A_157 = vector.broadcast %div3A_156 : f32 to vector<16xf32>
    %div3A_158 = arith.divf %div3A_157, %add3A_155 : vector<16xf32>
    %swap3A_159 = arith.constant 112 : index
    %swap3A_160 = tpu.vector_load %arg10[%swap3A_159] {strides = array<i32>} : memref<1152xf32, #tpu.memory_space<vmem>>, vector<16xf32>,
    tpu.vector_store %arg10[%swap3A_159], %div3A_158 {strides = array<i32>} : memref<1152xf32, #tpu.memory_space<vmem>>, vector<16xf32>,
    %add3A_161 = arith.constant 256 : i32
    %add3A_162 = arith.addi %mul3A_2, %add3A_161 : i32
    %dma_start3A_163 = arith.constant 0 : i32
    %dma_start3A_164 = tpu.memref_slice %arg2[%dma_start3A_163, %add3A_162] : memref<300x100000xf32, #tpu.memory_space<hbm>> -> memref<300x128xf32, #tpu.memory_space<hbm>>
    %dma_start3A_165 = arith.constant 0 : i32
    %dma_start3A_166 = tpu.memref_slice %arg2[%dma_start3A_165, %add3A_162] : memref<300x100000xf32, #tpu.memory_space<hbm>> -> memref<300x128xf32, #tpu.memory_space<hbm>>
    tpu.enqueue_dma source(%dma_start3A_166 : memref<300x128xf32, #tpu.memory_space<hbm>>) target(%arg6 : memref<300x128xf32, #tpu.memory_space<vmem>>) target_semaphore(%arg11 : memref<!tpu.dma_semaphore, #tpu.memory_space<semaphore_mem>>)
    %dma_wait3A_167 = arith.constant 0 : i32
    %dma_wait3A_168 = tpu.memref_slice %arg2[%dma_wait3A_167, %add3A_10] : memref<300x100000xf32, #tpu.memory_space<hbm>> -> memref<300x128xf32, #tpu.memory_space<hbm>>
    %dma_wait3A_169 = arith.constant 0 : i32
    %dma_wait3A_170 = tpu.memref_slice %arg2[%dma_wait3A_169, %add3A_10] : memref<300x100000xf32, #tpu.memory_space<hbm>> -> memref<300x128xf32, #tpu.memory_space<hbm>>
    tpu.wait_dma2 semaphore(%arg12 : memref<!tpu.dma_semaphore, #tpu.memory_space<semaphore_mem>>) src(%dma_wait3A_170 : memref<300x128xf32, #tpu.memory_space<hbm>>) dst(%arg7 : memref<300x128xf32, #tpu.memory_space<vmem>>)
    %broadcast_in_dim3A_171 = arith.constant 0.000000e+00 : f32
    %broadcast_in_dim3A_172 = vector.broadcast %broadcast_in_dim3A_171 : f32 to vector<16xf32>
    %broadcast_in_dim3A_173 = arith.constant 0.000000e+00 : f32
    %broadcast_in_dim3A_174 = vector.broadcast %broadcast_in_dim3A_173 : f32 to vector<16xf32>
    %broadcast_in_dim3A_175 = arith.constant 0.000000e+00 : f32
    %broadcast_in_dim3A_176 = vector.broadcast %broadcast_in_dim3A_175 : f32 to vector<16xf32>
    %broadcast_in_dim3A_177 = arith.constant 0.000000e+00 : f32
    %broadcast_in_dim3A_178 = vector.broadcast %broadcast_in_dim3A_177 : f32 to vector<16xf32>
    %broadcast_in_dim3A_179 = arith.constant 0.000000e+00 : f32
    %broadcast_in_dim3A_180 = vector.broadcast %broadcast_in_dim3A_179 : f32 to vector<16xf32>
    %broadcast_in_dim3A_181 = arith.constant 0.000000e+00 : f32
    %broadcast_in_dim3A_182 = vector.broadcast %broadcast_in_dim3A_181 : f32 to vector<16xf32>
    %broadcast_in_dim3A_183 = arith.constant 0.000000e+00 : f32
    %broadcast_in_dim3A_184 = vector.broadcast %broadcast_in_dim3A_183 : f32 to vector<16xf32>
    %broadcast_in_dim3A_185 = arith.constant 0.000000e+00 : f32
    %broadcast_in_dim3A_186 = vector.broadcast %broadcast_in_dim3A_185 : f32 to vector<16xf32>
    %scan3A_187 = arith.constant 0 : i32
    %scan3A_188 = arith.constant 300 : i32
    %scan3A_189 = arith.addi %scan3A_187, %scan3A_188 : i32
    %scan3A_190 = arith.constant 1 : i32
    %scan3A_191:8 = scf.for %scan3A_1435 = %scan3A_187 to %scan3A_189 step %scan3A_190 iter_args(%scan3A_1436 = %broadcast_in_dim3A_172, %scan3A_1437 = %broadcast_in_dim3A_174, %scan3A_1438 = %broadcast_in_dim3A_176, %scan3A_1439 = %broadcast_in_dim3A_178, %scan3A_1440 = %broadcast_in_dim3A_180, %scan3A_1441 = %broadcast_in_dim3A_182, %scan3A_1442 = %broadcast_in_dim3A_184, %scan3A_1443 = %broadcast_in_dim3A_186) -> (vector<16xf32>, vector<16xf32>, vector<16xf32>, vector<16xf32>, vector<16xf32>, vector<16xf32>, vector<16xf32>, vector<16xf32>)  : i32 {
      %broadcast_in_dim3A_1444 = vector.broadcast %scan3A_1435 : i32 to vector<16xi32>
      %gather3A = tpu.vector_load_idx %arg8[%broadcast_in_dim3A_1444] : memref<300xf32, #tpu.memory_space<vmem>>[vector<16xi32>], vector<16xf32>,
      %get3A_1445 = arith.index_cast %scan3A_1435 : i32 to index
      %get3A_1446 = arith.constant 0 : index
      %get3A_1447 = tpu.vector_load %arg7[%get3A_1445, %get3A_1446] {strides = array<i32>} : memref<300x128xf32, #tpu.memory_space<vmem>>, vector<16xf32>,
      %mul3A_1448 = arith.mulf %get3A_1447, %gather3A : vector<16xf32>
      %add3A_1449 = arith.addf %scan3A_1436, %mul3A_1448 : vector<16xf32>
      %get3A_1450 = arith.index_cast %scan3A_1435 : i32 to index
      %get3A_1451 = arith.constant 16 : index
      %get3A_1452 = tpu.vector_load %arg7[%get3A_1450, %get3A_1451] {strides = array<i32>} : memref<300x128xf32, #tpu.memory_space<vmem>>, vector<16xf32>,
      %mul3A_1453 = arith.mulf %get3A_1452, %gather3A : vector<16xf32>
      %add3A_1454 = arith.addf %scan3A_1437, %mul3A_1453 : vector<16xf32>
      %get3A_1455 = arith.index_cast %scan3A_1435 : i32 to index
      %get3A_1456 = arith.constant 32 : index
      %get3A_1457 = tpu.vector_load %arg7[%get3A_1455, %get3A_1456] {strides = array<i32>} : memref<300x128xf32, #tpu.memory_space<vmem>>, vector<16xf32>,
      %mul3A_1458 = arith.mulf %get3A_1457, %gather3A : vector<16xf32>
      %add3A_1459 = arith.addf %scan3A_1438, %mul3A_1458 : vector<16xf32>
      %get3A_1460 = arith.index_cast %scan3A_1435 : i32 to index
      %get3A_1461 = arith.constant 48 : index
      %get3A_1462 = tpu.vector_load %arg7[%get3A_1460, %get3A_1461] {strides = array<i32>} : memref<300x128xf32, #tpu.memory_space<vmem>>, vector<16xf32>,
      %mul3A_1463 = arith.mulf %get3A_1462, %gather3A : vector<16xf32>
      %add3A_1464 = arith.addf %scan3A_1439, %mul3A_1463 : vector<16xf32>
      %get3A_1465 = arith.index_cast %scan3A_1435 : i32 to index
      %get3A_1466 = arith.constant 64 : index
      %get3A_1467 = tpu.vector_load %arg7[%get3A_1465, %get3A_1466] {strides = array<i32>} : memref<300x128xf32, #tpu.memory_space<vmem>>, vector<16xf32>,
      %mul3A_1468 = arith.mulf %get3A_1467, %gather3A : vector<16xf32>
      %add3A_1469 = arith.addf %scan3A_1440, %mul3A_1468 : vector<16xf32>
      %get3A_1470 = arith.index_cast %scan3A_1435 : i32 to index
      %get3A_1471 = arith.constant 80 : index
      %get3A_1472 = tpu.vector_load %arg7[%get3A_1470, %get3A_1471] {strides = array<i32>} : memref<300x128xf32, #tpu.memory_space<vmem>>, vector<16xf32>,
      %mul3A_1473 = arith.mulf %get3A_1472, %gather3A : vector<16xf32>
      %add3A_1474 = arith.addf %scan3A_1441, %mul3A_1473 : vector<16xf32>
      %get3A_1475 = arith.index_cast %scan3A_1435 : i32 to index
      %get3A_1476 = arith.constant 96 : index
      %get3A_1477 = tpu.vector_load %arg7[%get3A_1475, %get3A_1476] {strides = array<i32>} : memref<300x128xf32, #tpu.memory_space<vmem>>, vector<16xf32>,
      %mul3A_1478 = arith.mulf %get3A_1477, %gather3A : vector<16xf32>
      %add3A_1479 = arith.addf %scan3A_1442, %mul3A_1478 : vector<16xf32>
      %get3A_1480 = arith.index_cast %scan3A_1435 : i32 to index
      %get3A_1481 = arith.constant 112 : index
      %get3A_1482 = tpu.vector_load %arg7[%get3A_1480, %get3A_1481] {strides = array<i32>} : memref<300x128xf32, #tpu.memory_space<vmem>>, vector<16xf32>,
      %mul3A_1483 = arith.mulf %get3A_1482, %gather3A : vector<16xf32>
      %add3A_1484 = arith.addf %scan3A_1443, %mul3A_1483 : vector<16xf32>
      scf.yield %add3A_1449, %add3A_1454, %add3A_1459, %add3A_1464, %add3A_1469, %add3A_1474, %add3A_1479, %add3A_1484 : vector<16xf32>, vector<16xf32>, vector<16xf32>, vector<16xf32>, vector<16xf32>, vector<16xf32>, vector<16xf32>, vector<16xf32>
    }
    %scan3A_192 = arith.constant 300 : i32
    %add3A_193 = arith.addf %scan3A_191#0, %get3A_3 : vector<16xf32>
    %max3A_194 = arith.constant 0.000000e+00 : f32
    %max3A_195 = vector.broadcast %max3A_194 : f32 to vector<16xf32>
    %max3A_196 = arith.maximumf %add3A_193, %max3A_195 : vector<16xf32>
    %neg3A_197 = arith.constant 0.000000e+00 : f32
    %neg3A_198 = vector.broadcast %neg3A_197 : f32 to vector<16xf32>
    %neg3A_199 = arith.subf %neg3A_198, %max3A_196 : vector<16xf32>
    %exp3A_200 = math.exp %neg3A_199 : vector<16xf32>
    %add3A_201 = arith.constant 1.000000e+00 : f32
    %add3A_202 = vector.broadcast %add3A_201 : f32 to vector<16xf32>
    %add3A_203 = arith.addf %add3A_202, %exp3A_200 : vector<16xf32>
    %div3A_204 = arith.constant 1.000000e+00 : f32
    %div3A_205 = vector.broadcast %div3A_204 : f32 to vector<16xf32>
    %div3A_206 = arith.divf %div3A_205, %add3A_203 : vector<16xf32>
    %swap3A_207 = arith.constant 128 : index
    %swap3A_208 = tpu.vector_load %arg10[%swap3A_207] {strides = array<i32>} : memref<1152xf32, #tpu.memory_space<vmem>>, vector<16xf32>,
    tpu.vector_store %arg10[%swap3A_207], %div3A_206 {strides = array<i32>} : memref<1152xf32, #tpu.memory_space<vmem>>, vector<16xf32>,
    %add3A_209 = arith.addf %scan3A_191#1, %get3A_3 : vector<16xf32>
    %max3A_210 = arith.constant 0.000000e+00 : f32
    %max3A_211 = vector.broadcast %max3A_210 : f32 to vector<16xf32>
    %max3A_212 = arith.maximumf %add3A_209, %max3A_211 : vector<16xf32>
    %neg3A_213 = arith.constant 0.000000e+00 : f32
    %neg3A_214 = vector.broadcast %neg3A_213 : f32 to vector<16xf32>
    %neg3A_215 = arith.subf %neg3A_214, %max3A_212 : vector<16xf32>
    %exp3A_216 = math.exp %neg3A_215 : vector<16xf32>
    %add3A_217 = arith.constant 1.000000e+00 : f32
    %add3A_218 = vector.broadcast %add3A_217 : f32 to vector<16xf32>
    %add3A_219 = arith.addf %add3A_218, %exp3A_216 : vector<16xf32>
    %div3A_220 = arith.constant 1.000000e+00 : f32
    %div3A_221 = vector.broadcast %div3A_220 : f32 to vector<16xf32>
    %div3A_222 = arith.divf %div3A_221, %add3A_219 : vector<16xf32>
    %swap3A_223 = arith.constant 144 : index
    %swap3A_224 = tpu.vector_load %arg10[%swap3A_223] {strides = array<i32>} : memref<1152xf32, #tpu.memory_space<vmem>>, vector<16xf32>,
    tpu.vector_store %arg10[%swap3A_223], %div3A_222 {strides = array<i32>} : memref<1152xf32, #tpu.memory_space<vmem>>, vector<16xf32>,
    %add3A_225 = arith.addf %scan3A_191#2, %get3A_3 : vector<16xf32>
    %max3A_226 = arith.constant 0.000000e+00 : f32
    %max3A_227 = vector.broadcast %max3A_226 : f32 to vector<16xf32>
    %max3A_228 = arith.maximumf %add3A_225, %max3A_227 : vector<16xf32>
    %neg3A_229 = arith.constant 0.000000e+00 : f32
    %neg3A_230 = vector.broadcast %neg3A_229 : f32 to vector<16xf32>
    %neg3A_231 = arith.subf %neg3A_230, %max3A_228 : vector<16xf32>
    %exp3A_232 = math.exp %neg3A_231 : vector<16xf32>
    %add3A_233 = arith.constant 1.000000e+00 : f32
    %add3A_234 = vector.broadcast %add3A_233 : f32 to vector<16xf32>
    %add3A_235 = arith.addf %add3A_234, %exp3A_232 : vector<16xf32>
    %div3A_236 = arith.constant 1.000000e+00 : f32
    %div3A_237 = vector.broadcast %div3A_236 : f32 to vector<16xf32>
    %div3A_238 = arith.divf %div3A_237, %add3A_235 : vector<16xf32>
    %swap3A_239 = arith.constant 160 : index
    %swap3A_240 = tpu.vector_load %arg10[%swap3A_239] {strides = array<i32>} : memref<1152xf32, #tpu.memory_space<vmem>>, vector<16xf32>,
    tpu.vector_store %arg10[%swap3A_239], %div3A_238 {strides = array<i32>} : memref<1152xf32, #tpu.memory_space<vmem>>, vector<16xf32>,
    %add3A_241 = arith.addf %scan3A_191#3, %get3A_3 : vector<16xf32>
    %max3A_242 = arith.constant 0.000000e+00 : f32
    %max3A_243 = vector.broadcast %max3A_242 : f32 to vector<16xf32>
    %max3A_244 = arith.maximumf %add3A_241, %max3A_243 : vector<16xf32>
    %neg3A_245 = arith.constant 0.000000e+00 : f32
    %neg3A_246 = vector.broadcast %neg3A_245 : f32 to vector<16xf32>
    %neg3A_247 = arith.subf %neg3A_246, %max3A_244 : vector<16xf32>
    %exp3A_248 = math.exp %neg3A_247 : vector<16xf32>
    %add3A_249 = arith.constant 1.000000e+00 : f32
    %add3A_250 = vector.broadcast %add3A_249 : f32 to vector<16xf32>
    %add3A_251 = arith.addf %add3A_250, %exp3A_248 : vector<16xf32>
    %div3A_252 = arith.constant 1.000000e+00 : f32
    %div3A_253 = vector.broadcast %div3A_252 : f32 to vector<16xf32>
    %div3A_254 = arith.divf %div3A_253, %add3A_251 : vector<16xf32>
    %swap3A_255 = arith.constant 176 : index
    %swap3A_256 = tpu.vector_load %arg10[%swap3A_255] {strides = array<i32>} : memref<1152xf32, #tpu.memory_space<vmem>>, vector<16xf32>,
    tpu.vector_store %arg10[%swap3A_255], %div3A_254 {strides = array<i32>} : memref<1152xf32, #tpu.memory_space<vmem>>, vector<16xf32>,
    %add3A_257 = arith.addf %scan3A_191#4, %get3A_3 : vector<16xf32>
    %max3A_258 = arith.constant 0.000000e+00 : f32
    %max3A_259 = vector.broadcast %max3A_258 : f32 to vector<16xf32>
    %max3A_260 = arith.maximumf %add3A_257, %max3A_259 : vector<16xf32>
    %neg3A_261 = arith.constant 0.000000e+00 : f32
    %neg3A_262 = vector.broadcast %neg3A_261 : f32 to vector<16xf32>
    %neg3A_263 = arith.subf %neg3A_262, %max3A_260 : vector<16xf32>
    %exp3A_264 = math.exp %neg3A_263 : vector<16xf32>
    %add3A_265 = arith.constant 1.000000e+00 : f32
    %add3A_266 = vector.broadcast %add3A_265 : f32 to vector<16xf32>
    %add3A_267 = arith.addf %add3A_266, %exp3A_264 : vector<16xf32>
    %div3A_268 = arith.constant 1.000000e+00 : f32
    %div3A_269 = vector.broadcast %div3A_268 : f32 to vector<16xf32>
    %div3A_270 = arith.divf %div3A_269, %add3A_267 : vector<16xf32>
    %swap3A_271 = arith.constant 192 : index
    %swap3A_272 = tpu.vector_load %arg10[%swap3A_271] {strides = array<i32>} : memref<1152xf32, #tpu.memory_space<vmem>>, vector<16xf32>,
    tpu.vector_store %arg10[%swap3A_271], %div3A_270 {strides = array<i32>} : memref<1152xf32, #tpu.memory_space<vmem>>, vector<16xf32>,
    %add3A_273 = arith.addf %scan3A_191#5, %get3A_3 : vector<16xf32>
    %max3A_274 = arith.constant 0.000000e+00 : f32
    %max3A_275 = vector.broadcast %max3A_274 : f32 to vector<16xf32>
    %max3A_276 = arith.maximumf %add3A_273, %max3A_275 : vector<16xf32>
    %neg3A_277 = arith.constant 0.000000e+00 : f32
    %neg3A_278 = vector.broadcast %neg3A_277 : f32 to vector<16xf32>
    %neg3A_279 = arith.subf %neg3A_278, %max3A_276 : vector<16xf32>
    %exp3A_280 = math.exp %neg3A_279 : vector<16xf32>
    %add3A_281 = arith.constant 1.000000e+00 : f32
    %add3A_282 = vector.broadcast %add3A_281 : f32 to vector<16xf32>
    %add3A_283 = arith.addf %add3A_282, %exp3A_280 : vector<16xf32>
    %div3A_284 = arith.constant 1.000000e+00 : f32
    %div3A_285 = vector.broadcast %div3A_284 : f32 to vector<16xf32>
    %div3A_286 = arith.divf %div3A_285, %add3A_283 : vector<16xf32>
    %swap3A_287 = arith.constant 208 : index
    %swap3A_288 = tpu.vector_load %arg10[%swap3A_287] {strides = array<i32>} : memref<1152xf32, #tpu.memory_space<vmem>>, vector<16xf32>,
    tpu.vector_store %arg10[%swap3A_287], %div3A_286 {strides = array<i32>} : memref<1152xf32, #tpu.memory_space<vmem>>, vector<16xf32>,
    %add3A_289 = arith.addf %scan3A_191#6, %get3A_3 : vector<16xf32>
    %max3A_290 = arith.constant 0.000000e+00 : f32
    %max3A_291 = vector.broadcast %max3A_290 : f32 to vector<16xf32>
    %max3A_292 = arith.maximumf %add3A_289, %max3A_291 : vector<16xf32>
    %neg3A_293 = arith.constant 0.000000e+00 : f32
    %neg3A_294 = vector.broadcast %neg3A_293 : f32 to vector<16xf32>
    %neg3A_295 = arith.subf %neg3A_294, %max3A_292 : vector<16xf32>
    %exp3A_296 = math.exp %neg3A_295 : vector<16xf32>
    %add3A_297 = arith.constant 1.000000e+00 : f32
    %add3A_298 = vector.broadcast %add3A_297 : f32 to vector<16xf32>
    %add3A_299 = arith.addf %add3A_298, %exp3A_296 : vector<16xf32>
    %div3A_300 = arith.constant 1.000000e+00 : f32
    %div3A_301 = vector.broadcast %div3A_300 : f32 to vector<16xf32>
    %div3A_302 = arith.divf %div3A_301, %add3A_299 : vector<16xf32>
    %swap3A_303 = arith.constant 224 : index
    %swap3A_304 = tpu.vector_load %arg10[%swap3A_303] {strides = array<i32>} : memref<1152xf32, #tpu.memory_space<vmem>>, vector<16xf32>,
    tpu.vector_store %arg10[%swap3A_303], %div3A_302 {strides = array<i32>} : memref<1152xf32, #tpu.memory_space<vmem>>, vector<16xf32>,
    %add3A_305 = arith.addf %scan3A_191#7, %get3A_3 : vector<16xf32>
    %max3A_306 = arith.constant 0.000000e+00 : f32
    %max3A_307 = vector.broadcast %max3A_306 : f32 to vector<16xf32>
    %max3A_308 = arith.maximumf %add3A_305, %max3A_307 : vector<16xf32>
    %neg3A_309 = arith.constant 0.000000e+00 : f32
    %neg3A_310 = vector.broadcast %neg3A_309 : f32 to vector<16xf32>
    %neg3A_311 = arith.subf %neg3A_310, %max3A_308 : vector<16xf32>
    %exp3A_312 = math.exp %neg3A_311 : vector<16xf32>
    %add3A_313 = arith.constant 1.000000e+00 : f32
    %add3A_314 = vector.broadcast %add3A_313 : f32 to vector<16xf32>
    %add3A_315 = arith.addf %add3A_314, %exp3A_312 : vector<16xf32>
    %div3A_316 = arith.constant 1.000000e+00 : f32
    %div3A_317 = vector.broadcast %div3A_316 : f32 to vector<16xf32>
    %div3A_318 = arith.divf %div3A_317, %add3A_315 : vector<16xf32>
    %swap3A_319 = arith.constant 240 : index
    %swap3A_320 = tpu.vector_load %arg10[%swap3A_319] {strides = array<i32>} : memref<1152xf32, #tpu.memory_space<vmem>>, vector<16xf32>,
    tpu.vector_store %arg10[%swap3A_319], %div3A_318 {strides = array<i32>} : memref<1152xf32, #tpu.memory_space<vmem>>, vector<16xf32>,
    %add3A_321 = arith.constant 384 : i32
    %add3A_322 = arith.addi %mul3A_2, %add3A_321 : i32
    %dma_start3A_323 = arith.constant 0 : i32
    %dma_start3A_324 = tpu.memref_slice %arg2[%dma_start3A_323, %add3A_322] : memref<300x100000xf32, #tpu.memory_space<hbm>> -> memref<300x128xf32, #tpu.memory_space<hbm>>
    %dma_start3A_325 = arith.constant 0 : i32
    %dma_start3A_326 = tpu.memref_slice %arg2[%dma_start3A_325, %add3A_322] : memref<300x100000xf32, #tpu.memory_space<hbm>> -> memref<300x128xf32, #tpu.memory_space<hbm>>
    tpu.enqueue_dma source(%dma_start3A_326 : memref<300x128xf32, #tpu.memory_space<hbm>>) target(%arg7 : memref<300x128xf32, #tpu.memory_space<vmem>>) target_semaphore(%arg12 : memref<!tpu.dma_semaphore, #tpu.memory_space<semaphore_mem>>)
    %dma_wait3A_327 = arith.constant 0 : i32
    %dma_wait3A_328 = tpu.memref_slice %arg2[%dma_wait3A_327, %add3A_162] : memref<300x100000xf32, #tpu.memory_space<hbm>> -> memref<300x128xf32, #tpu.memory_space<hbm>>
    %dma_wait3A_329 = arith.constant 0 : i32
    %dma_wait3A_330 = tpu.memref_slice %arg2[%dma_wait3A_329, %add3A_162] : memref<300x100000xf32, #tpu.memory_space<hbm>> -> memref<300x128xf32, #tpu.memory_space<hbm>>
    tpu.wait_dma2 semaphore(%arg11 : memref<!tpu.dma_semaphore, #tpu.memory_space<semaphore_mem>>) src(%dma_wait3A_330 : memref<300x128xf32, #tpu.memory_space<hbm>>) dst(%arg6 : memref<300x128xf32, #tpu.memory_space<vmem>>)
    %broadcast_in_dim3A_331 = arith.constant 0.000000e+00 : f32
    %broadcast_in_dim3A_332 = vector.broadcast %broadcast_in_dim3A_331 : f32 to vector<16xf32>
    %broadcast_in_dim3A_333 = arith.constant 0.000000e+00 : f32
    %broadcast_in_dim3A_334 = vector.broadcast %broadcast_in_dim3A_333 : f32 to vector<16xf32>
    %broadcast_in_dim3A_335 = arith.constant 0.000000e+00 : f32
    %broadcast_in_dim3A_336 = vector.broadcast %broadcast_in_dim3A_335 : f32 to vector<16xf32>
    %broadcast_in_dim3A_337 = arith.constant 0.000000e+00 : f32
    %broadcast_in_dim3A_338 = vector.broadcast %broadcast_in_dim3A_337 : f32 to vector<16xf32>
    %broadcast_in_dim3A_339 = arith.constant 0.000000e+00 : f32
    %broadcast_in_dim3A_340 = vector.broadcast %broadcast_in_dim3A_339 : f32 to vector<16xf32>
    %broadcast_in_dim3A_341 = arith.constant 0.000000e+00 : f32
    %broadcast_in_dim3A_342 = vector.broadcast %broadcast_in_dim3A_341 : f32 to vector<16xf32>
    %broadcast_in_dim3A_343 = arith.constant 0.000000e+00 : f32
    %broadcast_in_dim3A_344 = vector.broadcast %broadcast_in_dim3A_343 : f32 to vector<16xf32>
    %broadcast_in_dim3A_345 = arith.constant 0.000000e+00 : f32
    %broadcast_in_dim3A_346 = vector.broadcast %broadcast_in_dim3A_345 : f32 to vector<16xf32>
    %scan3A_347 = arith.constant 0 : i32
    %scan3A_348 = arith.constant 300 : i32
    %scan3A_349 = arith.addi %scan3A_347, %scan3A_348 : i32
    %scan3A_350 = arith.constant 1 : i32
    %scan3A_351:8 = scf.for %scan3A_1435 = %scan3A_347 to %scan3A_349 step %scan3A_350 iter_args(%scan3A_1436 = %broadcast_in_dim3A_332, %scan3A_1437 = %broadcast_in_dim3A_334, %scan3A_1438 = %broadcast_in_dim3A_336, %scan3A_1439 = %broadcast_in_dim3A_338, %scan3A_1440 = %broadcast_in_dim3A_340, %scan3A_1441 = %broadcast_in_dim3A_342, %scan3A_1442 = %broadcast_in_dim3A_344, %scan3A_1443 = %broadcast_in_dim3A_346) -> (vector<16xf32>, vector<16xf32>, vector<16xf32>, vector<16xf32>, vector<16xf32>, vector<16xf32>, vector<16xf32>, vector<16xf32>)  : i32 {
      %broadcast_in_dim3A_1444 = vector.broadcast %scan3A_1435 : i32 to vector<16xi32>
      %gather3A = tpu.vector_load_idx %arg8[%broadcast_in_dim3A_1444] : memref<300xf32, #tpu.memory_space<vmem>>[vector<16xi32>], vector<16xf32>,
      %get3A_1445 = arith.index_cast %scan3A_1435 : i32 to index
      %get3A_1446 = arith.constant 0 : index
      %get3A_1447 = tpu.vector_load %arg6[%get3A_1445, %get3A_1446] {strides = array<i32>} : memref<300x128xf32, #tpu.memory_space<vmem>>, vector<16xf32>,
      %mul3A_1448 = arith.mulf %get3A_1447, %gather3A : vector<16xf32>
      %add3A_1449 = arith.addf %scan3A_1436, %mul3A_1448 : vector<16xf32>
      %get3A_1450 = arith.index_cast %scan3A_1435 : i32 to index
      %get3A_1451 = arith.constant 16 : index
      %get3A_1452 = tpu.vector_load %arg6[%get3A_1450, %get3A_1451] {strides = array<i32>} : memref<300x128xf32, #tpu.memory_space<vmem>>, vector<16xf32>,
      %mul3A_1453 = arith.mulf %get3A_1452, %gather3A : vector<16xf32>
      %add3A_1454 = arith.addf %scan3A_1437, %mul3A_1453 : vector<16xf32>
      %get3A_1455 = arith.index_cast %scan3A_1435 : i32 to index
      %get3A_1456 = arith.constant 32 : index
      %get3A_1457 = tpu.vector_load %arg6[%get3A_1455, %get3A_1456] {strides = array<i32>} : memref<300x128xf32, #tpu.memory_space<vmem>>, vector<16xf32>,
      %mul3A_1458 = arith.mulf %get3A_1457, %gather3A : vector<16xf32>
      %add3A_1459 = arith.addf %scan3A_1438, %mul3A_1458 : vector<16xf32>
      %get3A_1460 = arith.index_cast %scan3A_1435 : i32 to index
      %get3A_1461 = arith.constant 48 : index
      %get3A_1462 = tpu.vector_load %arg6[%get3A_1460, %get3A_1461] {strides = array<i32>} : memref<300x128xf32, #tpu.memory_space<vmem>>, vector<16xf32>,
      %mul3A_1463 = arith.mulf %get3A_1462, %gather3A : vector<16xf32>
      %add3A_1464 = arith.addf %scan3A_1439, %mul3A_1463 : vector<16xf32>
      %get3A_1465 = arith.index_cast %scan3A_1435 : i32 to index
      %get3A_1466 = arith.constant 64 : index
      %get3A_1467 = tpu.vector_load %arg6[%get3A_1465, %get3A_1466] {strides = array<i32>} : memref<300x128xf32, #tpu.memory_space<vmem>>, vector<16xf32>,
      %mul3A_1468 = arith.mulf %get3A_1467, %gather3A : vector<16xf32>
      %add3A_1469 = arith.addf %scan3A_1440, %mul3A_1468 : vector<16xf32>
      %get3A_1470 = arith.index_cast %scan3A_1435 : i32 to index
      %get3A_1471 = arith.constant 80 : index
      %get3A_1472 = tpu.vector_load %arg6[%get3A_1470, %get3A_1471] {strides = array<i32>} : memref<300x128xf32, #tpu.memory_space<vmem>>, vector<16xf32>,
      %mul3A_1473 = arith.mulf %get3A_1472, %gather3A : vector<16xf32>
      %add3A_1474 = arith.addf %scan3A_1441, %mul3A_1473 : vector<16xf32>
      %get3A_1475 = arith.index_cast %scan3A_1435 : i32 to index
      %get3A_1476 = arith.constant 96 : index
      %get3A_1477 = tpu.vector_load %arg6[%get3A_1475, %get3A_1476] {strides = array<i32>} : memref<300x128xf32, #tpu.memory_space<vmem>>, vector<16xf32>,
      %mul3A_1478 = arith.mulf %get3A_1477, %gather3A : vector<16xf32>
      %add3A_1479 = arith.addf %scan3A_1442, %mul3A_1478 : vector<16xf32>
      %get3A_1480 = arith.index_cast %scan3A_1435 : i32 to index
      %get3A_1481 = arith.constant 112 : index
      %get3A_1482 = tpu.vector_load %arg6[%get3A_1480, %get3A_1481] {strides = array<i32>} : memref<300x128xf32, #tpu.memory_space<vmem>>, vector<16xf32>,
      %mul3A_1483 = arith.mulf %get3A_1482, %gather3A : vector<16xf32>
      %add3A_1484 = arith.addf %scan3A_1443, %mul3A_1483 : vector<16xf32>
      scf.yield %add3A_1449, %add3A_1454, %add3A_1459, %add3A_1464, %add3A_1469, %add3A_1474, %add3A_1479, %add3A_1484 : vector<16xf32>, vector<16xf32>, vector<16xf32>, vector<16xf32>, vector<16xf32>, vector<16xf32>, vector<16xf32>, vector<16xf32>
    }
    %scan3A_352 = arith.constant 300 : i32
    %add3A_353 = arith.addf %scan3A_351#0, %get3A_3 : vector<16xf32>
    %max3A_354 = arith.constant 0.000000e+00 : f32
    %max3A_355 = vector.broadcast %max3A_354 : f32 to vector<16xf32>
    %max3A_356 = arith.maximumf %add3A_353, %max3A_355 : vector<16xf32>
    %neg3A_357 = arith.constant 0.000000e+00 : f32
    %neg3A_358 = vector.broadcast %neg3A_357 : f32 to vector<16xf32>
    %neg3A_359 = arith.subf %neg3A_358, %max3A_356 : vector<16xf32>
    %exp3A_360 = math.exp %neg3A_359 : vector<16xf32>
    %add3A_361 = arith.constant 1.000000e+00 : f32
    %add3A_362 = vector.broadcast %add3A_361 : f32 to vector<16xf32>
    %add3A_363 = arith.addf %add3A_362, %exp3A_360 : vector<16xf32>
    %div3A_364 = arith.constant 1.000000e+00 : f32
    %div3A_365 = vector.broadcast %div3A_364 : f32 to vector<16xf32>
    %div3A_366 = arith.divf %div3A_365, %add3A_363 : vector<16xf32>
    %swap3A_367 = arith.constant 256 : index
    %swap3A_368 = tpu.vector_load %arg10[%swap3A_367] {strides = array<i32>} : memref<1152xf32, #tpu.memory_space<vmem>>, vector<16xf32>,
    tpu.vector_store %arg10[%swap3A_367], %div3A_366 {strides = array<i32>} : memref<1152xf32, #tpu.memory_space<vmem>>, vector<16xf32>,
    %add3A_369 = arith.addf %scan3A_351#1, %get3A_3 : vector<16xf32>
    %max3A_370 = arith.constant 0.000000e+00 : f32
    %max3A_371 = vector.broadcast %max3A_370 : f32 to vector<16xf32>
    %max3A_372 = arith.maximumf %add3A_369, %max3A_371 : vector<16xf32>
    %neg3A_373 = arith.constant 0.000000e+00 : f32
    %neg3A_374 = vector.broadcast %neg3A_373 : f32 to vector<16xf32>
    %neg3A_375 = arith.subf %neg3A_374, %max3A_372 : vector<16xf32>
    %exp3A_376 = math.exp %neg3A_375 : vector<16xf32>
    %add3A_377 = arith.constant 1.000000e+00 : f32
    %add3A_378 = vector.broadcast %add3A_377 : f32 to vector<16xf32>
    %add3A_379 = arith.addf %add3A_378, %exp3A_376 : vector<16xf32>
    %div3A_380 = arith.constant 1.000000e+00 : f32
    %div3A_381 = vector.broadcast %div3A_380 : f32 to vector<16xf32>
    %div3A_382 = arith.divf %div3A_381, %add3A_379 : vector<16xf32>
    %swap3A_383 = arith.constant 272 : index
    %swap3A_384 = tpu.vector_load %arg10[%swap3A_383] {strides = array<i32>} : memref<1152xf32, #tpu.memory_space<vmem>>, vector<16xf32>,
    tpu.vector_store %arg10[%swap3A_383], %div3A_382 {strides = array<i32>} : memref<1152xf32, #tpu.memory_space<vmem>>, vector<16xf32>,
    %add3A_385 = arith.addf %scan3A_351#2, %get3A_3 : vector<16xf32>
    %max3A_386 = arith.constant 0.000000e+00 : f32
    %max3A_387 = vector.broadcast %max3A_386 : f32 to vector<16xf32>
    %max3A_388 = arith.maximumf %add3A_385, %max3A_387 : vector<16xf32>
    %neg3A_389 = arith.constant 0.000000e+00 : f32
    %neg3A_390 = vector.broadcast %neg3A_389 : f32 to vector<16xf32>
    %neg3A_391 = arith.subf %neg3A_390, %max3A_388 : vector<16xf32>
    %exp3A_392 = math.exp %neg3A_391 : vector<16xf32>
    %add3A_393 = arith.constant 1.000000e+00 : f32
    %add3A_394 = vector.broadcast %add3A_393 : f32 to vector<16xf32>
    %add3A_395 = arith.addf %add3A_394, %exp3A_392 : vector<16xf32>
    %div3A_396 = arith.constant 1.000000e+00 : f32
    %div3A_397 = vector.broadcast %div3A_396 : f32 to vector<16xf32>
    %div3A_398 = arith.divf %div3A_397, %add3A_395 : vector<16xf32>
    %swap3A_399 = arith.constant 288 : index
    %swap3A_400 = tpu.vector_load %arg10[%swap3A_399] {strides = array<i32>} : memref<1152xf32, #tpu.memory_space<vmem>>, vector<16xf32>,
    tpu.vector_store %arg10[%swap3A_399], %div3A_398 {strides = array<i32>} : memref<1152xf32, #tpu.memory_space<vmem>>, vector<16xf32>,
    %add3A_401 = arith.addf %scan3A_351#3, %get3A_3 : vector<16xf32>
    %max3A_402 = arith.constant 0.000000e+00 : f32
    %max3A_403 = vector.broadcast %max3A_402 : f32 to vector<16xf32>
    %max3A_404 = arith.maximumf %add3A_401, %max3A_403 : vector<16xf32>
    %neg3A_405 = arith.constant 0.000000e+00 : f32
    %neg3A_406 = vector.broadcast %neg3A_405 : f32 to vector<16xf32>
    %neg3A_407 = arith.subf %neg3A_406, %max3A_404 : vector<16xf32>
    %exp3A_408 = math.exp %neg3A_407 : vector<16xf32>
    %add3A_409 = arith.constant 1.000000e+00 : f32
    %add3A_410 = vector.broadcast %add3A_409 : f32 to vector<16xf32>
    %add3A_411 = arith.addf %add3A_410, %exp3A_408 : vector<16xf32>
    %div3A_412 = arith.constant 1.000000e+00 : f32
    %div3A_413 = vector.broadcast %div3A_412 : f32 to vector<16xf32>
    %div3A_414 = arith.divf %div3A_413, %add3A_411 : vector<16xf32>
    %swap3A_415 = arith.constant 304 : index
    %swap3A_416 = tpu.vector_load %arg10[%swap3A_415] {strides = array<i32>} : memref<1152xf32, #tpu.memory_space<vmem>>, vector<16xf32>,
    tpu.vector_store %arg10[%swap3A_415], %div3A_414 {strides = array<i32>} : memref<1152xf32, #tpu.memory_space<vmem>>, vector<16xf32>,
    %add3A_417 = arith.addf %scan3A_351#4, %get3A_3 : vector<16xf32>
    %max3A_418 = arith.constant 0.000000e+00 : f32
    %max3A_419 = vector.broadcast %max3A_418 : f32 to vector<16xf32>
    %max3A_420 = arith.maximumf %add3A_417, %max3A_419 : vector<16xf32>
    %neg3A_421 = arith.constant 0.000000e+00 : f32
    %neg3A_422 = vector.broadcast %neg3A_421 : f32 to vector<16xf32>
    %neg3A_423 = arith.subf %neg3A_422, %max3A_420 : vector<16xf32>
    %exp3A_424 = math.exp %neg3A_423 : vector<16xf32>
    %add3A_425 = arith.constant 1.000000e+00 : f32
    %add3A_426 = vector.broadcast %add3A_425 : f32 to vector<16xf32>
    %add3A_427 = arith.addf %add3A_426, %exp3A_424 : vector<16xf32>
    %div3A_428 = arith.constant 1.000000e+00 : f32
    %div3A_429 = vector.broadcast %div3A_428 : f32 to vector<16xf32>
    %div3A_430 = arith.divf %div3A_429, %add3A_427 : vector<16xf32>
    %swap3A_431 = arith.constant 320 : index
    %swap3A_432 = tpu.vector_load %arg10[%swap3A_431] {strides = array<i32>} : memref<1152xf32, #tpu.memory_space<vmem>>, vector<16xf32>,
    tpu.vector_store %arg10[%swap3A_431], %div3A_430 {strides = array<i32>} : memref<1152xf32, #tpu.memory_space<vmem>>, vector<16xf32>,
    %add3A_433 = arith.addf %scan3A_351#5, %get3A_3 : vector<16xf32>
    %max3A_434 = arith.constant 0.000000e+00 : f32
    %max3A_435 = vector.broadcast %max3A_434 : f32 to vector<16xf32>
    %max3A_436 = arith.maximumf %add3A_433, %max3A_435 : vector<16xf32>
    %neg3A_437 = arith.constant 0.000000e+00 : f32
    %neg3A_438 = vector.broadcast %neg3A_437 : f32 to vector<16xf32>
    %neg3A_439 = arith.subf %neg3A_438, %max3A_436 : vector<16xf32>
    %exp3A_440 = math.exp %neg3A_439 : vector<16xf32>
    %add3A_441 = arith.constant 1.000000e+00 : f32
    %add3A_442 = vector.broadcast %add3A_441 : f32 to vector<16xf32>
    %add3A_443 = arith.addf %add3A_442, %exp3A_440 : vector<16xf32>
    %div3A_444 = arith.constant 1.000000e+00 : f32
    %div3A_445 = vector.broadcast %div3A_444 : f32 to vector<16xf32>
    %div3A_446 = arith.divf %div3A_445, %add3A_443 : vector<16xf32>
    %swap3A_447 = arith.constant 336 : index
    %swap3A_448 = tpu.vector_load %arg10[%swap3A_447] {strides = array<i32>} : memref<1152xf32, #tpu.memory_space<vmem>>, vector<16xf32>,
    tpu.vector_store %arg10[%swap3A_447], %div3A_446 {strides = array<i32>} : memref<1152xf32, #tpu.memory_space<vmem>>, vector<16xf32>,
    %add3A_449 = arith.addf %scan3A_351#6, %get3A_3 : vector<16xf32>
    %max3A_450 = arith.constant 0.000000e+00 : f32
    %max3A_451 = vector.broadcast %max3A_450 : f32 to vector<16xf32>
    %max3A_452 = arith.maximumf %add3A_449, %max3A_451 : vector<16xf32>
    %neg3A_453 = arith.constant 0.000000e+00 : f32
    %neg3A_454 = vector.broadcast %neg3A_453 : f32 to vector<16xf32>
    %neg3A_455 = arith.subf %neg3A_454, %max3A_452 : vector<16xf32>
    %exp3A_456 = math.exp %neg3A_455 : vector<16xf32>
    %add3A_457 = arith.constant 1.000000e+00 : f32
    %add3A_458 = vector.broadcast %add3A_457 : f32 to vector<16xf32>
    %add3A_459 = arith.addf %add3A_458, %exp3A_456 : vector<16xf32>
    %div3A_460 = arith.constant 1.000000e+00 : f32
    %div3A_461 = vector.broadcast %div3A_460 : f32 to vector<16xf32>
    %div3A_462 = arith.divf %div3A_461, %add3A_459 : vector<16xf32>
    %swap3A_463 = arith.constant 352 : index
    %swap3A_464 = tpu.vector_load %arg10[%swap3A_463] {strides = array<i32>} : memref<1152xf32, #tpu.memory_space<vmem>>, vector<16xf32>,
    tpu.vector_store %arg10[%swap3A_463], %div3A_462 {strides = array<i32>} : memref<1152xf32, #tpu.memory_space<vmem>>, vector<16xf32>,
    %add3A_465 = arith.addf %scan3A_351#7, %get3A_3 : vector<16xf32>
    %max3A_466 = arith.constant 0.000000e+00 : f32
    %max3A_467 = vector.broadcast %max3A_466 : f32 to vector<16xf32>
    %max3A_468 = arith.maximumf %add3A_465, %max3A_467 : vector<16xf32>
    %neg3A_469 = arith.constant 0.000000e+00 : f32
    %neg3A_470 = vector.broadcast %neg3A_469 : f32 to vector<16xf32>
    %neg3A_471 = arith.subf %neg3A_470, %max3A_468 : vector<16xf32>
    %exp3A_472 = math.exp %neg3A_471 : vector<16xf32>
    %add3A_473 = arith.constant 1.000000e+00 : f32
    %add3A_474 = vector.broadcast %add3A_473 : f32 to vector<16xf32>
    %add3A_475 = arith.addf %add3A_474, %exp3A_472 : vector<16xf32>
    %div3A_476 = arith.constant 1.000000e+00 : f32
    %div3A_477 = vector.broadcast %div3A_476 : f32 to vector<16xf32>
    %div3A_478 = arith.divf %div3A_477, %add3A_475 : vector<16xf32>
    %swap3A_479 = arith.constant 368 : index
    %swap3A_480 = tpu.vector_load %arg10[%swap3A_479] {strides = array<i32>} : memref<1152xf32, #tpu.memory_space<vmem>>, vector<16xf32>,
    tpu.vector_store %arg10[%swap3A_479], %div3A_478 {strides = array<i32>} : memref<1152xf32, #tpu.memory_space<vmem>>, vector<16xf32>,
    %add3A_481 = arith.constant 512 : i32
    %add3A_482 = arith.addi %mul3A_2, %add3A_481 : i32
    %dma_start3A_483 = arith.constant 0 : i32
    %dma_start3A_484 = tpu.memref_slice %arg2[%dma_start3A_483, %add3A_482] : memref<300x100000xf32, #tpu.memory_space<hbm>> -> memref<300x128xf32, #tpu.memory_space<hbm>>
    %dma_start3A_485 = arith.constant 0 : i32
    %dma_start3A_486 = tpu.memref_slice %arg2[%dma_start3A_485, %add3A_482] : memref<300x100000xf32, #tpu.memory_space<hbm>> -> memref<300x128xf32, #tpu.memory_space<hbm>>
    tpu.enqueue_dma source(%dma_start3A_486 : memref<300x128xf32, #tpu.memory_space<hbm>>) target(%arg6 : memref<300x128xf32, #tpu.memory_space<vmem>>) target_semaphore(%arg11 : memref<!tpu.dma_semaphore, #tpu.memory_space<semaphore_mem>>)
    %dma_wait3A_487 = arith.constant 0 : i32
    %dma_wait3A_488 = tpu.memref_slice %arg2[%dma_wait3A_487, %add3A_322] : memref<300x100000xf32, #tpu.memory_space<hbm>> -> memref<300x128xf32, #tpu.memory_space<hbm>>
    %dma_wait3A_489 = arith.constant 0 : i32
    %dma_wait3A_490 = tpu.memref_slice %arg2[%dma_wait3A_489, %add3A_322] : memref<300x100000xf32, #tpu.memory_space<hbm>> -> memref<300x128xf32, #tpu.memory_space<hbm>>
    tpu.wait_dma2 semaphore(%arg12 : memref<!tpu.dma_semaphore, #tpu.memory_space<semaphore_mem>>) src(%dma_wait3A_490 : memref<300x128xf32, #tpu.memory_space<hbm>>) dst(%arg7 : memref<300x128xf32, #tpu.memory_space<vmem>>)
    %broadcast_in_dim3A_491 = arith.constant 0.000000e+00 : f32
    %broadcast_in_dim3A_492 = vector.broadcast %broadcast_in_dim3A_491 : f32 to vector<16xf32>
    %broadcast_in_dim3A_493 = arith.constant 0.000000e+00 : f32
    %broadcast_in_dim3A_494 = vector.broadcast %broadcast_in_dim3A_493 : f32 to vector<16xf32>
    %broadcast_in_dim3A_495 = arith.constant 0.000000e+00 : f32
    %broadcast_in_dim3A_496 = vector.broadcast %broadcast_in_dim3A_495 : f32 to vector<16xf32>
    %broadcast_in_dim3A_497 = arith.constant 0.000000e+00 : f32
    %broadcast_in_dim3A_498 = vector.broadcast %broadcast_in_dim3A_497 : f32 to vector<16xf32>
    %broadcast_in_dim3A_499 = arith.constant 0.000000e+00 : f32
    %broadcast_in_dim3A_500 = vector.broadcast %broadcast_in_dim3A_499 : f32 to vector<16xf32>
    %broadcast_in_dim3A_501 = arith.constant 0.000000e+00 : f32
    %broadcast_in_dim3A_502 = vector.broadcast %broadcast_in_dim3A_501 : f32 to vector<16xf32>
    %broadcast_in_dim3A_503 = arith.constant 0.000000e+00 : f32
    %broadcast_in_dim3A_504 = vector.broadcast %broadcast_in_dim3A_503 : f32 to vector<16xf32>
    %broadcast_in_dim3A_505 = arith.constant 0.000000e+00 : f32
    %broadcast_in_dim3A_506 = vector.broadcast %broadcast_in_dim3A_505 : f32 to vector<16xf32>
    %scan3A_507 = arith.constant 0 : i32
    %scan3A_508 = arith.constant 300 : i32
    %scan3A_509 = arith.addi %scan3A_507, %scan3A_508 : i32
    %scan3A_510 = arith.constant 1 : i32
    %scan3A_511:8 = scf.for %scan3A_1435 = %scan3A_507 to %scan3A_509 step %scan3A_510 iter_args(%scan3A_1436 = %broadcast_in_dim3A_492, %scan3A_1437 = %broadcast_in_dim3A_494, %scan3A_1438 = %broadcast_in_dim3A_496, %scan3A_1439 = %broadcast_in_dim3A_498, %scan3A_1440 = %broadcast_in_dim3A_500, %scan3A_1441 = %broadcast_in_dim3A_502, %scan3A_1442 = %broadcast_in_dim3A_504, %scan3A_1443 = %broadcast_in_dim3A_506) -> (vector<16xf32>, vector<16xf32>, vector<16xf32>, vector<16xf32>, vector<16xf32>, vector<16xf32>, vector<16xf32>, vector<16xf32>)  : i32 {
      %broadcast_in_dim3A_1444 = vector.broadcast %scan3A_1435 : i32 to vector<16xi32>
      %gather3A = tpu.vector_load_idx %arg8[%broadcast_in_dim3A_1444] : memref<300xf32, #tpu.memory_space<vmem>>[vector<16xi32>], vector<16xf32>,
      %get3A_1445 = arith.index_cast %scan3A_1435 : i32 to index
      %get3A_1446 = arith.constant 0 : index
      %get3A_1447 = tpu.vector_load %arg7[%get3A_1445, %get3A_1446] {strides = array<i32>} : memref<300x128xf32, #tpu.memory_space<vmem>>, vector<16xf32>,
      %mul3A_1448 = arith.mulf %get3A_1447, %gather3A : vector<16xf32>
      %add3A_1449 = arith.addf %scan3A_1436, %mul3A_1448 : vector<16xf32>
      %get3A_1450 = arith.index_cast %scan3A_1435 : i32 to index
      %get3A_1451 = arith.constant 16 : index
      %get3A_1452 = tpu.vector_load %arg7[%get3A_1450, %get3A_1451] {strides = array<i32>} : memref<300x128xf32, #tpu.memory_space<vmem>>, vector<16xf32>,
      %mul3A_1453 = arith.mulf %get3A_1452, %gather3A : vector<16xf32>
      %add3A_1454 = arith.addf %scan3A_1437, %mul3A_1453 : vector<16xf32>
      %get3A_1455 = arith.index_cast %scan3A_1435 : i32 to index
      %get3A_1456 = arith.constant 32 : index
      %get3A_1457 = tpu.vector_load %arg7[%get3A_1455, %get3A_1456] {strides = array<i32>} : memref<300x128xf32, #tpu.memory_space<vmem>>, vector<16xf32>,
      %mul3A_1458 = arith.mulf %get3A_1457, %gather3A : vector<16xf32>
      %add3A_1459 = arith.addf %scan3A_1438, %mul3A_1458 : vector<16xf32>
      %get3A_1460 = arith.index_cast %scan3A_1435 : i32 to index
      %get3A_1461 = arith.constant 48 : index
      %get3A_1462 = tpu.vector_load %arg7[%get3A_1460, %get3A_1461] {strides = array<i32>} : memref<300x128xf32, #tpu.memory_space<vmem>>, vector<16xf32>,
      %mul3A_1463 = arith.mulf %get3A_1462, %gather3A : vector<16xf32>
      %add3A_1464 = arith.addf %scan3A_1439, %mul3A_1463 : vector<16xf32>
      %get3A_1465 = arith.index_cast %scan3A_1435 : i32 to index
      %get3A_1466 = arith.constant 64 : index
      %get3A_1467 = tpu.vector_load %arg7[%get3A_1465, %get3A_1466] {strides = array<i32>} : memref<300x128xf32, #tpu.memory_space<vmem>>, vector<16xf32>,
      %mul3A_1468 = arith.mulf %get3A_1467, %gather3A : vector<16xf32>
      %add3A_1469 = arith.addf %scan3A_1440, %mul3A_1468 : vector<16xf32>
      %get3A_1470 = arith.index_cast %scan3A_1435 : i32 to index
      %get3A_1471 = arith.constant 80 : index
      %get3A_1472 = tpu.vector_load %arg7[%get3A_1470, %get3A_1471] {strides = array<i32>} : memref<300x128xf32, #tpu.memory_space<vmem>>, vector<16xf32>,
      %mul3A_1473 = arith.mulf %get3A_1472, %gather3A : vector<16xf32>
      %add3A_1474 = arith.addf %scan3A_1441, %mul3A_1473 : vector<16xf32>
      %get3A_1475 = arith.index_cast %scan3A_1435 : i32 to index
      %get3A_1476 = arith.constant 96 : index
      %get3A_1477 = tpu.vector_load %arg7[%get3A_1475, %get3A_1476] {strides = array<i32>} : memref<300x128xf32, #tpu.memory_space<vmem>>, vector<16xf32>,
      %mul3A_1478 = arith.mulf %get3A_1477, %gather3A : vector<16xf32>
      %add3A_1479 = arith.addf %scan3A_1442, %mul3A_1478 : vector<16xf32>
      %get3A_1480 = arith.index_cast %scan3A_1435 : i32 to index
      %get3A_1481 = arith.constant 112 : index
      %get3A_1482 = tpu.vector_load %arg7[%get3A_1480, %get3A_1481] {strides = array<i32>} : memref<300x128xf32, #tpu.memory_space<vmem>>, vector<16xf32>,
      %mul3A_1483 = arith.mulf %get3A_1482, %gather3A : vector<16xf32>
      %add3A_1484 = arith.addf %scan3A_1443, %mul3A_1483 : vector<16xf32>
      scf.yield %add3A_1449, %add3A_1454, %add3A_1459, %add3A_1464, %add3A_1469, %add3A_1474, %add3A_1479, %add3A_1484 : vector<16xf32>, vector<16xf32>, vector<16xf32>, vector<16xf32>, vector<16xf32>, vector<16xf32>, vector<16xf32>, vector<16xf32>
    }
    %scan3A_512 = arith.constant 300 : i32
    %add3A_513 = arith.addf %scan3A_511#0, %get3A_3 : vector<16xf32>
    %max3A_514 = arith.constant 0.000000e+00 : f32
    %max3A_515 = vector.broadcast %max3A_514 : f32 to vector<16xf32>
    %max3A_516 = arith.maximumf %add3A_513, %max3A_515 : vector<16xf32>
    %neg3A_517 = arith.constant 0.000000e+00 : f32
    %neg3A_518 = vector.broadcast %neg3A_517 : f32 to vector<16xf32>
    %neg3A_519 = arith.subf %neg3A_518, %max3A_516 : vector<16xf32>
    %exp3A_520 = math.exp %neg3A_519 : vector<16xf32>
    %add3A_521 = arith.constant 1.000000e+00 : f32
    %add3A_522 = vector.broadcast %add3A_521 : f32 to vector<16xf32>
    %add3A_523 = arith.addf %add3A_522, %exp3A_520 : vector<16xf32>
    %div3A_524 = arith.constant 1.000000e+00 : f32
    %div3A_525 = vector.broadcast %div3A_524 : f32 to vector<16xf32>
    %div3A_526 = arith.divf %div3A_525, %add3A_523 : vector<16xf32>
    %swap3A_527 = arith.constant 384 : index
    %swap3A_528 = tpu.vector_load %arg10[%swap3A_527] {strides = array<i32>} : memref<1152xf32, #tpu.memory_space<vmem>>, vector<16xf32>,
    tpu.vector_store %arg10[%swap3A_527], %div3A_526 {strides = array<i32>} : memref<1152xf32, #tpu.memory_space<vmem>>, vector<16xf32>,
    %add3A_529 = arith.addf %scan3A_511#1, %get3A_3 : vector<16xf32>
    %max3A_530 = arith.constant 0.000000e+00 : f32
    %max3A_531 = vector.broadcast %max3A_530 : f32 to vector<16xf32>
    %max3A_532 = arith.maximumf %add3A_529, %max3A_531 : vector<16xf32>
    %neg3A_533 = arith.constant 0.000000e+00 : f32
    %neg3A_534 = vector.broadcast %neg3A_533 : f32 to vector<16xf32>
    %neg3A_535 = arith.subf %neg3A_534, %max3A_532 : vector<16xf32>
    %exp3A_536 = math.exp %neg3A_535 : vector<16xf32>
    %add3A_537 = arith.constant 1.000000e+00 : f32
    %add3A_538 = vector.broadcast %add3A_537 : f32 to vector<16xf32>
    %add3A_539 = arith.addf %add3A_538, %exp3A_536 : vector<16xf32>
    %div3A_540 = arith.constant 1.000000e+00 : f32
    %div3A_541 = vector.broadcast %div3A_540 : f32 to vector<16xf32>
    %div3A_542 = arith.divf %div3A_541, %add3A_539 : vector<16xf32>
    %swap3A_543 = arith.constant 400 : index
    %swap3A_544 = tpu.vector_load %arg10[%swap3A_543] {strides = array<i32>} : memref<1152xf32, #tpu.memory_space<vmem>>, vector<16xf32>,
    tpu.vector_store %arg10[%swap3A_543], %div3A_542 {strides = array<i32>} : memref<1152xf32, #tpu.memory_space<vmem>>, vector<16xf32>,
    %add3A_545 = arith.addf %scan3A_511#2, %get3A_3 : vector<16xf32>
    %max3A_546 = arith.constant 0.000000e+00 : f32
    %max3A_547 = vector.broadcast %max3A_546 : f32 to vector<16xf32>
    %max3A_548 = arith.maximumf %add3A_545, %max3A_547 : vector<16xf32>
    %neg3A_549 = arith.constant 0.000000e+00 : f32
    %neg3A_550 = vector.broadcast %neg3A_549 : f32 to vector<16xf32>
    %neg3A_551 = arith.subf %neg3A_550, %max3A_548 : vector<16xf32>
    %exp3A_552 = math.exp %neg3A_551 : vector<16xf32>
    %add3A_553 = arith.constant 1.000000e+00 : f32
    %add3A_554 = vector.broadcast %add3A_553 : f32 to vector<16xf32>
    %add3A_555 = arith.addf %add3A_554, %exp3A_552 : vector<16xf32>
    %div3A_556 = arith.constant 1.000000e+00 : f32
    %div3A_557 = vector.broadcast %div3A_556 : f32 to vector<16xf32>
    %div3A_558 = arith.divf %div3A_557, %add3A_555 : vector<16xf32>
    %swap3A_559 = arith.constant 416 : index
    %swap3A_560 = tpu.vector_load %arg10[%swap3A_559] {strides = array<i32>} : memref<1152xf32, #tpu.memory_space<vmem>>, vector<16xf32>,
    tpu.vector_store %arg10[%swap3A_559], %div3A_558 {strides = array<i32>} : memref<1152xf32, #tpu.memory_space<vmem>>, vector<16xf32>,
    %add3A_561 = arith.addf %scan3A_511#3, %get3A_3 : vector<16xf32>
    %max3A_562 = arith.constant 0.000000e+00 : f32
    %max3A_563 = vector.broadcast %max3A_562 : f32 to vector<16xf32>
    %max3A_564 = arith.maximumf %add3A_561, %max3A_563 : vector<16xf32>
    %neg3A_565 = arith.constant 0.000000e+00 : f32
    %neg3A_566 = vector.broadcast %neg3A_565 : f32 to vector<16xf32>
    %neg3A_567 = arith.subf %neg3A_566, %max3A_564 : vector<16xf32>
    %exp3A_568 = math.exp %neg3A_567 : vector<16xf32>
    %add3A_569 = arith.constant 1.000000e+00 : f32
    %add3A_570 = vector.broadcast %add3A_569 : f32 to vector<16xf32>
    %add3A_571 = arith.addf %add3A_570, %exp3A_568 : vector<16xf32>
    %div3A_572 = arith.constant 1.000000e+00 : f32
    %div3A_573 = vector.broadcast %div3A_572 : f32 to vector<16xf32>
    %div3A_574 = arith.divf %div3A_573, %add3A_571 : vector<16xf32>
    %swap3A_575 = arith.constant 432 : index
    %swap3A_576 = tpu.vector_load %arg10[%swap3A_575] {strides = array<i32>} : memref<1152xf32, #tpu.memory_space<vmem>>, vector<16xf32>,
    tpu.vector_store %arg10[%swap3A_575], %div3A_574 {strides = array<i32>} : memref<1152xf32, #tpu.memory_space<vmem>>, vector<16xf32>,
    %add3A_577 = arith.addf %scan3A_511#4, %get3A_3 : vector<16xf32>
    %max3A_578 = arith.constant 0.000000e+00 : f32
    %max3A_579 = vector.broadcast %max3A_578 : f32 to vector<16xf32>
    %max3A_580 = arith.maximumf %add3A_577, %max3A_579 : vector<16xf32>
    %neg3A_581 = arith.constant 0.000000e+00 : f32
    %neg3A_582 = vector.broadcast %neg3A_581 : f32 to vector<16xf32>
    %neg3A_583 = arith.subf %neg3A_582, %max3A_580 : vector<16xf32>
    %exp3A_584 = math.exp %neg3A_583 : vector<16xf32>
    %add3A_585 = arith.constant 1.000000e+00 : f32
    %add3A_586 = vector.broadcast %add3A_585 : f32 to vector<16xf32>
    %add3A_587 = arith.addf %add3A_586, %exp3A_584 : vector<16xf32>
    %div3A_588 = arith.constant 1.000000e+00 : f32
    %div3A_589 = vector.broadcast %div3A_588 : f32 to vector<16xf32>
    %div3A_590 = arith.divf %div3A_589, %add3A_587 : vector<16xf32>
    %swap3A_591 = arith.constant 448 : index
    %swap3A_592 = tpu.vector_load %arg10[%swap3A_591] {strides = array<i32>} : memref<1152xf32, #tpu.memory_space<vmem>>, vector<16xf32>,
    tpu.vector_store %arg10[%swap3A_591], %div3A_590 {strides = array<i32>} : memref<1152xf32, #tpu.memory_space<vmem>>, vector<16xf32>,
    %add3A_593 = arith.addf %scan3A_511#5, %get3A_3 : vector<16xf32>
    %max3A_594 = arith.constant 0.000000e+00 : f32
    %max3A_595 = vector.broadcast %max3A_594 : f32 to vector<16xf32>
    %max3A_596 = arith.maximumf %add3A_593, %max3A_595 : vector<16xf32>
    %neg3A_597 = arith.constant 0.000000e+00 : f32
    %neg3A_598 = vector.broadcast %neg3A_597 : f32 to vector<16xf32>
    %neg3A_599 = arith.subf %neg3A_598, %max3A_596 : vector<16xf32>
    %exp3A_600 = math.exp %neg3A_599 : vector<16xf32>
    %add3A_601 = arith.constant 1.000000e+00 : f32
    %add3A_602 = vector.broadcast %add3A_601 : f32 to vector<16xf32>
    %add3A_603 = arith.addf %add3A_602, %exp3A_600 : vector<16xf32>
    %div3A_604 = arith.constant 1.000000e+00 : f32
    %div3A_605 = vector.broadcast %div3A_604 : f32 to vector<16xf32>
    %div3A_606 = arith.divf %div3A_605, %add3A_603 : vector<16xf32>
    %swap3A_607 = arith.constant 464 : index
    %swap3A_608 = tpu.vector_load %arg10[%swap3A_607] {strides = array<i32>} : memref<1152xf32, #tpu.memory_space<vmem>>, vector<16xf32>,
    tpu.vector_store %arg10[%swap3A_607], %div3A_606 {strides = array<i32>} : memref<1152xf32, #tpu.memory_space<vmem>>, vector<16xf32>,
    %add3A_609 = arith.addf %scan3A_511#6, %get3A_3 : vector<16xf32>
    %max3A_610 = arith.constant 0.000000e+00 : f32
    %max3A_611 = vector.broadcast %max3A_610 : f32 to vector<16xf32>
    %max3A_612 = arith.maximumf %add3A_609, %max3A_611 : vector<16xf32>
    %neg3A_613 = arith.constant 0.000000e+00 : f32
    %neg3A_614 = vector.broadcast %neg3A_613 : f32 to vector<16xf32>
    %neg3A_615 = arith.subf %neg3A_614, %max3A_612 : vector<16xf32>
    %exp3A_616 = math.exp %neg3A_615 : vector<16xf32>
    %add3A_617 = arith.constant 1.000000e+00 : f32
    %add3A_618 = vector.broadcast %add3A_617 : f32 to vector<16xf32>
    %add3A_619 = arith.addf %add3A_618, %exp3A_616 : vector<16xf32>
    %div3A_620 = arith.constant 1.000000e+00 : f32
    %div3A_621 = vector.broadcast %div3A_620 : f32 to vector<16xf32>
    %div3A_622 = arith.divf %div3A_621, %add3A_619 : vector<16xf32>
    %swap3A_623 = arith.constant 480 : index
    %swap3A_624 = tpu.vector_load %arg10[%swap3A_623] {strides = array<i32>} : memref<1152xf32, #tpu.memory_space<vmem>>, vector<16xf32>,
    tpu.vector_store %arg10[%swap3A_623], %div3A_622 {strides = array<i32>} : memref<1152xf32, #tpu.memory_space<vmem>>, vector<16xf32>,
    %add3A_625 = arith.addf %scan3A_511#7, %get3A_3 : vector<16xf32>
    %max3A_626 = arith.constant 0.000000e+00 : f32
    %max3A_627 = vector.broadcast %max3A_626 : f32 to vector<16xf32>
    %max3A_628 = arith.maximumf %add3A_625, %max3A_627 : vector<16xf32>
    %neg3A_629 = arith.constant 0.000000e+00 : f32
    %neg3A_630 = vector.broadcast %neg3A_629 : f32 to vector<16xf32>
    %neg3A_631 = arith.subf %neg3A_630, %max3A_628 : vector<16xf32>
    %exp3A_632 = math.exp %neg3A_631 : vector<16xf32>
    %add3A_633 = arith.constant 1.000000e+00 : f32
    %add3A_634 = vector.broadcast %add3A_633 : f32 to vector<16xf32>
    %add3A_635 = arith.addf %add3A_634, %exp3A_632 : vector<16xf32>
    %div3A_636 = arith.constant 1.000000e+00 : f32
    %div3A_637 = vector.broadcast %div3A_636 : f32 to vector<16xf32>
    %div3A_638 = arith.divf %div3A_637, %add3A_635 : vector<16xf32>
    %swap3A_639 = arith.constant 496 : index
    %swap3A_640 = tpu.vector_load %arg10[%swap3A_639] {strides = array<i32>} : memref<1152xf32, #tpu.memory_space<vmem>>, vector<16xf32>,
    tpu.vector_store %arg10[%swap3A_639], %div3A_638 {strides = array<i32>} : memref<1152xf32, #tpu.memory_space<vmem>>, vector<16xf32>,
    %add3A_641 = arith.constant 640 : i32
    %add3A_642 = arith.addi %mul3A_2, %add3A_641 : i32
    %dma_start3A_643 = arith.constant 0 : i32
    %dma_start3A_644 = tpu.memref_slice %arg2[%dma_start3A_643, %add3A_642] : memref<300x100000xf32, #tpu.memory_space<hbm>> -> memref<300x128xf32, #tpu.memory_space<hbm>>
    %dma_start3A_645 = arith.constant 0 : i32
    %dma_start3A_646 = tpu.memref_slice %arg2[%dma_start3A_645, %add3A_642] : memref<300x100000xf32, #tpu.memory_space<hbm>> -> memref<300x128xf32, #tpu.memory_space<hbm>>
    tpu.enqueue_dma source(%dma_start3A_646 : memref<300x128xf32, #tpu.memory_space<hbm>>) target(%arg7 : memref<300x128xf32, #tpu.memory_space<vmem>>) target_semaphore(%arg12 : memref<!tpu.dma_semaphore, #tpu.memory_space<semaphore_mem>>)
    %dma_wait3A_647 = arith.constant 0 : i32
    %dma_wait3A_648 = tpu.memref_slice %arg2[%dma_wait3A_647, %add3A_482] : memref<300x100000xf32, #tpu.memory_space<hbm>> -> memref<300x128xf32, #tpu.memory_space<hbm>>
    %dma_wait3A_649 = arith.constant 0 : i32
    %dma_wait3A_650 = tpu.memref_slice %arg2[%dma_wait3A_649, %add3A_482] : memref<300x100000xf32, #tpu.memory_space<hbm>> -> memref<300x128xf32, #tpu.memory_space<hbm>>
    tpu.wait_dma2 semaphore(%arg11 : memref<!tpu.dma_semaphore, #tpu.memory_space<semaphore_mem>>) src(%dma_wait3A_650 : memref<300x128xf32, #tpu.memory_space<hbm>>) dst(%arg6 : memref<300x128xf32, #tpu.memory_space<vmem>>)
    %broadcast_in_dim3A_651 = arith.constant 0.000000e+00 : f32
    %broadcast_in_dim3A_652 = vector.broadcast %broadcast_in_dim3A_651 : f32 to vector<16xf32>
    %broadcast_in_dim3A_653 = arith.constant 0.000000e+00 : f32
    %broadcast_in_dim3A_654 = vector.broadcast %broadcast_in_dim3A_653 : f32 to vector<16xf32>
    %broadcast_in_dim3A_655 = arith.constant 0.000000e+00 : f32
    %broadcast_in_dim3A_656 = vector.broadcast %broadcast_in_dim3A_655 : f32 to vector<16xf32>
    %broadcast_in_dim3A_657 = arith.constant 0.000000e+00 : f32
    %broadcast_in_dim3A_658 = vector.broadcast %broadcast_in_dim3A_657 : f32 to vector<16xf32>
    %broadcast_in_dim3A_659 = arith.constant 0.000000e+00 : f32
    %broadcast_in_dim3A_660 = vector.broadcast %broadcast_in_dim3A_659 : f32 to vector<16xf32>
    %broadcast_in_dim3A_661 = arith.constant 0.000000e+00 : f32
    %broadcast_in_dim3A_662 = vector.broadcast %broadcast_in_dim3A_661 : f32 to vector<16xf32>
    %broadcast_in_dim3A_663 = arith.constant 0.000000e+00 : f32
    %broadcast_in_dim3A_664 = vector.broadcast %broadcast_in_dim3A_663 : f32 to vector<16xf32>
    %broadcast_in_dim3A_665 = arith.constant 0.000000e+00 : f32
    %broadcast_in_dim3A_666 = vector.broadcast %broadcast_in_dim3A_665 : f32 to vector<16xf32>
    %scan3A_667 = arith.constant 0 : i32
    %scan3A_668 = arith.constant 300 : i32
    %scan3A_669 = arith.addi %scan3A_667, %scan3A_668 : i32
    %scan3A_670 = arith.constant 1 : i32
    %scan3A_671:8 = scf.for %scan3A_1435 = %scan3A_667 to %scan3A_669 step %scan3A_670 iter_args(%scan3A_1436 = %broadcast_in_dim3A_652, %scan3A_1437 = %broadcast_in_dim3A_654, %scan3A_1438 = %broadcast_in_dim3A_656, %scan3A_1439 = %broadcast_in_dim3A_658, %scan3A_1440 = %broadcast_in_dim3A_660, %scan3A_1441 = %broadcast_in_dim3A_662, %scan3A_1442 = %broadcast_in_dim3A_664, %scan3A_1443 = %broadcast_in_dim3A_666) -> (vector<16xf32>, vector<16xf32>, vector<16xf32>, vector<16xf32>, vector<16xf32>, vector<16xf32>, vector<16xf32>, vector<16xf32>)  : i32 {
      %broadcast_in_dim3A_1444 = vector.broadcast %scan3A_1435 : i32 to vector<16xi32>
      %gather3A = tpu.vector_load_idx %arg8[%broadcast_in_dim3A_1444] : memref<300xf32, #tpu.memory_space<vmem>>[vector<16xi32>], vector<16xf32>,
      %get3A_1445 = arith.index_cast %scan3A_1435 : i32 to index
      %get3A_1446 = arith.constant 0 : index
      %get3A_1447 = tpu.vector_load %arg6[%get3A_1445, %get3A_1446] {strides = array<i32>} : memref<300x128xf32, #tpu.memory_space<vmem>>, vector<16xf32>,
      %mul3A_1448 = arith.mulf %get3A_1447, %gather3A : vector<16xf32>
      %add3A_1449 = arith.addf %scan3A_1436, %mul3A_1448 : vector<16xf32>
      %get3A_1450 = arith.index_cast %scan3A_1435 : i32 to index
      %get3A_1451 = arith.constant 16 : index
      %get3A_1452 = tpu.vector_load %arg6[%get3A_1450, %get3A_1451] {strides = array<i32>} : memref<300x128xf32, #tpu.memory_space<vmem>>, vector<16xf32>,
      %mul3A_1453 = arith.mulf %get3A_1452, %gather3A : vector<16xf32>
      %add3A_1454 = arith.addf %scan3A_1437, %mul3A_1453 : vector<16xf32>
      %get3A_1455 = arith.index_cast %scan3A_1435 : i32 to index
      %get3A_1456 = arith.constant 32 : index
      %get3A_1457 = tpu.vector_load %arg6[%get3A_1455, %get3A_1456] {strides = array<i32>} : memref<300x128xf32, #tpu.memory_space<vmem>>, vector<16xf32>,
      %mul3A_1458 = arith.mulf %get3A_1457, %gather3A : vector<16xf32>
      %add3A_1459 = arith.addf %scan3A_1438, %mul3A_1458 : vector<16xf32>
      %get3A_1460 = arith.index_cast %scan3A_1435 : i32 to index
      %get3A_1461 = arith.constant 48 : index
      %get3A_1462 = tpu.vector_load %arg6[%get3A_1460, %get3A_1461] {strides = array<i32>} : memref<300x128xf32, #tpu.memory_space<vmem>>, vector<16xf32>,
      %mul3A_1463 = arith.mulf %get3A_1462, %gather3A : vector<16xf32>
      %add3A_1464 = arith.addf %scan3A_1439, %mul3A_1463 : vector<16xf32>
      %get3A_1465 = arith.index_cast %scan3A_1435 : i32 to index
      %get3A_1466 = arith.constant 64 : index
      %get3A_1467 = tpu.vector_load %arg6[%get3A_1465, %get3A_1466] {strides = array<i32>} : memref<300x128xf32, #tpu.memory_space<vmem>>, vector<16xf32>,
      %mul3A_1468 = arith.mulf %get3A_1467, %gather3A : vector<16xf32>
      %add3A_1469 = arith.addf %scan3A_1440, %mul3A_1468 : vector<16xf32>
      %get3A_1470 = arith.index_cast %scan3A_1435 : i32 to index
      %get3A_1471 = arith.constant 80 : index
      %get3A_1472 = tpu.vector_load %arg6[%get3A_1470, %get3A_1471] {strides = array<i32>} : memref<300x128xf32, #tpu.memory_space<vmem>>, vector<16xf32>,
      %mul3A_1473 = arith.mulf %get3A_1472, %gather3A : vector<16xf32>
      %add3A_1474 = arith.addf %scan3A_1441, %mul3A_1473 : vector<16xf32>
      %get3A_1475 = arith.index_cast %scan3A_1435 : i32 to index
      %get3A_1476 = arith.constant 96 : index
      %get3A_1477 = tpu.vector_load %arg6[%get3A_1475, %get3A_1476] {strides = array<i32>} : memref<300x128xf32, #tpu.memory_space<vmem>>, vector<16xf32>,
      %mul3A_1478 = arith.mulf %get3A_1477, %gather3A : vector<16xf32>
      %add3A_1479 = arith.addf %scan3A_1442, %mul3A_1478 : vector<16xf32>
      %get3A_1480 = arith.index_cast %scan3A_1435 : i32 to index
      %get3A_1481 = arith.constant 112 : index
      %get3A_1482 = tpu.vector_load %arg6[%get3A_1480, %get3A_1481] {strides = array<i32>} : memref<300x128xf32, #tpu.memory_space<vmem>>, vector<16xf32>,
      %mul3A_1483 = arith.mulf %get3A_1482, %gather3A : vector<16xf32>
      %add3A_1484 = arith.addf %scan3A_1443, %mul3A_1483 : vector<16xf32>
      scf.yield %add3A_1449, %add3A_1454, %add3A_1459, %add3A_1464, %add3A_1469, %add3A_1474, %add3A_1479, %add3A_1484 : vector<16xf32>, vector<16xf32>, vector<16xf32>, vector<16xf32>, vector<16xf32>, vector<16xf32>, vector<16xf32>, vector<16xf32>
    }
    %scan3A_672 = arith.constant 300 : i32
    %add3A_673 = arith.addf %scan3A_671#0, %get3A_3 : vector<16xf32>
    %max3A_674 = arith.constant 0.000000e+00 : f32
    %max3A_675 = vector.broadcast %max3A_674 : f32 to vector<16xf32>
    %max3A_676 = arith.maximumf %add3A_673, %max3A_675 : vector<16xf32>
    %neg3A_677 = arith.constant 0.000000e+00 : f32
    %neg3A_678 = vector.broadcast %neg3A_677 : f32 to vector<16xf32>
    %neg3A_679 = arith.subf %neg3A_678, %max3A_676 : vector<16xf32>
    %exp3A_680 = math.exp %neg3A_679 : vector<16xf32>
    %add3A_681 = arith.constant 1.000000e+00 : f32
    %add3A_682 = vector.broadcast %add3A_681 : f32 to vector<16xf32>
    %add3A_683 = arith.addf %add3A_682, %exp3A_680 : vector<16xf32>
    %div3A_684 = arith.constant 1.000000e+00 : f32
    %div3A_685 = vector.broadcast %div3A_684 : f32 to vector<16xf32>
    %div3A_686 = arith.divf %div3A_685, %add3A_683 : vector<16xf32>
    %swap3A_687 = arith.constant 512 : index
    %swap3A_688 = tpu.vector_load %arg10[%swap3A_687] {strides = array<i32>} : memref<1152xf32, #tpu.memory_space<vmem>>, vector<16xf32>,
    tpu.vector_store %arg10[%swap3A_687], %div3A_686 {strides = array<i32>} : memref<1152xf32, #tpu.memory_space<vmem>>, vector<16xf32>,
    %add3A_689 = arith.addf %scan3A_671#1, %get3A_3 : vector<16xf32>
    %max3A_690 = arith.constant 0.000000e+00 : f32
    %max3A_691 = vector.broadcast %max3A_690 : f32 to vector<16xf32>
    %max3A_692 = arith.maximumf %add3A_689, %max3A_691 : vector<16xf32>
    %neg3A_693 = arith.constant 0.000000e+00 : f32
    %neg3A_694 = vector.broadcast %neg3A_693 : f32 to vector<16xf32>
    %neg3A_695 = arith.subf %neg3A_694, %max3A_692 : vector<16xf32>
    %exp3A_696 = math.exp %neg3A_695 : vector<16xf32>
    %add3A_697 = arith.constant 1.000000e+00 : f32
    %add3A_698 = vector.broadcast %add3A_697 : f32 to vector<16xf32>
    %add3A_699 = arith.addf %add3A_698, %exp3A_696 : vector<16xf32>
    %div3A_700 = arith.constant 1.000000e+00 : f32
    %div3A_701 = vector.broadcast %div3A_700 : f32 to vector<16xf32>
    %div3A_702 = arith.divf %div3A_701, %add3A_699 : vector<16xf32>
    %swap3A_703 = arith.constant 528 : index
    %swap3A_704 = tpu.vector_load %arg10[%swap3A_703] {strides = array<i32>} : memref<1152xf32, #tpu.memory_space<vmem>>, vector<16xf32>,
    tpu.vector_store %arg10[%swap3A_703], %div3A_702 {strides = array<i32>} : memref<1152xf32, #tpu.memory_space<vmem>>, vector<16xf32>,
    %add3A_705 = arith.addf %scan3A_671#2, %get3A_3 : vector<16xf32>
    %max3A_706 = arith.constant 0.000000e+00 : f32
    %max3A_707 = vector.broadcast %max3A_706 : f32 to vector<16xf32>
    %max3A_708 = arith.maximumf %add3A_705, %max3A_707 : vector<16xf32>
    %neg3A_709 = arith.constant 0.000000e+00 : f32
    %neg3A_710 = vector.broadcast %neg3A_709 : f32 to vector<16xf32>
    %neg3A_711 = arith.subf %neg3A_710, %max3A_708 : vector<16xf32>
    %exp3A_712 = math.exp %neg3A_711 : vector<16xf32>
    %add3A_713 = arith.constant 1.000000e+00 : f32
    %add3A_714 = vector.broadcast %add3A_713 : f32 to vector<16xf32>
    %add3A_715 = arith.addf %add3A_714, %exp3A_712 : vector<16xf32>
    %div3A_716 = arith.constant 1.000000e+00 : f32
    %div3A_717 = vector.broadcast %div3A_716 : f32 to vector<16xf32>
    %div3A_718 = arith.divf %div3A_717, %add3A_715 : vector<16xf32>
    %swap3A_719 = arith.constant 544 : index
    %swap3A_720 = tpu.vector_load %arg10[%swap3A_719] {strides = array<i32>} : memref<1152xf32, #tpu.memory_space<vmem>>, vector<16xf32>,
    tpu.vector_store %arg10[%swap3A_719], %div3A_718 {strides = array<i32>} : memref<1152xf32, #tpu.memory_space<vmem>>, vector<16xf32>,
    %add3A_721 = arith.addf %scan3A_671#3, %get3A_3 : vector<16xf32>
    %max3A_722 = arith.constant 0.000000e+00 : f32
    %max3A_723 = vector.broadcast %max3A_722 : f32 to vector<16xf32>
    %max3A_724 = arith.maximumf %add3A_721, %max3A_723 : vector<16xf32>
    %neg3A_725 = arith.constant 0.000000e+00 : f32
    %neg3A_726 = vector.broadcast %neg3A_725 : f32 to vector<16xf32>
    %neg3A_727 = arith.subf %neg3A_726, %max3A_724 : vector<16xf32>
    %exp3A_728 = math.exp %neg3A_727 : vector<16xf32>
    %add3A_729 = arith.constant 1.000000e+00 : f32
    %add3A_730 = vector.broadcast %add3A_729 : f32 to vector<16xf32>
    %add3A_731 = arith.addf %add3A_730, %exp3A_728 : vector<16xf32>
    %div3A_732 = arith.constant 1.000000e+00 : f32
    %div3A_733 = vector.broadcast %div3A_732 : f32 to vector<16xf32>
    %div3A_734 = arith.divf %div3A_733, %add3A_731 : vector<16xf32>
    %swap3A_735 = arith.constant 560 : index
    %swap3A_736 = tpu.vector_load %arg10[%swap3A_735] {strides = array<i32>} : memref<1152xf32, #tpu.memory_space<vmem>>, vector<16xf32>,
    tpu.vector_store %arg10[%swap3A_735], %div3A_734 {strides = array<i32>} : memref<1152xf32, #tpu.memory_space<vmem>>, vector<16xf32>,
    %add3A_737 = arith.addf %scan3A_671#4, %get3A_3 : vector<16xf32>
    %max3A_738 = arith.constant 0.000000e+00 : f32
    %max3A_739 = vector.broadcast %max3A_738 : f32 to vector<16xf32>
    %max3A_740 = arith.maximumf %add3A_737, %max3A_739 : vector<16xf32>
    %neg3A_741 = arith.constant 0.000000e+00 : f32
    %neg3A_742 = vector.broadcast %neg3A_741 : f32 to vector<16xf32>
    %neg3A_743 = arith.subf %neg3A_742, %max3A_740 : vector<16xf32>
    %exp3A_744 = math.exp %neg3A_743 : vector<16xf32>
    %add3A_745 = arith.constant 1.000000e+00 : f32
    %add3A_746 = vector.broadcast %add3A_745 : f32 to vector<16xf32>
    %add3A_747 = arith.addf %add3A_746, %exp3A_744 : vector<16xf32>
    %div3A_748 = arith.constant 1.000000e+00 : f32
    %div3A_749 = vector.broadcast %div3A_748 : f32 to vector<16xf32>
    %div3A_750 = arith.divf %div3A_749, %add3A_747 : vector<16xf32>
    %swap3A_751 = arith.constant 576 : index
    %swap3A_752 = tpu.vector_load %arg10[%swap3A_751] {strides = array<i32>} : memref<1152xf32, #tpu.memory_space<vmem>>, vector<16xf32>,
    tpu.vector_store %arg10[%swap3A_751], %div3A_750 {strides = array<i32>} : memref<1152xf32, #tpu.memory_space<vmem>>, vector<16xf32>,
    %add3A_753 = arith.addf %scan3A_671#5, %get3A_3 : vector<16xf32>
    %max3A_754 = arith.constant 0.000000e+00 : f32
    %max3A_755 = vector.broadcast %max3A_754 : f32 to vector<16xf32>
    %max3A_756 = arith.maximumf %add3A_753, %max3A_755 : vector<16xf32>
    %neg3A_757 = arith.constant 0.000000e+00 : f32
    %neg3A_758 = vector.broadcast %neg3A_757 : f32 to vector<16xf32>
    %neg3A_759 = arith.subf %neg3A_758, %max3A_756 : vector<16xf32>
    %exp3A_760 = math.exp %neg3A_759 : vector<16xf32>
    %add3A_761 = arith.constant 1.000000e+00 : f32
    %add3A_762 = vector.broadcast %add3A_761 : f32 to vector<16xf32>
    %add3A_763 = arith.addf %add3A_762, %exp3A_760 : vector<16xf32>
    %div3A_764 = arith.constant 1.000000e+00 : f32
    %div3A_765 = vector.broadcast %div3A_764 : f32 to vector<16xf32>
    %div3A_766 = arith.divf %div3A_765, %add3A_763 : vector<16xf32>
    %swap3A_767 = arith.constant 592 : index
    %swap3A_768 = tpu.vector_load %arg10[%swap3A_767] {strides = array<i32>} : memref<1152xf32, #tpu.memory_space<vmem>>, vector<16xf32>,
    tpu.vector_store %arg10[%swap3A_767], %div3A_766 {strides = array<i32>} : memref<1152xf32, #tpu.memory_space<vmem>>, vector<16xf32>,
    %add3A_769 = arith.addf %scan3A_671#6, %get3A_3 : vector<16xf32>
    %max3A_770 = arith.constant 0.000000e+00 : f32
    %max3A_771 = vector.broadcast %max3A_770 : f32 to vector<16xf32>
    %max3A_772 = arith.maximumf %add3A_769, %max3A_771 : vector<16xf32>
    %neg3A_773 = arith.constant 0.000000e+00 : f32
    %neg3A_774 = vector.broadcast %neg3A_773 : f32 to vector<16xf32>
    %neg3A_775 = arith.subf %neg3A_774, %max3A_772 : vector<16xf32>
    %exp3A_776 = math.exp %neg3A_775 : vector<16xf32>
    %add3A_777 = arith.constant 1.000000e+00 : f32
    %add3A_778 = vector.broadcast %add3A_777 : f32 to vector<16xf32>
    %add3A_779 = arith.addf %add3A_778, %exp3A_776 : vector<16xf32>
    %div3A_780 = arith.constant 1.000000e+00 : f32
    %div3A_781 = vector.broadcast %div3A_780 : f32 to vector<16xf32>
    %div3A_782 = arith.divf %div3A_781, %add3A_779 : vector<16xf32>
    %swap3A_783 = arith.constant 608 : index
    %swap3A_784 = tpu.vector_load %arg10[%swap3A_783] {strides = array<i32>} : memref<1152xf32, #tpu.memory_space<vmem>>, vector<16xf32>,
    tpu.vector_store %arg10[%swap3A_783], %div3A_782 {strides = array<i32>} : memref<1152xf32, #tpu.memory_space<vmem>>, vector<16xf32>,
    %add3A_785 = arith.addf %scan3A_671#7, %get3A_3 : vector<16xf32>
    %max3A_786 = arith.constant 0.000000e+00 : f32
    %max3A_787 = vector.broadcast %max3A_786 : f32 to vector<16xf32>
    %max3A_788 = arith.maximumf %add3A_785, %max3A_787 : vector<16xf32>
    %neg3A_789 = arith.constant 0.000000e+00 : f32
    %neg3A_790 = vector.broadcast %neg3A_789 : f32 to vector<16xf32>
    %neg3A_791 = arith.subf %neg3A_790, %max3A_788 : vector<16xf32>
    %exp3A_792 = math.exp %neg3A_791 : vector<16xf32>
    %add3A_793 = arith.constant 1.000000e+00 : f32
    %add3A_794 = vector.broadcast %add3A_793 : f32 to vector<16xf32>
    %add3A_795 = arith.addf %add3A_794, %exp3A_792 : vector<16xf32>
    %div3A_796 = arith.constant 1.000000e+00 : f32
    %div3A_797 = vector.broadcast %div3A_796 : f32 to vector<16xf32>
    %div3A_798 = arith.divf %div3A_797, %add3A_795 : vector<16xf32>
    %swap3A_799 = arith.constant 624 : index
    %swap3A_800 = tpu.vector_load %arg10[%swap3A_799] {strides = array<i32>} : memref<1152xf32, #tpu.memory_space<vmem>>, vector<16xf32>,
    tpu.vector_store %arg10[%swap3A_799], %div3A_798 {strides = array<i32>} : memref<1152xf32, #tpu.memory_space<vmem>>, vector<16xf32>,
    %add3A_801 = arith.constant 768 : i32
    %add3A_802 = arith.addi %mul3A_2, %add3A_801 : i32
    %dma_start3A_803 = arith.constant 0 : i32
    %dma_start3A_804 = tpu.memref_slice %arg2[%dma_start3A_803, %add3A_802] : memref<300x100000xf32, #tpu.memory_space<hbm>> -> memref<300x128xf32, #tpu.memory_space<hbm>>
    %dma_start3A_805 = arith.constant 0 : i32
    %dma_start3A_806 = tpu.memref_slice %arg2[%dma_start3A_805, %add3A_802] : memref<300x100000xf32, #tpu.memory_space<hbm>> -> memref<300x128xf32, #tpu.memory_space<hbm>>
    tpu.enqueue_dma source(%dma_start3A_806 : memref<300x128xf32, #tpu.memory_space<hbm>>) target(%arg6 : memref<300x128xf32, #tpu.memory_space<vmem>>) target_semaphore(%arg11 : memref<!tpu.dma_semaphore, #tpu.memory_space<semaphore_mem>>)
    %dma_wait3A_807 = arith.constant 0 : i32
    %dma_wait3A_808 = tpu.memref_slice %arg2[%dma_wait3A_807, %add3A_642] : memref<300x100000xf32, #tpu.memory_space<hbm>> -> memref<300x128xf32, #tpu.memory_space<hbm>>
    %dma_wait3A_809 = arith.constant 0 : i32
    %dma_wait3A_810 = tpu.memref_slice %arg2[%dma_wait3A_809, %add3A_642] : memref<300x100000xf32, #tpu.memory_space<hbm>> -> memref<300x128xf32, #tpu.memory_space<hbm>>
    tpu.wait_dma2 semaphore(%arg12 : memref<!tpu.dma_semaphore, #tpu.memory_space<semaphore_mem>>) src(%dma_wait3A_810 : memref<300x128xf32, #tpu.memory_space<hbm>>) dst(%arg7 : memref<300x128xf32, #tpu.memory_space<vmem>>)
    %broadcast_in_dim3A_811 = arith.constant 0.000000e+00 : f32
    %broadcast_in_dim3A_812 = vector.broadcast %broadcast_in_dim3A_811 : f32 to vector<16xf32>
    %broadcast_in_dim3A_813 = arith.constant 0.000000e+00 : f32
    %broadcast_in_dim3A_814 = vector.broadcast %broadcast_in_dim3A_813 : f32 to vector<16xf32>
    %broadcast_in_dim3A_815 = arith.constant 0.000000e+00 : f32
    %broadcast_in_dim3A_816 = vector.broadcast %broadcast_in_dim3A_815 : f32 to vector<16xf32>
    %broadcast_in_dim3A_817 = arith.constant 0.000000e+00 : f32
    %broadcast_in_dim3A_818 = vector.broadcast %broadcast_in_dim3A_817 : f32 to vector<16xf32>
    %broadcast_in_dim3A_819 = arith.constant 0.000000e+00 : f32
    %broadcast_in_dim3A_820 = vector.broadcast %broadcast_in_dim3A_819 : f32 to vector<16xf32>
    %broadcast_in_dim3A_821 = arith.constant 0.000000e+00 : f32
    %broadcast_in_dim3A_822 = vector.broadcast %broadcast_in_dim3A_821 : f32 to vector<16xf32>
    %broadcast_in_dim3A_823 = arith.constant 0.000000e+00 : f32
    %broadcast_in_dim3A_824 = vector.broadcast %broadcast_in_dim3A_823 : f32 to vector<16xf32>
    %broadcast_in_dim3A_825 = arith.constant 0.000000e+00 : f32
    %broadcast_in_dim3A_826 = vector.broadcast %broadcast_in_dim3A_825 : f32 to vector<16xf32>
    %scan3A_827 = arith.constant 0 : i32
    %scan3A_828 = arith.constant 300 : i32
    %scan3A_829 = arith.addi %scan3A_827, %scan3A_828 : i32
    %scan3A_830 = arith.constant 1 : i32
    %scan3A_831:8 = scf.for %scan3A_1435 = %scan3A_827 to %scan3A_829 step %scan3A_830 iter_args(%scan3A_1436 = %broadcast_in_dim3A_812, %scan3A_1437 = %broadcast_in_dim3A_814, %scan3A_1438 = %broadcast_in_dim3A_816, %scan3A_1439 = %broadcast_in_dim3A_818, %scan3A_1440 = %broadcast_in_dim3A_820, %scan3A_1441 = %broadcast_in_dim3A_822, %scan3A_1442 = %broadcast_in_dim3A_824, %scan3A_1443 = %broadcast_in_dim3A_826) -> (vector<16xf32>, vector<16xf32>, vector<16xf32>, vector<16xf32>, vector<16xf32>, vector<16xf32>, vector<16xf32>, vector<16xf32>)  : i32 {
      %broadcast_in_dim3A_1444 = vector.broadcast %scan3A_1435 : i32 to vector<16xi32>
      %gather3A = tpu.vector_load_idx %arg8[%broadcast_in_dim3A_1444] : memref<300xf32, #tpu.memory_space<vmem>>[vector<16xi32>], vector<16xf32>,
      %get3A_1445 = arith.index_cast %scan3A_1435 : i32 to index
      %get3A_1446 = arith.constant 0 : index
      %get3A_1447 = tpu.vector_load %arg7[%get3A_1445, %get3A_1446] {strides = array<i32>} : memref<300x128xf32, #tpu.memory_space<vmem>>, vector<16xf32>,
      %mul3A_1448 = arith.mulf %get3A_1447, %gather3A : vector<16xf32>
      %add3A_1449 = arith.addf %scan3A_1436, %mul3A_1448 : vector<16xf32>
      %get3A_1450 = arith.index_cast %scan3A_1435 : i32 to index
      %get3A_1451 = arith.constant 16 : index
      %get3A_1452 = tpu.vector_load %arg7[%get3A_1450, %get3A_1451] {strides = array<i32>} : memref<300x128xf32, #tpu.memory_space<vmem>>, vector<16xf32>,
      %mul3A_1453 = arith.mulf %get3A_1452, %gather3A : vector<16xf32>
      %add3A_1454 = arith.addf %scan3A_1437, %mul3A_1453 : vector<16xf32>
      %get3A_1455 = arith.index_cast %scan3A_1435 : i32 to index
      %get3A_1456 = arith.constant 32 : index
      %get3A_1457 = tpu.vector_load %arg7[%get3A_1455, %get3A_1456] {strides = array<i32>} : memref<300x128xf32, #tpu.memory_space<vmem>>, vector<16xf32>,
      %mul3A_1458 = arith.mulf %get3A_1457, %gather3A : vector<16xf32>
      %add3A_1459 = arith.addf %scan3A_1438, %mul3A_1458 : vector<16xf32>
      %get3A_1460 = arith.index_cast %scan3A_1435 : i32 to index
      %get3A_1461 = arith.constant 48 : index
      %get3A_1462 = tpu.vector_load %arg7[%get3A_1460, %get3A_1461] {strides = array<i32>} : memref<300x128xf32, #tpu.memory_space<vmem>>, vector<16xf32>,
      %mul3A_1463 = arith.mulf %get3A_1462, %gather3A : vector<16xf32>
      %add3A_1464 = arith.addf %scan3A_1439, %mul3A_1463 : vector<16xf32>
      %get3A_1465 = arith.index_cast %scan3A_1435 : i32 to index
      %get3A_1466 = arith.constant 64 : index
      %get3A_1467 = tpu.vector_load %arg7[%get3A_1465, %get3A_1466] {strides = array<i32>} : memref<300x128xf32, #tpu.memory_space<vmem>>, vector<16xf32>,
      %mul3A_1468 = arith.mulf %get3A_1467, %gather3A : vector<16xf32>
      %add3A_1469 = arith.addf %scan3A_1440, %mul3A_1468 : vector<16xf32>
      %get3A_1470 = arith.index_cast %scan3A_1435 : i32 to index
      %get3A_1471 = arith.constant 80 : index
      %get3A_1472 = tpu.vector_load %arg7[%get3A_1470, %get3A_1471] {strides = array<i32>} : memref<300x128xf32, #tpu.memory_space<vmem>>, vector<16xf32>,
      %mul3A_1473 = arith.mulf %get3A_1472, %gather3A : vector<16xf32>
      %add3A_1474 = arith.addf %scan3A_1441, %mul3A_1473 : vector<16xf32>
      %get3A_1475 = arith.index_cast %scan3A_1435 : i32 to index
      %get3A_1476 = arith.constant 96 : index
      %get3A_1477 = tpu.vector_load %arg7[%get3A_1475, %get3A_1476] {strides = array<i32>} : memref<300x128xf32, #tpu.memory_space<vmem>>, vector<16xf32>,
      %mul3A_1478 = arith.mulf %get3A_1477, %gather3A : vector<16xf32>
      %add3A_1479 = arith.addf %scan3A_1442, %mul3A_1478 : vector<16xf32>
      %get3A_1480 = arith.index_cast %scan3A_1435 : i32 to index
      %get3A_1481 = arith.constant 112 : index
      %get3A_1482 = tpu.vector_load %arg7[%get3A_1480, %get3A_1481] {strides = array<i32>} : memref<300x128xf32, #tpu.memory_space<vmem>>, vector<16xf32>,
      %mul3A_1483 = arith.mulf %get3A_1482, %gather3A : vector<16xf32>
      %add3A_1484 = arith.addf %scan3A_1443, %mul3A_1483 : vector<16xf32>
      scf.yield %add3A_1449, %add3A_1454, %add3A_1459, %add3A_1464, %add3A_1469, %add3A_1474, %add3A_1479, %add3A_1484 : vector<16xf32>, vector<16xf32>, vector<16xf32>, vector<16xf32>, vector<16xf32>, vector<16xf32>, vector<16xf32>, vector<16xf32>
    }
    %scan3A_832 = arith.constant 300 : i32
    %add3A_833 = arith.addf %scan3A_831#0, %get3A_3 : vector<16xf32>
    %max3A_834 = arith.constant 0.000000e+00 : f32
    %max3A_835 = vector.broadcast %max3A_834 : f32 to vector<16xf32>
    %max3A_836 = arith.maximumf %add3A_833, %max3A_835 : vector<16xf32>
    %neg3A_837 = arith.constant 0.000000e+00 : f32
    %neg3A_838 = vector.broadcast %neg3A_837 : f32 to vector<16xf32>
    %neg3A_839 = arith.subf %neg3A_838, %max3A_836 : vector<16xf32>
    %exp3A_840 = math.exp %neg3A_839 : vector<16xf32>
    %add3A_841 = arith.constant 1.000000e+00 : f32
    %add3A_842 = vector.broadcast %add3A_841 : f32 to vector<16xf32>
    %add3A_843 = arith.addf %add3A_842, %exp3A_840 : vector<16xf32>
    %div3A_844 = arith.constant 1.000000e+00 : f32
    %div3A_845 = vector.broadcast %div3A_844 : f32 to vector<16xf32>
    %div3A_846 = arith.divf %div3A_845, %add3A_843 : vector<16xf32>
    %swap3A_847 = arith.constant 640 : index
    %swap3A_848 = tpu.vector_load %arg10[%swap3A_847] {strides = array<i32>} : memref<1152xf32, #tpu.memory_space<vmem>>, vector<16xf32>,
    tpu.vector_store %arg10[%swap3A_847], %div3A_846 {strides = array<i32>} : memref<1152xf32, #tpu.memory_space<vmem>>, vector<16xf32>,
    %add3A_849 = arith.addf %scan3A_831#1, %get3A_3 : vector<16xf32>
    %max3A_850 = arith.constant 0.000000e+00 : f32
    %max3A_851 = vector.broadcast %max3A_850 : f32 to vector<16xf32>
    %max3A_852 = arith.maximumf %add3A_849, %max3A_851 : vector<16xf32>
    %neg3A_853 = arith.constant 0.000000e+00 : f32
    %neg3A_854 = vector.broadcast %neg3A_853 : f32 to vector<16xf32>
    %neg3A_855 = arith.subf %neg3A_854, %max3A_852 : vector<16xf32>
    %exp3A_856 = math.exp %neg3A_855 : vector<16xf32>
    %add3A_857 = arith.constant 1.000000e+00 : f32
    %add3A_858 = vector.broadcast %add3A_857 : f32 to vector<16xf32>
    %add3A_859 = arith.addf %add3A_858, %exp3A_856 : vector<16xf32>
    %div3A_860 = arith.constant 1.000000e+00 : f32
    %div3A_861 = vector.broadcast %div3A_860 : f32 to vector<16xf32>
    %div3A_862 = arith.divf %div3A_861, %add3A_859 : vector<16xf32>
    %swap3A_863 = arith.constant 656 : index
    %swap3A_864 = tpu.vector_load %arg10[%swap3A_863] {strides = array<i32>} : memref<1152xf32, #tpu.memory_space<vmem>>, vector<16xf32>,
    tpu.vector_store %arg10[%swap3A_863], %div3A_862 {strides = array<i32>} : memref<1152xf32, #tpu.memory_space<vmem>>, vector<16xf32>,
    %add3A_865 = arith.addf %scan3A_831#2, %get3A_3 : vector<16xf32>
    %max3A_866 = arith.constant 0.000000e+00 : f32
    %max3A_867 = vector.broadcast %max3A_866 : f32 to vector<16xf32>
    %max3A_868 = arith.maximumf %add3A_865, %max3A_867 : vector<16xf32>
    %neg3A_869 = arith.constant 0.000000e+00 : f32
    %neg3A_870 = vector.broadcast %neg3A_869 : f32 to vector<16xf32>
    %neg3A_871 = arith.subf %neg3A_870, %max3A_868 : vector<16xf32>
    %exp3A_872 = math.exp %neg3A_871 : vector<16xf32>
    %add3A_873 = arith.constant 1.000000e+00 : f32
    %add3A_874 = vector.broadcast %add3A_873 : f32 to vector<16xf32>
    %add3A_875 = arith.addf %add3A_874, %exp3A_872 : vector<16xf32>
    %div3A_876 = arith.constant 1.000000e+00 : f32
    %div3A_877 = vector.broadcast %div3A_876 : f32 to vector<16xf32>
    %div3A_878 = arith.divf %div3A_877, %add3A_875 : vector<16xf32>
    %swap3A_879 = arith.constant 672 : index
    %swap3A_880 = tpu.vector_load %arg10[%swap3A_879] {strides = array<i32>} : memref<1152xf32, #tpu.memory_space<vmem>>, vector<16xf32>,
    tpu.vector_store %arg10[%swap3A_879], %div3A_878 {strides = array<i32>} : memref<1152xf32, #tpu.memory_space<vmem>>, vector<16xf32>,
    %add3A_881 = arith.addf %scan3A_831#3, %get3A_3 : vector<16xf32>
    %max3A_882 = arith.constant 0.000000e+00 : f32
    %max3A_883 = vector.broadcast %max3A_882 : f32 to vector<16xf32>
    %max3A_884 = arith.maximumf %add3A_881, %max3A_883 : vector<16xf32>
    %neg3A_885 = arith.constant 0.000000e+00 : f32
    %neg3A_886 = vector.broadcast %neg3A_885 : f32 to vector<16xf32>
    %neg3A_887 = arith.subf %neg3A_886, %max3A_884 : vector<16xf32>
    %exp3A_888 = math.exp %neg3A_887 : vector<16xf32>
    %add3A_889 = arith.constant 1.000000e+00 : f32
    %add3A_890 = vector.broadcast %add3A_889 : f32 to vector<16xf32>
    %add3A_891 = arith.addf %add3A_890, %exp3A_888 : vector<16xf32>
    %div3A_892 = arith.constant 1.000000e+00 : f32
    %div3A_893 = vector.broadcast %div3A_892 : f32 to vector<16xf32>
    %div3A_894 = arith.divf %div3A_893, %add3A_891 : vector<16xf32>
    %swap3A_895 = arith.constant 688 : index
    %swap3A_896 = tpu.vector_load %arg10[%swap3A_895] {strides = array<i32>} : memref<1152xf32, #tpu.memory_space<vmem>>, vector<16xf32>,
    tpu.vector_store %arg10[%swap3A_895], %div3A_894 {strides = array<i32>} : memref<1152xf32, #tpu.memory_space<vmem>>, vector<16xf32>,
    %add3A_897 = arith.addf %scan3A_831#4, %get3A_3 : vector<16xf32>
    %max3A_898 = arith.constant 0.000000e+00 : f32
    %max3A_899 = vector.broadcast %max3A_898 : f32 to vector<16xf32>
    %max3A_900 = arith.maximumf %add3A_897, %max3A_899 : vector<16xf32>
    %neg3A_901 = arith.constant 0.000000e+00 : f32
    %neg3A_902 = vector.broadcast %neg3A_901 : f32 to vector<16xf32>
    %neg3A_903 = arith.subf %neg3A_902, %max3A_900 : vector<16xf32>
    %exp3A_904 = math.exp %neg3A_903 : vector<16xf32>
    %add3A_905 = arith.constant 1.000000e+00 : f32
    %add3A_906 = vector.broadcast %add3A_905 : f32 to vector<16xf32>
    %add3A_907 = arith.addf %add3A_906, %exp3A_904 : vector<16xf32>
    %div3A_908 = arith.constant 1.000000e+00 : f32
    %div3A_909 = vector.broadcast %div3A_908 : f32 to vector<16xf32>
    %div3A_910 = arith.divf %div3A_909, %add3A_907 : vector<16xf32>
    %swap3A_911 = arith.constant 704 : index
    %swap3A_912 = tpu.vector_load %arg10[%swap3A_911] {strides = array<i32>} : memref<1152xf32, #tpu.memory_space<vmem>>, vector<16xf32>,
    tpu.vector_store %arg10[%swap3A_911], %div3A_910 {strides = array<i32>} : memref<1152xf32, #tpu.memory_space<vmem>>, vector<16xf32>,
    %add3A_913 = arith.addf %scan3A_831#5, %get3A_3 : vector<16xf32>
    %max3A_914 = arith.constant 0.000000e+00 : f32
    %max3A_915 = vector.broadcast %max3A_914 : f32 to vector<16xf32>
    %max3A_916 = arith.maximumf %add3A_913, %max3A_915 : vector<16xf32>
    %neg3A_917 = arith.constant 0.000000e+00 : f32
    %neg3A_918 = vector.broadcast %neg3A_917 : f32 to vector<16xf32>
    %neg3A_919 = arith.subf %neg3A_918, %max3A_916 : vector<16xf32>
    %exp3A_920 = math.exp %neg3A_919 : vector<16xf32>
    %add3A_921 = arith.constant 1.000000e+00 : f32
    %add3A_922 = vector.broadcast %add3A_921 : f32 to vector<16xf32>
    %add3A_923 = arith.addf %add3A_922, %exp3A_920 : vector<16xf32>
    %div3A_924 = arith.constant 1.000000e+00 : f32
    %div3A_925 = vector.broadcast %div3A_924 : f32 to vector<16xf32>
    %div3A_926 = arith.divf %div3A_925, %add3A_923 : vector<16xf32>
    %swap3A_927 = arith.constant 720 : index
    %swap3A_928 = tpu.vector_load %arg10[%swap3A_927] {strides = array<i32>} : memref<1152xf32, #tpu.memory_space<vmem>>, vector<16xf32>,
    tpu.vector_store %arg10[%swap3A_927], %div3A_926 {strides = array<i32>} : memref<1152xf32, #tpu.memory_space<vmem>>, vector<16xf32>,
    %add3A_929 = arith.addf %scan3A_831#6, %get3A_3 : vector<16xf32>
    %max3A_930 = arith.constant 0.000000e+00 : f32
    %max3A_931 = vector.broadcast %max3A_930 : f32 to vector<16xf32>
    %max3A_932 = arith.maximumf %add3A_929, %max3A_931 : vector<16xf32>
    %neg3A_933 = arith.constant 0.000000e+00 : f32
    %neg3A_934 = vector.broadcast %neg3A_933 : f32 to vector<16xf32>
    %neg3A_935 = arith.subf %neg3A_934, %max3A_932 : vector<16xf32>
    %exp3A_936 = math.exp %neg3A_935 : vector<16xf32>
    %add3A_937 = arith.constant 1.000000e+00 : f32
    %add3A_938 = vector.broadcast %add3A_937 : f32 to vector<16xf32>
    %add3A_939 = arith.addf %add3A_938, %exp3A_936 : vector<16xf32>
    %div3A_940 = arith.constant 1.000000e+00 : f32
    %div3A_941 = vector.broadcast %div3A_940 : f32 to vector<16xf32>
    %div3A_942 = arith.divf %div3A_941, %add3A_939 : vector<16xf32>
    %swap3A_943 = arith.constant 736 : index
    %swap3A_944 = tpu.vector_load %arg10[%swap3A_943] {strides = array<i32>} : memref<1152xf32, #tpu.memory_space<vmem>>, vector<16xf32>,
    tpu.vector_store %arg10[%swap3A_943], %div3A_942 {strides = array<i32>} : memref<1152xf32, #tpu.memory_space<vmem>>, vector<16xf32>,
    %add3A_945 = arith.addf %scan3A_831#7, %get3A_3 : vector<16xf32>
    %max3A_946 = arith.constant 0.000000e+00 : f32
    %max3A_947 = vector.broadcast %max3A_946 : f32 to vector<16xf32>
    %max3A_948 = arith.maximumf %add3A_945, %max3A_947 : vector<16xf32>
    %neg3A_949 = arith.constant 0.000000e+00 : f32
    %neg3A_950 = vector.broadcast %neg3A_949 : f32 to vector<16xf32>
    %neg3A_951 = arith.subf %neg3A_950, %max3A_948 : vector<16xf32>
    %exp3A_952 = math.exp %neg3A_951 : vector<16xf32>
    %add3A_953 = arith.constant 1.000000e+00 : f32
    %add3A_954 = vector.broadcast %add3A_953 : f32 to vector<16xf32>
    %add3A_955 = arith.addf %add3A_954, %exp3A_952 : vector<16xf32>
    %div3A_956 = arith.constant 1.000000e+00 : f32
    %div3A_957 = vector.broadcast %div3A_956 : f32 to vector<16xf32>
    %div3A_958 = arith.divf %div3A_957, %add3A_955 : vector<16xf32>
    %swap3A_959 = arith.constant 752 : index
    %swap3A_960 = tpu.vector_load %arg10[%swap3A_959] {strides = array<i32>} : memref<1152xf32, #tpu.memory_space<vmem>>, vector<16xf32>,
    tpu.vector_store %arg10[%swap3A_959], %div3A_958 {strides = array<i32>} : memref<1152xf32, #tpu.memory_space<vmem>>, vector<16xf32>,
    %add3A_961 = arith.constant 896 : i32
    %add3A_962 = arith.addi %mul3A_2, %add3A_961 : i32
    %dma_start3A_963 = arith.constant 0 : i32
    %dma_start3A_964 = tpu.memref_slice %arg2[%dma_start3A_963, %add3A_962] : memref<300x100000xf32, #tpu.memory_space<hbm>> -> memref<300x128xf32, #tpu.memory_space<hbm>>
    %dma_start3A_965 = arith.constant 0 : i32
    %dma_start3A_966 = tpu.memref_slice %arg2[%dma_start3A_965, %add3A_962] : memref<300x100000xf32, #tpu.memory_space<hbm>> -> memref<300x128xf32, #tpu.memory_space<hbm>>
    tpu.enqueue_dma source(%dma_start3A_966 : memref<300x128xf32, #tpu.memory_space<hbm>>) target(%arg7 : memref<300x128xf32, #tpu.memory_space<vmem>>) target_semaphore(%arg12 : memref<!tpu.dma_semaphore, #tpu.memory_space<semaphore_mem>>)
    %dma_wait3A_967 = arith.constant 0 : i32
    %dma_wait3A_968 = tpu.memref_slice %arg2[%dma_wait3A_967, %add3A_802] : memref<300x100000xf32, #tpu.memory_space<hbm>> -> memref<300x128xf32, #tpu.memory_space<hbm>>
    %dma_wait3A_969 = arith.constant 0 : i32
    %dma_wait3A_970 = tpu.memref_slice %arg2[%dma_wait3A_969, %add3A_802] : memref<300x100000xf32, #tpu.memory_space<hbm>> -> memref<300x128xf32, #tpu.memory_space<hbm>>
    tpu.wait_dma2 semaphore(%arg11 : memref<!tpu.dma_semaphore, #tpu.memory_space<semaphore_mem>>) src(%dma_wait3A_970 : memref<300x128xf32, #tpu.memory_space<hbm>>) dst(%arg6 : memref<300x128xf32, #tpu.memory_space<vmem>>)
    %broadcast_in_dim3A_971 = arith.constant 0.000000e+00 : f32
    %broadcast_in_dim3A_972 = vector.broadcast %broadcast_in_dim3A_971 : f32 to vector<16xf32>
    %broadcast_in_dim3A_973 = arith.constant 0.000000e+00 : f32
    %broadcast_in_dim3A_974 = vector.broadcast %broadcast_in_dim3A_973 : f32 to vector<16xf32>
    %broadcast_in_dim3A_975 = arith.constant 0.000000e+00 : f32
    %broadcast_in_dim3A_976 = vector.broadcast %broadcast_in_dim3A_975 : f32 to vector<16xf32>
    %broadcast_in_dim3A_977 = arith.constant 0.000000e+00 : f32
    %broadcast_in_dim3A_978 = vector.broadcast %broadcast_in_dim3A_977 : f32 to vector<16xf32>
    %broadcast_in_dim3A_979 = arith.constant 0.000000e+00 : f32
    %broadcast_in_dim3A_980 = vector.broadcast %broadcast_in_dim3A_979 : f32 to vector<16xf32>
    %broadcast_in_dim3A_981 = arith.constant 0.000000e+00 : f32
    %broadcast_in_dim3A_982 = vector.broadcast %broadcast_in_dim3A_981 : f32 to vector<16xf32>
    %broadcast_in_dim3A_983 = arith.constant 0.000000e+00 : f32
    %broadcast_in_dim3A_984 = vector.broadcast %broadcast_in_dim3A_983 : f32 to vector<16xf32>
    %broadcast_in_dim3A_985 = arith.constant 0.000000e+00 : f32
    %broadcast_in_dim3A_986 = vector.broadcast %broadcast_in_dim3A_985 : f32 to vector<16xf32>
    %scan3A_987 = arith.constant 0 : i32
    %scan3A_988 = arith.constant 300 : i32
    %scan3A_989 = arith.addi %scan3A_987, %scan3A_988 : i32
    %scan3A_990 = arith.constant 1 : i32
    %scan3A_991:8 = scf.for %scan3A_1435 = %scan3A_987 to %scan3A_989 step %scan3A_990 iter_args(%scan3A_1436 = %broadcast_in_dim3A_972, %scan3A_1437 = %broadcast_in_dim3A_974, %scan3A_1438 = %broadcast_in_dim3A_976, %scan3A_1439 = %broadcast_in_dim3A_978, %scan3A_1440 = %broadcast_in_dim3A_980, %scan3A_1441 = %broadcast_in_dim3A_982, %scan3A_1442 = %broadcast_in_dim3A_984, %scan3A_1443 = %broadcast_in_dim3A_986) -> (vector<16xf32>, vector<16xf32>, vector<16xf32>, vector<16xf32>, vector<16xf32>, vector<16xf32>, vector<16xf32>, vector<16xf32>)  : i32 {
      %broadcast_in_dim3A_1444 = vector.broadcast %scan3A_1435 : i32 to vector<16xi32>
      %gather3A = tpu.vector_load_idx %arg8[%broadcast_in_dim3A_1444] : memref<300xf32, #tpu.memory_space<vmem>>[vector<16xi32>], vector<16xf32>,
      %get3A_1445 = arith.index_cast %scan3A_1435 : i32 to index
      %get3A_1446 = arith.constant 0 : index
      %get3A_1447 = tpu.vector_load %arg6[%get3A_1445, %get3A_1446] {strides = array<i32>} : memref<300x128xf32, #tpu.memory_space<vmem>>, vector<16xf32>,
      %mul3A_1448 = arith.mulf %get3A_1447, %gather3A : vector<16xf32>
      %add3A_1449 = arith.addf %scan3A_1436, %mul3A_1448 : vector<16xf32>
      %get3A_1450 = arith.index_cast %scan3A_1435 : i32 to index
      %get3A_1451 = arith.constant 16 : index
      %get3A_1452 = tpu.vector_load %arg6[%get3A_1450, %get3A_1451] {strides = array<i32>} : memref<300x128xf32, #tpu.memory_space<vmem>>, vector<16xf32>,
      %mul3A_1453 = arith.mulf %get3A_1452, %gather3A : vector<16xf32>
      %add3A_1454 = arith.addf %scan3A_1437, %mul3A_1453 : vector<16xf32>
      %get3A_1455 = arith.index_cast %scan3A_1435 : i32 to index
      %get3A_1456 = arith.constant 32 : index
      %get3A_1457 = tpu.vector_load %arg6[%get3A_1455, %get3A_1456] {strides = array<i32>} : memref<300x128xf32, #tpu.memory_space<vmem>>, vector<16xf32>,
      %mul3A_1458 = arith.mulf %get3A_1457, %gather3A : vector<16xf32>
      %add3A_1459 = arith.addf %scan3A_1438, %mul3A_1458 : vector<16xf32>
      %get3A_1460 = arith.index_cast %scan3A_1435 : i32 to index
      %get3A_1461 = arith.constant 48 : index
      %get3A_1462 = tpu.vector_load %arg6[%get3A_1460, %get3A_1461] {strides = array<i32>} : memref<300x128xf32, #tpu.memory_space<vmem>>, vector<16xf32>,
      %mul3A_1463 = arith.mulf %get3A_1462, %gather3A : vector<16xf32>
      %add3A_1464 = arith.addf %scan3A_1439, %mul3A_1463 : vector<16xf32>
      %get3A_1465 = arith.index_cast %scan3A_1435 : i32 to index
      %get3A_1466 = arith.constant 64 : index
      %get3A_1467 = tpu.vector_load %arg6[%get3A_1465, %get3A_1466] {strides = array<i32>} : memref<300x128xf32, #tpu.memory_space<vmem>>, vector<16xf32>,
      %mul3A_1468 = arith.mulf %get3A_1467, %gather3A : vector<16xf32>
      %add3A_1469 = arith.addf %scan3A_1440, %mul3A_1468 : vector<16xf32>
      %get3A_1470 = arith.index_cast %scan3A_1435 : i32 to index
      %get3A_1471 = arith.constant 80 : index
      %get3A_1472 = tpu.vector_load %arg6[%get3A_1470, %get3A_1471] {strides = array<i32>} : memref<300x128xf32, #tpu.memory_space<vmem>>, vector<16xf32>,
      %mul3A_1473 = arith.mulf %get3A_1472, %gather3A : vector<16xf32>
      %add3A_1474 = arith.addf %scan3A_1441, %mul3A_1473 : vector<16xf32>
      %get3A_1475 = arith.index_cast %scan3A_1435 : i32 to index
      %get3A_1476 = arith.constant 96 : index
      %get3A_1477 = tpu.vector_load %arg6[%get3A_1475, %get3A_1476] {strides = array<i32>} : memref<300x128xf32, #tpu.memory_space<vmem>>, vector<16xf32>,
      %mul3A_1478 = arith.mulf %get3A_1477, %gather3A : vector<16xf32>
      %add3A_1479 = arith.addf %scan3A_1442, %mul3A_1478 : vector<16xf32>
      %get3A_1480 = arith.index_cast %scan3A_1435 : i32 to index
      %get3A_1481 = arith.constant 112 : index
      %get3A_1482 = tpu.vector_load %arg6[%get3A_1480, %get3A_1481] {strides = array<i32>} : memref<300x128xf32, #tpu.memory_space<vmem>>, vector<16xf32>,
      %mul3A_1483 = arith.mulf %get3A_1482, %gather3A : vector<16xf32>
      %add3A_1484 = arith.addf %scan3A_1443, %mul3A_1483 : vector<16xf32>
      scf.yield %add3A_1449, %add3A_1454, %add3A_1459, %add3A_1464, %add3A_1469, %add3A_1474, %add3A_1479, %add3A_1484 : vector<16xf32>, vector<16xf32>, vector<16xf32>, vector<16xf32>, vector<16xf32>, vector<16xf32>, vector<16xf32>, vector<16xf32>
    }
    %scan3A_992 = arith.constant 300 : i32
    %add3A_993 = arith.addf %scan3A_991#0, %get3A_3 : vector<16xf32>
    %max3A_994 = arith.constant 0.000000e+00 : f32
    %max3A_995 = vector.broadcast %max3A_994 : f32 to vector<16xf32>
    %max3A_996 = arith.maximumf %add3A_993, %max3A_995 : vector<16xf32>
    %neg3A_997 = arith.constant 0.000000e+00 : f32
    %neg3A_998 = vector.broadcast %neg3A_997 : f32 to vector<16xf32>
    %neg3A_999 = arith.subf %neg3A_998, %max3A_996 : vector<16xf32>
    %exp3A_1000 = math.exp %neg3A_999 : vector<16xf32>
    %add3A_1001 = arith.constant 1.000000e+00 : f32
    %add3A_1002 = vector.broadcast %add3A_1001 : f32 to vector<16xf32>
    %add3A_1003 = arith.addf %add3A_1002, %exp3A_1000 : vector<16xf32>
    %div3A_1004 = arith.constant 1.000000e+00 : f32
    %div3A_1005 = vector.broadcast %div3A_1004 : f32 to vector<16xf32>
    %div3A_1006 = arith.divf %div3A_1005, %add3A_1003 : vector<16xf32>
    %swap3A_1007 = arith.constant 768 : index
    %swap3A_1008 = tpu.vector_load %arg10[%swap3A_1007] {strides = array<i32>} : memref<1152xf32, #tpu.memory_space<vmem>>, vector<16xf32>,
    tpu.vector_store %arg10[%swap3A_1007], %div3A_1006 {strides = array<i32>} : memref<1152xf32, #tpu.memory_space<vmem>>, vector<16xf32>,
    %add3A_1009 = arith.addf %scan3A_991#1, %get3A_3 : vector<16xf32>
    %max3A_1010 = arith.constant 0.000000e+00 : f32
    %max3A_1011 = vector.broadcast %max3A_1010 : f32 to vector<16xf32>
    %max3A_1012 = arith.maximumf %add3A_1009, %max3A_1011 : vector<16xf32>
    %neg3A_1013 = arith.constant 0.000000e+00 : f32
    %neg3A_1014 = vector.broadcast %neg3A_1013 : f32 to vector<16xf32>
    %neg3A_1015 = arith.subf %neg3A_1014, %max3A_1012 : vector<16xf32>
    %exp3A_1016 = math.exp %neg3A_1015 : vector<16xf32>
    %add3A_1017 = arith.constant 1.000000e+00 : f32
    %add3A_1018 = vector.broadcast %add3A_1017 : f32 to vector<16xf32>
    %add3A_1019 = arith.addf %add3A_1018, %exp3A_1016 : vector<16xf32>
    %div3A_1020 = arith.constant 1.000000e+00 : f32
    %div3A_1021 = vector.broadcast %div3A_1020 : f32 to vector<16xf32>
    %div3A_1022 = arith.divf %div3A_1021, %add3A_1019 : vector<16xf32>
    %swap3A_1023 = arith.constant 784 : index
    %swap3A_1024 = tpu.vector_load %arg10[%swap3A_1023] {strides = array<i32>} : memref<1152xf32, #tpu.memory_space<vmem>>, vector<16xf32>,
    tpu.vector_store %arg10[%swap3A_1023], %div3A_1022 {strides = array<i32>} : memref<1152xf32, #tpu.memory_space<vmem>>, vector<16xf32>,
    %add3A_1025 = arith.addf %scan3A_991#2, %get3A_3 : vector<16xf32>
    %max3A_1026 = arith.constant 0.000000e+00 : f32
    %max3A_1027 = vector.broadcast %max3A_1026 : f32 to vector<16xf32>
    %max3A_1028 = arith.maximumf %add3A_1025, %max3A_1027 : vector<16xf32>
    %neg3A_1029 = arith.constant 0.000000e+00 : f32
    %neg3A_1030 = vector.broadcast %neg3A_1029 : f32 to vector<16xf32>
    %neg3A_1031 = arith.subf %neg3A_1030, %max3A_1028 : vector<16xf32>
    %exp3A_1032 = math.exp %neg3A_1031 : vector<16xf32>
    %add3A_1033 = arith.constant 1.000000e+00 : f32
    %add3A_1034 = vector.broadcast %add3A_1033 : f32 to vector<16xf32>
    %add3A_1035 = arith.addf %add3A_1034, %exp3A_1032 : vector<16xf32>
    %div3A_1036 = arith.constant 1.000000e+00 : f32
    %div3A_1037 = vector.broadcast %div3A_1036 : f32 to vector<16xf32>
    %div3A_1038 = arith.divf %div3A_1037, %add3A_1035 : vector<16xf32>
    %swap3A_1039 = arith.constant 800 : index
    %swap3A_1040 = tpu.vector_load %arg10[%swap3A_1039] {strides = array<i32>} : memref<1152xf32, #tpu.memory_space<vmem>>, vector<16xf32>,
    tpu.vector_store %arg10[%swap3A_1039], %div3A_1038 {strides = array<i32>} : memref<1152xf32, #tpu.memory_space<vmem>>, vector<16xf32>,
    %add3A_1041 = arith.addf %scan3A_991#3, %get3A_3 : vector<16xf32>
    %max3A_1042 = arith.constant 0.000000e+00 : f32
    %max3A_1043 = vector.broadcast %max3A_1042 : f32 to vector<16xf32>
    %max3A_1044 = arith.maximumf %add3A_1041, %max3A_1043 : vector<16xf32>
    %neg3A_1045 = arith.constant 0.000000e+00 : f32
    %neg3A_1046 = vector.broadcast %neg3A_1045 : f32 to vector<16xf32>
    %neg3A_1047 = arith.subf %neg3A_1046, %max3A_1044 : vector<16xf32>
    %exp3A_1048 = math.exp %neg3A_1047 : vector<16xf32>
    %add3A_1049 = arith.constant 1.000000e+00 : f32
    %add3A_1050 = vector.broadcast %add3A_1049 : f32 to vector<16xf32>
    %add3A_1051 = arith.addf %add3A_1050, %exp3A_1048 : vector<16xf32>
    %div3A_1052 = arith.constant 1.000000e+00 : f32
    %div3A_1053 = vector.broadcast %div3A_1052 : f32 to vector<16xf32>
    %div3A_1054 = arith.divf %div3A_1053, %add3A_1051 : vector<16xf32>
    %swap3A_1055 = arith.constant 816 : index
    %swap3A_1056 = tpu.vector_load %arg10[%swap3A_1055] {strides = array<i32>} : memref<1152xf32, #tpu.memory_space<vmem>>, vector<16xf32>,
    tpu.vector_store %arg10[%swap3A_1055], %div3A_1054 {strides = array<i32>} : memref<1152xf32, #tpu.memory_space<vmem>>, vector<16xf32>,
    %add3A_1057 = arith.addf %scan3A_991#4, %get3A_3 : vector<16xf32>
    %max3A_1058 = arith.constant 0.000000e+00 : f32
    %max3A_1059 = vector.broadcast %max3A_1058 : f32 to vector<16xf32>
    %max3A_1060 = arith.maximumf %add3A_1057, %max3A_1059 : vector<16xf32>
    %neg3A_1061 = arith.constant 0.000000e+00 : f32
    %neg3A_1062 = vector.broadcast %neg3A_1061 : f32 to vector<16xf32>
    %neg3A_1063 = arith.subf %neg3A_1062, %max3A_1060 : vector<16xf32>
    %exp3A_1064 = math.exp %neg3A_1063 : vector<16xf32>
    %add3A_1065 = arith.constant 1.000000e+00 : f32
    %add3A_1066 = vector.broadcast %add3A_1065 : f32 to vector<16xf32>
    %add3A_1067 = arith.addf %add3A_1066, %exp3A_1064 : vector<16xf32>
    %div3A_1068 = arith.constant 1.000000e+00 : f32
    %div3A_1069 = vector.broadcast %div3A_1068 : f32 to vector<16xf32>
    %div3A_1070 = arith.divf %div3A_1069, %add3A_1067 : vector<16xf32>
    %swap3A_1071 = arith.constant 832 : index
    %swap3A_1072 = tpu.vector_load %arg10[%swap3A_1071] {strides = array<i32>} : memref<1152xf32, #tpu.memory_space<vmem>>, vector<16xf32>,
    tpu.vector_store %arg10[%swap3A_1071], %div3A_1070 {strides = array<i32>} : memref<1152xf32, #tpu.memory_space<vmem>>, vector<16xf32>,
    %add3A_1073 = arith.addf %scan3A_991#5, %get3A_3 : vector<16xf32>
    %max3A_1074 = arith.constant 0.000000e+00 : f32
    %max3A_1075 = vector.broadcast %max3A_1074 : f32 to vector<16xf32>
    %max3A_1076 = arith.maximumf %add3A_1073, %max3A_1075 : vector<16xf32>
    %neg3A_1077 = arith.constant 0.000000e+00 : f32
    %neg3A_1078 = vector.broadcast %neg3A_1077 : f32 to vector<16xf32>
    %neg3A_1079 = arith.subf %neg3A_1078, %max3A_1076 : vector<16xf32>
    %exp3A_1080 = math.exp %neg3A_1079 : vector<16xf32>
    %add3A_1081 = arith.constant 1.000000e+00 : f32
    %add3A_1082 = vector.broadcast %add3A_1081 : f32 to vector<16xf32>
    %add3A_1083 = arith.addf %add3A_1082, %exp3A_1080 : vector<16xf32>
    %div3A_1084 = arith.constant 1.000000e+00 : f32
    %div3A_1085 = vector.broadcast %div3A_1084 : f32 to vector<16xf32>
    %div3A_1086 = arith.divf %div3A_1085, %add3A_1083 : vector<16xf32>
    %swap3A_1087 = arith.constant 848 : index
    %swap3A_1088 = tpu.vector_load %arg10[%swap3A_1087] {strides = array<i32>} : memref<1152xf32, #tpu.memory_space<vmem>>, vector<16xf32>,
    tpu.vector_store %arg10[%swap3A_1087], %div3A_1086 {strides = array<i32>} : memref<1152xf32, #tpu.memory_space<vmem>>, vector<16xf32>,
    %add3A_1089 = arith.addf %scan3A_991#6, %get3A_3 : vector<16xf32>
    %max3A_1090 = arith.constant 0.000000e+00 : f32
    %max3A_1091 = vector.broadcast %max3A_1090 : f32 to vector<16xf32>
    %max3A_1092 = arith.maximumf %add3A_1089, %max3A_1091 : vector<16xf32>
    %neg3A_1093 = arith.constant 0.000000e+00 : f32
    %neg3A_1094 = vector.broadcast %neg3A_1093 : f32 to vector<16xf32>
    %neg3A_1095 = arith.subf %neg3A_1094, %max3A_1092 : vector<16xf32>
    %exp3A_1096 = math.exp %neg3A_1095 : vector<16xf32>
    %add3A_1097 = arith.constant 1.000000e+00 : f32
    %add3A_1098 = vector.broadcast %add3A_1097 : f32 to vector<16xf32>
    %add3A_1099 = arith.addf %add3A_1098, %exp3A_1096 : vector<16xf32>
    %div3A_1100 = arith.constant 1.000000e+00 : f32
    %div3A_1101 = vector.broadcast %div3A_1100 : f32 to vector<16xf32>
    %div3A_1102 = arith.divf %div3A_1101, %add3A_1099 : vector<16xf32>
    %swap3A_1103 = arith.constant 864 : index
    %swap3A_1104 = tpu.vector_load %arg10[%swap3A_1103] {strides = array<i32>} : memref<1152xf32, #tpu.memory_space<vmem>>, vector<16xf32>,
    tpu.vector_store %arg10[%swap3A_1103], %div3A_1102 {strides = array<i32>} : memref<1152xf32, #tpu.memory_space<vmem>>, vector<16xf32>,
    %add3A_1105 = arith.addf %scan3A_991#7, %get3A_3 : vector<16xf32>
    %max3A_1106 = arith.constant 0.000000e+00 : f32
    %max3A_1107 = vector.broadcast %max3A_1106 : f32 to vector<16xf32>
    %max3A_1108 = arith.maximumf %add3A_1105, %max3A_1107 : vector<16xf32>
    %neg3A_1109 = arith.constant 0.000000e+00 : f32
    %neg3A_1110 = vector.broadcast %neg3A_1109 : f32 to vector<16xf32>
    %neg3A_1111 = arith.subf %neg3A_1110, %max3A_1108 : vector<16xf32>
    %exp3A_1112 = math.exp %neg3A_1111 : vector<16xf32>
    %add3A_1113 = arith.constant 1.000000e+00 : f32
    %add3A_1114 = vector.broadcast %add3A_1113 : f32 to vector<16xf32>
    %add3A_1115 = arith.addf %add3A_1114, %exp3A_1112 : vector<16xf32>
    %div3A_1116 = arith.constant 1.000000e+00 : f32
    %div3A_1117 = vector.broadcast %div3A_1116 : f32 to vector<16xf32>
    %div3A_1118 = arith.divf %div3A_1117, %add3A_1115 : vector<16xf32>
    %swap3A_1119 = arith.constant 880 : index
    %swap3A_1120 = tpu.vector_load %arg10[%swap3A_1119] {strides = array<i32>} : memref<1152xf32, #tpu.memory_space<vmem>>, vector<16xf32>,
    tpu.vector_store %arg10[%swap3A_1119], %div3A_1118 {strides = array<i32>} : memref<1152xf32, #tpu.memory_space<vmem>>, vector<16xf32>,
    %add3A_1121 = arith.constant 1024 : i32
    %add3A_1122 = arith.addi %mul3A_2, %add3A_1121 : i32
    %dma_start3A_1123 = arith.constant 0 : i32
    %dma_start3A_1124 = tpu.memref_slice %arg2[%dma_start3A_1123, %add3A_1122] : memref<300x100000xf32, #tpu.memory_space<hbm>> -> memref<300x128xf32, #tpu.memory_space<hbm>>
    %dma_start3A_1125 = arith.constant 0 : i32
    %dma_start3A_1126 = tpu.memref_slice %arg2[%dma_start3A_1125, %add3A_1122] : memref<300x100000xf32, #tpu.memory_space<hbm>> -> memref<300x128xf32, #tpu.memory_space<hbm>>
    tpu.enqueue_dma source(%dma_start3A_1126 : memref<300x128xf32, #tpu.memory_space<hbm>>) target(%arg6 : memref<300x128xf32, #tpu.memory_space<vmem>>) target_semaphore(%arg11 : memref<!tpu.dma_semaphore, #tpu.memory_space<semaphore_mem>>)
    %dma_wait3A_1127 = arith.constant 0 : i32
    %dma_wait3A_1128 = tpu.memref_slice %arg2[%dma_wait3A_1127, %add3A_962] : memref<300x100000xf32, #tpu.memory_space<hbm>> -> memref<300x128xf32, #tpu.memory_space<hbm>>
    %dma_wait3A_1129 = arith.constant 0 : i32
    %dma_wait3A_1130 = tpu.memref_slice %arg2[%dma_wait3A_1129, %add3A_962] : memref<300x100000xf32, #tpu.memory_space<hbm>> -> memref<300x128xf32, #tpu.memory_space<hbm>>
    tpu.wait_dma2 semaphore(%arg12 : memref<!tpu.dma_semaphore, #tpu.memory_space<semaphore_mem>>) src(%dma_wait3A_1130 : memref<300x128xf32, #tpu.memory_space<hbm>>) dst(%arg7 : memref<300x128xf32, #tpu.memory_space<vmem>>)
    %broadcast_in_dim3A_1131 = arith.constant 0.000000e+00 : f32
    %broadcast_in_dim3A_1132 = vector.broadcast %broadcast_in_dim3A_1131 : f32 to vector<16xf32>
    %broadcast_in_dim3A_1133 = arith.constant 0.000000e+00 : f32
    %broadcast_in_dim3A_1134 = vector.broadcast %broadcast_in_dim3A_1133 : f32 to vector<16xf32>
    %broadcast_in_dim3A_1135 = arith.constant 0.000000e+00 : f32
    %broadcast_in_dim3A_1136 = vector.broadcast %broadcast_in_dim3A_1135 : f32 to vector<16xf32>
    %broadcast_in_dim3A_1137 = arith.constant 0.000000e+00 : f32
    %broadcast_in_dim3A_1138 = vector.broadcast %broadcast_in_dim3A_1137 : f32 to vector<16xf32>
    %broadcast_in_dim3A_1139 = arith.constant 0.000000e+00 : f32
    %broadcast_in_dim3A_1140 = vector.broadcast %broadcast_in_dim3A_1139 : f32 to vector<16xf32>
    %broadcast_in_dim3A_1141 = arith.constant 0.000000e+00 : f32
    %broadcast_in_dim3A_1142 = vector.broadcast %broadcast_in_dim3A_1141 : f32 to vector<16xf32>
    %broadcast_in_dim3A_1143 = arith.constant 0.000000e+00 : f32
    %broadcast_in_dim3A_1144 = vector.broadcast %broadcast_in_dim3A_1143 : f32 to vector<16xf32>
    %broadcast_in_dim3A_1145 = arith.constant 0.000000e+00 : f32
    %broadcast_in_dim3A_1146 = vector.broadcast %broadcast_in_dim3A_1145 : f32 to vector<16xf32>
    %scan3A_1147 = arith.constant 0 : i32
    %scan3A_1148 = arith.constant 300 : i32
    %scan3A_1149 = arith.addi %scan3A_1147, %scan3A_1148 : i32
    %scan3A_1150 = arith.constant 1 : i32
    %scan3A_1151:8 = scf.for %scan3A_1435 = %scan3A_1147 to %scan3A_1149 step %scan3A_1150 iter_args(%scan3A_1436 = %broadcast_in_dim3A_1132, %scan3A_1437 = %broadcast_in_dim3A_1134, %scan3A_1438 = %broadcast_in_dim3A_1136, %scan3A_1439 = %broadcast_in_dim3A_1138, %scan3A_1440 = %broadcast_in_dim3A_1140, %scan3A_1441 = %broadcast_in_dim3A_1142, %scan3A_1442 = %broadcast_in_dim3A_1144, %scan3A_1443 = %broadcast_in_dim3A_1146) -> (vector<16xf32>, vector<16xf32>, vector<16xf32>, vector<16xf32>, vector<16xf32>, vector<16xf32>, vector<16xf32>, vector<16xf32>)  : i32 {
      %broadcast_in_dim3A_1444 = vector.broadcast %scan3A_1435 : i32 to vector<16xi32>
      %gather3A = tpu.vector_load_idx %arg8[%broadcast_in_dim3A_1444] : memref<300xf32, #tpu.memory_space<vmem>>[vector<16xi32>], vector<16xf32>,
      %get3A_1445 = arith.index_cast %scan3A_1435 : i32 to index
      %get3A_1446 = arith.constant 0 : index
      %get3A_1447 = tpu.vector_load %arg7[%get3A_1445, %get3A_1446] {strides = array<i32>} : memref<300x128xf32, #tpu.memory_space<vmem>>, vector<16xf32>,
      %mul3A_1448 = arith.mulf %get3A_1447, %gather3A : vector<16xf32>
      %add3A_1449 = arith.addf %scan3A_1436, %mul3A_1448 : vector<16xf32>
      %get3A_1450 = arith.index_cast %scan3A_1435 : i32 to index
      %get3A_1451 = arith.constant 16 : index
      %get3A_1452 = tpu.vector_load %arg7[%get3A_1450, %get3A_1451] {strides = array<i32>} : memref<300x128xf32, #tpu.memory_space<vmem>>, vector<16xf32>,
      %mul3A_1453 = arith.mulf %get3A_1452, %gather3A : vector<16xf32>
      %add3A_1454 = arith.addf %scan3A_1437, %mul3A_1453 : vector<16xf32>
      %get3A_1455 = arith.index_cast %scan3A_1435 : i32 to index
      %get3A_1456 = arith.constant 32 : index
      %get3A_1457 = tpu.vector_load %arg7[%get3A_1455, %get3A_1456] {strides = array<i32>} : memref<300x128xf32, #tpu.memory_space<vmem>>, vector<16xf32>,
      %mul3A_1458 = arith.mulf %get3A_1457, %gather3A : vector<16xf32>
      %add3A_1459 = arith.addf %scan3A_1438, %mul3A_1458 : vector<16xf32>
      %get3A_1460 = arith.index_cast %scan3A_1435 : i32 to index
      %get3A_1461 = arith.constant 48 : index
      %get3A_1462 = tpu.vector_load %arg7[%get3A_1460, %get3A_1461] {strides = array<i32>} : memref<300x128xf32, #tpu.memory_space<vmem>>, vector<16xf32>,
      %mul3A_1463 = arith.mulf %get3A_1462, %gather3A : vector<16xf32>
      %add3A_1464 = arith.addf %scan3A_1439, %mul3A_1463 : vector<16xf32>
      %get3A_1465 = arith.index_cast %scan3A_1435 : i32 to index
      %get3A_1466 = arith.constant 64 : index
      %get3A_1467 = tpu.vector_load %arg7[%get3A_1465, %get3A_1466] {strides = array<i32>} : memref<300x128xf32, #tpu.memory_space<vmem>>, vector<16xf32>,
      %mul3A_1468 = arith.mulf %get3A_1467, %gather3A : vector<16xf32>
      %add3A_1469 = arith.addf %scan3A_1440, %mul3A_1468 : vector<16xf32>
      %get3A_1470 = arith.index_cast %scan3A_1435 : i32 to index
      %get3A_1471 = arith.constant 80 : index
      %get3A_1472 = tpu.vector_load %arg7[%get3A_1470, %get3A_1471] {strides = array<i32>} : memref<300x128xf32, #tpu.memory_space<vmem>>, vector<16xf32>,
      %mul3A_1473 = arith.mulf %get3A_1472, %gather3A : vector<16xf32>
      %add3A_1474 = arith.addf %scan3A_1441, %mul3A_1473 : vector<16xf32>
      %get3A_1475 = arith.index_cast %scan3A_1435 : i32 to index
      %get3A_1476 = arith.constant 96 : index
      %get3A_1477 = tpu.vector_load %arg7[%get3A_1475, %get3A_1476] {strides = array<i32>} : memref<300x128xf32, #tpu.memory_space<vmem>>, vector<16xf32>,
      %mul3A_1478 = arith.mulf %get3A_1477, %gather3A : vector<16xf32>
      %add3A_1479 = arith.addf %scan3A_1442, %mul3A_1478 : vector<16xf32>
      %get3A_1480 = arith.index_cast %scan3A_1435 : i32 to index
      %get3A_1481 = arith.constant 112 : index
      %get3A_1482 = tpu.vector_load %arg7[%get3A_1480, %get3A_1481] {strides = array<i32>} : memref<300x128xf32, #tpu.memory_space<vmem>>, vector<16xf32>,
      %mul3A_1483 = arith.mulf %get3A_1482, %gather3A : vector<16xf32>
      %add3A_1484 = arith.addf %scan3A_1443, %mul3A_1483 : vector<16xf32>
      scf.yield %add3A_1449, %add3A_1454, %add3A_1459, %add3A_1464, %add3A_1469, %add3A_1474, %add3A_1479, %add3A_1484 : vector<16xf32>, vector<16xf32>, vector<16xf32>, vector<16xf32>, vector<16xf32>, vector<16xf32>, vector<16xf32>, vector<16xf32>
    }
    %scan3A_1152 = arith.constant 300 : i32
    %add3A_1153 = arith.addf %scan3A_1151#0, %get3A_3 : vector<16xf32>
    %max3A_1154 = arith.constant 0.000000e+00 : f32
    %max3A_1155 = vector.broadcast %max3A_1154 : f32 to vector<16xf32>
    %max3A_1156 = arith.maximumf %add3A_1153, %max3A_1155 : vector<16xf32>
    %neg3A_1157 = arith.constant 0.000000e+00 : f32
    %neg3A_1158 = vector.broadcast %neg3A_1157 : f32 to vector<16xf32>
    %neg3A_1159 = arith.subf %neg3A_1158, %max3A_1156 : vector<16xf32>
    %exp3A_1160 = math.exp %neg3A_1159 : vector<16xf32>
    %add3A_1161 = arith.constant 1.000000e+00 : f32
    %add3A_1162 = vector.broadcast %add3A_1161 : f32 to vector<16xf32>
    %add3A_1163 = arith.addf %add3A_1162, %exp3A_1160 : vector<16xf32>
    %div3A_1164 = arith.constant 1.000000e+00 : f32
    %div3A_1165 = vector.broadcast %div3A_1164 : f32 to vector<16xf32>
    %div3A_1166 = arith.divf %div3A_1165, %add3A_1163 : vector<16xf32>
    %swap3A_1167 = arith.constant 896 : index
    %swap3A_1168 = tpu.vector_load %arg10[%swap3A_1167] {strides = array<i32>} : memref<1152xf32, #tpu.memory_space<vmem>>, vector<16xf32>,
    tpu.vector_store %arg10[%swap3A_1167], %div3A_1166 {strides = array<i32>} : memref<1152xf32, #tpu.memory_space<vmem>>, vector<16xf32>,
    %add3A_1169 = arith.addf %scan3A_1151#1, %get3A_3 : vector<16xf32>
    %max3A_1170 = arith.constant 0.000000e+00 : f32
    %max3A_1171 = vector.broadcast %max3A_1170 : f32 to vector<16xf32>
    %max3A_1172 = arith.maximumf %add3A_1169, %max3A_1171 : vector<16xf32>
    %neg3A_1173 = arith.constant 0.000000e+00 : f32
    %neg3A_1174 = vector.broadcast %neg3A_1173 : f32 to vector<16xf32>
    %neg3A_1175 = arith.subf %neg3A_1174, %max3A_1172 : vector<16xf32>
    %exp3A_1176 = math.exp %neg3A_1175 : vector<16xf32>
    %add3A_1177 = arith.constant 1.000000e+00 : f32
    %add3A_1178 = vector.broadcast %add3A_1177 : f32 to vector<16xf32>
    %add3A_1179 = arith.addf %add3A_1178, %exp3A_1176 : vector<16xf32>
    %div3A_1180 = arith.constant 1.000000e+00 : f32
    %div3A_1181 = vector.broadcast %div3A_1180 : f32 to vector<16xf32>
    %div3A_1182 = arith.divf %div3A_1181, %add3A_1179 : vector<16xf32>
    %swap3A_1183 = arith.constant 912 : index
    %swap3A_1184 = tpu.vector_load %arg10[%swap3A_1183] {strides = array<i32>} : memref<1152xf32, #tpu.memory_space<vmem>>, vector<16xf32>,
    tpu.vector_store %arg10[%swap3A_1183], %div3A_1182 {strides = array<i32>} : memref<1152xf32, #tpu.memory_space<vmem>>, vector<16xf32>,
    %add3A_1185 = arith.addf %scan3A_1151#2, %get3A_3 : vector<16xf32>
    %max3A_1186 = arith.constant 0.000000e+00 : f32
    %max3A_1187 = vector.broadcast %max3A_1186 : f32 to vector<16xf32>
    %max3A_1188 = arith.maximumf %add3A_1185, %max3A_1187 : vector<16xf32>
    %neg3A_1189 = arith.constant 0.000000e+00 : f32
    %neg3A_1190 = vector.broadcast %neg3A_1189 : f32 to vector<16xf32>
    %neg3A_1191 = arith.subf %neg3A_1190, %max3A_1188 : vector<16xf32>
    %exp3A_1192 = math.exp %neg3A_1191 : vector<16xf32>
    %add3A_1193 = arith.constant 1.000000e+00 : f32
    %add3A_1194 = vector.broadcast %add3A_1193 : f32 to vector<16xf32>
    %add3A_1195 = arith.addf %add3A_1194, %exp3A_1192 : vector<16xf32>
    %div3A_1196 = arith.constant 1.000000e+00 : f32
    %div3A_1197 = vector.broadcast %div3A_1196 : f32 to vector<16xf32>
    %div3A_1198 = arith.divf %div3A_1197, %add3A_1195 : vector<16xf32>
    %swap3A_1199 = arith.constant 928 : index
    %swap3A_1200 = tpu.vector_load %arg10[%swap3A_1199] {strides = array<i32>} : memref<1152xf32, #tpu.memory_space<vmem>>, vector<16xf32>,
    tpu.vector_store %arg10[%swap3A_1199], %div3A_1198 {strides = array<i32>} : memref<1152xf32, #tpu.memory_space<vmem>>, vector<16xf32>,
    %add3A_1201 = arith.addf %scan3A_1151#3, %get3A_3 : vector<16xf32>
    %max3A_1202 = arith.constant 0.000000e+00 : f32
    %max3A_1203 = vector.broadcast %max3A_1202 : f32 to vector<16xf32>
    %max3A_1204 = arith.maximumf %add3A_1201, %max3A_1203 : vector<16xf32>
    %neg3A_1205 = arith.constant 0.000000e+00 : f32
    %neg3A_1206 = vector.broadcast %neg3A_1205 : f32 to vector<16xf32>
    %neg3A_1207 = arith.subf %neg3A_1206, %max3A_1204 : vector<16xf32>
    %exp3A_1208 = math.exp %neg3A_1207 : vector<16xf32>
    %add3A_1209 = arith.constant 1.000000e+00 : f32
    %add3A_1210 = vector.broadcast %add3A_1209 : f32 to vector<16xf32>
    %add3A_1211 = arith.addf %add3A_1210, %exp3A_1208 : vector<16xf32>
    %div3A_1212 = arith.constant 1.000000e+00 : f32
    %div3A_1213 = vector.broadcast %div3A_1212 : f32 to vector<16xf32>
    %div3A_1214 = arith.divf %div3A_1213, %add3A_1211 : vector<16xf32>
    %swap3A_1215 = arith.constant 944 : index
    %swap3A_1216 = tpu.vector_load %arg10[%swap3A_1215] {strides = array<i32>} : memref<1152xf32, #tpu.memory_space<vmem>>, vector<16xf32>,
    tpu.vector_store %arg10[%swap3A_1215], %div3A_1214 {strides = array<i32>} : memref<1152xf32, #tpu.memory_space<vmem>>, vector<16xf32>,
    %add3A_1217 = arith.addf %scan3A_1151#4, %get3A_3 : vector<16xf32>
    %max3A_1218 = arith.constant 0.000000e+00 : f32
    %max3A_1219 = vector.broadcast %max3A_1218 : f32 to vector<16xf32>
    %max3A_1220 = arith.maximumf %add3A_1217, %max3A_1219 : vector<16xf32>
    %neg3A_1221 = arith.constant 0.000000e+00 : f32
    %neg3A_1222 = vector.broadcast %neg3A_1221 : f32 to vector<16xf32>
    %neg3A_1223 = arith.subf %neg3A_1222, %max3A_1220 : vector<16xf32>
    %exp3A_1224 = math.exp %neg3A_1223 : vector<16xf32>
    %add3A_1225 = arith.constant 1.000000e+00 : f32
    %add3A_1226 = vector.broadcast %add3A_1225 : f32 to vector<16xf32>
    %add3A_1227 = arith.addf %add3A_1226, %exp3A_1224 : vector<16xf32>
    %div3A_1228 = arith.constant 1.000000e+00 : f32
    %div3A_1229 = vector.broadcast %div3A_1228 : f32 to vector<16xf32>
    %div3A_1230 = arith.divf %div3A_1229, %add3A_1227 : vector<16xf32>
    %swap3A_1231 = arith.constant 960 : index
    %swap3A_1232 = tpu.vector_load %arg10[%swap3A_1231] {strides = array<i32>} : memref<1152xf32, #tpu.memory_space<vmem>>, vector<16xf32>,
    tpu.vector_store %arg10[%swap3A_1231], %div3A_1230 {strides = array<i32>} : memref<1152xf32, #tpu.memory_space<vmem>>, vector<16xf32>,
    %add3A_1233 = arith.addf %scan3A_1151#5, %get3A_3 : vector<16xf32>
    %max3A_1234 = arith.constant 0.000000e+00 : f32
    %max3A_1235 = vector.broadcast %max3A_1234 : f32 to vector<16xf32>
    %max3A_1236 = arith.maximumf %add3A_1233, %max3A_1235 : vector<16xf32>
    %neg3A_1237 = arith.constant 0.000000e+00 : f32
    %neg3A_1238 = vector.broadcast %neg3A_1237 : f32 to vector<16xf32>
    %neg3A_1239 = arith.subf %neg3A_1238, %max3A_1236 : vector<16xf32>
    %exp3A_1240 = math.exp %neg3A_1239 : vector<16xf32>
    %add3A_1241 = arith.constant 1.000000e+00 : f32
    %add3A_1242 = vector.broadcast %add3A_1241 : f32 to vector<16xf32>
    %add3A_1243 = arith.addf %add3A_1242, %exp3A_1240 : vector<16xf32>
    %div3A_1244 = arith.constant 1.000000e+00 : f32
    %div3A_1245 = vector.broadcast %div3A_1244 : f32 to vector<16xf32>
    %div3A_1246 = arith.divf %div3A_1245, %add3A_1243 : vector<16xf32>
    %swap3A_1247 = arith.constant 976 : index
    %swap3A_1248 = tpu.vector_load %arg10[%swap3A_1247] {strides = array<i32>} : memref<1152xf32, #tpu.memory_space<vmem>>, vector<16xf32>,
    tpu.vector_store %arg10[%swap3A_1247], %div3A_1246 {strides = array<i32>} : memref<1152xf32, #tpu.memory_space<vmem>>, vector<16xf32>,
    %add3A_1249 = arith.addf %scan3A_1151#6, %get3A_3 : vector<16xf32>
    %max3A_1250 = arith.constant 0.000000e+00 : f32
    %max3A_1251 = vector.broadcast %max3A_1250 : f32 to vector<16xf32>
    %max3A_1252 = arith.maximumf %add3A_1249, %max3A_1251 : vector<16xf32>
    %neg3A_1253 = arith.constant 0.000000e+00 : f32
    %neg3A_1254 = vector.broadcast %neg3A_1253 : f32 to vector<16xf32>
    %neg3A_1255 = arith.subf %neg3A_1254, %max3A_1252 : vector<16xf32>
    %exp3A_1256 = math.exp %neg3A_1255 : vector<16xf32>
    %add3A_1257 = arith.constant 1.000000e+00 : f32
    %add3A_1258 = vector.broadcast %add3A_1257 : f32 to vector<16xf32>
    %add3A_1259 = arith.addf %add3A_1258, %exp3A_1256 : vector<16xf32>
    %div3A_1260 = arith.constant 1.000000e+00 : f32
    %div3A_1261 = vector.broadcast %div3A_1260 : f32 to vector<16xf32>
    %div3A_1262 = arith.divf %div3A_1261, %add3A_1259 : vector<16xf32>
    %swap3A_1263 = arith.constant 992 : index
    %swap3A_1264 = tpu.vector_load %arg10[%swap3A_1263] {strides = array<i32>} : memref<1152xf32, #tpu.memory_space<vmem>>, vector<16xf32>,
    tpu.vector_store %arg10[%swap3A_1263], %div3A_1262 {strides = array<i32>} : memref<1152xf32, #tpu.memory_space<vmem>>, vector<16xf32>,
    %add3A_1265 = arith.addf %scan3A_1151#7, %get3A_3 : vector<16xf32>
    %max3A_1266 = arith.constant 0.000000e+00 : f32
    %max3A_1267 = vector.broadcast %max3A_1266 : f32 to vector<16xf32>
    %max3A_1268 = arith.maximumf %add3A_1265, %max3A_1267 : vector<16xf32>
    %neg3A_1269 = arith.constant 0.000000e+00 : f32
    %neg3A_1270 = vector.broadcast %neg3A_1269 : f32 to vector<16xf32>
    %neg3A_1271 = arith.subf %neg3A_1270, %max3A_1268 : vector<16xf32>
    %exp3A_1272 = math.exp %neg3A_1271 : vector<16xf32>
    %add3A_1273 = arith.constant 1.000000e+00 : f32
    %add3A_1274 = vector.broadcast %add3A_1273 : f32 to vector<16xf32>
    %add3A_1275 = arith.addf %add3A_1274, %exp3A_1272 : vector<16xf32>
    %div3A_1276 = arith.constant 1.000000e+00 : f32
    %div3A_1277 = vector.broadcast %div3A_1276 : f32 to vector<16xf32>
    %div3A_1278 = arith.divf %div3A_1277, %add3A_1275 : vector<16xf32>
    %swap3A_1279 = arith.constant 1008 : index
    %swap3A_1280 = tpu.vector_load %arg10[%swap3A_1279] {strides = array<i32>} : memref<1152xf32, #tpu.memory_space<vmem>>, vector<16xf32>,
    tpu.vector_store %arg10[%swap3A_1279], %div3A_1278 {strides = array<i32>} : memref<1152xf32, #tpu.memory_space<vmem>>, vector<16xf32>,
    %dma_wait3A_1281 = arith.constant 0 : i32
    %dma_wait3A_1282 = tpu.memref_slice %arg2[%dma_wait3A_1281, %add3A_1122] : memref<300x100000xf32, #tpu.memory_space<hbm>> -> memref<300x128xf32, #tpu.memory_space<hbm>>
    %dma_wait3A_1283 = arith.constant 0 : i32
    %dma_wait3A_1284 = tpu.memref_slice %arg2[%dma_wait3A_1283, %add3A_1122] : memref<300x100000xf32, #tpu.memory_space<hbm>> -> memref<300x128xf32, #tpu.memory_space<hbm>>
    tpu.wait_dma2 semaphore(%arg11 : memref<!tpu.dma_semaphore, #tpu.memory_space<semaphore_mem>>) src(%dma_wait3A_1284 : memref<300x128xf32, #tpu.memory_space<hbm>>) dst(%arg6 : memref<300x128xf32, #tpu.memory_space<vmem>>)
    %broadcast_in_dim3A_1285 = arith.constant 0.000000e+00 : f32
    %broadcast_in_dim3A_1286 = vector.broadcast %broadcast_in_dim3A_1285 : f32 to vector<16xf32>
    %broadcast_in_dim3A_1287 = arith.constant 0.000000e+00 : f32
    %broadcast_in_dim3A_1288 = vector.broadcast %broadcast_in_dim3A_1287 : f32 to vector<16xf32>
    %broadcast_in_dim3A_1289 = arith.constant 0.000000e+00 : f32
    %broadcast_in_dim3A_1290 = vector.broadcast %broadcast_in_dim3A_1289 : f32 to vector<16xf32>
    %broadcast_in_dim3A_1291 = arith.constant 0.000000e+00 : f32
    %broadcast_in_dim3A_1292 = vector.broadcast %broadcast_in_dim3A_1291 : f32 to vector<16xf32>
    %broadcast_in_dim3A_1293 = arith.constant 0.000000e+00 : f32
    %broadcast_in_dim3A_1294 = vector.broadcast %broadcast_in_dim3A_1293 : f32 to vector<16xf32>
    %broadcast_in_dim3A_1295 = arith.constant 0.000000e+00 : f32
    %broadcast_in_dim3A_1296 = vector.broadcast %broadcast_in_dim3A_1295 : f32 to vector<16xf32>
    %broadcast_in_dim3A_1297 = arith.constant 0.000000e+00 : f32
    %broadcast_in_dim3A_1298 = vector.broadcast %broadcast_in_dim3A_1297 : f32 to vector<16xf32>
    %broadcast_in_dim3A_1299 = arith.constant 0.000000e+00 : f32
    %broadcast_in_dim3A_1300 = vector.broadcast %broadcast_in_dim3A_1299 : f32 to vector<16xf32>
    %scan3A_1301 = arith.constant 0 : i32
    %scan3A_1302 = arith.constant 300 : i32
    %scan3A_1303 = arith.addi %scan3A_1301, %scan3A_1302 : i32
    %scan3A_1304 = arith.constant 1 : i32
    %scan3A_1305:8 = scf.for %scan3A_1435 = %scan3A_1301 to %scan3A_1303 step %scan3A_1304 iter_args(%scan3A_1436 = %broadcast_in_dim3A_1286, %scan3A_1437 = %broadcast_in_dim3A_1288, %scan3A_1438 = %broadcast_in_dim3A_1290, %scan3A_1439 = %broadcast_in_dim3A_1292, %scan3A_1440 = %broadcast_in_dim3A_1294, %scan3A_1441 = %broadcast_in_dim3A_1296, %scan3A_1442 = %broadcast_in_dim3A_1298, %scan3A_1443 = %broadcast_in_dim3A_1300) -> (vector<16xf32>, vector<16xf32>, vector<16xf32>, vector<16xf32>, vector<16xf32>, vector<16xf32>, vector<16xf32>, vector<16xf32>)  : i32 {
      %broadcast_in_dim3A_1444 = vector.broadcast %scan3A_1435 : i32 to vector<16xi32>
      %gather3A = tpu.vector_load_idx %arg8[%broadcast_in_dim3A_1444] : memref<300xf32, #tpu.memory_space<vmem>>[vector<16xi32>], vector<16xf32>,
      %get3A_1445 = arith.index_cast %scan3A_1435 : i32 to index
      %get3A_1446 = arith.constant 0 : index
      %get3A_1447 = tpu.vector_load %arg6[%get3A_1445, %get3A_1446] {strides = array<i32>} : memref<300x128xf32, #tpu.memory_space<vmem>>, vector<16xf32>,
      %mul3A_1448 = arith.mulf %get3A_1447, %gather3A : vector<16xf32>
      %add3A_1449 = arith.addf %scan3A_1436, %mul3A_1448 : vector<16xf32>
      %get3A_1450 = arith.index_cast %scan3A_1435 : i32 to index
      %get3A_1451 = arith.constant 16 : index
      %get3A_1452 = tpu.vector_load %arg6[%get3A_1450, %get3A_1451] {strides = array<i32>} : memref<300x128xf32, #tpu.memory_space<vmem>>, vector<16xf32>,
      %mul3A_1453 = arith.mulf %get3A_1452, %gather3A : vector<16xf32>
      %add3A_1454 = arith.addf %scan3A_1437, %mul3A_1453 : vector<16xf32>
      %get3A_1455 = arith.index_cast %scan3A_1435 : i32 to index
      %get3A_1456 = arith.constant 32 : index
      %get3A_1457 = tpu.vector_load %arg6[%get3A_1455, %get3A_1456] {strides = array<i32>} : memref<300x128xf32, #tpu.memory_space<vmem>>, vector<16xf32>,
      %mul3A_1458 = arith.mulf %get3A_1457, %gather3A : vector<16xf32>
      %add3A_1459 = arith.addf %scan3A_1438, %mul3A_1458 : vector<16xf32>
      %get3A_1460 = arith.index_cast %scan3A_1435 : i32 to index
      %get3A_1461 = arith.constant 48 : index
      %get3A_1462 = tpu.vector_load %arg6[%get3A_1460, %get3A_1461] {strides = array<i32>} : memref<300x128xf32, #tpu.memory_space<vmem>>, vector<16xf32>,
      %mul3A_1463 = arith.mulf %get3A_1462, %gather3A : vector<16xf32>
      %add3A_1464 = arith.addf %scan3A_1439, %mul3A_1463 : vector<16xf32>
      %get3A_1465 = arith.index_cast %scan3A_1435 : i32 to index
      %get3A_1466 = arith.constant 64 : index
      %get3A_1467 = tpu.vector_load %arg6[%get3A_1465, %get3A_1466] {strides = array<i32>} : memref<300x128xf32, #tpu.memory_space<vmem>>, vector<16xf32>,
      %mul3A_1468 = arith.mulf %get3A_1467, %gather3A : vector<16xf32>
      %add3A_1469 = arith.addf %scan3A_1440, %mul3A_1468 : vector<16xf32>
      %get3A_1470 = arith.index_cast %scan3A_1435 : i32 to index
      %get3A_1471 = arith.constant 80 : index
      %get3A_1472 = tpu.vector_load %arg6[%get3A_1470, %get3A_1471] {strides = array<i32>} : memref<300x128xf32, #tpu.memory_space<vmem>>, vector<16xf32>,
      %mul3A_1473 = arith.mulf %get3A_1472, %gather3A : vector<16xf32>
      %add3A_1474 = arith.addf %scan3A_1441, %mul3A_1473 : vector<16xf32>
      %get3A_1475 = arith.index_cast %scan3A_1435 : i32 to index
      %get3A_1476 = arith.constant 96 : index
      %get3A_1477 = tpu.vector_load %arg6[%get3A_1475, %get3A_1476] {strides = array<i32>} : memref<300x128xf32, #tpu.memory_space<vmem>>, vector<16xf32>,
      %mul3A_1478 = arith.mulf %get3A_1477, %gather3A : vector<16xf32>
      %add3A_1479 = arith.addf %scan3A_1442, %mul3A_1478 : vector<16xf32>
      %get3A_1480 = arith.index_cast %scan3A_1435 : i32 to index
      %get3A_1481 = arith.constant 112 : index
      %get3A_1482 = tpu.vector_load %arg6[%get3A_1480, %get3A_1481] {strides = array<i32>} : memref<300x128xf32, #tpu.memory_space<vmem>>, vector<16xf32>,
      %mul3A_1483 = arith.mulf %get3A_1482, %gather3A : vector<16xf32>
      %add3A_1484 = arith.addf %scan3A_1443, %mul3A_1483 : vector<16xf32>
      scf.yield %add3A_1449, %add3A_1454, %add3A_1459, %add3A_1464, %add3A_1469, %add3A_1474, %add3A_1479, %add3A_1484 : vector<16xf32>, vector<16xf32>, vector<16xf32>, vector<16xf32>, vector<16xf32>, vector<16xf32>, vector<16xf32>, vector<16xf32>
    }
    %scan3A_1306 = arith.constant 300 : i32
    %add3A_1307 = arith.addf %scan3A_1305#0, %get3A_3 : vector<16xf32>
    %max3A_1308 = arith.constant 0.000000e+00 : f32
    %max3A_1309 = vector.broadcast %max3A_1308 : f32 to vector<16xf32>
    %max3A_1310 = arith.maximumf %add3A_1307, %max3A_1309 : vector<16xf32>
    %neg3A_1311 = arith.constant 0.000000e+00 : f32
    %neg3A_1312 = vector.broadcast %neg3A_1311 : f32 to vector<16xf32>
    %neg3A_1313 = arith.subf %neg3A_1312, %max3A_1310 : vector<16xf32>
    %exp3A_1314 = math.exp %neg3A_1313 : vector<16xf32>
    %add3A_1315 = arith.constant 1.000000e+00 : f32
    %add3A_1316 = vector.broadcast %add3A_1315 : f32 to vector<16xf32>
    %add3A_1317 = arith.addf %add3A_1316, %exp3A_1314 : vector<16xf32>
    %div3A_1318 = arith.constant 1.000000e+00 : f32
    %div3A_1319 = vector.broadcast %div3A_1318 : f32 to vector<16xf32>
    %div3A_1320 = arith.divf %div3A_1319, %add3A_1317 : vector<16xf32>
    %swap3A_1321 = arith.constant 1024 : index
    %swap3A_1322 = tpu.vector_load %arg10[%swap3A_1321] {strides = array<i32>} : memref<1152xf32, #tpu.memory_space<vmem>>, vector<16xf32>,
    tpu.vector_store %arg10[%swap3A_1321], %div3A_1320 {strides = array<i32>} : memref<1152xf32, #tpu.memory_space<vmem>>, vector<16xf32>,
    %add3A_1323 = arith.addf %scan3A_1305#1, %get3A_3 : vector<16xf32>
    %max3A_1324 = arith.constant 0.000000e+00 : f32
    %max3A_1325 = vector.broadcast %max3A_1324 : f32 to vector<16xf32>
    %max3A_1326 = arith.maximumf %add3A_1323, %max3A_1325 : vector<16xf32>
    %neg3A_1327 = arith.constant 0.000000e+00 : f32
    %neg3A_1328 = vector.broadcast %neg3A_1327 : f32 to vector<16xf32>
    %neg3A_1329 = arith.subf %neg3A_1328, %max3A_1326 : vector<16xf32>
    %exp3A_1330 = math.exp %neg3A_1329 : vector<16xf32>
    %add3A_1331 = arith.constant 1.000000e+00 : f32
    %add3A_1332 = vector.broadcast %add3A_1331 : f32 to vector<16xf32>
    %add3A_1333 = arith.addf %add3A_1332, %exp3A_1330 : vector<16xf32>
    %div3A_1334 = arith.constant 1.000000e+00 : f32
    %div3A_1335 = vector.broadcast %div3A_1334 : f32 to vector<16xf32>
    %div3A_1336 = arith.divf %div3A_1335, %add3A_1333 : vector<16xf32>
    %swap3A_1337 = arith.constant 1040 : index
    %swap3A_1338 = tpu.vector_load %arg10[%swap3A_1337] {strides = array<i32>} : memref<1152xf32, #tpu.memory_space<vmem>>, vector<16xf32>,
    tpu.vector_store %arg10[%swap3A_1337], %div3A_1336 {strides = array<i32>} : memref<1152xf32, #tpu.memory_space<vmem>>, vector<16xf32>,
    %add3A_1339 = arith.addf %scan3A_1305#2, %get3A_3 : vector<16xf32>
    %max3A_1340 = arith.constant 0.000000e+00 : f32
    %max3A_1341 = vector.broadcast %max3A_1340 : f32 to vector<16xf32>
    %max3A_1342 = arith.maximumf %add3A_1339, %max3A_1341 : vector<16xf32>
    %neg3A_1343 = arith.constant 0.000000e+00 : f32
    %neg3A_1344 = vector.broadcast %neg3A_1343 : f32 to vector<16xf32>
    %neg3A_1345 = arith.subf %neg3A_1344, %max3A_1342 : vector<16xf32>
    %exp3A_1346 = math.exp %neg3A_1345 : vector<16xf32>
    %add3A_1347 = arith.constant 1.000000e+00 : f32
    %add3A_1348 = vector.broadcast %add3A_1347 : f32 to vector<16xf32>
    %add3A_1349 = arith.addf %add3A_1348, %exp3A_1346 : vector<16xf32>
    %div3A_1350 = arith.constant 1.000000e+00 : f32
    %div3A_1351 = vector.broadcast %div3A_1350 : f32 to vector<16xf32>
    %div3A_1352 = arith.divf %div3A_1351, %add3A_1349 : vector<16xf32>
    %swap3A_1353 = arith.constant 1056 : index
    %swap3A_1354 = tpu.vector_load %arg10[%swap3A_1353] {strides = array<i32>} : memref<1152xf32, #tpu.memory_space<vmem>>, vector<16xf32>,
    tpu.vector_store %arg10[%swap3A_1353], %div3A_1352 {strides = array<i32>} : memref<1152xf32, #tpu.memory_space<vmem>>, vector<16xf32>,
    %add3A_1355 = arith.addf %scan3A_1305#3, %get3A_3 : vector<16xf32>
    %max3A_1356 = arith.constant 0.000000e+00 : f32
    %max3A_1357 = vector.broadcast %max3A_1356 : f32 to vector<16xf32>
    %max3A_1358 = arith.maximumf %add3A_1355, %max3A_1357 : vector<16xf32>
    %neg3A_1359 = arith.constant 0.000000e+00 : f32
    %neg3A_1360 = vector.broadcast %neg3A_1359 : f32 to vector<16xf32>
    %neg3A_1361 = arith.subf %neg3A_1360, %max3A_1358 : vector<16xf32>
    %exp3A_1362 = math.exp %neg3A_1361 : vector<16xf32>
    %add3A_1363 = arith.constant 1.000000e+00 : f32
    %add3A_1364 = vector.broadcast %add3A_1363 : f32 to vector<16xf32>
    %add3A_1365 = arith.addf %add3A_1364, %exp3A_1362 : vector<16xf32>
    %div3A_1366 = arith.constant 1.000000e+00 : f32
    %div3A_1367 = vector.broadcast %div3A_1366 : f32 to vector<16xf32>
    %div3A_1368 = arith.divf %div3A_1367, %add3A_1365 : vector<16xf32>
    %swap3A_1369 = arith.constant 1072 : index
    %swap3A_1370 = tpu.vector_load %arg10[%swap3A_1369] {strides = array<i32>} : memref<1152xf32, #tpu.memory_space<vmem>>, vector<16xf32>,
    tpu.vector_store %arg10[%swap3A_1369], %div3A_1368 {strides = array<i32>} : memref<1152xf32, #tpu.memory_space<vmem>>, vector<16xf32>,
    %add3A_1371 = arith.addf %scan3A_1305#4, %get3A_3 : vector<16xf32>
    %max3A_1372 = arith.constant 0.000000e+00 : f32
    %max3A_1373 = vector.broadcast %max3A_1372 : f32 to vector<16xf32>
    %max3A_1374 = arith.maximumf %add3A_1371, %max3A_1373 : vector<16xf32>
    %neg3A_1375 = arith.constant 0.000000e+00 : f32
    %neg3A_1376 = vector.broadcast %neg3A_1375 : f32 to vector<16xf32>
    %neg3A_1377 = arith.subf %neg3A_1376, %max3A_1374 : vector<16xf32>
    %exp3A_1378 = math.exp %neg3A_1377 : vector<16xf32>
    %add3A_1379 = arith.constant 1.000000e+00 : f32
    %add3A_1380 = vector.broadcast %add3A_1379 : f32 to vector<16xf32>
    %add3A_1381 = arith.addf %add3A_1380, %exp3A_1378 : vector<16xf32>
    %div3A_1382 = arith.constant 1.000000e+00 : f32
    %div3A_1383 = vector.broadcast %div3A_1382 : f32 to vector<16xf32>
    %div3A_1384 = arith.divf %div3A_1383, %add3A_1381 : vector<16xf32>
    %swap3A_1385 = arith.constant 1088 : index
    %swap3A_1386 = tpu.vector_load %arg10[%swap3A_1385] {strides = array<i32>} : memref<1152xf32, #tpu.memory_space<vmem>>, vector<16xf32>,
    tpu.vector_store %arg10[%swap3A_1385], %div3A_1384 {strides = array<i32>} : memref<1152xf32, #tpu.memory_space<vmem>>, vector<16xf32>,
    %add3A_1387 = arith.addf %scan3A_1305#5, %get3A_3 : vector<16xf32>
    %max3A_1388 = arith.constant 0.000000e+00 : f32
    %max3A_1389 = vector.broadcast %max3A_1388 : f32 to vector<16xf32>
    %max3A_1390 = arith.maximumf %add3A_1387, %max3A_1389 : vector<16xf32>
    %neg3A_1391 = arith.constant 0.000000e+00 : f32
    %neg3A_1392 = vector.broadcast %neg3A_1391 : f32 to vector<16xf32>
    %neg3A_1393 = arith.subf %neg3A_1392, %max3A_1390 : vector<16xf32>
    %exp3A_1394 = math.exp %neg3A_1393 : vector<16xf32>
    %add3A_1395 = arith.constant 1.000000e+00 : f32
    %add3A_1396 = vector.broadcast %add3A_1395 : f32 to vector<16xf32>
    %add3A_1397 = arith.addf %add3A_1396, %exp3A_1394 : vector<16xf32>
    %div3A_1398 = arith.constant 1.000000e+00 : f32
    %div3A_1399 = vector.broadcast %div3A_1398 : f32 to vector<16xf32>
    %div3A_1400 = arith.divf %div3A_1399, %add3A_1397 : vector<16xf32>
    %swap3A_1401 = arith.constant 1104 : index
    %swap3A_1402 = tpu.vector_load %arg10[%swap3A_1401] {strides = array<i32>} : memref<1152xf32, #tpu.memory_space<vmem>>, vector<16xf32>,
    tpu.vector_store %arg10[%swap3A_1401], %div3A_1400 {strides = array<i32>} : memref<1152xf32, #tpu.memory_space<vmem>>, vector<16xf32>,
    %add3A_1403 = arith.addf %scan3A_1305#6, %get3A_3 : vector<16xf32>
    %max3A_1404 = arith.constant 0.000000e+00 : f32
    %max3A_1405 = vector.broadcast %max3A_1404 : f32 to vector<16xf32>
    %max3A_1406 = arith.maximumf %add3A_1403, %max3A_1405 : vector<16xf32>
    %neg3A_1407 = arith.constant 0.000000e+00 : f32
    %neg3A_1408 = vector.broadcast %neg3A_1407 : f32 to vector<16xf32>
    %neg3A_1409 = arith.subf %neg3A_1408, %max3A_1406 : vector<16xf32>
    %exp3A_1410 = math.exp %neg3A_1409 : vector<16xf32>
    %add3A_1411 = arith.constant 1.000000e+00 : f32
    %add3A_1412 = vector.broadcast %add3A_1411 : f32 to vector<16xf32>
    %add3A_1413 = arith.addf %add3A_1412, %exp3A_1410 : vector<16xf32>
    %div3A_1414 = arith.constant 1.000000e+00 : f32
    %div3A_1415 = vector.broadcast %div3A_1414 : f32 to vector<16xf32>
    %div3A_1416 = arith.divf %div3A_1415, %add3A_1413 : vector<16xf32>
    %swap3A_1417 = arith.constant 1120 : index
    %swap3A_1418 = tpu.vector_load %arg10[%swap3A_1417] {strides = array<i32>} : memref<1152xf32, #tpu.memory_space<vmem>>, vector<16xf32>,
    tpu.vector_store %arg10[%swap3A_1417], %div3A_1416 {strides = array<i32>} : memref<1152xf32, #tpu.memory_space<vmem>>, vector<16xf32>,
    %add3A_1419 = arith.addf %scan3A_1305#7, %get3A_3 : vector<16xf32>
    %max3A_1420 = arith.constant 0.000000e+00 : f32
    %max3A_1421 = vector.broadcast %max3A_1420 : f32 to vector<16xf32>
    %max3A_1422 = arith.maximumf %add3A_1419, %max3A_1421 : vector<16xf32>
    %neg3A_1423 = arith.constant 0.000000e+00 : f32
    %neg3A_1424 = vector.broadcast %neg3A_1423 : f32 to vector<16xf32>
    %neg3A_1425 = arith.subf %neg3A_1424, %max3A_1422 : vector<16xf32>
    %exp3A_1426 = math.exp %neg3A_1425 : vector<16xf32>
    %add3A_1427 = arith.constant 1.000000e+00 : f32
    %add3A_1428 = vector.broadcast %add3A_1427 : f32 to vector<16xf32>
    %add3A_1429 = arith.addf %add3A_1428, %exp3A_1426 : vector<16xf32>
    %div3A_1430 = arith.constant 1.000000e+00 : f32
    %div3A_1431 = vector.broadcast %div3A_1430 : f32 to vector<16xf32>
    %div3A_1432 = arith.divf %div3A_1431, %add3A_1429 : vector<16xf32>
    %swap3A_1433 = arith.constant 1136 : index
    %swap3A_1434 = tpu.vector_load %arg10[%swap3A_1433] {strides = array<i32>} : memref<1152xf32, #tpu.memory_space<vmem>>, vector<16xf32>,
    tpu.vector_store %arg10[%swap3A_1433], %div3A_1432 {strides = array<i32>} : memref<1152xf32, #tpu.memory_space<vmem>>, vector<16xf32>,
    "tpu.region"() ({
      %run_scoped3A = tpu.sem_alloc : memref<!tpu.dma_semaphore, #tpu.memory_space<semaphore_mem>>
      %dma_start3A_1435 = tpu.memref_slice %arg5[%mul3A_2] : memref<36864xf32, #tpu.memory_space<hbm>> -> memref<1152xf32, #tpu.memory_space<hbm>>
      %dma_start3A_1436 = tpu.memref_slice %arg5[%mul3A_2] : memref<36864xf32, #tpu.memory_space<hbm>> -> memref<1152xf32, #tpu.memory_space<hbm>>
      tpu.enqueue_dma source(%arg10 : memref<1152xf32, #tpu.memory_space<vmem>>) target(%dma_start3A_1436 : memref<1152xf32, #tpu.memory_space<hbm>>) target_semaphore(%run_scoped3A : memref<!tpu.dma_semaphore, #tpu.memory_space<semaphore_mem>>)
      %dma_wait3A_1437 = tpu.memref_slice %arg5[%mul3A_2] : memref<36864xf32, #tpu.memory_space<hbm>> -> memref<1152xf32, #tpu.memory_space<hbm>>
      %dma_wait3A_1438 = tpu.memref_slice %arg5[%mul3A_2] : memref<36864xf32, #tpu.memory_space<hbm>> -> memref<1152xf32, #tpu.memory_space<hbm>>
      tpu.wait_dma2 semaphore(%run_scoped3A : memref<!tpu.dma_semaphore, #tpu.memory_space<semaphore_mem>>) src(%arg10 : memref<1152xf32, #tpu.memory_space<vmem>>) dst(%dma_wait3A_1438 : memref<1152xf32, #tpu.memory_space<hbm>>)
      tpu.yield
    }) : () -> ()
    return
  }
}

#map = affine_map<(d0, d1) -> (0)>
#map1 = affine_map<(d0, d1) -> (0, 0)>
module attributes {stable_mosaic.version = 14 : i64} {
  func.func @gather_k(%arg0: i32, %arg1: i32, %arg2: memref<36864xf32, #tpu.memory_space<hbm>>, %arg3: memref<1x63136xf32, #tpu.memory_space<hbm>>, %arg4: memref<819200xi32, #tpu.memory_space<hbm>>, %arg5: memref<819200xf32, #tpu.memory_space<hbm>>, %arg6: memref<100000xf32, #tpu.memory_space<vmem>>, %arg7: memref<2x6400xi32, #tpu.memory_space<vmem>>, %arg8: memref<2x6400xf32, #tpu.memory_space<vmem>>, %arg9: memref<!tpu.dma_semaphore, #tpu.memory_space<semaphore_mem>>, %arg10: memref<!tpu.dma_semaphore, #tpu.memory_space<semaphore_mem>>, %arg11: memref<!tpu.dma_semaphore, #tpu.memory_space<semaphore_mem>>, %arg12: memref<!tpu.dma_semaphore, #tpu.memory_space<semaphore_mem>>, %arg13: memref<!tpu.dma_semaphore, #tpu.memory_space<semaphore_mem>>, %arg14: memref<!tpu.dma_semaphore, #tpu.memory_space<semaphore_mem>>) attributes {dimension_semantics = [#tpu.dimension_semantics<core_parallel>, #tpu.dimension_semantics<subcore_parallel>], iteration_bounds = array<i64: 2, 16>, scalar_prefetch = 0 : i64, scratch_operands = 9 : i64, tpu.core_type = #tpu.core_type<sc_vector_subcore>, window_params = [{transform_indices = #map}, {transform_indices = #map1}, {transform_indices = #map}, {transform_indices = #map}]} {
    %mul3A = arith.constant 2 : i32
    %mul3A_0 = arith.muli %arg1, %mul3A : i32
    %add3A = arith.addi %mul3A_0, %arg0 : i32
    %mul3A_1 = arith.constant 25600 : i32
    %mul3A_2 = arith.muli %add3A, %mul3A_1 : i32
    %dma_start3A = arith.constant 0 : i32
    %dma_start3A_3 = tpu.memref_slice %arg6[%dma_start3A] : memref<100000xf32, #tpu.memory_space<vmem>> -> memref<36864xf32, #tpu.memory_space<vmem>>
    %dma_start3A_4 = arith.constant 0 : i32
    %dma_start3A_5 = tpu.memref_slice %arg6[%dma_start3A_4] : memref<100000xf32, #tpu.memory_space<vmem>> -> memref<36864xf32, #tpu.memory_space<vmem>>
    tpu.enqueue_dma source(%arg2 : memref<36864xf32, #tpu.memory_space<hbm>>) target(%dma_start3A_5 : memref<36864xf32, #tpu.memory_space<vmem>>) target_semaphore(%arg9 : memref<!tpu.dma_semaphore, #tpu.memory_space<semaphore_mem>>)
    %dma_start3A_6 = arith.constant 0 : i32
    %dma_start3A_7 = arith.constant 36864 : i32
    %dma_start3A_8 = tpu.memref_slice %arg6[%dma_start3A_7] : memref<100000xf32, #tpu.memory_space<vmem>> -> memref<63136xf32, #tpu.memory_space<vmem>>
    %dma_start3A_9 = arith.constant 0 : i32
    %dma_start3A_10 = tpu.memref_slice %arg3[%dma_start3A_6, %dma_start3A_9] : memref<1x63136xf32, #tpu.memory_space<hbm>> -> memref<1x63136xf32, #tpu.memory_space<hbm>>
    %dma_start3A_11 = tpu.memref_squeeze %dma_start3A_10 : memref<1x63136xf32, #tpu.memory_space<hbm>> -> memref<63136xf32, #tpu.memory_space<hbm>>
    %dma_start3A_12 = arith.constant 36864 : i32
    %dma_start3A_13 = tpu.memref_slice %arg6[%dma_start3A_12] : memref<100000xf32, #tpu.memory_space<vmem>> -> memref<63136xf32, #tpu.memory_space<vmem>>
    %dma_start3A_14 = arith.constant 0 : i32
    %dma_start3A_15 = tpu.memref_slice %arg3[%dma_start3A_6, %dma_start3A_14] : memref<1x63136xf32, #tpu.memory_space<hbm>> -> memref<1x63136xf32, #tpu.memory_space<hbm>>
    %dma_start3A_16 = tpu.memref_squeeze %dma_start3A_15 : memref<1x63136xf32, #tpu.memory_space<hbm>> -> memref<63136xf32, #tpu.memory_space<hbm>>
    tpu.enqueue_dma source(%dma_start3A_16 : memref<63136xf32, #tpu.memory_space<hbm>>) target(%dma_start3A_13 : memref<63136xf32, #tpu.memory_space<vmem>>) target_semaphore(%arg10 : memref<!tpu.dma_semaphore, #tpu.memory_space<semaphore_mem>>)
    %add3A_17 = arith.constant 0 : i32
    %add3A_18 = arith.addi %mul3A_2, %add3A_17 : i32
    %dma_start3A_19 = arith.constant 0 : i32
    %dma_start3A_20 = arith.constant 0 : i32
    %dma_start3A_21 = tpu.memref_slice %arg7[%dma_start3A_19, %dma_start3A_20] : memref<2x6400xi32, #tpu.memory_space<vmem>> -> memref<1x6400xi32, #tpu.memory_space<vmem>>
    %dma_start3A_22 = tpu.memref_squeeze %dma_start3A_21 : memref<1x6400xi32, #tpu.memory_space<vmem>> -> memref<6400xi32, #tpu.memory_space<vmem>>
    %dma_start3A_23 = tpu.memref_slice %arg4[%add3A_18] : memref<819200xi32, #tpu.memory_space<hbm>> -> memref<6400xi32, #tpu.memory_space<hbm>>
    %dma_start3A_24 = arith.constant 0 : i32
    %dma_start3A_25 = tpu.memref_slice %arg7[%dma_start3A_19, %dma_start3A_24] : memref<2x6400xi32, #tpu.memory_space<vmem>> -> memref<1x6400xi32, #tpu.memory_space<vmem>>
    %dma_start3A_26 = tpu.memref_squeeze %dma_start3A_25 : memref<1x6400xi32, #tpu.memory_space<vmem>> -> memref<6400xi32, #tpu.memory_space<vmem>>
    %dma_start3A_27 = tpu.memref_slice %arg4[%add3A_18] : memref<819200xi32, #tpu.memory_space<hbm>> -> memref<6400xi32, #tpu.memory_space<hbm>>
    tpu.enqueue_dma source(%dma_start3A_27 : memref<6400xi32, #tpu.memory_space<hbm>>) target(%dma_start3A_26 : memref<6400xi32, #tpu.memory_space<vmem>>) target_semaphore(%arg11 : memref<!tpu.dma_semaphore, #tpu.memory_space<semaphore_mem>>)
    %add3A_28 = arith.constant 6400 : i32
    %add3A_29 = arith.addi %mul3A_2, %add3A_28 : i32
    %dma_start3A_30 = arith.constant 1 : i32
    %dma_start3A_31 = arith.constant 0 : i32
    %dma_start3A_32 = tpu.memref_slice %arg7[%dma_start3A_30, %dma_start3A_31] : memref<2x6400xi32, #tpu.memory_space<vmem>> -> memref<1x6400xi32, #tpu.memory_space<vmem>>
    %dma_start3A_33 = tpu.memref_squeeze %dma_start3A_32 : memref<1x6400xi32, #tpu.memory_space<vmem>> -> memref<6400xi32, #tpu.memory_space<vmem>>
    %dma_start3A_34 = tpu.memref_slice %arg4[%add3A_29] : memref<819200xi32, #tpu.memory_space<hbm>> -> memref<6400xi32, #tpu.memory_space<hbm>>
    %dma_start3A_35 = arith.constant 0 : i32
    %dma_start3A_36 = tpu.memref_slice %arg7[%dma_start3A_30, %dma_start3A_35] : memref<2x6400xi32, #tpu.memory_space<vmem>> -> memref<1x6400xi32, #tpu.memory_space<vmem>>
    %dma_start3A_37 = tpu.memref_squeeze %dma_start3A_36 : memref<1x6400xi32, #tpu.memory_space<vmem>> -> memref<6400xi32, #tpu.memory_space<vmem>>
    %dma_start3A_38 = tpu.memref_slice %arg4[%add3A_29] : memref<819200xi32, #tpu.memory_space<hbm>> -> memref<6400xi32, #tpu.memory_space<hbm>>
    tpu.enqueue_dma source(%dma_start3A_38 : memref<6400xi32, #tpu.memory_space<hbm>>) target(%dma_start3A_37 : memref<6400xi32, #tpu.memory_space<vmem>>) target_semaphore(%arg12 : memref<!tpu.dma_semaphore, #tpu.memory_space<semaphore_mem>>)
    %dma_wait3A = arith.constant 0 : i32
    %dma_wait3A_39 = tpu.memref_slice %arg6[%dma_wait3A] : memref<100000xf32, #tpu.memory_space<vmem>> -> memref<36864xf32, #tpu.memory_space<vmem>>
    %dma_wait3A_40 = arith.constant 0 : i32
    %dma_wait3A_41 = tpu.memref_slice %arg6[%dma_wait3A_40] : memref<100000xf32, #tpu.memory_space<vmem>> -> memref<36864xf32, #tpu.memory_space<vmem>>
    tpu.wait_dma2 semaphore(%arg9 : memref<!tpu.dma_semaphore, #tpu.memory_space<semaphore_mem>>) src(%arg2 : memref<36864xf32, #tpu.memory_space<hbm>>) dst(%dma_wait3A_41 : memref<36864xf32, #tpu.memory_space<vmem>>)
    %dma_wait3A_42 = arith.constant 0 : i32
    %dma_wait3A_43 = arith.constant 36864 : i32
    %dma_wait3A_44 = tpu.memref_slice %arg6[%dma_wait3A_43] : memref<100000xf32, #tpu.memory_space<vmem>> -> memref<63136xf32, #tpu.memory_space<vmem>>
    %dma_wait3A_45 = arith.constant 0 : i32
    %dma_wait3A_46 = tpu.memref_slice %arg3[%dma_wait3A_42, %dma_wait3A_45] : memref<1x63136xf32, #tpu.memory_space<hbm>> -> memref<1x63136xf32, #tpu.memory_space<hbm>>
    %dma_wait3A_47 = tpu.memref_squeeze %dma_wait3A_46 : memref<1x63136xf32, #tpu.memory_space<hbm>> -> memref<63136xf32, #tpu.memory_space<hbm>>
    %dma_wait3A_48 = arith.constant 36864 : i32
    %dma_wait3A_49 = tpu.memref_slice %arg6[%dma_wait3A_48] : memref<100000xf32, #tpu.memory_space<vmem>> -> memref<63136xf32, #tpu.memory_space<vmem>>
    %dma_wait3A_50 = arith.constant 0 : i32
    %dma_wait3A_51 = tpu.memref_slice %arg3[%dma_wait3A_42, %dma_wait3A_50] : memref<1x63136xf32, #tpu.memory_space<hbm>> -> memref<1x63136xf32, #tpu.memory_space<hbm>>
    %dma_wait3A_52 = tpu.memref_squeeze %dma_wait3A_51 : memref<1x63136xf32, #tpu.memory_space<hbm>> -> memref<63136xf32, #tpu.memory_space<hbm>>
    tpu.wait_dma2 semaphore(%arg10 : memref<!tpu.dma_semaphore, #tpu.memory_space<semaphore_mem>>) src(%dma_wait3A_52 : memref<63136xf32, #tpu.memory_space<hbm>>) dst(%dma_wait3A_49 : memref<63136xf32, #tpu.memory_space<vmem>>)
    %dma_wait3A_53 = arith.constant 0 : i32
    %dma_wait3A_54 = arith.constant 0 : i32
    %dma_wait3A_55 = tpu.memref_slice %arg7[%dma_wait3A_53, %dma_wait3A_54] : memref<2x6400xi32, #tpu.memory_space<vmem>> -> memref<1x6400xi32, #tpu.memory_space<vmem>>
    %dma_wait3A_56 = tpu.memref_squeeze %dma_wait3A_55 : memref<1x6400xi32, #tpu.memory_space<vmem>> -> memref<6400xi32, #tpu.memory_space<vmem>>
    %dma_wait3A_57 = tpu.memref_slice %arg4[%add3A_18] : memref<819200xi32, #tpu.memory_space<hbm>> -> memref<6400xi32, #tpu.memory_space<hbm>>
    %dma_wait3A_58 = arith.constant 0 : i32
    %dma_wait3A_59 = tpu.memref_slice %arg7[%dma_wait3A_53, %dma_wait3A_58] : memref<2x6400xi32, #tpu.memory_space<vmem>> -> memref<1x6400xi32, #tpu.memory_space<vmem>>
    %dma_wait3A_60 = tpu.memref_squeeze %dma_wait3A_59 : memref<1x6400xi32, #tpu.memory_space<vmem>> -> memref<6400xi32, #tpu.memory_space<vmem>>
    %dma_wait3A_61 = tpu.memref_slice %arg4[%add3A_18] : memref<819200xi32, #tpu.memory_space<hbm>> -> memref<6400xi32, #tpu.memory_space<hbm>>
    tpu.wait_dma2 semaphore(%arg11 : memref<!tpu.dma_semaphore, #tpu.memory_space<semaphore_mem>>) src(%dma_wait3A_61 : memref<6400xi32, #tpu.memory_space<hbm>>) dst(%dma_wait3A_60 : memref<6400xi32, #tpu.memory_space<vmem>>)
    %parallel_loop3A = arith.constant 0 : i32
    %parallel_loop3A_62 = arith.constant 400 : i32
    %parallel_loop3A_63 = arith.constant 1 : i32
    scf.for %parallel_loop3A_202 = %parallel_loop3A to %parallel_loop3A_62 step %parallel_loop3A_63  : i32 {
      %parallel_loop3A_203 = arith.constant 16 : i32
      %parallel_loop3A_204 = arith.muli %parallel_loop3A_202, %parallel_loop3A_203 : i32
      %parallel_loop3A_205 = arith.constant 0 : i32
      %parallel_loop3A_206 = arith.index_cast %parallel_loop3A_205 : i32 to index
      %parallel_loop3A_207 = arith.index_cast %parallel_loop3A_204 : i32 to index
      %parallel_loop3A_208 = tpu.vector_load %arg7[%parallel_loop3A_206, %parallel_loop3A_207] {strides = array<i32>} : memref<2x6400xi32, #tpu.memory_space<vmem>>, vector<16xi32>,
      %parallel_loop3A_209 = tpu.vector_load_idx %arg6[%parallel_loop3A_208] : memref<100000xf32, #tpu.memory_space<vmem>>[vector<16xi32>], vector<16xf32>,
      %parallel_loop3A_210 = arith.constant 16 : i32
      %parallel_loop3A_211 = arith.muli %parallel_loop3A_202, %parallel_loop3A_210 : i32
      %parallel_loop3A_212 = arith.constant 0 : i32
      %parallel_loop3A_213 = arith.index_cast %parallel_loop3A_212 : i32 to index
      %parallel_loop3A_214 = arith.index_cast %parallel_loop3A_211 : i32 to index
      %parallel_loop3A_215 = tpu.vector_load %arg8[%parallel_loop3A_213, %parallel_loop3A_214] {strides = array<i32>} : memref<2x6400xf32, #tpu.memory_space<vmem>>, vector<16xf32>,
      tpu.vector_store %arg8[%parallel_loop3A_213, %parallel_loop3A_214], %parallel_loop3A_209 {strides = array<i32>} : memref<2x6400xf32, #tpu.memory_space<vmem>>, vector<16xf32>,
    } {sc.loop_unroll_factor = 8 : i64, sc.parallel_access}
    %add3A_64 = arith.constant 0 : i32
    %add3A_65 = arith.addi %mul3A_2, %add3A_64 : i32
    %dma_start3A_66 = arith.constant 0 : i32
    %dma_start3A_67 = arith.constant 0 : i32
    %dma_start3A_68 = tpu.memref_slice %arg8[%dma_start3A_66, %dma_start3A_67] : memref<2x6400xf32, #tpu.memory_space<vmem>> -> memref<1x6400xf32, #tpu.memory_space<vmem>>
    %dma_start3A_69 = tpu.memref_squeeze %dma_start3A_68 : memref<1x6400xf32, #tpu.memory_space<vmem>> -> memref<6400xf32, #tpu.memory_space<vmem>>
    %dma_start3A_70 = tpu.memref_slice %arg5[%add3A_65] : memref<819200xf32, #tpu.memory_space<hbm>> -> memref<6400xf32, #tpu.memory_space<hbm>>
    %dma_start3A_71 = tpu.memref_slice %arg5[%add3A_65] : memref<819200xf32, #tpu.memory_space<hbm>> -> memref<6400xf32, #tpu.memory_space<hbm>>
    %dma_start3A_72 = arith.constant 0 : i32
    %dma_start3A_73 = tpu.memref_slice %arg8[%dma_start3A_66, %dma_start3A_72] : memref<2x6400xf32, #tpu.memory_space<vmem>> -> memref<1x6400xf32, #tpu.memory_space<vmem>>
    %dma_start3A_74 = tpu.memref_squeeze %dma_start3A_73 : memref<1x6400xf32, #tpu.memory_space<vmem>> -> memref<6400xf32, #tpu.memory_space<vmem>>
    tpu.enqueue_dma source(%dma_start3A_74 : memref<6400xf32, #tpu.memory_space<vmem>>) target(%dma_start3A_71 : memref<6400xf32, #tpu.memory_space<hbm>>) target_semaphore(%arg13 : memref<!tpu.dma_semaphore, #tpu.memory_space<semaphore_mem>>)
    %add3A_75 = arith.constant 12800 : i32
    %add3A_76 = arith.addi %mul3A_2, %add3A_75 : i32
    %dma_start3A_77 = arith.constant 0 : i32
    %dma_start3A_78 = arith.constant 0 : i32
    %dma_start3A_79 = tpu.memref_slice %arg7[%dma_start3A_77, %dma_start3A_78] : memref<2x6400xi32, #tpu.memory_space<vmem>> -> memref<1x6400xi32, #tpu.memory_space<vmem>>
    %dma_start3A_80 = tpu.memref_squeeze %dma_start3A_79 : memref<1x6400xi32, #tpu.memory_space<vmem>> -> memref<6400xi32, #tpu.memory_space<vmem>>
    %dma_start3A_81 = tpu.memref_slice %arg4[%add3A_76] : memref<819200xi32, #tpu.memory_space<hbm>> -> memref<6400xi32, #tpu.memory_space<hbm>>
    %dma_start3A_82 = arith.constant 0 : i32
    %dma_start3A_83 = tpu.memref_slice %arg7[%dma_start3A_77, %dma_start3A_82] : memref<2x6400xi32, #tpu.memory_space<vmem>> -> memref<1x6400xi32, #tpu.memory_space<vmem>>
    %dma_start3A_84 = tpu.memref_squeeze %dma_start3A_83 : memref<1x6400xi32, #tpu.memory_space<vmem>> -> memref<6400xi32, #tpu.memory_space<vmem>>
    %dma_start3A_85 = tpu.memref_slice %arg4[%add3A_76] : memref<819200xi32, #tpu.memory_space<hbm>> -> memref<6400xi32, #tpu.memory_space<hbm>>
    tpu.enqueue_dma source(%dma_start3A_85 : memref<6400xi32, #tpu.memory_space<hbm>>) target(%dma_start3A_84 : memref<6400xi32, #tpu.memory_space<vmem>>) target_semaphore(%arg11 : memref<!tpu.dma_semaphore, #tpu.memory_space<semaphore_mem>>)
    %dma_wait3A_86 = arith.constant 1 : i32
    %dma_wait3A_87 = arith.constant 0 : i32
    %dma_wait3A_88 = tpu.memref_slice %arg7[%dma_wait3A_86, %dma_wait3A_87] : memref<2x6400xi32, #tpu.memory_space<vmem>> -> memref<1x6400xi32, #tpu.memory_space<vmem>>
    %dma_wait3A_89 = tpu.memref_squeeze %dma_wait3A_88 : memref<1x6400xi32, #tpu.memory_space<vmem>> -> memref<6400xi32, #tpu.memory_space<vmem>>
    %dma_wait3A_90 = tpu.memref_slice %arg4[%add3A_29] : memref<819200xi32, #tpu.memory_space<hbm>> -> memref<6400xi32, #tpu.memory_space<hbm>>
    %dma_wait3A_91 = arith.constant 0 : i32
    %dma_wait3A_92 = tpu.memref_slice %arg7[%dma_wait3A_86, %dma_wait3A_91] : memref<2x6400xi32, #tpu.memory_space<vmem>> -> memref<1x6400xi32, #tpu.memory_space<vmem>>
    %dma_wait3A_93 = tpu.memref_squeeze %dma_wait3A_92 : memref<1x6400xi32, #tpu.memory_space<vmem>> -> memref<6400xi32, #tpu.memory_space<vmem>>
    %dma_wait3A_94 = tpu.memref_slice %arg4[%add3A_29] : memref<819200xi32, #tpu.memory_space<hbm>> -> memref<6400xi32, #tpu.memory_space<hbm>>
    tpu.wait_dma2 semaphore(%arg12 : memref<!tpu.dma_semaphore, #tpu.memory_space<semaphore_mem>>) src(%dma_wait3A_94 : memref<6400xi32, #tpu.memory_space<hbm>>) dst(%dma_wait3A_93 : memref<6400xi32, #tpu.memory_space<vmem>>)
    %parallel_loop3A_95 = arith.constant 0 : i32
    %parallel_loop3A_96 = arith.constant 400 : i32
    %parallel_loop3A_97 = arith.constant 1 : i32
    scf.for %parallel_loop3A_202 = %parallel_loop3A_95 to %parallel_loop3A_96 step %parallel_loop3A_97  : i32 {
      %parallel_loop3A_203 = arith.constant 16 : i32
      %parallel_loop3A_204 = arith.muli %parallel_loop3A_202, %parallel_loop3A_203 : i32
      %parallel_loop3A_205 = arith.constant 1 : i32
      %parallel_loop3A_206 = arith.index_cast %parallel_loop3A_205 : i32 to index
      %parallel_loop3A_207 = arith.index_cast %parallel_loop3A_204 : i32 to index
      %parallel_loop3A_208 = tpu.vector_load %arg7[%parallel_loop3A_206, %parallel_loop3A_207] {strides = array<i32>} : memref<2x6400xi32, #tpu.memory_space<vmem>>, vector<16xi32>,
      %parallel_loop3A_209 = tpu.vector_load_idx %arg6[%parallel_loop3A_208] : memref<100000xf32, #tpu.memory_space<vmem>>[vector<16xi32>], vector<16xf32>,
      %parallel_loop3A_210 = arith.constant 16 : i32
      %parallel_loop3A_211 = arith.muli %parallel_loop3A_202, %parallel_loop3A_210 : i32
      %parallel_loop3A_212 = arith.constant 1 : i32
      %parallel_loop3A_213 = arith.index_cast %parallel_loop3A_212 : i32 to index
      %parallel_loop3A_214 = arith.index_cast %parallel_loop3A_211 : i32 to index
      %parallel_loop3A_215 = tpu.vector_load %arg8[%parallel_loop3A_213, %parallel_loop3A_214] {strides = array<i32>} : memref<2x6400xf32, #tpu.memory_space<vmem>>, vector<16xf32>,
      tpu.vector_store %arg8[%parallel_loop3A_213, %parallel_loop3A_214], %parallel_loop3A_209 {strides = array<i32>} : memref<2x6400xf32, #tpu.memory_space<vmem>>, vector<16xf32>,
    } {sc.loop_unroll_factor = 8 : i64, sc.parallel_access}
    %add3A_98 = arith.constant 6400 : i32
    %add3A_99 = arith.addi %mul3A_2, %add3A_98 : i32
    %dma_start3A_100 = arith.constant 1 : i32
    %dma_start3A_101 = arith.constant 0 : i32
    %dma_start3A_102 = tpu.memref_slice %arg8[%dma_start3A_100, %dma_start3A_101] : memref<2x6400xf32, #tpu.memory_space<vmem>> -> memref<1x6400xf32, #tpu.memory_space<vmem>>
    %dma_start3A_103 = tpu.memref_squeeze %dma_start3A_102 : memref<1x6400xf32, #tpu.memory_space<vmem>> -> memref<6400xf32, #tpu.memory_space<vmem>>
    %dma_start3A_104 = tpu.memref_slice %arg5[%add3A_99] : memref<819200xf32, #tpu.memory_space<hbm>> -> memref<6400xf32, #tpu.memory_space<hbm>>
    %dma_start3A_105 = tpu.memref_slice %arg5[%add3A_99] : memref<819200xf32, #tpu.memory_space<hbm>> -> memref<6400xf32, #tpu.memory_space<hbm>>
    %dma_start3A_106 = arith.constant 0 : i32
    %dma_start3A_107 = tpu.memref_slice %arg8[%dma_start3A_100, %dma_start3A_106] : memref<2x6400xf32, #tpu.memory_space<vmem>> -> memref<1x6400xf32, #tpu.memory_space<vmem>>
    %dma_start3A_108 = tpu.memref_squeeze %dma_start3A_107 : memref<1x6400xf32, #tpu.memory_space<vmem>> -> memref<6400xf32, #tpu.memory_space<vmem>>
    tpu.enqueue_dma source(%dma_start3A_108 : memref<6400xf32, #tpu.memory_space<vmem>>) target(%dma_start3A_105 : memref<6400xf32, #tpu.memory_space<hbm>>) target_semaphore(%arg14 : memref<!tpu.dma_semaphore, #tpu.memory_space<semaphore_mem>>)
    %add3A_109 = arith.constant 19200 : i32
    %add3A_110 = arith.addi %mul3A_2, %add3A_109 : i32
    %dma_start3A_111 = arith.constant 1 : i32
    %dma_start3A_112 = arith.constant 0 : i32
    %dma_start3A_113 = tpu.memref_slice %arg7[%dma_start3A_111, %dma_start3A_112] : memref<2x6400xi32, #tpu.memory_space<vmem>> -> memref<1x6400xi32, #tpu.memory_space<vmem>>
    %dma_start3A_114 = tpu.memref_squeeze %dma_start3A_113 : memref<1x6400xi32, #tpu.memory_space<vmem>> -> memref<6400xi32, #tpu.memory_space<vmem>>
    %dma_start3A_115 = tpu.memref_slice %arg4[%add3A_110] : memref<819200xi32, #tpu.memory_space<hbm>> -> memref<6400xi32, #tpu.memory_space<hbm>>
    %dma_start3A_116 = arith.constant 0 : i32
    %dma_start3A_117 = tpu.memref_slice %arg7[%dma_start3A_111, %dma_start3A_116] : memref<2x6400xi32, #tpu.memory_space<vmem>> -> memref<1x6400xi32, #tpu.memory_space<vmem>>
    %dma_start3A_118 = tpu.memref_squeeze %dma_start3A_117 : memref<1x6400xi32, #tpu.memory_space<vmem>> -> memref<6400xi32, #tpu.memory_space<vmem>>
    %dma_start3A_119 = tpu.memref_slice %arg4[%add3A_110] : memref<819200xi32, #tpu.memory_space<hbm>> -> memref<6400xi32, #tpu.memory_space<hbm>>
    tpu.enqueue_dma source(%dma_start3A_119 : memref<6400xi32, #tpu.memory_space<hbm>>) target(%dma_start3A_118 : memref<6400xi32, #tpu.memory_space<vmem>>) target_semaphore(%arg12 : memref<!tpu.dma_semaphore, #tpu.memory_space<semaphore_mem>>)
    %dma_wait3A_120 = arith.constant 0 : i32
    %dma_wait3A_121 = arith.constant 0 : i32
    %dma_wait3A_122 = tpu.memref_slice %arg7[%dma_wait3A_120, %dma_wait3A_121] : memref<2x6400xi32, #tpu.memory_space<vmem>> -> memref<1x6400xi32, #tpu.memory_space<vmem>>
    %dma_wait3A_123 = tpu.memref_squeeze %dma_wait3A_122 : memref<1x6400xi32, #tpu.memory_space<vmem>> -> memref<6400xi32, #tpu.memory_space<vmem>>
    %dma_wait3A_124 = tpu.memref_slice %arg4[%add3A_76] : memref<819200xi32, #tpu.memory_space<hbm>> -> memref<6400xi32, #tpu.memory_space<hbm>>
    %dma_wait3A_125 = arith.constant 0 : i32
    %dma_wait3A_126 = tpu.memref_slice %arg7[%dma_wait3A_120, %dma_wait3A_125] : memref<2x6400xi32, #tpu.memory_space<vmem>> -> memref<1x6400xi32, #tpu.memory_space<vmem>>
    %dma_wait3A_127 = tpu.memref_squeeze %dma_wait3A_126 : memref<1x6400xi32, #tpu.memory_space<vmem>> -> memref<6400xi32, #tpu.memory_space<vmem>>
    %dma_wait3A_128 = tpu.memref_slice %arg4[%add3A_76] : memref<819200xi32, #tpu.memory_space<hbm>> -> memref<6400xi32, #tpu.memory_space<hbm>>
    tpu.wait_dma2 semaphore(%arg11 : memref<!tpu.dma_semaphore, #tpu.memory_space<semaphore_mem>>) src(%dma_wait3A_128 : memref<6400xi32, #tpu.memory_space<hbm>>) dst(%dma_wait3A_127 : memref<6400xi32, #tpu.memory_space<vmem>>)
    %dma_wait3A_129 = arith.constant 0 : i32
    %dma_wait3A_130 = arith.constant 0 : i32
    %dma_wait3A_131 = tpu.memref_slice %arg8[%dma_wait3A_129, %dma_wait3A_130] : memref<2x6400xf32, #tpu.memory_space<vmem>> -> memref<1x6400xf32, #tpu.memory_space<vmem>>
    %dma_wait3A_132 = tpu.memref_squeeze %dma_wait3A_131 : memref<1x6400xf32, #tpu.memory_space<vmem>> -> memref<6400xf32, #tpu.memory_space<vmem>>
    %dma_wait3A_133 = tpu.memref_slice %arg5[%add3A_65] : memref<819200xf32, #tpu.memory_space<hbm>> -> memref<6400xf32, #tpu.memory_space<hbm>>
    %dma_wait3A_134 = tpu.memref_slice %arg5[%add3A_65] : memref<819200xf32, #tpu.memory_space<hbm>> -> memref<6400xf32, #tpu.memory_space<hbm>>
    %dma_wait3A_135 = arith.constant 0 : i32
    %dma_wait3A_136 = tpu.memref_slice %arg8[%dma_wait3A_129, %dma_wait3A_135] : memref<2x6400xf32, #tpu.memory_space<vmem>> -> memref<1x6400xf32, #tpu.memory_space<vmem>>
    %dma_wait3A_137 = tpu.memref_squeeze %dma_wait3A_136 : memref<1x6400xf32, #tpu.memory_space<vmem>> -> memref<6400xf32, #tpu.memory_space<vmem>>
    tpu.wait_dma2 semaphore(%arg13 : memref<!tpu.dma_semaphore, #tpu.memory_space<semaphore_mem>>) src(%dma_wait3A_137 : memref<6400xf32, #tpu.memory_space<vmem>>) dst(%dma_wait3A_134 : memref<6400xf32, #tpu.memory_space<hbm>>)
    %parallel_loop3A_138 = arith.constant 0 : i32
    %parallel_loop3A_139 = arith.constant 400 : i32
    %parallel_loop3A_140 = arith.constant 1 : i32
    scf.for %parallel_loop3A_202 = %parallel_loop3A_138 to %parallel_loop3A_139 step %parallel_loop3A_140  : i32 {
      %parallel_loop3A_203 = arith.constant 16 : i32
      %parallel_loop3A_204 = arith.muli %parallel_loop3A_202, %parallel_loop3A_203 : i32
      %parallel_loop3A_205 = arith.constant 0 : i32
      %parallel_loop3A_206 = arith.index_cast %parallel_loop3A_205 : i32 to index
      %parallel_loop3A_207 = arith.index_cast %parallel_loop3A_204 : i32 to index
      %parallel_loop3A_208 = tpu.vector_load %arg7[%parallel_loop3A_206, %parallel_loop3A_207] {strides = array<i32>} : memref<2x6400xi32, #tpu.memory_space<vmem>>, vector<16xi32>,
      %parallel_loop3A_209 = tpu.vector_load_idx %arg6[%parallel_loop3A_208] : memref<100000xf32, #tpu.memory_space<vmem>>[vector<16xi32>], vector<16xf32>,
      %parallel_loop3A_210 = arith.constant 16 : i32
      %parallel_loop3A_211 = arith.muli %parallel_loop3A_202, %parallel_loop3A_210 : i32
      %parallel_loop3A_212 = arith.constant 0 : i32
      %parallel_loop3A_213 = arith.index_cast %parallel_loop3A_212 : i32 to index
      %parallel_loop3A_214 = arith.index_cast %parallel_loop3A_211 : i32 to index
      %parallel_loop3A_215 = tpu.vector_load %arg8[%parallel_loop3A_213, %parallel_loop3A_214] {strides = array<i32>} : memref<2x6400xf32, #tpu.memory_space<vmem>>, vector<16xf32>,
      tpu.vector_store %arg8[%parallel_loop3A_213, %parallel_loop3A_214], %parallel_loop3A_209 {strides = array<i32>} : memref<2x6400xf32, #tpu.memory_space<vmem>>, vector<16xf32>,
    } {sc.loop_unroll_factor = 8 : i64, sc.parallel_access}
    %add3A_141 = arith.constant 12800 : i32
    %add3A_142 = arith.addi %mul3A_2, %add3A_141 : i32
    %dma_start3A_143 = arith.constant 0 : i32
    %dma_start3A_144 = arith.constant 0 : i32
    %dma_start3A_145 = tpu.memref_slice %arg8[%dma_start3A_143, %dma_start3A_144] : memref<2x6400xf32, #tpu.memory_space<vmem>> -> memref<1x6400xf32, #tpu.memory_space<vmem>>
    %dma_start3A_146 = tpu.memref_squeeze %dma_start3A_145 : memref<1x6400xf32, #tpu.memory_space<vmem>> -> memref<6400xf32, #tpu.memory_space<vmem>>
    %dma_start3A_147 = tpu.memref_slice %arg5[%add3A_142] : memref<819200xf32, #tpu.memory_space<hbm>> -> memref<6400xf32, #tpu.memory_space<hbm>>
    %dma_start3A_148 = tpu.memref_slice %arg5[%add3A_142] : memref<819200xf32, #tpu.memory_space<hbm>> -> memref<6400xf32, #tpu.memory_space<hbm>>
    %dma_start3A_149 = arith.constant 0 : i32
    %dma_start3A_150 = tpu.memref_slice %arg8[%dma_start3A_143, %dma_start3A_149] : memref<2x6400xf32, #tpu.memory_space<vmem>> -> memref<1x6400xf32, #tpu.memory_space<vmem>>
    %dma_start3A_151 = tpu.memref_squeeze %dma_start3A_150 : memref<1x6400xf32, #tpu.memory_space<vmem>> -> memref<6400xf32, #tpu.memory_space<vmem>>
    tpu.enqueue_dma source(%dma_start3A_151 : memref<6400xf32, #tpu.memory_space<vmem>>) target(%dma_start3A_148 : memref<6400xf32, #tpu.memory_space<hbm>>) target_semaphore(%arg13 : memref<!tpu.dma_semaphore, #tpu.memory_space<semaphore_mem>>)
    %dma_wait3A_152 = arith.constant 1 : i32
    %dma_wait3A_153 = arith.constant 0 : i32
    %dma_wait3A_154 = tpu.memref_slice %arg7[%dma_wait3A_152, %dma_wait3A_153] : memref<2x6400xi32, #tpu.memory_space<vmem>> -> memref<1x6400xi32, #tpu.memory_space<vmem>>
    %dma_wait3A_155 = tpu.memref_squeeze %dma_wait3A_154 : memref<1x6400xi32, #tpu.memory_space<vmem>> -> memref<6400xi32, #tpu.memory_space<vmem>>
    %dma_wait3A_156 = tpu.memref_slice %arg4[%add3A_110] : memref<819200xi32, #tpu.memory_space<hbm>> -> memref<6400xi32, #tpu.memory_space<hbm>>
    %dma_wait3A_157 = arith.constant 0 : i32
    %dma_wait3A_158 = tpu.memref_slice %arg7[%dma_wait3A_152, %dma_wait3A_157] : memref<2x6400xi32, #tpu.memory_space<vmem>> -> memref<1x6400xi32, #tpu.memory_space<vmem>>
    %dma_wait3A_159 = tpu.memref_squeeze %dma_wait3A_158 : memref<1x6400xi32, #tpu.memory_space<vmem>> -> memref<6400xi32, #tpu.memory_space<vmem>>
    %dma_wait3A_160 = tpu.memref_slice %arg4[%add3A_110] : memref<819200xi32, #tpu.memory_space<hbm>> -> memref<6400xi32, #tpu.memory_space<hbm>>
    tpu.wait_dma2 semaphore(%arg12 : memref<!tpu.dma_semaphore, #tpu.memory_space<semaphore_mem>>) src(%dma_wait3A_160 : memref<6400xi32, #tpu.memory_space<hbm>>) dst(%dma_wait3A_159 : memref<6400xi32, #tpu.memory_space<vmem>>)
    %dma_wait3A_161 = arith.constant 1 : i32
    %dma_wait3A_162 = arith.constant 0 : i32
    %dma_wait3A_163 = tpu.memref_slice %arg8[%dma_wait3A_161, %dma_wait3A_162] : memref<2x6400xf32, #tpu.memory_space<vmem>> -> memref<1x6400xf32, #tpu.memory_space<vmem>>
    %dma_wait3A_164 = tpu.memref_squeeze %dma_wait3A_163 : memref<1x6400xf32, #tpu.memory_space<vmem>> -> memref<6400xf32, #tpu.memory_space<vmem>>
    %dma_wait3A_165 = tpu.memref_slice %arg5[%add3A_99] : memref<819200xf32, #tpu.memory_space<hbm>> -> memref<6400xf32, #tpu.memory_space<hbm>>
    %dma_wait3A_166 = tpu.memref_slice %arg5[%add3A_99] : memref<819200xf32, #tpu.memory_space<hbm>> -> memref<6400xf32, #tpu.memory_space<hbm>>
    %dma_wait3A_167 = arith.constant 0 : i32
    %dma_wait3A_168 = tpu.memref_slice %arg8[%dma_wait3A_161, %dma_wait3A_167] : memref<2x6400xf32, #tpu.memory_space<vmem>> -> memref<1x6400xf32, #tpu.memory_space<vmem>>
    %dma_wait3A_169 = tpu.memref_squeeze %dma_wait3A_168 : memref<1x6400xf32, #tpu.memory_space<vmem>> -> memref<6400xf32, #tpu.memory_space<vmem>>
    tpu.wait_dma2 semaphore(%arg14 : memref<!tpu.dma_semaphore, #tpu.memory_space<semaphore_mem>>) src(%dma_wait3A_169 : memref<6400xf32, #tpu.memory_space<vmem>>) dst(%dma_wait3A_166 : memref<6400xf32, #tpu.memory_space<hbm>>)
    %parallel_loop3A_170 = arith.constant 0 : i32
    %parallel_loop3A_171 = arith.constant 400 : i32
    %parallel_loop3A_172 = arith.constant 1 : i32
    scf.for %parallel_loop3A_202 = %parallel_loop3A_170 to %parallel_loop3A_171 step %parallel_loop3A_172  : i32 {
      %parallel_loop3A_203 = arith.constant 16 : i32
      %parallel_loop3A_204 = arith.muli %parallel_loop3A_202, %parallel_loop3A_203 : i32
      %parallel_loop3A_205 = arith.constant 1 : i32
      %parallel_loop3A_206 = arith.index_cast %parallel_loop3A_205 : i32 to index
      %parallel_loop3A_207 = arith.index_cast %parallel_loop3A_204 : i32 to index
      %parallel_loop3A_208 = tpu.vector_load %arg7[%parallel_loop3A_206, %parallel_loop3A_207] {strides = array<i32>} : memref<2x6400xi32, #tpu.memory_space<vmem>>, vector<16xi32>,
      %parallel_loop3A_209 = tpu.vector_load_idx %arg6[%parallel_loop3A_208] : memref<100000xf32, #tpu.memory_space<vmem>>[vector<16xi32>], vector<16xf32>,
      %parallel_loop3A_210 = arith.constant 16 : i32
      %parallel_loop3A_211 = arith.muli %parallel_loop3A_202, %parallel_loop3A_210 : i32
      %parallel_loop3A_212 = arith.constant 1 : i32
      %parallel_loop3A_213 = arith.index_cast %parallel_loop3A_212 : i32 to index
      %parallel_loop3A_214 = arith.index_cast %parallel_loop3A_211 : i32 to index
      %parallel_loop3A_215 = tpu.vector_load %arg8[%parallel_loop3A_213, %parallel_loop3A_214] {strides = array<i32>} : memref<2x6400xf32, #tpu.memory_space<vmem>>, vector<16xf32>,
      tpu.vector_store %arg8[%parallel_loop3A_213, %parallel_loop3A_214], %parallel_loop3A_209 {strides = array<i32>} : memref<2x6400xf32, #tpu.memory_space<vmem>>, vector<16xf32>,
    } {sc.loop_unroll_factor = 8 : i64, sc.parallel_access}
    %add3A_173 = arith.constant 19200 : i32
    %add3A_174 = arith.addi %mul3A_2, %add3A_173 : i32
    %dma_start3A_175 = arith.constant 1 : i32
    %dma_start3A_176 = arith.constant 0 : i32
    %dma_start3A_177 = tpu.memref_slice %arg8[%dma_start3A_175, %dma_start3A_176] : memref<2x6400xf32, #tpu.memory_space<vmem>> -> memref<1x6400xf32, #tpu.memory_space<vmem>>
    %dma_start3A_178 = tpu.memref_squeeze %dma_start3A_177 : memref<1x6400xf32, #tpu.memory_space<vmem>> -> memref<6400xf32, #tpu.memory_space<vmem>>
    %dma_start3A_179 = tpu.memref_slice %arg5[%add3A_174] : memref<819200xf32, #tpu.memory_space<hbm>> -> memref<6400xf32, #tpu.memory_space<hbm>>
    %dma_start3A_180 = tpu.memref_slice %arg5[%add3A_174] : memref<819200xf32, #tpu.memory_space<hbm>> -> memref<6400xf32, #tpu.memory_space<hbm>>
    %dma_start3A_181 = arith.constant 0 : i32
    %dma_start3A_182 = tpu.memref_slice %arg8[%dma_start3A_175, %dma_start3A_181] : memref<2x6400xf32, #tpu.memory_space<vmem>> -> memref<1x6400xf32, #tpu.memory_space<vmem>>
    %dma_start3A_183 = tpu.memref_squeeze %dma_start3A_182 : memref<1x6400xf32, #tpu.memory_space<vmem>> -> memref<6400xf32, #tpu.memory_space<vmem>>
    tpu.enqueue_dma source(%dma_start3A_183 : memref<6400xf32, #tpu.memory_space<vmem>>) target(%dma_start3A_180 : memref<6400xf32, #tpu.memory_space<hbm>>) target_semaphore(%arg14 : memref<!tpu.dma_semaphore, #tpu.memory_space<semaphore_mem>>)
    %dma_wait3A_184 = arith.constant 0 : i32
    %dma_wait3A_185 = arith.constant 0 : i32
    %dma_wait3A_186 = tpu.memref_slice %arg8[%dma_wait3A_184, %dma_wait3A_185] : memref<2x6400xf32, #tpu.memory_space<vmem>> -> memref<1x6400xf32, #tpu.memory_space<vmem>>
    %dma_wait3A_187 = tpu.memref_squeeze %dma_wait3A_186 : memref<1x6400xf32, #tpu.memory_space<vmem>> -> memref<6400xf32, #tpu.memory_space<vmem>>
    %dma_wait3A_188 = tpu.memref_slice %arg5[%add3A_142] : memref<819200xf32, #tpu.memory_space<hbm>> -> memref<6400xf32, #tpu.memory_space<hbm>>
    %dma_wait3A_189 = tpu.memref_slice %arg5[%add3A_142] : memref<819200xf32, #tpu.memory_space<hbm>> -> memref<6400xf32, #tpu.memory_space<hbm>>
    %dma_wait3A_190 = arith.constant 0 : i32
    %dma_wait3A_191 = tpu.memref_slice %arg8[%dma_wait3A_184, %dma_wait3A_190] : memref<2x6400xf32, #tpu.memory_space<vmem>> -> memref<1x6400xf32, #tpu.memory_space<vmem>>
    %dma_wait3A_192 = tpu.memref_squeeze %dma_wait3A_191 : memref<1x6400xf32, #tpu.memory_space<vmem>> -> memref<6400xf32, #tpu.memory_space<vmem>>
    tpu.wait_dma2 semaphore(%arg13 : memref<!tpu.dma_semaphore, #tpu.memory_space<semaphore_mem>>) src(%dma_wait3A_192 : memref<6400xf32, #tpu.memory_space<vmem>>) dst(%dma_wait3A_189 : memref<6400xf32, #tpu.memory_space<hbm>>)
    %dma_wait3A_193 = arith.constant 1 : i32
    %dma_wait3A_194 = arith.constant 0 : i32
    %dma_wait3A_195 = tpu.memref_slice %arg8[%dma_wait3A_193, %dma_wait3A_194] : memref<2x6400xf32, #tpu.memory_space<vmem>> -> memref<1x6400xf32, #tpu.memory_space<vmem>>
    %dma_wait3A_196 = tpu.memref_squeeze %dma_wait3A_195 : memref<1x6400xf32, #tpu.memory_space<vmem>> -> memref<6400xf32, #tpu.memory_space<vmem>>
    %dma_wait3A_197 = tpu.memref_slice %arg5[%add3A_174] : memref<819200xf32, #tpu.memory_space<hbm>> -> memref<6400xf32, #tpu.memory_space<hbm>>
    %dma_wait3A_198 = tpu.memref_slice %arg5[%add3A_174] : memref<819200xf32, #tpu.memory_space<hbm>> -> memref<6400xf32, #tpu.memory_space<hbm>>
    %dma_wait3A_199 = arith.constant 0 : i32
    %dma_wait3A_200 = tpu.memref_slice %arg8[%dma_wait3A_193, %dma_wait3A_199] : memref<2x6400xf32, #tpu.memory_space<vmem>> -> memref<1x6400xf32, #tpu.memory_space<vmem>>
    %dma_wait3A_201 = tpu.memref_squeeze %dma_wait3A_200 : memref<1x6400xf32, #tpu.memory_space<vmem>> -> memref<6400xf32, #tpu.memory_space<vmem>>
    tpu.wait_dma2 semaphore(%arg14 : memref<!tpu.dma_semaphore, #tpu.memory_space<semaphore_mem>>) src(%dma_wait3A_201 : memref<6400xf32, #tpu.memory_space<vmem>>) dst(%dma_wait3A_198 : memref<6400xf32, #tpu.memory_space<hbm>>)
    return
  }
}

module attributes {stable_mosaic.version = 14 : i64} {
  func.func @_proj_body(%arg0: i32, %arg1: memref<300x9216xf32, #tpu.memory_space<vmem>>, %arg2: memref<300x1xf32, #tpu.memory_space<vmem>>, %arg3: memref<1x1xf32, #tpu.memory_space<vmem>>, %arg4: memref<1x9216xf32, #tpu.memory_space<vmem>>) attributes {dimension_semantics = [#tpu.dimension_semantics<arbitrary>], iteration_bounds = array<i64: 7>, scalar_prefetch = 0 : i64, scratch_operands = 0 : i64, tpu.core_type = #tpu.core_type<tc>, window_params = [{transform_indices = @transform_0, window_bounds = array<i64: 300, 9216>}, {pipeline_mode = #tpu.pipeline_mode<synchronous>, transform_indices = @transform_1, window_bounds = array<i64: 300, 1>}, {pipeline_mode = #tpu.pipeline_mode<synchronous>, transform_indices = @transform_2, window_bounds = array<i64: 1, 1>}, {transform_indices = @transform_3, window_bounds = array<i64: 1, 9216>}]} {
    %get3A = arith.constant 0 : index
    %get3A_0 = arith.constant 0 : index
    %get3A_1 = vector.load %arg1[%get3A, %get3A_0] : memref<300x9216xf32, #tpu.memory_space<vmem>>, vector<300x9216xf32>
    %get3A_2 = arith.constant 0 : index
    %get3A_3 = arith.constant 0 : index
    %get3A_4 = vector.load %arg2[%get3A_2, %get3A_3] : memref<300x1xf32, #tpu.memory_space<vmem>>, vector<300x1xf32>
    %mul3A = vector.broadcast %get3A_4 : vector<300x1xf32> to vector<300x9216xf32>
    %mul3A_5 = arith.mulf %get3A_1, %mul3A : vector<300x9216xf32>
    %reduce_sum3A = arith.constant dense<0.000000e+00> : vector<9216xf32>
    %reduce_sum3A_6 = vector.multi_reduction <add>, %mul3A_5, %reduce_sum3A [0] : vector<300x9216xf32> to vector<9216xf32>
    %broadcast_in_dim3A = vector.shape_cast %reduce_sum3A_6 : vector<9216xf32> to vector<1x9216xf32>
    %get3A_7 = arith.constant 0 : index
    %get3A_8 = arith.constant 0 : index
    %get3A_9 = vector.load %arg3[%get3A_7, %get3A_8] : memref<1x1xf32, #tpu.memory_space<vmem>>, vector<1x1xf32>
    %get3A_10 = vector.extract %get3A_9[0, 0] : f32 from vector<1x1xf32>
    %add3A = vector.broadcast %get3A_10 : f32 to vector<1x9216xf32>
    %add3A_11 = arith.addf %broadcast_in_dim3A, %add3A : vector<1x9216xf32>
    %max3A = arith.constant 0.000000e+00 : f32
    %max3A_12 = vector.broadcast %max3A : f32 to vector<1x9216xf32>
    %max3A_13 = arith.maximumf %add3A_11, %max3A_12 : vector<1x9216xf32>
    %logistic3A = arith.negf %max3A_13 : vector<1x9216xf32>
    %logistic3A_14 = math.exp %logistic3A : vector<1x9216xf32>
    %logistic3A_15 = arith.constant 1.000000e+00 : f32
    %logistic3A_16 = vector.broadcast %logistic3A_15 : f32 to vector<1x9216xf32>
    %logistic3A_17 = arith.addf %logistic3A_16, %logistic3A_14 : vector<1x9216xf32>
    %logistic3A_18 = arith.divf %logistic3A_16, %logistic3A_17 : vector<1x9216xf32>
    %swap3A = arith.constant 0 : index
    %swap3A_19 = arith.constant 0 : index
    %swap3A_20 = vector.load %arg4[%swap3A, %swap3A_19] : memref<1x9216xf32, #tpu.memory_space<vmem>>, vector<1x9216xf32>
    tpu.vector_store %arg4[%swap3A, %swap3A_19], %logistic3A_18 {strides = array<i32>} : memref<1x9216xf32, #tpu.memory_space<vmem>>, vector<1x9216xf32>,
    return
  }
  func.func @transform_0(%arg0: i32) -> (i32, i32) {
    %add3A = arith.constant 4 : i32
    %add3A_0 = arith.addi %arg0, %add3A : i32
    %c0_i32 = arith.constant 0 : i32
    %c0_i32_1 = arith.constant 0 : i32
    return %c0_i32, %add3A_0 : i32, i32
  }
  func.func @transform_1(%arg0: i32) -> (i32, i32) {
    %c0_i32 = arith.constant 0 : i32
    %c0_i32_0 = arith.constant 0 : i32
    %c0_i32_1 = arith.constant 0 : i32
    return %c0_i32, %c0_i32_0 : i32, i32
  }
  func.func @transform_2(%arg0: i32) -> (i32, i32) {
    %c0_i32 = arith.constant 0 : i32
    %c0_i32_0 = arith.constant 0 : i32
    %c0_i32_1 = arith.constant 0 : i32
    return %c0_i32, %c0_i32_0 : i32, i32
  }
  func.func @transform_3(%arg0: i32) -> (i32, i32) {
    %c0_i32 = arith.constant 0 : i32
    %c0_i32_0 = arith.constant 0 : i32
    return %c0_i32, %arg0 : i32, i32
  }
}

</mosaic_0001>

<sc_bundles>
// kernel: kernel.5.cloned.1.call-start
scs
__scs_entry_jumppad:
0x0: {  	(pc) =	sbr.rel $0x88, $3  }
0x1: {  	(tag) =	ssettag $0x0;
	lr =	simm.s32 $0x1  }
0x2: {  	[smem:$0x3F9D] =	sst lr;
	_ =	strace $0xD0000000  }
0x3: {  	_ = 	snop  }
0x4: {  	_ = 	snop  }
0x5: {  	_ = 	snop  }
0x6: {  	_ = 	snop  }
0x7: {  	_ = 	snop  }
__scs_overlays_trampoline_lowered:
0x8: {  	[smem:$0x3FAC] =	sst s0  }
0x9: {  	[smem:$0x3FAD] =	sst s1  }
0xa: {  	[smem:$0x3FAE] =	sst s2  }
0xb: {  	[smem:$0x3FAF] =	sst s3  }
0xc: {  	[smem:$0x3FB0] =	sst s4  }
0xd: {  	[smem:$0x3FB1] =	sst s5  }
0xe: {  	[smem:$0x3FB2] =	sst s6  }
0xf: {  	[smem:$0x3FB3] =	sst s7  }
0x10: {  	[smem:$0x3FB4] =	sst s8  }
0x11: {  	[smem:$0x3FB5] =	sst s9;
	s0 =	simm.s32 @!p0 $0x0  }
0x12: {  	s1 =	sld [smem:$0x3F9B];
	s0 =	simm.s32 @p0 $0x1  }
0x13: {  	[smem:$0x3FB6] =	sst s0;
	s0 =	simm.s32 @!p1 $0x0  }
0x14: {  	s2 =	sld [smem:$0x3F9A];
	s0 =	simm.s32 @p1 $0x1  }
0x15: {  	[smem:$0x3FB7] =	sst s0;
	s0 =	simm.s32 @!p2 $0x0  }
0x16: {  	s3 =	sld [smem:$0x3FDB];
	s0 =	simm.s32 @p2 $0x1  }
0x17: {  	s4 =	simm.s32 $0x1BF5;
	[smem:$0x3FB9] =	sst s0  }
0x18: {  	s0 =	sld [smem:$0x3F9C];
	_ =	swait.ge [sflag:s4], $0x0  }
0x19: {  	s7 =	sld [smem:$0x3F9D]  }
0x1a: {  	s8 =	sadd.s32 $0xFFFFE003, lr  }
0x1b: {  	s9 =	sadd.s32 $0xFFFFFEF7, lr;
	s5 =	simm.s32 $0xFFFFFFFF;
	p2 =	slt.u32 s8, $0xFFFFF086  }
0x1c: {  	p1 =	slt.u32 s9, $0xF7A;
	s5 =	simm.s32 @!p2 $0x0  }
0x1d: {  	s5 =	simm.s32 @p1 $0x1;
	p0 =	seq.s32 s7, s2  }
0x1e: {  	s7 =	smul.u32 @!p0 $0xF7A, s2;
	p2 =	seq.s32 @!p0 s5, $0x0  }
0x1f: {  	s9 =	smul.u32 $0xF7A, s1;
	s8 =	simm.s32 @!p0 $0x1BF5;
	p2 =	por !p2, p0  }
0x20: {  	[sflag:s8] =	ssyncset.s32 @!p0 $0xFFFFF086;
	s6 =	sadd.s32 @!p0 s3, s7;
	s7 =	simm.s32 @!p0 $0x108  }
0x21: {  	s3 =	sadd.s32 s3, s9;
	s6 =	sadd.s32 @!p0 $0x88, s6;
	s7 =	simm.s32 @p2 $0x1082  }
0x22: {  	[simem:s7], [sflag:s8] =	dma.local @!p0 [hbm:s6], $0xF7A  }
0x23: {  	s9 =	sor.u32 $0xD0000000, s2;
	s6 =	simm.s32 $0x108;
	_ =	swait.ge @!p0 [sflag:s8], $0x0  }
0x24: {  	s3 =	sadd.s32 $0x88, s3;
	s6 =	simm.s32 @!p1 $0x1082;
	[sflag:s4] =	ssyncset.s32 $0xFFFFF086  }
0x25: {  	[simem:s6], [sflag:s4] =	dma.local [hbm:s3], $0xF7A  }
0x26: {  	[smem:$0x3F9D] =	sst s1;
	(tag) =	ssettag s2;
	_ =	strace s9  }
0x27: {  	s1 =	sld [smem:$0x3FAD]  }
0x28: {  	s2 =	sld [smem:$0x3FAE]  }
0x29: {  	s4 =	sld [smem:$0x3FB0]  }
0x2a: {  	p0 =	seq.s32 s5, $0x0;
	s5 =	sld [smem:$0x3FB1]  }
0x2b: {  	s6 =	sld [smem:$0x3FB2]  }
0x2c: {  	s7 =	sld [smem:$0x3FB3]  }
0x2d: {  	s3 =	simm.s32 $0x108;
	s8 =	sld [smem:$0x3FB4]  }
0x2e: {  	s3 =	simm.s32 @!p0 $0x1082;
	s9 =	sld [smem:$0x3FB5]  }
0x2f: {  	lr =	sadd.s32 s0, s3;
	s0 =	sld [smem:$0x3FAC]  }
0x30: {  	s3 =	sld [smem:$0x3FAF]  }
0x31: {  	[smem:$0x3FB8] =	sst s10  }
0x32: {  	s10 =	sld [smem:$0x3FB6];
	_ =	sdelay $0x3  }
0x33: {  	p0 =	seq.s32 s10, $0x1;
	s10 =	sld [smem:$0x3FB8];
	_ =	sdelay $0x3  }
0x34: {  	[smem:$0x3FB8] =	sst s10  }
0x35: {  	s10 =	sld [smem:$0x3FB7];
	_ =	sdelay $0x3  }
0x36: {  	p1 =	seq.s32 s10, $0x1;
	s10 =	sld [smem:$0x3FB8];
	_ =	sdelay $0x3  }
0x37: {  	[smem:$0x3FB8] =	sst s10  }
0x38: {  	s10 =	sld [smem:$0x3FB9]  }
0x39: {  	_ = 	snop;
	(pc) =	sbr.ind lr, $3  }
0x3a: {  	_ = 	snop  }
0x3b: {  	_ = 	snop  }
0x3c: {  	p2 =	seq.s32 s10, $0x1;
	s10 =	sld [smem:$0x3FB8]  }
0x3d: {  	_ =	shalt  }
0x3e: {  	_ =	shalt  }
0x3f: {  	_ =	shalt  }
0x40: {  	_ =	shalt  }
0x41: {  	_ =	shalt  }
0x42: {  	_ =	shalt  }
0x43: {  	_ =	shalt  }
0x44: {  	_ =	shalt  }
0x45: {  	_ =	shalt  }
0x46: {  	_ =	shalt  }
0x47: {  	_ =	shalt  }
0x48: {  	_ =	shalt  }
0x49: {  	_ =	shalt  }
0x4a: {  	_ =	shalt  }
0x4b: {  	_ =	shalt  }
0x4c: {  	_ =	shalt  }
0x4d: {  	_ =	shalt  }
0x4e: {  	_ =	shalt  }
0x4f: {  	_ =	shalt  }
0x50: {  	_ =	shalt  }
0x51: {  	_ =	shalt  }
0x52: {  	_ =	shalt  }
0x53: {  	_ =	shalt  }
0x54: {  	_ =	shalt  }
0x55: {  	_ =	shalt  }
0x56: {  	_ =	shalt  }
0x57: {  	_ =	shalt  }
0x58: {  	_ =	shalt  }
0x59: {  	_ =	shalt  }
0x5a: {  	_ =	shalt  }
0x5b: {  	_ =	shalt  }
0x5c: {  	_ =	shalt  }
0x5d: {  	_ =	shalt  }
0x5e: {  	_ =	shalt  }
0x5f: {  	_ =	shalt  }
0x60: {  	_ =	shalt  }
0x61: {  	_ =	shalt  }
0x62: {  	_ =	shalt  }
0x63: {  	_ =	shalt  }
0x64: {  	_ =	shalt  }
0x65: {  	_ =	shalt  }
0x66: {  	_ =	shalt  }
0x67: {  	_ =	shalt  }
0x68: {  	_ =	shalt  }
0x69: {  	_ =	shalt  }
0x6a: {  	_ =	shalt  }
0x6b: {  	_ =	shalt  }
0x6c: {  	_ =	shalt  }
0x6d: {  	_ =	shalt  }
0x6e: {  	_ =	shalt  }
0x6f: {  	_ =	shalt  }
0x70: {  	_ =	shalt  }
0x71: {  	_ =	shalt  }
0x72: {  	_ =	shalt  }
0x73: {  	_ =	shalt  }
0x74: {  	_ =	shalt  }
0x75: {  	_ =	shalt  }
0x76: {  	_ =	shalt  }
0x77: {  	_ =	shalt  }
0x78: {  	_ =	shalt  }
0x79: {  	_ =	shalt  }
0x7a: {  	_ =	shalt  }
0x7b: {  	_ =	shalt  }
0x7c: {  	_ =	shalt  }
0x7d: {  	_ =	shalt  }
0x7e: {  	_ =	shalt  }
0x7f: {  	_ =	shalt  }
0x80: {  	_ =	shalt  }
0x81: {  	_ =	shalt  }
0x82: {  	_ =	shalt  }
0x83: {  	_ =	shalt  }
0x84: {  	_ =	shalt  }
0x85: {  	_ =	shalt  }
0x86: {  	_ =	shalt  }
0x87: {  	_ =	shalt  }
.Lfunc_end0:
.L_simem_size_0:
called_computation_lowered:
.L_overlay_start_0:
0x88: {  	s2 =	sld [smem:$0x3FD9]  }
0x89: {  	s3 =	sld [smem:$0x3FFE];
	_ =	sdelay $0x1  }
0x8a: {  	s1 =	srdreg.scid  }
0x8b: {  	s0 =	sand.u32 $0x1, s1  }
0x8c: {  	s17 =	sshll.u32 s0, $0xA;
	s2 =	sadd.s32 s3, s2  }
0x8d: {  	s2 =	sadd.s32 s2, s17  }
0x8e: {  	[smem:$0x3FC4] =	sst s2  }
0x8f: {  	_ = 	snop  }
0x90: {  	s2 =	sld [smem:$0x3FC8]  }
0x91: {  	s18 =	sld [smem:$0x3FD0];
	(tm) =	ssettm $0x1  }
0x92: {  	s4 =	sld [smem:$0x3FFB];
	_ =	sdelay $0x3  }
0x93: {  	_ =	strace s4  }
0x94: {  	s4 =	sld [smem:$0x3FFC];
	_ =	sdelay $0x3  }
0x95: {  	_ =	strace s4  }
0x96: {  	s4 =	sld [smem:$0x3FFD];
	_ =	sdelay $0x3  }
0x97: {  	_ =	strace s4  }
0x98: {  	_ =	strace $0x8FFFFFFF  }
0x99: {  	s19 =	sld [smem:$0x3FDB];
	_ =	sdelay $0x1  }
0x9a: {  	s5 =	simm.s32 $_scs_section_size  }
0x9b: {  	s6 =	simm.s32 $_size__tile_overlayer_lowered;
	s7 =	simm.s32 $_tile_overlayer_lowered  }
0x9c: {  	s22 =	simm.s32 $0x1BFF;
	s21 =	sshll.u32 s7, $0x1;
	s4 =	sadd.s32 s5, s19  }
0x9d: {  	s8 =	simm.s32 $0x0;
	s20 =	sshll.u32 s6, $0x1;
	s6 =	sadd.s32 s21, s4  }
0x9e: {  	[timem:s8], [sflag:s22] =	dma.local [hbm:s6], s20  }
0x9f: {  	_ =	swait.ge [sflag:s22], s20  }
0xa0: {  	s5 =	ssub.s32 $0x0, s20;
	[sflag:s22] =	ssyncset.done $0x0  }
0xa1: {  	[sflag:s22] =	ssyncadd.s32 s5;
	_ =	sdelay $0x1  }
0xa2: {  	s23 =	simm.s32 $0x1B8B  }
0xa3: {  	_ =	swait.ge [sflag:s23], $0x1  }
0xa4: {  	[sflag:s23] =	ssyncset.done $0x0  }
0xa5: {  	s25 =	simm.s32 $0x1B8E;
	s24 =	sld [smem:$0x3FFE];
	[sflag:s23] =	ssyncadd.s32 $0xFFFFFFFF  }
0xa6: {  	s26 =	simm.s32 $execute0_lowered;
	[smem:$0x3FD2] =	sst s25  }
0xa7: {  	s6 =	sshll.u32 s26, $0x1;
	_ =	strace $0x80000046;
	[dreg:$0x1] =	wrdreg $0xFFFFFFFF  }
0xa8: {  	s28 =	simm.s32 $_size_execute0_lowered;
	s4 =	sadd.s32 s4, s6;
	[dreg:$0x0] =	wrdreg $0x0  }
0xa9: {  	s6 =	sshll.u32 s28, $0x1;
	[dreg:$0x2] =	wrdreg s4  }
0xaa: {  	[dreg:$0x3] =	wrdreg s6  }
0xab: {  	[dreg:$0x4] =	wrdreg $0xC0  }
0xac: {  	_ =	task [dreg:s8], $0x5FFFF  }
0xad: {  	[dreg:$0x1] =	wrdreg $0xFFFFFFFF  }
0xae: {  	[dreg:$0x0] =	wrdreg $0x60  }
0xaf: {  	[dreg:$0x2] =	wrdreg s2  }
0xb0: {  	[dreg:$0x3] =	wrdreg s18  }
0xb1: {  	[dreg:$0x4] =	wrdreg s24  }
0xb2: {  	[dreg:$0x5] =	wrdreg $0x9  }
0xb3: {  	_ =	task.clear_ibuf [dreg:s8], $0x6FFFF;
	_ =	strace $0x90000046  }
0xb4: {  	s29 =	simm.s32 $0x9;
	_ =	strace $0x80000048  }
0xb5: {  	_ =	swait.ge [sflag:s29], $0x1  }
0xb6: {  	[sflag:s29] =	ssyncadd.s32 $0xFFFFFFFF  }
0xb7: {  	_ =	strace $0x90000048  }
0xb8: {  	_ =	sfence  }
0xb9: {  	s30 =	sld [smem:$0x0];
	_ =	sdelay $0x2  }
0xba: {  	s31 =	sshll.u32 s1, $0xD;
	s1 =	sshrl.u32 s1, $0x2  }
0xbb: {  	s3 =	sand.u32 $0x4000, s31;
	s1 =	sadd.s32 s1, s30  }
0xbc: {  	s0 =	sor.u32 s3, s0;
	s1 =	sshll.u32 s1, $0x11  }
0xbd: {  	s0 =	sor.u32 s1, s0  }
0xbe: {  	s0 =	sadd.s32 $0x8F2B, s0  }
0xbf: {  	[sflag:s0] =	ssyncadd.remote.s32 $0x1  }
0xc0: {  	_ =	sfence.sel $0xFFFF  }
0xc1: {  	[dreg:$0x0] =	wrdreg $0xFFFFFFFF;
	(pc) =	sbr.abs _section_cstart, $3  }
0xc2: {  	[dreg:$0x1] =	wrdreg $0xFFFFFFFF  }
0xc3: {  	_ =	task.clear_ibuf [dreg:s8], $0x2FFFF;
	_ =	strace $0x9FFFFFFF  }
0xc4: {  	(tm) =	ssettm $0x7FFFFFFF  }
0xc5: {  	_ =	shalt  }
tec
execute0_lowered:
.L_overlay_start_1:
0x0: {  	(tag) =	ssettag $0x1  }
0x1: {  	s1 =	rddreg [dreg:$0x0]  }
0x2: {  	s2 =	rddreg [dreg:$0x1]  }
0x3: {  	s3 =	srdreg.scid;
	s0 =	stileid.u32  }
0x4: {  	s5 =	rddreg [dreg:$0x2];
	s16 =	simm.s32 $0x13000;
	s17 =	simm.s32 $0x3  }
0x5: {  	s18 =	simm.s32 $0x13180;
	s19 =	simm.s32 $0x400;
	s20 =	simm.s32 $0xC3800  }
0x6: {  	s22 =	simm.s32 $0x9400;
	s23 =	simm.s32 $0x9800;
	s25 =	simm.s32 $0x12C00  }
0x7: {  	s28 =	simm.s32 $0x2;
	s6 =	sand.u32 $0x1, s3;
	s4 =	sshll.u32 s0, $0x1  }
0x8: {  	s29 =	simm.s32 $0x13200;
	s3 =	simm.s32 $0x0;
	s7 =	sor.u32 s6, s4  }
0x9: {  	s30 =	simm.s32 $0x0;
	[smem:$0x7FF] =	sst s3;
	s8 =	smul.u32 $0x90, s7  }
0xa: {  	s4 =	sadd.s32 $0xC00, s5;
	s6 =	ssub.s32 $0x2, s6;
	s9 =	smul.u32 $0x2400, s7  }
0xb: {  	_ =	strace $0x80000047;
	s7 =	smul.u32 $0x480, s7;
	s26 =	sshrl.u32 s6, $0x1  }
0xc: {  	s15 =	ssub.s32 s6, s26;
	s26 =	simm.s32 $0x1;
	s14 =	sadd.s32 s8, s5  }
0xd: {  	s31 =	sshrl.u32 s9, $0x3;
	s5 =	sadd.s32 s1, s7;
	s15 =	smax.u32 s15, $0x1  }
0xe: {  	s1 =	sadd.s32 s1, s31;
	s14 =	sadd.s32 $0xE00, s14;
	s21 =	sadd.s32 $0x388300, s5  }
0xf: {  	s6 =	sadd.s32 $0x80, s1;
	s7 =	sadd.s32 $0x100, s1;
	s8 =	sadd.s32 $0x180, s1  }
0x10: {  	s9 =	sadd.s32 $0x200, s1;
	s10 =	sadd.s32 $0x280, s1;
	s11 =	sadd.s32 $0x300, s1  }
0x11: {  	s12 =	sadd.s32 $0x380, s1;
	s13 =	sadd.s32 $0x400, s1;
	s24 =	sadd.s32 $0x388300, s6  }
.LBB2_1:
0x12: {  	[tilespmem:s16], [sflag:$0x3] =	stream.linear.gather [hbm4b:s2+s3], $0x180, $0x38;
	[tilespmem:$0x13680] =	vst v63  }
0x13: {  	_ =	swait.ge [sflag:s17], $0x180  }
0x14: {  	[sflag:s17] =	ssyncset.done $0x0  }
0x15: {  	[sflag:s17] =	ssyncadd.s32 $0xFFFFFE80  }
0x16: {  	[tilespmem:s18], [sflag:$0x3] =	stream.linear.gather [hbm4b:s4+s3], $0x80, $0x38;
	[tilespmem:$0x13680] =	vst v63  }
0x17: {  	_ =	swait.ge [sflag:s17], $0x80  }
0x18: {  	[sflag:s17] =	ssyncset.done $0x0  }
0x19: {  	[sflag:s17] =	ssyncadd.s32 $0xFFFFFF80  }
0x1a: {  	v0 =	vld [tilespmem:$0x13180];
	[tilespmem:s3], [sflag:$0x1] =	stream.strided.gather [hbm4b:s5+s19], $0x9400, s20, s19, $0x38  }
0x1b: {  	_ = 	snop  }
0x1c: {  	[tilespmem:s22], [sflag:$0x1] =	stream.linear.gather [hbm4b:s21+s3], $0x200, $0x38;
	[tilespmem:$0x13680] =	vst v63  }
0x1d: {  	_ = 	snop  }
0x1e: {  	[tilespmem:s23], [sflag:$0x2] =	stream.strided.gather [hbm4b:s6+s19], $0x9400, s20, s19, $0x38;
	[tilespmem:$0x13680] =	vst v63  }
0x1f: {  	v1 =	vmov s3  }
0x20: {  	[tilespmem:s25], [sflag:$0x2] =	stream.linear.gather [hbm4b:s24+s3], $0x200, $0x38;
	[tilespmem:$0x13680] =	vst v63  }
0x21: {  	_ =	swait.ge [sflag:s26], $0x9600  }
0x22: {  	[sflag:s26] =	ssyncset.done $0x0  }
0x23: {  	[sflag:s26] =	ssyncadd.s32 $0xFFFF6A00  }
0x24: {  	s1 =	simm.s32 $0x40;
	v5 =	vld.idx.msk [tilespmem:v1+s16+$0x0], $0xffff  }
0x25: {  	v1 =	vld [tilespmem:s1+$0x30]  }
0x26: {  	v2 =	vld [tilespmem:s1+$0xFFFFFFC0]  }
0x27: {  	s31 =	simm.s32 $0x1;
	v3 =	vld [tilespmem:s1+$0xFFFFFFD0]  }
0x28: {  	v6 =	vmov s31;
	v7 =	vld [tilespmem:s1+$0xFFFFFFE0]  }
0x29: {  	v8 =	vld [tilespmem:s1+$0xFFFFFFF0]  }
0x2a: {  	v9 =	vld [tilespmem:s1+$0x0]  }
0x2b: {  	v13 =	vld [tilespmem:s1+$0x10]  }
0x2c: {  	v4 =	vimm.f32 $0.0e+00;
	v17 =	vld [tilespmem:s1+$0x20];
	s1 =	simm.s32 $0x2;
	v1 =	vmul.f32 v1, v5  }
0x2d: {  	s31 =	simm.s32 $0xC0;
	v16 =	vmov s1;
	v10 =	vmul.f32 v2, v5;
	v2 =	vld.idx.msk [tilespmem:v6+s16+$0x0], $0xffff;
	v6 =	vmul.f32 v7, v5  }
0x2e: {  	v11 =	vmul.f32 v3, v5;
	v3 =	vld [tilespmem:s31+$0x30];
	v7 =	vmul.f32 v8, v5;
	v1 =	vadd.f32 v1, v4  }
0x2f: {  	v15 =	vld [tilespmem:s31+$0xFFFFFFC0];
	v12 =	vadd.f32 v10, v4;
	v10 =	vadd.f32 v6, v4;
	v6 =	vmul.f32 v9, v5  }
0x30: {  	v14 =	vld [tilespmem:s31+$0xFFFFFFD0];
	v11 =	vadd.f32 v11, v4;
	v8 =	vadd.f32 v7, v4;
	v9 =	vmul.f32 v13, v5  }
0x31: {  	s1 =	simm.s32 $0x3;
	v13 =	vld [tilespmem:s31+$0xFFFFFFE0];
	v7 =	vmul.f32 v17, v5;
	v5 =	vimm.f32 $0.0e+00;
	v6 =	vadd.f32 v6, v4  }
.LBB2_2:
0x32: {  	p0 =	sne.s32 s1, $0x12B;
	v17 =	vld [tilespmem:s31+$0xFFFFFFF0];
	v4 =	vadd.f32 v9, v4  }
0x33: {  	v9 =	vld [tilespmem:s31+$0x0];
	v3 =	vmul.f32 v3, v2;
	v5 =	vadd.f32 v7, v5;
	v7 =	vmov v2  }
0x34: {  	v15 =	vmul.f32 v15, v7;
	v18 =	vld [tilespmem:s31+$0x10]  }
0x35: {  	v14 =	vmul.f32 v14, v7;
	v19 =	vld [tilespmem:s31+$0x20];
	v1 =	vadd.f32 v3, v1  }
.Ltmp0:
0x36: {  	s31 =	sadd.s32 $0x80, s31;
	v2 =	vld.idx.msk [tilespmem:v16+s16+$0x0], $0xffff;
	v12 =	vadd.f32 v15, v12;
	v13 =	vmul.f32 v13, v7;
	(pc) =	sbr.rel @p0 .LBB2_2-.Ltmp0, $4  }
0x37: {  	v3 =	vld [tilespmem:s31+$0x30];
	v11 =	vadd.f32 v14, v11;
	v16 =	vmul.f32 v17, v7  }
0x38: {  	v15 =	vld [tilespmem:s31+$0xFFFFFFC0];
	v10 =	vadd.f32 v13, v10;
	v17 =	vmul.f32 v9, v7  }
0x39: {  	v14 =	vld [tilespmem:s31+$0xFFFFFFD0];
	v8 =	vadd.f32 v16, v8;
	v9 =	vmul.f32 v18, v7  }
0x3a: {  	v16 =	vmov s1;
	s1 =	sadd.s32 $0x1, s1;
	v13 =	vld [tilespmem:s31+$0xFFFFFFE0];
	v6 =	vadd.f32 v17, v6;
	v7 =	vmul.f32 v19, v7  }
0x3b: {  	_ =	sdelay $0x3  }
0x3c: {  	v16 =	vld.idx.msk [tilespmem:v16+s16+$0x0], $0xffff;
	s1 =	sadd.s32 $0x80, s31  }
0x3d: {  	v17 =	vld [tilespmem:s1+$0xFFFFFFC0];
	_ =	sdelay $0x2  }
0x3e: {  	v15 =	vmul.f32 v15, v2;
	_ =	sdelay $0x1  }
0x3f: {  	v12 =	vadd.f32 v15, v12;
	v15 =	vmul.f32 v17, v16;
	_ =	sdelay $0x1  }
0x40: {  	v12 =	vadd.f32 v15, v12;
	_ =	sdelay $0x1  }
0x41: {  	v12 =	vadd.f32 v12, v0;
	_ =	sdelay $0x1  }
0x42: {  	v12 =	vmax.f32 v12, $0.0e+00  }
0x43: {  	v12 =	vsub.f32 $0.0e+00, v12  }
0x44: {  	v15 =	vld [tilespmem:s1+$0xFFFFFFD0]  }
0x45: {  	v12 =	vmul.f32 $1.442695020e+00, v12;
	_ =	sdelay $0x1  }
0x46: {  	v14 =	vmul.f32 v14, v2;
	(erf) = vpow2.f32 v12;
	_ =	sdelay $0x1  }
0x47: {  	v11 =	vadd.f32 v14, v11;
	v12 =	vmul.f32 v15, v16;
	_ =	sdelay $0x1  }
0x48: {  	v11 =	vadd.f32 v12, v11;
	_ =	sdelay $0x1  }
0x49: {  	v11 =	vadd.f32 v11, v0;
	_ =	sdelay $0x1  }
0x4a: {  	v11 =	vmax.f32 v11, $0.0e+00  }
0x4b: {  	v11 =	vsub.f32 $0.0e+00, v11;
	v12 =	vpop (erf)  }
0x4c: {  	v14 =	vld [tilespmem:s1+$0xFFFFFFE0];
	v12 =	vadd.f32 $1.000000000e+00, v12  }
0x4d: {  	v11 =	vmul.f32 $1.442695020e+00, v11  }
0x4e: {  	(erf) = vrcp.f32 v12  }
0x4f: {  	v12 =	vmul.f32 v13, v2;
	(erf) = vpow2.f32 v11;
	_ =	sdelay $0x1  }
0x50: {  	v11 =	vmul.f32 v14, v16;
	v10 =	vadd.f32 v12, v10;
	_ =	sdelay $0x1  }
0x51: {  	v10 =	vadd.f32 v11, v10;
	_ =	sdelay $0x1  }
0x52: {  	v10 =	vadd.f32 v10, v0;
	_ =	sdelay $0x1  }
0x53: {  	v11 =	vld [tilespmem:s31+$0xFFFFFFF0];
	v10 =	vmax.f32 v10, $0.0e+00;
	v12 =	vpop (erf)  }
0x54: {  	v10 =	vsub.f32 $0.0e+00, v10;
	v13 =	vpop (erf)  }
0x55: {  	v14 =	vld [tilespmem:s1+$0xFFFFFFF0];
	v13 =	vadd.f32 $1.000000000e+00, v13  }
0x56: {  	v10 =	vmul.f32 $1.442695020e+00, v10  }
0x57: {  	(erf) = vrcp.f32 v13  }
0x58: {  	v11 =	vmul.f32 v11, v2;
	(erf) = vpow2.f32 v10;
	_ =	sdelay $0x1  }
0x59: {  	v8 =	vadd.f32 v11, v8;
	v10 =	vmul.f32 v14, v16;
	_ =	sdelay $0x1  }
0x5a: {  	v8 =	vadd.f32 v10, v8;
	_ =	sdelay $0x1  }
0x5b: {  	v8 =	vadd.f32 v8, v0;
	_ =	sdelay $0x1  }
0x5c: {  	v10 =	vld [tilespmem:s31+$0x0];
	v8 =	vmax.f32 v8, $0.0e+00;
	v11 =	vpop (erf)  }
0x5d: {  	v8 =	vsub.f32 $0.0e+00, v8;
	v13 =	vpop (erf)  }
0x5e: {  	v14 =	vld [tilespmem:s1+$0x0];
	v13 =	vadd.f32 $1.000000000e+00, v13  }
0x5f: {  	v8 =	vmul.f32 $1.442695020e+00, v8  }
0x60: {  	(erf) = vrcp.f32 v13  }
0x61: {  	v10 =	vmul.f32 v10, v2;
	(erf) = vpow2.f32 v8;
	_ =	sdelay $0x1  }
0x62: {  	v6 =	vadd.f32 v10, v6;
	v8 =	vmul.f32 v14, v16;
	_ =	sdelay $0x1  }
0x63: {  	v6 =	vadd.f32 v8, v6;
	_ =	sdelay $0x1  }
0x64: {  	v6 =	vadd.f32 v6, v0;
	_ =	sdelay $0x1  }
0x65: {  	v8 =	vld [tilespmem:s31+$0x10];
	v6 =	vmax.f32 v6, $0.0e+00;
	v10 =	vpop (erf)  }
0x66: {  	v6 =	vsub.f32 $0.0e+00, v6;
	v13 =	vpop (erf)  }
0x67: {  	v14 =	vld [tilespmem:s1+$0x10];
	v13 =	vadd.f32 $1.000000000e+00, v13  }
0x68: {  	v6 =	vmul.f32 $1.442695020e+00, v6  }
0x69: {  	(erf) = vrcp.f32 v13  }
0x6a: {  	v4 =	vadd.f32 v9, v4;
	v8 =	vmul.f32 v8, v2;
	(erf) = vpow2.f32 v6;
	_ =	sdelay $0x1  }
0x6b: {  	v4 =	vadd.f32 v8, v4;
	v6 =	vmul.f32 v14, v16;
	_ =	sdelay $0x1  }
0x6c: {  	v4 =	vadd.f32 v6, v4;
	_ =	sdelay $0x1  }
0x6d: {  	v4 =	vadd.f32 v4, v0;
	_ =	sdelay $0x1  }
0x6e: {  	v6 =	vld [tilespmem:s31+$0x20];
	v4 =	vmax.f32 v4, $0.0e+00;
	v8 =	vpop (erf)  }
0x6f: {  	v4 =	vsub.f32 $0.0e+00, v4;
	v9 =	vpop (erf)  }
0x70: {  	v13 =	vld [tilespmem:s1+$0x20];
	v9 =	vadd.f32 $1.000000000e+00, v9  }
0x71: {  	v4 =	vmul.f32 $1.442695020e+00, v4  }
0x72: {  	(erf) = vrcp.f32 v9  }
0x73: {  	v5 =	vadd.f32 v7, v5;
	v6 =	vmul.f32 v6, v2;
	(erf) = vpow2.f32 v4;
	_ =	sdelay $0x1  }
0x74: {  	v4 =	vadd.f32 v6, v5;
	v5 =	vmul.f32 v13, v16;
	_ =	sdelay $0x1  }
0x75: {  	v4 =	vadd.f32 v5, v4;
	_ =	sdelay $0x1  }
0x76: {  	v4 =	vadd.f32 v4, v0;
	_ =	sdelay $0x1  }
0x77: {  	v4 =	vmax.f32 v4, $0.0e+00;
	v5 =	vpop (erf)  }
0x78: {  	v4 =	vsub.f32 $0.0e+00, v4;
	v6 =	vpop (erf)  }
0x79: {  	v7 =	vld [tilespmem:s1+$0x30];
	v6 =	vadd.f32 $1.000000000e+00, v6  }
0x7a: {  	v4 =	vmul.f32 $1.442695020e+00, v4  }
0x7b: {  	(erf) = vrcp.f32 v6  }
0x7c: {  	v2 =	vmul.f32 v3, v2;
	(erf) = vpow2.f32 v4;
	_ =	sdelay $0x1  }
0x7d: {  	v1 =	vadd.f32 v2, v1;
	v2 =	vmul.f32 v7, v16;
	_ =	sdelay $0x1  }
0x7e: {  	v1 =	vadd.f32 v2, v1;
	_ =	sdelay $0x1  }
0x7f: {  	v1 =	vadd.f32 v1, v0;
	_ =	sdelay $0x1  }
0x80: {  	v1 =	vmax.f32 v1, $0.0e+00;
	v2 =	vpop (erf)  }
0x81: {  	v1 =	vsub.f32 $0.0e+00, v1;
	v3 =	vpop (erf)  }
0x82: {  	v3 =	vadd.f32 $1.000000000e+00, v3  }
0x83: {  	v1 =	vmul.f32 $1.442695020e+00, v1  }
0x84: {  	(erf) = vrcp.f32 v3  }
0x85: {  	(erf) = vpow2.f32 v1;
	_ =	sdelay $0x7  }
0x86: {  	v1 =	vpop (erf)  }
0x87: {  	v3 =	vpop (erf)  }
0x88: {  	v3 =	vadd.f32 $1.000000000e+00, v3;
	_ =	sdelay $0x1  }
0x89: {  	(erf) = vrcp.f32 v3;
	_ =	sdelay $0x2  }
0x8a: {  	[tilespmem:$0x13200] =	vst v12  }
0x8b: {  	[tilespmem:$0x13210] =	vst v11  }
0x8c: {  	[tilespmem:$0x13220] =	vst v10  }
0x8d: {  	[tilespmem:$0x13230] =	vst v8  }
0x8e: {  	[tilespmem:$0x13240] =	vst v5  }
0x8f: {  	[tilespmem:$0x13250] =	vst v2  }
0x90: {  	[tilespmem:$0x13260] =	vst v1;
	v1 =	vpop (erf)  }
0x91: {  	s1 =	simm.s32 $0x0;
	[tilespmem:$0x13270] =	vst v1  }
0x92: {  	[tilespmem:s1], [sflag:$0x1] =	stream.strided.gather [hbm4b:s7+s19], $0x9400, s20, s19, $0x38;
	[tilespmem:$0x13680] =	vst v63  }
0x93: {  	s31 =	sadd.s32 $0x388300, s7;
	v1 =	vmov s1  }
0x94: {  	[tilespmem:s22], [sflag:$0x1] =	stream.linear.gather [hbm4b:s31+s1], $0x200, $0x38;
	[tilespmem:$0x13680] =	vst v63  }
0x95: {  	_ =	swait.ge [sflag:s28], $0x9600  }
0x96: {  	[sflag:s28] =	ssyncset.done $0x0  }
0x97: {  	[sflag:s28] =	ssyncadd.s32 $0xFFFF6A00  }
0x98: {  	s1 =	simm.s32 $0x9840;
	v5 =	vld.idx.msk [tilespmem:v1+s16+$0x0], $0xffff  }
0x99: {  	v1 =	vld [tilespmem:s1+$0x30]  }
0x9a: {  	v2 =	vld [tilespmem:s1+$0xFFFFFFC0]  }
0x9b: {  	s31 =	simm.s32 $0x1;
	v3 =	vld [tilespmem:s1+$0xFFFFFFD0]  }
0x9c: {  	v6 =	vmov s31;
	v7 =	vld [tilespmem:s1+$0xFFFFFFE0]  }
0x9d: {  	v8 =	vld [tilespmem:s1+$0xFFFFFFF0]  }
0x9e: {  	v9 =	vld [tilespmem:s1+$0x0]  }
0x9f: {  	v13 =	vld [tilespmem:s1+$0x10]  }
0xa0: {  	v4 =	vimm.f32 $0.0e+00;
	v17 =	vld [tilespmem:s1+$0x20];
	s1 =	simm.s32 $0x2;
	v1 =	vmul.f32 v1, v5  }
0xa1: {  	s31 =	simm.s32 $0x98C0;
	v16 =	vmov s1;
	v10 =	vmul.f32 v2, v5;
	v2 =	vld.idx.msk [tilespmem:v6+s16+$0x0], $0xffff;
	v6 =	vmul.f32 v7, v5  }
0xa2: {  	v11 =	vmul.f32 v3, v5;
	v3 =	vld [tilespmem:s31+$0x30];
	v7 =	vmul.f32 v8, v5;
	v1 =	vadd.f32 v1, v4  }
0xa3: {  	v15 =	vld [tilespmem:s31+$0xFFFFFFC0];
	v12 =	vadd.f32 v10, v4;
	v10 =	vadd.f32 v6, v4;
	v6 =	vmul.f32 v9, v5  }
0xa4: {  	v14 =	vld [tilespmem:s31+$0xFFFFFFD0];
	v11 =	vadd.f32 v11, v4;
	v8 =	vadd.f32 v7, v4;
	v9 =	vmul.f32 v13, v5  }
0xa5: {  	s1 =	simm.s32 $0x3;
	v13 =	vld [tilespmem:s31+$0xFFFFFFE0];
	v7 =	vmul.f32 v17, v5;
	v5 =	vimm.f32 $0.0e+00;
	v6 =	vadd.f32 v6, v4  }
.LBB2_4:
0xa6: {  	p0 =	sne.s32 s1, $0x12B;
	v17 =	vld [tilespmem:s31+$0xFFFFFFF0];
	v4 =	vadd.f32 v9, v4  }
0xa7: {  	v9 =	vld [tilespmem:s31+$0x0];
	v3 =	vmul.f32 v3, v2;
	v5 =	vadd.f32 v7, v5;
	v7 =	vmov v2  }
0xa8: {  	v15 =	vmul.f32 v15, v7;
	v18 =	vld [tilespmem:s31+$0x10]  }
0xa9: {  	v14 =	vmul.f32 v14, v7;
	v19 =	vld [tilespmem:s31+$0x20];
	v1 =	vadd.f32 v3, v1  }
.Ltmp1:
0xaa: {  	s31 =	sadd.s32 $0x80, s31;
	v2 =	vld.idx.msk [tilespmem:v16+s16+$0x0], $0xffff;
	v12 =	vadd.f32 v15, v12;
	v13 =	vmul.f32 v13, v7;
	(pc) =	sbr.rel @p0 .LBB2_4-.Ltmp1, $4  }
0xab: {  	v3 =	vld [tilespmem:s31+$0x30];
	v11 =	vadd.f32 v14, v11;
	v16 =	vmul.f32 v17, v7  }
0xac: {  	v15 =	vld [tilespmem:s31+$0xFFFFFFC0];
	v10 =	vadd.f32 v13, v10;
	v17 =	vmul.f32 v9, v7  }
0xad: {  	v14 =	vld [tilespmem:s31+$0xFFFFFFD0];
	v8 =	vadd.f32 v16, v8;
	v9 =	vmul.f32 v18, v7  }
0xae: {  	v16 =	vmov s1;
	s1 =	sadd.s32 $0x1, s1;
	v13 =	vld [tilespmem:s31+$0xFFFFFFE0];
	v6 =	vadd.f32 v17, v6;
	v7 =	vmul.f32 v19, v7  }
0xaf: {  	_ =	sdelay $0x3  }
0xb0: {  	v16 =	vld.idx.msk [tilespmem:v16+s16+$0x0], $0xffff;
	s1 =	sadd.s32 $0x80, s31  }
0xb1: {  	v17 =	vld [tilespmem:s1+$0xFFFFFFC0];
	_ =	sdelay $0x2  }
0xb2: {  	v15 =	vmul.f32 v15, v2;
	_ =	sdelay $0x1  }
0xb3: {  	v12 =	vadd.f32 v15, v12;
	v15 =	vmul.f32 v17, v16;
	_ =	sdelay $0x1  }
0xb4: {  	v12 =	vadd.f32 v15, v12;
	_ =	sdelay $0x1  }
0xb5: {  	v12 =	vadd.f32 v12, v0;
	_ =	sdelay $0x1  }
0xb6: {  	v12 =	vmax.f32 v12, $0.0e+00  }
0xb7: {  	v12 =	vsub.f32 $0.0e+00, v12  }
0xb8: {  	v15 =	vld [tilespmem:s1+$0xFFFFFFD0]  }
0xb9: {  	v12 =	vmul.f32 $1.442695020e+00, v12;
	_ =	sdelay $0x1  }
0xba: {  	v14 =	vmul.f32 v14, v2;
	(erf) = vpow2.f32 v12;
	_ =	sdelay $0x1  }
0xbb: {  	v11 =	vadd.f32 v14, v11;
	v12 =	vmul.f32 v15, v16;
	_ =	sdelay $0x1  }
0xbc: {  	v11 =	vadd.f32 v12, v11;
	_ =	sdelay $0x1  }
0xbd: {  	v11 =	vadd.f32 v11, v0;
	_ =	sdelay $0x1  }
0xbe: {  	v11 =	vmax.f32 v11, $0.0e+00  }
0xbf: {  	v11 =	vsub.f32 $0.0e+00, v11;
	v12 =	vpop (erf)  }
0xc0: {  	v14 =	vld [tilespmem:s1+$0xFFFFFFE0];
	v12 =	vadd.f32 $1.000000000e+00, v12  }
0xc1: {  	v11 =	vmul.f32 $1.442695020e+00, v11  }
0xc2: {  	(erf) = vrcp.f32 v12  }
0xc3: {  	v12 =	vmul.f32 v13, v2;
	(erf) = vpow2.f32 v11;
	_ =	sdelay $0x1  }
0xc4: {  	v11 =	vmul.f32 v14, v16;
	v10 =	vadd.f32 v12, v10;
	_ =	sdelay $0x1  }
0xc5: {  	v10 =	vadd.f32 v11, v10;
	_ =	sdelay $0x1  }
0xc6: {  	v10 =	vadd.f32 v10, v0;
	_ =	sdelay $0x1  }
0xc7: {  	v11 =	vld [tilespmem:s31+$0xFFFFFFF0];
	v10 =	vmax.f32 v10, $0.0e+00;
	v12 =	vpop (erf)  }
0xc8: {  	v10 =	vsub.f32 $0.0e+00, v10;
	v13 =	vpop (erf)  }
0xc9: {  	v14 =	vld [tilespmem:s1+$0xFFFFFFF0];
	v13 =	vadd.f32 $1.000000000e+00, v13  }
0xca: {  	v10 =	vmul.f32 $1.442695020e+00, v10  }
0xcb: {  	(erf) = vrcp.f32 v13  }
0xcc: {  	v11 =	vmul.f32 v11, v2;
	(erf) = vpow2.f32 v10;
	_ =	sdelay $0x1  }
0xcd: {  	v8 =	vadd.f32 v11, v8;
	v10 =	vmul.f32 v14, v16;
	_ =	sdelay $0x1  }
0xce: {  	v8 =	vadd.f32 v10, v8;
	_ =	sdelay $0x1  }
0xcf: {  	v8 =	vadd.f32 v8, v0;
	_ =	sdelay $0x1  }
0xd0: {  	v10 =	vld [tilespmem:s31+$0x0];
	v8 =	vmax.f32 v8, $0.0e+00;
	v11 =	vpop (erf)  }
0xd1: {  	v8 =	vsub.f32 $0.0e+00, v8;
	v13 =	vpop (erf)  }
0xd2: {  	v14 =	vld [tilespmem:s1+$0x0];
	v13 =	vadd.f32 $1.000000000e+00, v13  }
0xd3: {  	v8 =	vmul.f32 $1.442695020e+00, v8  }
0xd4: {  	(erf) = vrcp.f32 v13  }
0xd5: {  	v10 =	vmul.f32 v10, v2;
	(erf) = vpow2.f32 v8;
	_ =	sdelay $0x1  }
0xd6: {  	v6 =	vadd.f32 v10, v6;
	v8 =	vmul.f32 v14, v16;
	_ =	sdelay $0x1  }
0xd7: {  	v6 =	vadd.f32 v8, v6;
	_ =	sdelay $0x1  }
0xd8: {  	v6 =	vadd.f32 v6, v0;
	_ =	sdelay $0x1  }
0xd9: {  	v8 =	vld [tilespmem:s31+$0x10];
	v6 =	vmax.f32 v6, $0.0e+00;
	v10 =	vpop (erf)  }
0xda: {  	v6 =	vsub.f32 $0.0e+00, v6;
	v13 =	vpop (erf)  }
0xdb: {  	v14 =	vld [tilespmem:s1+$0x10];
	v13 =	vadd.f32 $1.000000000e+00, v13  }
0xdc: {  	v6 =	vmul.f32 $1.442695020e+00, v6  }
0xdd: {  	(erf) = vrcp.f32 v13  }
0xde: {  	v4 =	vadd.f32 v9, v4;
	v8 =	vmul.f32 v8, v2;
	(erf) = vpow2.f32 v6;
	_ =	sdelay $0x1  }
0xdf: {  	v4 =	vadd.f32 v8, v4;
	v6 =	vmul.f32 v14, v16;
	_ =	sdelay $0x1  }
0xe0: {  	v4 =	vadd.f32 v6, v4;
	_ =	sdelay $0x1  }
0xe1: {  	v4 =	vadd.f32 v4, v0;
	_ =	sdelay $0x1  }
0xe2: {  	v6 =	vld [tilespmem:s31+$0x20];
	v4 =	vmax.f32 v4, $0.0e+00;
	v8 =	vpop (erf)  }
0xe3: {  	v4 =	vsub.f32 $0.0e+00, v4;
	v9 =	vpop (erf)  }
0xe4: {  	v13 =	vld [tilespmem:s1+$0x20];
	v9 =	vadd.f32 $1.000000000e+00, v9  }
0xe5: {  	v4 =	vmul.f32 $1.442695020e+00, v4  }
0xe6: {  	(erf) = vrcp.f32 v9  }
0xe7: {  	v5 =	vadd.f32 v7, v5;
	v6 =	vmul.f32 v6, v2;
	(erf) = vpow2.f32 v4;
	_ =	sdelay $0x1  }
0xe8: {  	v4 =	vadd.f32 v6, v5;
	v5 =	vmul.f32 v13, v16;
	_ =	sdelay $0x1  }
0xe9: {  	v4 =	vadd.f32 v5, v4;
	_ =	sdelay $0x1  }
0xea: {  	v4 =	vadd.f32 v4, v0;
	_ =	sdelay $0x1  }
0xeb: {  	v4 =	vmax.f32 v4, $0.0e+00;
	v5 =	vpop (erf)  }
0xec: {  	v4 =	vsub.f32 $0.0e+00, v4;
	v6 =	vpop (erf)  }
0xed: {  	v7 =	vld [tilespmem:s1+$0x30];
	v6 =	vadd.f32 $1.000000000e+00, v6  }
0xee: {  	v4 =	vmul.f32 $1.442695020e+00, v4  }
0xef: {  	(erf) = vrcp.f32 v6  }
0xf0: {  	v2 =	vmul.f32 v3, v2;
	(erf) = vpow2.f32 v4;
	_ =	sdelay $0x1  }
0xf1: {  	v1 =	vadd.f32 v2, v1;
	v2 =	vmul.f32 v7, v16;
	_ =	sdelay $0x1  }
0xf2: {  	v1 =	vadd.f32 v2, v1;
	_ =	sdelay $0x1  }
0xf3: {  	v1 =	vadd.f32 v1, v0;
	_ =	sdelay $0x1  }
0xf4: {  	v1 =	vmax.f32 v1, $0.0e+00;
	v2 =	vpop (erf)  }
0xf5: {  	v1 =	vsub.f32 $0.0e+00, v1;
	v3 =	vpop (erf)  }
0xf6: {  	v3 =	vadd.f32 $1.000000000e+00, v3  }
0xf7: {  	v1 =	vmul.f32 $1.442695020e+00, v1  }
0xf8: {  	(erf) = vrcp.f32 v3  }
0xf9: {  	(erf) = vpow2.f32 v1;
	_ =	sdelay $0x7  }
0xfa: {  	v1 =	vpop (erf)  }
0xfb: {  	v3 =	vpop (erf)  }
0xfc: {  	v3 =	vadd.f32 $1.000000000e+00, v3;
	_ =	sdelay $0x1  }
0xfd: {  	(erf) = vrcp.f32 v3;
	_ =	sdelay $0x2  }
0xfe: {  	[tilespmem:$0x13280] =	vst v12  }
0xff: {  	[tilespmem:$0x13290] =	vst v11  }
0x100: {  	[tilespmem:$0x132A0] =	vst v10  }
0x101: {  	[tilespmem:$0x132B0] =	vst v8  }
0x102: {  	[tilespmem:$0x132C0] =	vst v5  }
0x103: {  	[tilespmem:$0x132D0] =	vst v2  }
0x104: {  	[tilespmem:$0x132E0] =	vst v1;
	v1 =	vpop (erf)  }
0x105: {  	s1 =	simm.s32 $0x0;
	[tilespmem:$0x132F0] =	vst v1  }
0x106: {  	[tilespmem:s23], [sflag:$0x2] =	stream.strided.gather [hbm4b:s8+s19], $0x9400, s20, s19, $0x38;
	[tilespmem:$0x13680] =	vst v63  }
0x107: {  	s31 =	sadd.s32 $0x388300, s8;
	v1 =	vmov s1  }
0x108: {  	[tilespmem:s25], [sflag:$0x2] =	stream.linear.gather [hbm4b:s31+s1], $0x200, $0x38;
	[tilespmem:$0x13680] =	vst v63  }
0x109: {  	_ =	swait.ge [sflag:s26], $0x9600  }
0x10a: {  	[sflag:s26] =	ssyncset.done $0x0  }
0x10b: {  	[sflag:s26] =	ssyncadd.s32 $0xFFFF6A00  }
0x10c: {  	s1 =	simm.s32 $0x40;
	v5 =	vld.idx.msk [tilespmem:v1+s16+$0x0], $0xffff  }
0x10d: {  	v1 =	vld [tilespmem:s1+$0x30]  }
0x10e: {  	v2 =	vld [tilespmem:s1+$0xFFFFFFC0]  }
0x10f: {  	s31 =	simm.s32 $0x1;
	v3 =	vld [tilespmem:s1+$0xFFFFFFD0]  }
0x110: {  	v6 =	vmov s31;
	v7 =	vld [tilespmem:s1+$0xFFFFFFE0]  }
0x111: {  	v8 =	vld [tilespmem:s1+$0xFFFFFFF0]  }
0x112: {  	v9 =	vld [tilespmem:s1+$0x0]  }
0x113: {  	v13 =	vld [tilespmem:s1+$0x10]  }
0x114: {  	v4 =	vimm.f32 $0.0e+00;
	v17 =	vld [tilespmem:s1+$0x20];
	s1 =	simm.s32 $0x2;
	v1 =	vmul.f32 v1, v5  }
0x115: {  	s31 =	simm.s32 $0xC0;
	v16 =	vmov s1;
	v10 =	vmul.f32 v2, v5;
	v2 =	vld.idx.msk [tilespmem:v6+s16+$0x0], $0xffff;
	v6 =	vmul.f32 v7, v5  }
0x116: {  	v11 =	vmul.f32 v3, v5;
	v3 =	vld [tilespmem:s31+$0x30];
	v7 =	vmul.f32 v8, v5;
	v1 =	vadd.f32 v1, v4  }
0x117: {  	v15 =	vld [tilespmem:s31+$0xFFFFFFC0];
	v12 =	vadd.f32 v10, v4;
	v10 =	vadd.f32 v6, v4;
	v6 =	vmul.f32 v9, v5  }
0x118: {  	v14 =	vld [tilespmem:s31+$0xFFFFFFD0];
	v11 =	vadd.f32 v11, v4;
	v8 =	vadd.f32 v7, v4;
	v9 =	vmul.f32 v13, v5  }
0x119: {  	s1 =	simm.s32 $0x3;
	v13 =	vld [tilespmem:s31+$0xFFFFFFE0];
	v7 =	vmul.f32 v17, v5;
	v5 =	vimm.f32 $0.0e+00;
	v6 =	vadd.f32 v6, v4  }
.LBB2_6:
0x11a: {  	p0 =	sne.s32 s1, $0x12B;
	v17 =	vld [tilespmem:s31+$0xFFFFFFF0];
	v4 =	vadd.f32 v9, v4  }
0x11b: {  	v9 =	vld [tilespmem:s31+$0x0];
	v3 =	vmul.f32 v3, v2;
	v5 =	vadd.f32 v7, v5;
	v7 =	vmov v2  }
0x11c: {  	v15 =	vmul.f32 v15, v7;
	v18 =	vld [tilespmem:s31+$0x10]  }
0x11d: {  	v14 =	vmul.f32 v14, v7;
	v19 =	vld [tilespmem:s31+$0x20];
	v1 =	vadd.f32 v3, v1  }
.Ltmp2:
0x11e: {  	s31 =	sadd.s32 $0x80, s31;
	v2 =	vld.idx.msk [tilespmem:v16+s16+$0x0], $0xffff;
	v12 =	vadd.f32 v15, v12;
	v13 =	vmul.f32 v13, v7;
	(pc) =	sbr.rel @p0 .LBB2_6-.Ltmp2, $4  }
0x11f: {  	v3 =	vld [tilespmem:s31+$0x30];
	v11 =	vadd.f32 v14, v11;
	v16 =	vmul.f32 v17, v7  }
0x120: {  	v15 =	vld [tilespmem:s31+$0xFFFFFFC0];
	v10 =	vadd.f32 v13, v10;
	v17 =	vmul.f32 v9, v7  }
0x121: {  	v14 =	vld [tilespmem:s31+$0xFFFFFFD0];
	v8 =	vadd.f32 v16, v8;
	v9 =	vmul.f32 v18, v7  }
0x122: {  	v16 =	vmov s1;
	s1 =	sadd.s32 $0x1, s1;
	v13 =	vld [tilespmem:s31+$0xFFFFFFE0];
	v6 =	vadd.f32 v17, v6;
	v7 =	vmul.f32 v19, v7  }
0x123: {  	_ =	sdelay $0x3  }
0x124: {  	v16 =	vld.idx.msk [tilespmem:v16+s16+$0x0], $0xffff;
	s1 =	sadd.s32 $0x80, s31  }
0x125: {  	v17 =	vld [tilespmem:s1+$0xFFFFFFC0];
	_ =	sdelay $0x2  }
0x126: {  	v15 =	vmul.f32 v15, v2;
	_ =	sdelay $0x1  }
0x127: {  	v12 =	vadd.f32 v15, v12;
	v15 =	vmul.f32 v17, v16;
	_ =	sdelay $0x1  }
0x128: {  	v12 =	vadd.f32 v15, v12;
	_ =	sdelay $0x1  }
0x129: {  	v12 =	vadd.f32 v12, v0;
	_ =	sdelay $0x1  }
0x12a: {  	v12 =	vmax.f32 v12, $0.0e+00  }
0x12b: {  	v12 =	vsub.f32 $0.0e+00, v12  }
0x12c: {  	v15 =	vld [tilespmem:s1+$0xFFFFFFD0]  }
0x12d: {  	v12 =	vmul.f32 $1.442695020e+00, v12;
	_ =	sdelay $0x1  }
0x12e: {  	v14 =	vmul.f32 v14, v2;
	(erf) = vpow2.f32 v12;
	_ =	sdelay $0x1  }
0x12f: {  	v11 =	vadd.f32 v14, v11;
	v12 =	vmul.f32 v15, v16;
	_ =	sdelay $0x1  }
0x130: {  	v11 =	vadd.f32 v12, v11;
	_ =	sdelay $0x1  }
0x131: {  	v11 =	vadd.f32 v11, v0;
	_ =	sdelay $0x1  }
0x132: {  	v11 =	vmax.f32 v11, $0.0e+00  }
0x133: {  	v11 =	vsub.f32 $0.0e+00, v11;
	v12 =	vpop (erf)  }
0x134: {  	v14 =	vld [tilespmem:s1+$0xFFFFFFE0];
	v12 =	vadd.f32 $1.000000000e+00, v12  }
0x135: {  	v11 =	vmul.f32 $1.442695020e+00, v11  }
0x136: {  	(erf) = vrcp.f32 v12  }
0x137: {  	v12 =	vmul.f32 v13, v2;
	(erf) = vpow2.f32 v11;
	_ =	sdelay $0x1  }
0x138: {  	v11 =	vmul.f32 v14, v16;
	v10 =	vadd.f32 v12, v10;
	_ =	sdelay $0x1  }
0x139: {  	v10 =	vadd.f32 v11, v10;
	_ =	sdelay $0x1  }
0x13a: {  	v10 =	vadd.f32 v10, v0;
	_ =	sdelay $0x1  }
0x13b: {  	v11 =	vld [tilespmem:s31+$0xFFFFFFF0];
	v10 =	vmax.f32 v10, $0.0e+00;
	v12 =	vpop (erf)  }
0x13c: {  	v10 =	vsub.f32 $0.0e+00, v10;
	v13 =	vpop (erf)  }
0x13d: {  	v14 =	vld [tilespmem:s1+$0xFFFFFFF0];
	v13 =	vadd.f32 $1.000000000e+00, v13  }
0x13e: {  	v10 =	vmul.f32 $1.442695020e+00, v10  }
0x13f: {  	(erf) = vrcp.f32 v13  }
0x140: {  	v11 =	vmul.f32 v11, v2;
	(erf) = vpow2.f32 v10;
	_ =	sdelay $0x1  }
0x141: {  	v8 =	vadd.f32 v11, v8;
	v10 =	vmul.f32 v14, v16;
	_ =	sdelay $0x1  }
0x142: {  	v8 =	vadd.f32 v10, v8;
	_ =	sdelay $0x1  }
0x143: {  	v8 =	vadd.f32 v8, v0;
	_ =	sdelay $0x1  }
0x144: {  	v10 =	vld [tilespmem:s31+$0x0];
	v8 =	vmax.f32 v8, $0.0e+00;
	v11 =	vpop (erf)  }
0x145: {  	v8 =	vsub.f32 $0.0e+00, v8;
	v13 =	vpop (erf)  }
0x146: {  	v14 =	vld [tilespmem:s1+$0x0];
	v13 =	vadd.f32 $1.000000000e+00, v13  }
0x147: {  	v8 =	vmul.f32 $1.442695020e+00, v8  }
0x148: {  	(erf) = vrcp.f32 v13  }
0x149: {  	v10 =	vmul.f32 v10, v2;
	(erf) = vpow2.f32 v8;
	_ =	sdelay $0x1  }
0x14a: {  	v6 =	vadd.f32 v10, v6;
	v8 =	vmul.f32 v14, v16;
	_ =	sdelay $0x1  }
0x14b: {  	v6 =	vadd.f32 v8, v6;
	_ =	sdelay $0x1  }
0x14c: {  	v6 =	vadd.f32 v6, v0;
	_ =	sdelay $0x1  }
0x14d: {  	v8 =	vld [tilespmem:s31+$0x10];
	v6 =	vmax.f32 v6, $0.0e+00;
	v10 =	vpop (erf)  }
0x14e: {  	v6 =	vsub.f32 $0.0e+00, v6;
	v13 =	vpop (erf)  }
0x14f: {  	v14 =	vld [tilespmem:s1+$0x10];
	v13 =	vadd.f32 $1.000000000e+00, v13  }
0x150: {  	v6 =	vmul.f32 $1.442695020e+00, v6  }
0x151: {  	(erf) = vrcp.f32 v13  }
0x152: {  	v4 =	vadd.f32 v9, v4;
	v8 =	vmul.f32 v8, v2;
	(erf) = vpow2.f32 v6;
	_ =	sdelay $0x1  }
0x153: {  	v4 =	vadd.f32 v8, v4;
	v6 =	vmul.f32 v14, v16;
	_ =	sdelay $0x1  }
0x154: {  	v4 =	vadd.f32 v6, v4;
	_ =	sdelay $0x1  }
0x155: {  	v4 =	vadd.f32 v4, v0;
	_ =	sdelay $0x1  }
0x156: {  	v6 =	vld [tilespmem:s31+$0x20];
	v4 =	vmax.f32 v4, $0.0e+00;
	v8 =	vpop (erf)  }
0x157: {  	v4 =	vsub.f32 $0.0e+00, v4;
	v9 =	vpop (erf)  }
0x158: {  	v13 =	vld [tilespmem:s1+$0x20];
	v9 =	vadd.f32 $1.000000000e+00, v9  }
0x159: {  	v4 =	vmul.f32 $1.442695020e+00, v4  }
0x15a: {  	(erf) = vrcp.f32 v9  }
0x15b: {  	v5 =	vadd.f32 v7, v5;
	v6 =	vmul.f32 v6, v2;
	(erf) = vpow2.f32 v4;
	_ =	sdelay $0x1  }
0x15c: {  	v4 =	vadd.f32 v6, v5;
	v5 =	vmul.f32 v13, v16;
	_ =	sdelay $0x1  }
0x15d: {  	v4 =	vadd.f32 v5, v4;
	_ =	sdelay $0x1  }
0x15e: {  	v4 =	vadd.f32 v4, v0;
	_ =	sdelay $0x1  }
0x15f: {  	v4 =	vmax.f32 v4, $0.0e+00;
	v5 =	vpop (erf)  }
0x160: {  	v4 =	vsub.f32 $0.0e+00, v4;
	v6 =	vpop (erf)  }
0x161: {  	v7 =	vld [tilespmem:s1+$0x30];
	v6 =	vadd.f32 $1.000000000e+00, v6  }
0x162: {  	v4 =	vmul.f32 $1.442695020e+00, v4  }
0x163: {  	(erf) = vrcp.f32 v6  }
0x164: {  	v2 =	vmul.f32 v3, v2;
	(erf) = vpow2.f32 v4;
	_ =	sdelay $0x1  }
0x165: {  	v1 =	vadd.f32 v2, v1;
	v2 =	vmul.f32 v7, v16;
	_ =	sdelay $0x1  }
0x166: {  	v1 =	vadd.f32 v2, v1;
	_ =	sdelay $0x1  }
0x167: {  	v1 =	vadd.f32 v1, v0;
	_ =	sdelay $0x1  }
0x168: {  	v1 =	vmax.f32 v1, $0.0e+00;
	v2 =	vpop (erf)  }
0x169: {  	v1 =	vsub.f32 $0.0e+00, v1;
	v3 =	vpop (erf)  }
0x16a: {  	v3 =	vadd.f32 $1.000000000e+00, v3  }
0x16b: {  	v1 =	vmul.f32 $1.442695020e+00, v1  }
0x16c: {  	(erf) = vrcp.f32 v3  }
0x16d: {  	(erf) = vpow2.f32 v1;
	_ =	sdelay $0x7  }
0x16e: {  	v1 =	vpop (erf)  }
0x16f: {  	v3 =	vpop (erf)  }
0x170: {  	v3 =	vadd.f32 $1.000000000e+00, v3;
	_ =	sdelay $0x1  }
0x171: {  	(erf) = vrcp.f32 v3;
	_ =	sdelay $0x2  }
0x172: {  	[tilespmem:$0x13300] =	vst v12  }
0x173: {  	[tilespmem:$0x13310] =	vst v11  }
0x174: {  	[tilespmem:$0x13320] =	vst v10  }
0x175: {  	[tilespmem:$0x13330] =	vst v8  }
0x176: {  	[tilespmem:$0x13340] =	vst v5  }
0x177: {  	[tilespmem:$0x13350] =	vst v2  }
0x178: {  	[tilespmem:$0x13360] =	vst v1;
	v1 =	vpop (erf)  }
0x179: {  	s1 =	simm.s32 $0x0;
	[tilespmem:$0x13370] =	vst v1  }
0x17a: {  	[tilespmem:s1], [sflag:$0x1] =	stream.strided.gather [hbm4b:s9+s19], $0x9400, s20, s19, $0x38;
	[tilespmem:$0x13680] =	vst v63  }
0x17b: {  	s31 =	sadd.s32 $0x388300, s9;
	v1 =	vmov s1  }
0x17c: {  	[tilespmem:s22], [sflag:$0x1] =	stream.linear.gather [hbm4b:s31+s1], $0x200, $0x38;
	[tilespmem:$0x13680] =	vst v63  }
0x17d: {  	_ =	swait.ge [sflag:s28], $0x9600  }
0x17e: {  	[sflag:s28] =	ssyncset.done $0x0  }
0x17f: {  	[sflag:s28] =	ssyncadd.s32 $0xFFFF6A00  }
0x180: {  	s1 =	simm.s32 $0x9840;
	v5 =	vld.idx.msk [tilespmem:v1+s16+$0x0], $0xffff  }
0x181: {  	v1 =	vld [tilespmem:s1+$0x30]  }
0x182: {  	v2 =	vld [tilespmem:s1+$0xFFFFFFC0]  }
0x183: {  	s31 =	simm.s32 $0x1;
	v3 =	vld [tilespmem:s1+$0xFFFFFFD0]  }
0x184: {  	v6 =	vmov s31;
	v7 =	vld [tilespmem:s1+$0xFFFFFFE0]  }
0x185: {  	v8 =	vld [tilespmem:s1+$0xFFFFFFF0]  }
0x186: {  	v9 =	vld [tilespmem:s1+$0x0]  }
0x187: {  	v13 =	vld [tilespmem:s1+$0x10]  }
0x188: {  	v4 =	vimm.f32 $0.0e+00;
	v17 =	vld [tilespmem:s1+$0x20];
	s1 =	simm.s32 $0x2;
	v1 =	vmul.f32 v1, v5  }
0x189: {  	s31 =	simm.s32 $0x98C0;
	v16 =	vmov s1;
	v10 =	vmul.f32 v2, v5;
	v2 =	vld.idx.msk [tilespmem:v6+s16+$0x0], $0xffff;
	v6 =	vmul.f32 v7, v5  }
0x18a: {  	v11 =	vmul.f32 v3, v5;
	v3 =	vld [tilespmem:s31+$0x30];
	v7 =	vmul.f32 v8, v5;
	v1 =	vadd.f32 v1, v4  }
0x18b: {  	v15 =	vld [tilespmem:s31+$0xFFFFFFC0];
	v12 =	vadd.f32 v10, v4;
	v10 =	vadd.f32 v6, v4;
	v6 =	vmul.f32 v9, v5  }
0x18c: {  	v14 =	vld [tilespmem:s31+$0xFFFFFFD0];
	v11 =	vadd.f32 v11, v4;
	v8 =	vadd.f32 v7, v4;
	v9 =	vmul.f32 v13, v5  }
0x18d: {  	s1 =	simm.s32 $0x3;
	v13 =	vld [tilespmem:s31+$0xFFFFFFE0];
	v7 =	vmul.f32 v17, v5;
	v5 =	vimm.f32 $0.0e+00;
	v6 =	vadd.f32 v6, v4  }
.LBB2_8:
0x18e: {  	p0 =	sne.s32 s1, $0x12B;
	v17 =	vld [tilespmem:s31+$0xFFFFFFF0];
	v4 =	vadd.f32 v9, v4  }
0x18f: {  	v9 =	vld [tilespmem:s31+$0x0];
	v3 =	vmul.f32 v3, v2;
	v5 =	vadd.f32 v7, v5;
	v7 =	vmov v2  }
0x190: {  	v15 =	vmul.f32 v15, v7;
	v18 =	vld [tilespmem:s31+$0x10]  }
0x191: {  	v14 =	vmul.f32 v14, v7;
	v19 =	vld [tilespmem:s31+$0x20];
	v1 =	vadd.f32 v3, v1  }
.Ltmp3:
0x192: {  	s31 =	sadd.s32 $0x80, s31;
	v2 =	vld.idx.msk [tilespmem:v16+s16+$0x0], $0xffff;
	v12 =	vadd.f32 v15, v12;
	v13 =	vmul.f32 v13, v7;
	(pc) =	sbr.rel @p0 .LBB2_8-.Ltmp3, $4  }
0x193: {  	v3 =	vld [tilespmem:s31+$0x30];
	v11 =	vadd.f32 v14, v11;
	v16 =	vmul.f32 v17, v7  }
0x194: {  	v15 =	vld [tilespmem:s31+$0xFFFFFFC0];
	v10 =	vadd.f32 v13, v10;
	v17 =	vmul.f32 v9, v7  }
0x195: {  	v14 =	vld [tilespmem:s31+$0xFFFFFFD0];
	v8 =	vadd.f32 v16, v8;
	v9 =	vmul.f32 v18, v7  }
0x196: {  	v16 =	vmov s1;
	s1 =	sadd.s32 $0x1, s1;
	v13 =	vld [tilespmem:s31+$0xFFFFFFE0];
	v6 =	vadd.f32 v17, v6;
	v7 =	vmul.f32 v19, v7  }
0x197: {  	_ =	sdelay $0x3  }
0x198: {  	v16 =	vld.idx.msk [tilespmem:v16+s16+$0x0], $0xffff;
	s1 =	sadd.s32 $0x80, s31  }
0x199: {  	v17 =	vld [tilespmem:s1+$0xFFFFFFC0];
	_ =	sdelay $0x2  }
0x19a: {  	v15 =	vmul.f32 v15, v2;
	_ =	sdelay $0x1  }
0x19b: {  	v12 =	vadd.f32 v15, v12;
	v15 =	vmul.f32 v17, v16;
	_ =	sdelay $0x1  }
0x19c: {  	v12 =	vadd.f32 v15, v12;
	_ =	sdelay $0x1  }
0x19d: {  	v12 =	vadd.f32 v12, v0;
	_ =	sdelay $0x1  }
0x19e: {  	v12 =	vmax.f32 v12, $0.0e+00  }
0x19f: {  	v12 =	vsub.f32 $0.0e+00, v12  }
0x1a0: {  	v15 =	vld [tilespmem:s1+$0xFFFFFFD0]  }
0x1a1: {  	v12 =	vmul.f32 $1.442695020e+00, v12;
	_ =	sdelay $0x1  }
0x1a2: {  	v14 =	vmul.f32 v14, v2;
	(erf) = vpow2.f32 v12;
	_ =	sdelay $0x1  }
0x1a3: {  	v11 =	vadd.f32 v14, v11;
	v12 =	vmul.f32 v15, v16;
	_ =	sdelay $0x1  }
0x1a4: {  	v11 =	vadd.f32 v12, v11;
	_ =	sdelay $0x1  }
0x1a5: {  	v11 =	vadd.f32 v11, v0;
	_ =	sdelay $0x1  }
0x1a6: {  	v11 =	vmax.f32 v11, $0.0e+00  }
0x1a7: {  	v11 =	vsub.f32 $0.0e+00, v11;
	v12 =	vpop (erf)  }
0x1a8: {  	v14 =	vld [tilespmem:s1+$0xFFFFFFE0];
	v12 =	vadd.f32 $1.000000000e+00, v12  }
0x1a9: {  	v11 =	vmul.f32 $1.442695020e+00, v11  }
0x1aa: {  	(erf) = vrcp.f32 v12  }
0x1ab: {  	v12 =	vmul.f32 v13, v2;
	(erf) = vpow2.f32 v11;
	_ =	sdelay $0x1  }
0x1ac: {  	v11 =	vmul.f32 v14, v16;
	v10 =	vadd.f32 v12, v10;
	_ =	sdelay $0x1  }
0x1ad: {  	v10 =	vadd.f32 v11, v10;
	_ =	sdelay $0x1  }
0x1ae: {  	v10 =	vadd.f32 v10, v0;
	_ =	sdelay $0x1  }
0x1af: {  	v11 =	vld [tilespmem:s31+$0xFFFFFFF0];
	v10 =	vmax.f32 v10, $0.0e+00;
	v12 =	vpop (erf)  }
0x1b0: {  	v10 =	vsub.f32 $0.0e+00, v10;
	v13 =	vpop (erf)  }
0x1b1: {  	v14 =	vld [tilespmem:s1+$0xFFFFFFF0];
	v13 =	vadd.f32 $1.000000000e+00, v13  }
0x1b2: {  	v10 =	vmul.f32 $1.442695020e+00, v10  }
0x1b3: {  	(erf) = vrcp.f32 v13  }
0x1b4: {  	v11 =	vmul.f32 v11, v2;
	(erf) = vpow2.f32 v10;
	_ =	sdelay $0x1  }
0x1b5: {  	v8 =	vadd.f32 v11, v8;
	v10 =	vmul.f32 v14, v16;
	_ =	sdelay $0x1  }
0x1b6: {  	v8 =	vadd.f32 v10, v8;
	_ =	sdelay $0x1  }
0x1b7: {  	v8 =	vadd.f32 v8, v0;
	_ =	sdelay $0x1  }
0x1b8: {  	v10 =	vld [tilespmem:s31+$0x0];
	v8 =	vmax.f32 v8, $0.0e+00;
	v11 =	vpop (erf)  }
0x1b9: {  	v8 =	vsub.f32 $0.0e+00, v8;
	v13 =	vpop (erf)  }
0x1ba: {  	v14 =	vld [tilespmem:s1+$0x0];
	v13 =	vadd.f32 $1.000000000e+00, v13  }
0x1bb: {  	v8 =	vmul.f32 $1.442695020e+00, v8  }
0x1bc: {  	(erf) = vrcp.f32 v13  }
0x1bd: {  	v10 =	vmul.f32 v10, v2;
	(erf) = vpow2.f32 v8;
	_ =	sdelay $0x1  }
0x1be: {  	v6 =	vadd.f32 v10, v6;
	v8 =	vmul.f32 v14, v16;
	_ =	sdelay $0x1  }
0x1bf: {  	v6 =	vadd.f32 v8, v6;
	_ =	sdelay $0x1  }
0x1c0: {  	v6 =	vadd.f32 v6, v0;
	_ =	sdelay $0x1  }
0x1c1: {  	v8 =	vld [tilespmem:s31+$0x10];
	v6 =	vmax.f32 v6, $0.0e+00;
	v10 =	vpop (erf)  }
0x1c2: {  	v6 =	vsub.f32 $0.0e+00, v6;
	v13 =	vpop (erf)  }
0x1c3: {  	v14 =	vld [tilespmem:s1+$0x10];
	v13 =	vadd.f32 $1.000000000e+00, v13  }
0x1c4: {  	v6 =	vmul.f32 $1.442695020e+00, v6  }
0x1c5: {  	(erf) = vrcp.f32 v13  }
0x1c6: {  	v4 =	vadd.f32 v9, v4;
	v8 =	vmul.f32 v8, v2;
	(erf) = vpow2.f32 v6;
	_ =	sdelay $0x1  }
0x1c7: {  	v4 =	vadd.f32 v8, v4;
	v6 =	vmul.f32 v14, v16;
	_ =	sdelay $0x1  }
0x1c8: {  	v4 =	vadd.f32 v6, v4;
	_ =	sdelay $0x1  }
0x1c9: {  	v4 =	vadd.f32 v4, v0;
	_ =	sdelay $0x1  }
0x1ca: {  	v6 =	vld [tilespmem:s31+$0x20];
	v4 =	vmax.f32 v4, $0.0e+00;
	v8 =	vpop (erf)  }
0x1cb: {  	v4 =	vsub.f32 $0.0e+00, v4;
	v9 =	vpop (erf)  }
0x1cc: {  	v13 =	vld [tilespmem:s1+$0x20];
	v9 =	vadd.f32 $1.000000000e+00, v9  }
0x1cd: {  	v4 =	vmul.f32 $1.442695020e+00, v4  }
0x1ce: {  	(erf) = vrcp.f32 v9  }
0x1cf: {  	v5 =	vadd.f32 v7, v5;
	v6 =	vmul.f32 v6, v2;
	(erf) = vpow2.f32 v4;
	_ =	sdelay $0x1  }
0x1d0: {  	v4 =	vadd.f32 v6, v5;
	v5 =	vmul.f32 v13, v16;
	_ =	sdelay $0x1  }
0x1d1: {  	v4 =	vadd.f32 v5, v4;
	_ =	sdelay $0x1  }
0x1d2: {  	v4 =	vadd.f32 v4, v0;
	_ =	sdelay $0x1  }
0x1d3: {  	v4 =	vmax.f32 v4, $0.0e+00;
	v5 =	vpop (erf)  }
0x1d4: {  	v4 =	vsub.f32 $0.0e+00, v4;
	v6 =	vpop (erf)  }
0x1d5: {  	v7 =	vld [tilespmem:s1+$0x30];
	v6 =	vadd.f32 $1.000000000e+00, v6  }
0x1d6: {  	v4 =	vmul.f32 $1.442695020e+00, v4  }
0x1d7: {  	(erf) = vrcp.f32 v6  }
0x1d8: {  	v2 =	vmul.f32 v3, v2;
	(erf) = vpow2.f32 v4;
	_ =	sdelay $0x1  }
0x1d9: {  	v1 =	vadd.f32 v2, v1;
	v2 =	vmul.f32 v7, v16;
	_ =	sdelay $0x1  }
0x1da: {  	v1 =	vadd.f32 v2, v1;
	_ =	sdelay $0x1  }
0x1db: {  	v1 =	vadd.f32 v1, v0;
	_ =	sdelay $0x1  }
0x1dc: {  	v1 =	vmax.f32 v1, $0.0e+00;
	v2 =	vpop (erf)  }
0x1dd: {  	v1 =	vsub.f32 $0.0e+00, v1;
	v3 =	vpop (erf)  }
0x1de: {  	v3 =	vadd.f32 $1.000000000e+00, v3  }
0x1df: {  	v1 =	vmul.f32 $1.442695020e+00, v1  }
0x1e0: {  	(erf) = vrcp.f32 v3  }
0x1e1: {  	(erf) = vpow2.f32 v1;
	_ =	sdelay $0x7  }
0x1e2: {  	v1 =	vpop (erf)  }
0x1e3: {  	v3 =	vpop (erf)  }
0x1e4: {  	v3 =	vadd.f32 $1.000000000e+00, v3;
	_ =	sdelay $0x1  }
0x1e5: {  	(erf) = vrcp.f32 v3;
	_ =	sdelay $0x2  }
0x1e6: {  	[tilespmem:$0x13380] =	vst v12  }
0x1e7: {  	[tilespmem:$0x13390] =	vst v11  }
0x1e8: {  	[tilespmem:$0x133A0] =	vst v10  }
0x1e9: {  	[tilespmem:$0x133B0] =	vst v8  }
0x1ea: {  	[tilespmem:$0x133C0] =	vst v5  }
0x1eb: {  	[tilespmem:$0x133D0] =	vst v2  }
0x1ec: {  	[tilespmem:$0x133E0] =	vst v1;
	v1 =	vpop (erf)  }
0x1ed: {  	s1 =	simm.s32 $0x0;
	[tilespmem:$0x133F0] =	vst v1  }
0x1ee: {  	[tilespmem:s23], [sflag:$0x2] =	stream.strided.gather [hbm4b:s10+s19], $0x9400, s20, s19, $0x38;
	[tilespmem:$0x13680] =	vst v63  }
0x1ef: {  	s31 =	sadd.s32 $0x388300, s10;
	v1 =	vmov s1  }
0x1f0: {  	[tilespmem:s25], [sflag:$0x2] =	stream.linear.gather [hbm4b:s31+s1], $0x200, $0x38;
	[tilespmem:$0x13680] =	vst v63  }
0x1f1: {  	_ =	swait.ge [sflag:s26], $0x9600  }
0x1f2: {  	[sflag:s26] =	ssyncset.done $0x0  }
0x1f3: {  	[sflag:s26] =	ssyncadd.s32 $0xFFFF6A00  }
0x1f4: {  	s1 =	simm.s32 $0x40;
	v5 =	vld.idx.msk [tilespmem:v1+s16+$0x0], $0xffff  }
0x1f5: {  	v1 =	vld [tilespmem:s1+$0x30]  }
0x1f6: {  	v2 =	vld [tilespmem:s1+$0xFFFFFFC0]  }
0x1f7: {  	s31 =	simm.s32 $0x1;
	v3 =	vld [tilespmem:s1+$0xFFFFFFD0]  }
0x1f8: {  	v6 =	vmov s31;
	v7 =	vld [tilespmem:s1+$0xFFFFFFE0]  }
0x1f9: {  	v8 =	vld [tilespmem:s1+$0xFFFFFFF0]  }
0x1fa: {  	v9 =	vld [tilespmem:s1+$0x0]  }
0x1fb: {  	v13 =	vld [tilespmem:s1+$0x10]  }
0x1fc: {  	v4 =	vimm.f32 $0.0e+00;
	v17 =	vld [tilespmem:s1+$0x20];
	s1 =	simm.s32 $0x2;
	v1 =	vmul.f32 v1, v5  }
0x1fd: {  	s31 =	simm.s32 $0xC0;
	v16 =	vmov s1;
	v10 =	vmul.f32 v2, v5;
	v2 =	vld.idx.msk [tilespmem:v6+s16+$0x0], $0xffff;
	v6 =	vmul.f32 v7, v5  }
0x1fe: {  	v11 =	vmul.f32 v3, v5;
	v3 =	vld [tilespmem:s31+$0x30];
	v7 =	vmul.f32 v8, v5;
	v1 =	vadd.f32 v1, v4  }
0x1ff: {  	v15 =	vld [tilespmem:s31+$0xFFFFFFC0];
	v12 =	vadd.f32 v10, v4;
	v10 =	vadd.f32 v6, v4;
	v6 =	vmul.f32 v9, v5  }
0x200: {  	v14 =	vld [tilespmem:s31+$0xFFFFFFD0];
	v11 =	vadd.f32 v11, v4;
	v8 =	vadd.f32 v7, v4;
	v9 =	vmul.f32 v13, v5  }
0x201: {  	s1 =	simm.s32 $0x3;
	v13 =	vld [tilespmem:s31+$0xFFFFFFE0];
	v7 =	vmul.f32 v17, v5;
	v5 =	vimm.f32 $0.0e+00;
	v6 =	vadd.f32 v6, v4  }
.LBB2_10:
0x202: {  	p0 =	sne.s32 s1, $0x12B;
	v17 =	vld [tilespmem:s31+$0xFFFFFFF0];
	v4 =	vadd.f32 v9, v4  }
0x203: {  	v9 =	vld [tilespmem:s31+$0x0];
	v3 =	vmul.f32 v3, v2;
	v5 =	vadd.f32 v7, v5;
	v7 =	vmov v2  }
0x204: {  	v15 =	vmul.f32 v15, v7;
	v18 =	vld [tilespmem:s31+$0x10]  }
0x205: {  	v14 =	vmul.f32 v14, v7;
	v19 =	vld [tilespmem:s31+$0x20];
	v1 =	vadd.f32 v3, v1  }
.Ltmp4:
0x206: {  	s31 =	sadd.s32 $0x80, s31;
	v2 =	vld.idx.msk [tilespmem:v16+s16+$0x0], $0xffff;
	v12 =	vadd.f32 v15, v12;
	v13 =	vmul.f32 v13, v7;
	(pc) =	sbr.rel @p0 .LBB2_10-.Ltmp4, $4  }
0x207: {  	v3 =	vld [tilespmem:s31+$0x30];
	v11 =	vadd.f32 v14, v11;
	v16 =	vmul.f32 v17, v7  }
0x208: {  	v15 =	vld [tilespmem:s31+$0xFFFFFFC0];
	v10 =	vadd.f32 v13, v10;
	v17 =	vmul.f32 v9, v7  }
0x209: {  	v14 =	vld [tilespmem:s31+$0xFFFFFFD0];
	v8 =	vadd.f32 v16, v8;
	v9 =	vmul.f32 v18, v7  }
0x20a: {  	v16 =	vmov s1;
	s1 =	sadd.s32 $0x1, s1;
	v13 =	vld [tilespmem:s31+$0xFFFFFFE0];
	v6 =	vadd.f32 v17, v6;
	v7 =	vmul.f32 v19, v7  }
0x20b: {  	_ =	sdelay $0x3  }
0x20c: {  	v16 =	vld.idx.msk [tilespmem:v16+s16+$0x0], $0xffff;
	s1 =	sadd.s32 $0x80, s31  }
0x20d: {  	v17 =	vld [tilespmem:s1+$0xFFFFFFC0];
	_ =	sdelay $0x2  }
0x20e: {  	v15 =	vmul.f32 v15, v2;
	_ =	sdelay $0x1  }
0x20f: {  	v12 =	vadd.f32 v15, v12;
	v15 =	vmul.f32 v17, v16;
	_ =	sdelay $0x1  }
0x210: {  	v12 =	vadd.f32 v15, v12;
	_ =	sdelay $0x1  }
0x211: {  	v12 =	vadd.f32 v12, v0;
	_ =	sdelay $0x1  }
0x212: {  	v12 =	vmax.f32 v12, $0.0e+00  }
0x213: {  	v12 =	vsub.f32 $0.0e+00, v12  }
0x214: {  	v15 =	vld [tilespmem:s1+$0xFFFFFFD0]  }
0x215: {  	v12 =	vmul.f32 $1.442695020e+00, v12;
	_ =	sdelay $0x1  }
0x216: {  	v14 =	vmul.f32 v14, v2;
	(erf) = vpow2.f32 v12;
	_ =	sdelay $0x1  }
0x217: {  	v11 =	vadd.f32 v14, v11;
	v12 =	vmul.f32 v15, v16;
	_ =	sdelay $0x1  }
0x218: {  	v11 =	vadd.f32 v12, v11;
	_ =	sdelay $0x1  }
0x219: {  	v11 =	vadd.f32 v11, v0;
	_ =	sdelay $0x1  }
0x21a: {  	v11 =	vmax.f32 v11, $0.0e+00  }
0x21b: {  	v11 =	vsub.f32 $0.0e+00, v11;
	v12 =	vpop (erf)  }
0x21c: {  	v14 =	vld [tilespmem:s1+$0xFFFFFFE0];
	v12 =	vadd.f32 $1.000000000e+00, v12  }
0x21d: {  	v11 =	vmul.f32 $1.442695020e+00, v11  }
0x21e: {  	(erf) = vrcp.f32 v12  }
0x21f: {  	v12 =	vmul.f32 v13, v2;
	(erf) = vpow2.f32 v11;
	_ =	sdelay $0x1  }
0x220: {  	v11 =	vmul.f32 v14, v16;
	v10 =	vadd.f32 v12, v10;
	_ =	sdelay $0x1  }
0x221: {  	v10 =	vadd.f32 v11, v10;
	_ =	sdelay $0x1  }
0x222: {  	v10 =	vadd.f32 v10, v0;
	_ =	sdelay $0x1  }
0x223: {  	v11 =	vld [tilespmem:s31+$0xFFFFFFF0];
	v10 =	vmax.f32 v10, $0.0e+00;
	v12 =	vpop (erf)  }
0x224: {  	v10 =	vsub.f32 $0.0e+00, v10;
	v13 =	vpop (erf)  }
0x225: {  	v14 =	vld [tilespmem:s1+$0xFFFFFFF0];
	v13 =	vadd.f32 $1.000000000e+00, v13  }
0x226: {  	v10 =	vmul.f32 $1.442695020e+00, v10  }
0x227: {  	(erf) = vrcp.f32 v13  }
0x228: {  	v11 =	vmul.f32 v11, v2;
	(erf) = vpow2.f32 v10;
	_ =	sdelay $0x1  }
0x229: {  	v8 =	vadd.f32 v11, v8;
	v10 =	vmul.f32 v14, v16;
	_ =	sdelay $0x1  }
0x22a: {  	v8 =	vadd.f32 v10, v8;
	_ =	sdelay $0x1  }
0x22b: {  	v8 =	vadd.f32 v8, v0;
	_ =	sdelay $0x1  }
0x22c: {  	v10 =	vld [tilespmem:s31+$0x0];
	v8 =	vmax.f32 v8, $0.0e+00;
	v11 =	vpop (erf)  }
0x22d: {  	v8 =	vsub.f32 $0.0e+00, v8;
	v13 =	vpop (erf)  }
0x22e: {  	v14 =	vld [tilespmem:s1+$0x0];
	v13 =	vadd.f32 $1.000000000e+00, v13  }
0x22f: {  	v8 =	vmul.f32 $1.442695020e+00, v8  }
0x230: {  	(erf) = vrcp.f32 v13  }
0x231: {  	v10 =	vmul.f32 v10, v2;
	(erf) = vpow2.f32 v8;
	_ =	sdelay $0x1  }
0x232: {  	v6 =	vadd.f32 v10, v6;
	v8 =	vmul.f32 v14, v16;
	_ =	sdelay $0x1  }
0x233: {  	v6 =	vadd.f32 v8, v6;
	_ =	sdelay $0x1  }
0x234: {  	v6 =	vadd.f32 v6, v0;
	_ =	sdelay $0x1  }
0x235: {  	v8 =	vld [tilespmem:s31+$0x10];
	v6 =	vmax.f32 v6, $0.0e+00;
	v10 =	vpop (erf)  }
0x236: {  	v6 =	vsub.f32 $0.0e+00, v6;
	v13 =	vpop (erf)  }
0x237: {  	v14 =	vld [tilespmem:s1+$0x10];
	v13 =	vadd.f32 $1.000000000e+00, v13  }
0x238: {  	v6 =	vmul.f32 $1.442695020e+00, v6  }
0x239: {  	(erf) = vrcp.f32 v13  }
0x23a: {  	v4 =	vadd.f32 v9, v4;
	v8 =	vmul.f32 v8, v2;
	(erf) = vpow2.f32 v6;
	_ =	sdelay $0x1  }
0x23b: {  	v4 =	vadd.f32 v8, v4;
	v6 =	vmul.f32 v14, v16;
	_ =	sdelay $0x1  }
0x23c: {  	v4 =	vadd.f32 v6, v4;
	_ =	sdelay $0x1  }
0x23d: {  	v4 =	vadd.f32 v4, v0;
	_ =	sdelay $0x1  }
0x23e: {  	v6 =	vld [tilespmem:s31+$0x20];
	v4 =	vmax.f32 v4, $0.0e+00;
	v8 =	vpop (erf)  }
0x23f: {  	v4 =	vsub.f32 $0.0e+00, v4;
	v9 =	vpop (erf)  }
0x240: {  	v13 =	vld [tilespmem:s1+$0x20];
	v9 =	vadd.f32 $1.000000000e+00, v9  }
0x241: {  	v4 =	vmul.f32 $1.442695020e+00, v4  }
0x242: {  	(erf) = vrcp.f32 v9  }
0x243: {  	v5 =	vadd.f32 v7, v5;
	v6 =	vmul.f32 v6, v2;
	(erf) = vpow2.f32 v4;
	_ =	sdelay $0x1  }
0x244: {  	v4 =	vadd.f32 v6, v5;
	v5 =	vmul.f32 v13, v16;
	_ =	sdelay $0x1  }
0x245: {  	v4 =	vadd.f32 v5, v4;
	_ =	sdelay $0x1  }
0x246: {  	v4 =	vadd.f32 v4, v0;
	_ =	sdelay $0x1  }
0x247: {  	v4 =	vmax.f32 v4, $0.0e+00;
	v5 =	vpop (erf)  }
0x248: {  	v4 =	vsub.f32 $0.0e+00, v4;
	v6 =	vpop (erf)  }
0x249: {  	v7 =	vld [tilespmem:s1+$0x30];
	v6 =	vadd.f32 $1.000000000e+00, v6  }
0x24a: {  	v4 =	vmul.f32 $1.442695020e+00, v4  }
0x24b: {  	(erf) = vrcp.f32 v6  }
0x24c: {  	v2 =	vmul.f32 v3, v2;
	(erf) = vpow2.f32 v4;
	_ =	sdelay $0x1  }
0x24d: {  	v1 =	vadd.f32 v2, v1;
	v2 =	vmul.f32 v7, v16;
	_ =	sdelay $0x1  }
0x24e: {  	v1 =	vadd.f32 v2, v1;
	_ =	sdelay $0x1  }
0x24f: {  	v1 =	vadd.f32 v1, v0;
	_ =	sdelay $0x1  }
0x250: {  	v1 =	vmax.f32 v1, $0.0e+00;
	v2 =	vpop (erf)  }
0x251: {  	v1 =	vsub.f32 $0.0e+00, v1;
	v3 =	vpop (erf)  }
0x252: {  	v3 =	vadd.f32 $1.000000000e+00, v3  }
0x253: {  	v1 =	vmul.f32 $1.442695020e+00, v1  }
0x254: {  	(erf) = vrcp.f32 v3  }
0x255: {  	(erf) = vpow2.f32 v1;
	_ =	sdelay $0x7  }
0x256: {  	v1 =	vpop (erf)  }
0x257: {  	v3 =	vpop (erf)  }
0x258: {  	v3 =	vadd.f32 $1.000000000e+00, v3;
	_ =	sdelay $0x1  }
0x259: {  	(erf) = vrcp.f32 v3;
	_ =	sdelay $0x2  }
0x25a: {  	[tilespmem:$0x13400] =	vst v12  }
0x25b: {  	[tilespmem:$0x13410] =	vst v11  }
0x25c: {  	[tilespmem:$0x13420] =	vst v10  }
0x25d: {  	[tilespmem:$0x13430] =	vst v8  }
0x25e: {  	[tilespmem:$0x13440] =	vst v5  }
0x25f: {  	[tilespmem:$0x13450] =	vst v2  }
0x260: {  	[tilespmem:$0x13460] =	vst v1;
	v1 =	vpop (erf)  }
0x261: {  	s1 =	simm.s32 $0x0;
	[tilespmem:$0x13470] =	vst v1  }
0x262: {  	[tilespmem:s1], [sflag:$0x1] =	stream.strided.gather [hbm4b:s11+s19], $0x9400, s20, s19, $0x38;
	[tilespmem:$0x13680] =	vst v63  }
0x263: {  	s31 =	sadd.s32 $0x388300, s11;
	v1 =	vmov s1  }
0x264: {  	[tilespmem:s22], [sflag:$0x1] =	stream.linear.gather [hbm4b:s31+s1], $0x200, $0x38;
	[tilespmem:$0x13680] =	vst v63  }
0x265: {  	_ =	swait.ge [sflag:s28], $0x9600  }
0x266: {  	[sflag:s28] =	ssyncset.done $0x0  }
0x267: {  	[sflag:s28] =	ssyncadd.s32 $0xFFFF6A00  }
0x268: {  	s1 =	simm.s32 $0x9840;
	v5 =	vld.idx.msk [tilespmem:v1+s16+$0x0], $0xffff  }
0x269: {  	v1 =	vld [tilespmem:s1+$0x30]  }
0x26a: {  	v2 =	vld [tilespmem:s1+$0xFFFFFFC0]  }
0x26b: {  	s31 =	simm.s32 $0x1;
	v3 =	vld [tilespmem:s1+$0xFFFFFFD0]  }
0x26c: {  	v6 =	vmov s31;
	v7 =	vld [tilespmem:s1+$0xFFFFFFE0]  }
0x26d: {  	v8 =	vld [tilespmem:s1+$0xFFFFFFF0]  }
0x26e: {  	v9 =	vld [tilespmem:s1+$0x0]  }
0x26f: {  	v13 =	vld [tilespmem:s1+$0x10]  }
0x270: {  	v4 =	vimm.f32 $0.0e+00;
	v17 =	vld [tilespmem:s1+$0x20];
	s1 =	simm.s32 $0x2;
	v1 =	vmul.f32 v1, v5  }
0x271: {  	s31 =	simm.s32 $0x98C0;
	v16 =	vmov s1;
	v10 =	vmul.f32 v2, v5;
	v2 =	vld.idx.msk [tilespmem:v6+s16+$0x0], $0xffff;
	v6 =	vmul.f32 v7, v5  }
0x272: {  	v11 =	vmul.f32 v3, v5;
	v3 =	vld [tilespmem:s31+$0x30];
	v7 =	vmul.f32 v8, v5;
	v1 =	vadd.f32 v1, v4  }
0x273: {  	v15 =	vld [tilespmem:s31+$0xFFFFFFC0];
	v12 =	vadd.f32 v10, v4;
	v10 =	vadd.f32 v6, v4;
	v6 =	vmul.f32 v9, v5  }
0x274: {  	v14 =	vld [tilespmem:s31+$0xFFFFFFD0];
	v11 =	vadd.f32 v11, v4;
	v8 =	vadd.f32 v7, v4;
	v9 =	vmul.f32 v13, v5  }
0x275: {  	s1 =	simm.s32 $0x3;
	v13 =	vld [tilespmem:s31+$0xFFFFFFE0];
	v7 =	vmul.f32 v17, v5;
	v5 =	vimm.f32 $0.0e+00;
	v6 =	vadd.f32 v6, v4  }
.LBB2_12:
0x276: {  	p0 =	sne.s32 s1, $0x12B;
	v17 =	vld [tilespmem:s31+$0xFFFFFFF0];
	v4 =	vadd.f32 v9, v4  }
0x277: {  	v9 =	vld [tilespmem:s31+$0x0];
	v3 =	vmul.f32 v3, v2;
	v5 =	vadd.f32 v7, v5;
	v7 =	vmov v2  }
0x278: {  	v15 =	vmul.f32 v15, v7;
	v18 =	vld [tilespmem:s31+$0x10]  }
0x279: {  	v14 =	vmul.f32 v14, v7;
	v19 =	vld [tilespmem:s31+$0x20];
	v1 =	vadd.f32 v3, v1  }
.Ltmp5:
0x27a: {  	s31 =	sadd.s32 $0x80, s31;
	v2 =	vld.idx.msk [tilespmem:v16+s16+$0x0], $0xffff;
	v12 =	vadd.f32 v15, v12;
	v13 =	vmul.f32 v13, v7;
	(pc) =	sbr.rel @p0 .LBB2_12-.Ltmp5, $4  }
0x27b: {  	v3 =	vld [tilespmem:s31+$0x30];
	v11 =	vadd.f32 v14, v11;
	v16 =	vmul.f32 v17, v7  }
0x27c: {  	v15 =	vld [tilespmem:s31+$0xFFFFFFC0];
	v10 =	vadd.f32 v13, v10;
	v17 =	vmul.f32 v9, v7  }
0x27d: {  	v14 =	vld [tilespmem:s31+$0xFFFFFFD0];
	v8 =	vadd.f32 v16, v8;
	v9 =	vmul.f32 v18, v7  }
0x27e: {  	v16 =	vmov s1;
	s1 =	sadd.s32 $0x1, s1;
	v13 =	vld [tilespmem:s31+$0xFFFFFFE0];
	v6 =	vadd.f32 v17, v6;
	v7 =	vmul.f32 v19, v7  }
0x27f: {  	_ =	sdelay $0x3  }
0x280: {  	v16 =	vld.idx.msk [tilespmem:v16+s16+$0x0], $0xffff;
	s1 =	sadd.s32 $0x80, s31  }
0x281: {  	v17 =	vld [tilespmem:s1+$0xFFFFFFC0];
	_ =	sdelay $0x2  }
0x282: {  	v15 =	vmul.f32 v15, v2;
	_ =	sdelay $0x1  }
0x283: {  	v12 =	vadd.f32 v15, v12;
	v15 =	vmul.f32 v17, v16;
	_ =	sdelay $0x1  }
0x284: {  	v12 =	vadd.f32 v15, v12;
	_ =	sdelay $0x1  }
0x285: {  	v12 =	vadd.f32 v12, v0;
	_ =	sdelay $0x1  }
0x286: {  	v12 =	vmax.f32 v12, $0.0e+00  }
0x287: {  	v12 =	vsub.f32 $0.0e+00, v12  }
0x288: {  	v15 =	vld [tilespmem:s1+$0xFFFFFFD0]  }
0x289: {  	v12 =	vmul.f32 $1.442695020e+00, v12;
	_ =	sdelay $0x1  }
0x28a: {  	v14 =	vmul.f32 v14, v2;
	(erf) = vpow2.f32 v12;
	_ =	sdelay $0x1  }
0x28b: {  	v11 =	vadd.f32 v14, v11;
	v12 =	vmul.f32 v15, v16;
	_ =	sdelay $0x1  }
0x28c: {  	v11 =	vadd.f32 v12, v11;
	_ =	sdelay $0x1  }
0x28d: {  	v11 =	vadd.f32 v11, v0;
	_ =	sdelay $0x1  }
0x28e: {  	v11 =	vmax.f32 v11, $0.0e+00  }
0x28f: {  	v11 =	vsub.f32 $0.0e+00, v11;
	v12 =	vpop (erf)  }
0x290: {  	v14 =	vld [tilespmem:s1+$0xFFFFFFE0];
	v12 =	vadd.f32 $1.000000000e+00, v12  }
0x291: {  	v11 =	vmul.f32 $1.442695020e+00, v11  }
0x292: {  	(erf) = vrcp.f32 v12  }
0x293: {  	v12 =	vmul.f32 v13, v2;
	(erf) = vpow2.f32 v11;
	_ =	sdelay $0x1  }
0x294: {  	v11 =	vmul.f32 v14, v16;
	v10 =	vadd.f32 v12, v10;
	_ =	sdelay $0x1  }
0x295: {  	v10 =	vadd.f32 v11, v10;
	_ =	sdelay $0x1  }
0x296: {  	v10 =	vadd.f32 v10, v0;
	_ =	sdelay $0x1  }
0x297: {  	v11 =	vld [tilespmem:s31+$0xFFFFFFF0];
	v10 =	vmax.f32 v10, $0.0e+00;
	v12 =	vpop (erf)  }
0x298: {  	v10 =	vsub.f32 $0.0e+00, v10;
	v13 =	vpop (erf)  }
0x299: {  	v14 =	vld [tilespmem:s1+$0xFFFFFFF0];
	v13 =	vadd.f32 $1.000000000e+00, v13  }
0x29a: {  	v10 =	vmul.f32 $1.442695020e+00, v10  }
0x29b: {  	(erf) = vrcp.f32 v13  }
0x29c: {  	v11 =	vmul.f32 v11, v2;
	(erf) = vpow2.f32 v10;
	_ =	sdelay $0x1  }
0x29d: {  	v8 =	vadd.f32 v11, v8;
	v10 =	vmul.f32 v14, v16;
	_ =	sdelay $0x1  }
0x29e: {  	v8 =	vadd.f32 v10, v8;
	_ =	sdelay $0x1  }
0x29f: {  	v8 =	vadd.f32 v8, v0;
	_ =	sdelay $0x1  }
0x2a0: {  	v10 =	vld [tilespmem:s31+$0x0];
	v8 =	vmax.f32 v8, $0.0e+00;
	v11 =	vpop (erf)  }
0x2a1: {  	v8 =	vsub.f32 $0.0e+00, v8;
	v13 =	vpop (erf)  }
0x2a2: {  	v14 =	vld [tilespmem:s1+$0x0];
	v13 =	vadd.f32 $1.000000000e+00, v13  }
0x2a3: {  	v8 =	vmul.f32 $1.442695020e+00, v8  }
0x2a4: {  	(erf) = vrcp.f32 v13  }
0x2a5: {  	v10 =	vmul.f32 v10, v2;
	(erf) = vpow2.f32 v8;
	_ =	sdelay $0x1  }
0x2a6: {  	v6 =	vadd.f32 v10, v6;
	v8 =	vmul.f32 v14, v16;
	_ =	sdelay $0x1  }
0x2a7: {  	v6 =	vadd.f32 v8, v6;
	_ =	sdelay $0x1  }
0x2a8: {  	v6 =	vadd.f32 v6, v0;
	_ =	sdelay $0x1  }
0x2a9: {  	v8 =	vld [tilespmem:s31+$0x10];
	v6 =	vmax.f32 v6, $0.0e+00;
	v10 =	vpop (erf)  }
0x2aa: {  	v6 =	vsub.f32 $0.0e+00, v6;
	v13 =	vpop (erf)  }
0x2ab: {  	v14 =	vld [tilespmem:s1+$0x10];
	v13 =	vadd.f32 $1.000000000e+00, v13  }
0x2ac: {  	v6 =	vmul.f32 $1.442695020e+00, v6  }
0x2ad: {  	(erf) = vrcp.f32 v13  }
0x2ae: {  	v4 =	vadd.f32 v9, v4;
	v8 =	vmul.f32 v8, v2;
	(erf) = vpow2.f32 v6;
	_ =	sdelay $0x1  }
0x2af: {  	v4 =	vadd.f32 v8, v4;
	v6 =	vmul.f32 v14, v16;
	_ =	sdelay $0x1  }
0x2b0: {  	v4 =	vadd.f32 v6, v4;
	_ =	sdelay $0x1  }
0x2b1: {  	v4 =	vadd.f32 v4, v0;
	_ =	sdelay $0x1  }
0x2b2: {  	v6 =	vld [tilespmem:s31+$0x20];
	v4 =	vmax.f32 v4, $0.0e+00;
	v8 =	vpop (erf)  }
0x2b3: {  	v4 =	vsub.f32 $0.0e+00, v4;
	v9 =	vpop (erf)  }
0x2b4: {  	v13 =	vld [tilespmem:s1+$0x20];
	v9 =	vadd.f32 $1.000000000e+00, v9  }
0x2b5: {  	v4 =	vmul.f32 $1.442695020e+00, v4  }
0x2b6: {  	(erf) = vrcp.f32 v9  }
0x2b7: {  	v5 =	vadd.f32 v7, v5;
	v6 =	vmul.f32 v6, v2;
	(erf) = vpow2.f32 v4;
	_ =	sdelay $0x1  }
0x2b8: {  	v4 =	vadd.f32 v6, v5;
	v5 =	vmul.f32 v13, v16;
	_ =	sdelay $0x1  }
0x2b9: {  	v4 =	vadd.f32 v5, v4;
	_ =	sdelay $0x1  }
0x2ba: {  	v4 =	vadd.f32 v4, v0;
	_ =	sdelay $0x1  }
0x2bb: {  	v4 =	vmax.f32 v4, $0.0e+00;
	v5 =	vpop (erf)  }
0x2bc: {  	v4 =	vsub.f32 $0.0e+00, v4;
	v6 =	vpop (erf)  }
0x2bd: {  	v7 =	vld [tilespmem:s1+$0x30];
	v6 =	vadd.f32 $1.000000000e+00, v6  }
0x2be: {  	v4 =	vmul.f32 $1.442695020e+00, v4  }
0x2bf: {  	(erf) = vrcp.f32 v6  }
0x2c0: {  	v2 =	vmul.f32 v3, v2;
	(erf) = vpow2.f32 v4;
	_ =	sdelay $0x1  }
0x2c1: {  	v1 =	vadd.f32 v2, v1;
	v2 =	vmul.f32 v7, v16;
	_ =	sdelay $0x1  }
0x2c2: {  	v1 =	vadd.f32 v2, v1;
	_ =	sdelay $0x1  }
0x2c3: {  	v1 =	vadd.f32 v1, v0;
	_ =	sdelay $0x1  }
0x2c4: {  	v1 =	vmax.f32 v1, $0.0e+00;
	v2 =	vpop (erf)  }
0x2c5: {  	v1 =	vsub.f32 $0.0e+00, v1;
	v3 =	vpop (erf)  }
0x2c6: {  	v3 =	vadd.f32 $1.000000000e+00, v3  }
0x2c7: {  	v1 =	vmul.f32 $1.442695020e+00, v1  }
0x2c8: {  	(erf) = vrcp.f32 v3  }
0x2c9: {  	(erf) = vpow2.f32 v1;
	_ =	sdelay $0x7  }
0x2ca: {  	v1 =	vpop (erf)  }
0x2cb: {  	v3 =	vpop (erf)  }
0x2cc: {  	v3 =	vadd.f32 $1.000000000e+00, v3;
	_ =	sdelay $0x1  }
0x2cd: {  	(erf) = vrcp.f32 v3;
	_ =	sdelay $0x2  }
0x2ce: {  	[tilespmem:$0x13480] =	vst v12  }
0x2cf: {  	[tilespmem:$0x13490] =	vst v11  }
0x2d0: {  	[tilespmem:$0x134A0] =	vst v10  }
0x2d1: {  	[tilespmem:$0x134B0] =	vst v8  }
0x2d2: {  	[tilespmem:$0x134C0] =	vst v5  }
0x2d3: {  	[tilespmem:$0x134D0] =	vst v2  }
0x2d4: {  	[tilespmem:$0x134E0] =	vst v1;
	v1 =	vpop (erf)  }
0x2d5: {  	s1 =	simm.s32 $0x0;
	[tilespmem:$0x134F0] =	vst v1  }
0x2d6: {  	[tilespmem:s23], [sflag:$0x2] =	stream.strided.gather [hbm4b:s12+s19], $0x9400, s20, s19, $0x38;
	[tilespmem:$0x13680] =	vst v63  }
0x2d7: {  	s31 =	sadd.s32 $0x388300, s12;
	v1 =	vmov s1  }
0x2d8: {  	[tilespmem:s25], [sflag:$0x2] =	stream.linear.gather [hbm4b:s31+s1], $0x200, $0x38;
	[tilespmem:$0x13680] =	vst v63  }
0x2d9: {  	_ =	swait.ge [sflag:s26], $0x9600  }
0x2da: {  	[sflag:s26] =	ssyncset.done $0x0  }
0x2db: {  	[sflag:s26] =	ssyncadd.s32 $0xFFFF6A00  }
0x2dc: {  	s1 =	simm.s32 $0x40;
	v5 =	vld.idx.msk [tilespmem:v1+s16+$0x0], $0xffff  }
0x2dd: {  	v1 =	vld [tilespmem:s1+$0x30]  }
0x2de: {  	v2 =	vld [tilespmem:s1+$0xFFFFFFC0]  }
0x2df: {  	s31 =	simm.s32 $0x1;
	v3 =	vld [tilespmem:s1+$0xFFFFFFD0]  }
0x2e0: {  	v6 =	vmov s31;
	v7 =	vld [tilespmem:s1+$0xFFFFFFE0]  }
0x2e1: {  	v8 =	vld [tilespmem:s1+$0xFFFFFFF0]  }
0x2e2: {  	v9 =	vld [tilespmem:s1+$0x0]  }
0x2e3: {  	v13 =	vld [tilespmem:s1+$0x10]  }
0x2e4: {  	v4 =	vimm.f32 $0.0e+00;
	v17 =	vld [tilespmem:s1+$0x20];
	s1 =	simm.s32 $0x2;
	v1 =	vmul.f32 v1, v5  }
0x2e5: {  	s31 =	simm.s32 $0xC0;
	v16 =	vmov s1;
	v10 =	vmul.f32 v2, v5;
	v2 =	vld.idx.msk [tilespmem:v6+s16+$0x0], $0xffff;
	v6 =	vmul.f32 v7, v5  }
0x2e6: {  	v11 =	vmul.f32 v3, v5;
	v3 =	vld [tilespmem:s31+$0x30];
	v7 =	vmul.f32 v8, v5;
	v1 =	vadd.f32 v1, v4  }
0x2e7: {  	v15 =	vld [tilespmem:s31+$0xFFFFFFC0];
	v12 =	vadd.f32 v10, v4;
	v10 =	vadd.f32 v6, v4;
	v6 =	vmul.f32 v9, v5  }
0x2e8: {  	v14 =	vld [tilespmem:s31+$0xFFFFFFD0];
	v11 =	vadd.f32 v11, v4;
	v8 =	vadd.f32 v7, v4;
	v9 =	vmul.f32 v13, v5  }
0x2e9: {  	s1 =	simm.s32 $0x3;
	v13 =	vld [tilespmem:s31+$0xFFFFFFE0];
	v7 =	vmul.f32 v17, v5;
	v5 =	vimm.f32 $0.0e+00;
	v6 =	vadd.f32 v6, v4  }
.LBB2_14:
0x2ea: {  	p0 =	sne.s32 s1, $0x12B;
	v17 =	vld [tilespmem:s31+$0xFFFFFFF0];
	v4 =	vadd.f32 v9, v4  }
0x2eb: {  	v9 =	vld [tilespmem:s31+$0x0];
	v3 =	vmul.f32 v3, v2;
	v5 =	vadd.f32 v7, v5;
	v7 =	vmov v2  }
0x2ec: {  	v15 =	vmul.f32 v15, v7;
	v18 =	vld [tilespmem:s31+$0x10]  }
0x2ed: {  	v14 =	vmul.f32 v14, v7;
	v19 =	vld [tilespmem:s31+$0x20];
	v1 =	vadd.f32 v3, v1  }
.Ltmp6:
0x2ee: {  	s31 =	sadd.s32 $0x80, s31;
	v2 =	vld.idx.msk [tilespmem:v16+s16+$0x0], $0xffff;
	v12 =	vadd.f32 v15, v12;
	v13 =	vmul.f32 v13, v7;
	(pc) =	sbr.rel @p0 .LBB2_14-.Ltmp6, $4  }
0x2ef: {  	v3 =	vld [tilespmem:s31+$0x30];
	v11 =	vadd.f32 v14, v11;
	v16 =	vmul.f32 v17, v7  }
0x2f0: {  	v15 =	vld [tilespmem:s31+$0xFFFFFFC0];
	v10 =	vadd.f32 v13, v10;
	v17 =	vmul.f32 v9, v7  }
0x2f1: {  	v14 =	vld [tilespmem:s31+$0xFFFFFFD0];
	v8 =	vadd.f32 v16, v8;
	v9 =	vmul.f32 v18, v7  }
0x2f2: {  	v16 =	vmov s1;
	s1 =	sadd.s32 $0x1, s1;
	v13 =	vld [tilespmem:s31+$0xFFFFFFE0];
	v6 =	vadd.f32 v17, v6;
	v7 =	vmul.f32 v19, v7  }
0x2f3: {  	_ =	sdelay $0x3  }
0x2f4: {  	v16 =	vld.idx.msk [tilespmem:v16+s16+$0x0], $0xffff;
	s1 =	sadd.s32 $0x80, s31  }
0x2f5: {  	v17 =	vld [tilespmem:s1+$0xFFFFFFC0];
	_ =	sdelay $0x2  }
0x2f6: {  	v15 =	vmul.f32 v15, v2;
	_ =	sdelay $0x1  }
0x2f7: {  	v12 =	vadd.f32 v15, v12;
	v15 =	vmul.f32 v17, v16;
	_ =	sdelay $0x1  }
0x2f8: {  	v12 =	vadd.f32 v15, v12;
	_ =	sdelay $0x1  }
0x2f9: {  	v12 =	vadd.f32 v12, v0;
	_ =	sdelay $0x1  }
0x2fa: {  	v12 =	vmax.f32 v12, $0.0e+00  }
0x2fb: {  	v12 =	vsub.f32 $0.0e+00, v12  }
0x2fc: {  	v15 =	vld [tilespmem:s1+$0xFFFFFFD0]  }
0x2fd: {  	v12 =	vmul.f32 $1.442695020e+00, v12;
	_ =	sdelay $0x1  }
0x2fe: {  	v14 =	vmul.f32 v14, v2;
	(erf) = vpow2.f32 v12;
	_ =	sdelay $0x1  }
0x2ff: {  	v11 =	vadd.f32 v14, v11;
	v12 =	vmul.f32 v15, v16;
	_ =	sdelay $0x1  }
0x300: {  	v11 =	vadd.f32 v12, v11;
	_ =	sdelay $0x1  }
0x301: {  	v11 =	vadd.f32 v11, v0;
	_ =	sdelay $0x1  }
0x302: {  	v11 =	vmax.f32 v11, $0.0e+00  }
0x303: {  	v11 =	vsub.f32 $0.0e+00, v11;
	v12 =	vpop (erf)  }
0x304: {  	v14 =	vld [tilespmem:s1+$0xFFFFFFE0];
	v12 =	vadd.f32 $1.000000000e+00, v12  }
0x305: {  	v11 =	vmul.f32 $1.442695020e+00, v11  }
0x306: {  	(erf) = vrcp.f32 v12  }
0x307: {  	v12 =	vmul.f32 v13, v2;
	(erf) = vpow2.f32 v11;
	_ =	sdelay $0x1  }
0x308: {  	v11 =	vmul.f32 v14, v16;
	v10 =	vadd.f32 v12, v10;
	_ =	sdelay $0x1  }
0x309: {  	v10 =	vadd.f32 v11, v10;
	_ =	sdelay $0x1  }
0x30a: {  	v10 =	vadd.f32 v10, v0;
	_ =	sdelay $0x1  }
0x30b: {  	v11 =	vld [tilespmem:s31+$0xFFFFFFF0];
	v10 =	vmax.f32 v10, $0.0e+00;
	v12 =	vpop (erf)  }
0x30c: {  	v10 =	vsub.f32 $0.0e+00, v10;
	v13 =	vpop (erf)  }
0x30d: {  	v14 =	vld [tilespmem:s1+$0xFFFFFFF0];
	v13 =	vadd.f32 $1.000000000e+00, v13  }
0x30e: {  	v10 =	vmul.f32 $1.442695020e+00, v10  }
0x30f: {  	(erf) = vrcp.f32 v13  }
0x310: {  	v11 =	vmul.f32 v11, v2;
	(erf) = vpow2.f32 v10;
	_ =	sdelay $0x1  }
0x311: {  	v8 =	vadd.f32 v11, v8;
	v10 =	vmul.f32 v14, v16;
	_ =	sdelay $0x1  }
0x312: {  	v8 =	vadd.f32 v10, v8;
	_ =	sdelay $0x1  }
0x313: {  	v8 =	vadd.f32 v8, v0;
	_ =	sdelay $0x1  }
0x314: {  	v10 =	vld [tilespmem:s31+$0x0];
	v8 =	vmax.f32 v8, $0.0e+00;
	v11 =	vpop (erf)  }
0x315: {  	v8 =	vsub.f32 $0.0e+00, v8;
	v13 =	vpop (erf)  }
0x316: {  	v14 =	vld [tilespmem:s1+$0x0];
	v13 =	vadd.f32 $1.000000000e+00, v13  }
0x317: {  	v8 =	vmul.f32 $1.442695020e+00, v8  }
0x318: {  	(erf) = vrcp.f32 v13  }
0x319: {  	v10 =	vmul.f32 v10, v2;
	(erf) = vpow2.f32 v8;
	_ =	sdelay $0x1  }
0x31a: {  	v6 =	vadd.f32 v10, v6;
	v8 =	vmul.f32 v14, v16;
	_ =	sdelay $0x1  }
0x31b: {  	v6 =	vadd.f32 v8, v6;
	_ =	sdelay $0x1  }
0x31c: {  	v6 =	vadd.f32 v6, v0;
	_ =	sdelay $0x1  }
0x31d: {  	v8 =	vld [tilespmem:s31+$0x10];
	v6 =	vmax.f32 v6, $0.0e+00;
	v10 =	vpop (erf)  }
0x31e: {  	v6 =	vsub.f32 $0.0e+00, v6;
	v13 =	vpop (erf)  }
0x31f: {  	v14 =	vld [tilespmem:s1+$0x10];
	v13 =	vadd.f32 $1.000000000e+00, v13  }
0x320: {  	v6 =	vmul.f32 $1.442695020e+00, v6  }
0x321: {  	(erf) = vrcp.f32 v13  }
0x322: {  	v4 =	vadd.f32 v9, v4;
	v8 =	vmul.f32 v8, v2;
	(erf) = vpow2.f32 v6;
	_ =	sdelay $0x1  }
0x323: {  	v4 =	vadd.f32 v8, v4;
	v6 =	vmul.f32 v14, v16;
	_ =	sdelay $0x1  }
0x324: {  	v4 =	vadd.f32 v6, v4;
	_ =	sdelay $0x1  }
0x325: {  	v4 =	vadd.f32 v4, v0;
	_ =	sdelay $0x1  }
0x326: {  	v6 =	vld [tilespmem:s31+$0x20];
	v4 =	vmax.f32 v4, $0.0e+00;
	v8 =	vpop (erf)  }
0x327: {  	v4 =	vsub.f32 $0.0e+00, v4;
	v9 =	vpop (erf)  }
0x328: {  	v13 =	vld [tilespmem:s1+$0x20];
	v9 =	vadd.f32 $1.000000000e+00, v9  }
0x329: {  	v4 =	vmul.f32 $1.442695020e+00, v4  }
0x32a: {  	(erf) = vrcp.f32 v9  }
0x32b: {  	v5 =	vadd.f32 v7, v5;
	v6 =	vmul.f32 v6, v2;
	(erf) = vpow2.f32 v4;
	_ =	sdelay $0x1  }
0x32c: {  	v4 =	vadd.f32 v6, v5;
	v5 =	vmul.f32 v13, v16;
	_ =	sdelay $0x1  }
0x32d: {  	v4 =	vadd.f32 v5, v4;
	_ =	sdelay $0x1  }
0x32e: {  	v4 =	vadd.f32 v4, v0;
	_ =	sdelay $0x1  }
0x32f: {  	v4 =	vmax.f32 v4, $0.0e+00;
	v5 =	vpop (erf)  }
0x330: {  	v4 =	vsub.f32 $0.0e+00, v4;
	v6 =	vpop (erf)  }
0x331: {  	v7 =	vld [tilespmem:s1+$0x30];
	v6 =	vadd.f32 $1.000000000e+00, v6  }
0x332: {  	v4 =	vmul.f32 $1.442695020e+00, v4  }
0x333: {  	(erf) = vrcp.f32 v6  }
0x334: {  	v2 =	vmul.f32 v3, v2;
	(erf) = vpow2.f32 v4;
	_ =	sdelay $0x1  }
0x335: {  	v1 =	vadd.f32 v2, v1;
	v2 =	vmul.f32 v7, v16;
	_ =	sdelay $0x1  }
0x336: {  	v1 =	vadd.f32 v2, v1;
	_ =	sdelay $0x1  }
0x337: {  	v1 =	vadd.f32 v1, v0;
	_ =	sdelay $0x1  }
0x338: {  	v1 =	vmax.f32 v1, $0.0e+00;
	v2 =	vpop (erf)  }
0x339: {  	v1 =	vsub.f32 $0.0e+00, v1;
	v3 =	vpop (erf)  }
0x33a: {  	v3 =	vadd.f32 $1.000000000e+00, v3  }
0x33b: {  	v1 =	vmul.f32 $1.442695020e+00, v1  }
0x33c: {  	(erf) = vrcp.f32 v3  }
0x33d: {  	(erf) = vpow2.f32 v1;
	_ =	sdelay $0x7  }
0x33e: {  	v1 =	vpop (erf)  }
0x33f: {  	v3 =	vpop (erf)  }
0x340: {  	v3 =	vadd.f32 $1.000000000e+00, v3;
	_ =	sdelay $0x1  }
0x341: {  	(erf) = vrcp.f32 v3;
	_ =	sdelay $0x2  }
0x342: {  	[tilespmem:$0x13500] =	vst v12  }
0x343: {  	[tilespmem:$0x13510] =	vst v11  }
0x344: {  	[tilespmem:$0x13520] =	vst v10  }
0x345: {  	[tilespmem:$0x13530] =	vst v8  }
0x346: {  	[tilespmem:$0x13540] =	vst v5  }
0x347: {  	[tilespmem:$0x13550] =	vst v2  }
0x348: {  	[tilespmem:$0x13560] =	vst v1;
	v1 =	vpop (erf)  }
0x349: {  	s1 =	simm.s32 $0x0;
	[tilespmem:$0x13570] =	vst v1  }
0x34a: {  	[tilespmem:s1], [sflag:$0x1] =	stream.strided.gather [hbm4b:s13+s19], $0x9400, s20, s19, $0x38;
	[tilespmem:$0x13680] =	vst v63  }
0x34b: {  	s31 =	sadd.s32 $0x388300, s13;
	v1 =	vmov s1  }
0x34c: {  	[tilespmem:s22], [sflag:$0x1] =	stream.linear.gather [hbm4b:s31+s1], $0x200, $0x38;
	[tilespmem:$0x13680] =	vst v63  }
0x34d: {  	_ =	swait.ge [sflag:s28], $0x9600  }
0x34e: {  	[sflag:s28] =	ssyncset.done $0x0  }
0x34f: {  	[sflag:s28] =	ssyncadd.s32 $0xFFFF6A00  }
0x350: {  	s1 =	simm.s32 $0x9840;
	v5 =	vld.idx.msk [tilespmem:v1+s16+$0x0], $0xffff  }
0x351: {  	v1 =	vld [tilespmem:s1+$0x30]  }
0x352: {  	v2 =	vld [tilespmem:s1+$0xFFFFFFC0]  }
0x353: {  	s31 =	simm.s32 $0x1;
	v3 =	vld [tilespmem:s1+$0xFFFFFFD0]  }
0x354: {  	v6 =	vmov s31;
	v7 =	vld [tilespmem:s1+$0xFFFFFFE0]  }
0x355: {  	v8 =	vld [tilespmem:s1+$0xFFFFFFF0]  }
0x356: {  	v9 =	vld [tilespmem:s1+$0x0]  }
0x357: {  	v13 =	vld [tilespmem:s1+$0x10]  }
0x358: {  	v4 =	vimm.f32 $0.0e+00;
	v17 =	vld [tilespmem:s1+$0x20];
	s1 =	simm.s32 $0x2;
	v1 =	vmul.f32 v1, v5  }
0x359: {  	s31 =	simm.s32 $0x98C0;
	v16 =	vmov s1;
	v10 =	vmul.f32 v2, v5;
	v2 =	vld.idx.msk [tilespmem:v6+s16+$0x0], $0xffff;
	v6 =	vmul.f32 v7, v5  }
0x35a: {  	v11 =	vmul.f32 v3, v5;
	v3 =	vld [tilespmem:s31+$0x30];
	v7 =	vmul.f32 v8, v5;
	v1 =	vadd.f32 v1, v4  }
0x35b: {  	v15 =	vld [tilespmem:s31+$0xFFFFFFC0];
	v12 =	vadd.f32 v10, v4;
	v10 =	vadd.f32 v6, v4;
	v6 =	vmul.f32 v9, v5  }
0x35c: {  	v14 =	vld [tilespmem:s31+$0xFFFFFFD0];
	v11 =	vadd.f32 v11, v4;
	v8 =	vadd.f32 v7, v4;
	v9 =	vmul.f32 v13, v5  }
0x35d: {  	s1 =	simm.s32 $0x3;
	v13 =	vld [tilespmem:s31+$0xFFFFFFE0];
	v7 =	vmul.f32 v17, v5;
	v5 =	vimm.f32 $0.0e+00;
	v6 =	vadd.f32 v6, v4  }
.LBB2_16:
0x35e: {  	p0 =	sne.s32 s1, $0x12B;
	v17 =	vld [tilespmem:s31+$0xFFFFFFF0];
	v4 =	vadd.f32 v9, v4  }
0x35f: {  	v9 =	vld [tilespmem:s31+$0x0];
	v3 =	vmul.f32 v3, v2;
	v5 =	vadd.f32 v7, v5;
	v7 =	vmov v2  }
0x360: {  	v15 =	vmul.f32 v15, v7;
	v18 =	vld [tilespmem:s31+$0x10]  }
0x361: {  	v14 =	vmul.f32 v14, v7;
	v19 =	vld [tilespmem:s31+$0x20];
	v1 =	vadd.f32 v3, v1  }
.Ltmp7:
0x362: {  	s31 =	sadd.s32 $0x80, s31;
	v2 =	vld.idx.msk [tilespmem:v16+s16+$0x0], $0xffff;
	v12 =	vadd.f32 v15, v12;
	v13 =	vmul.f32 v13, v7;
	(pc) =	sbr.rel @p0 .LBB2_16-.Ltmp7, $4  }
0x363: {  	v3 =	vld [tilespmem:s31+$0x30];
	v11 =	vadd.f32 v14, v11;
	v16 =	vmul.f32 v17, v7  }
0x364: {  	v15 =	vld [tilespmem:s31+$0xFFFFFFC0];
	v10 =	vadd.f32 v13, v10;
	v17 =	vmul.f32 v9, v7  }
0x365: {  	v14 =	vld [tilespmem:s31+$0xFFFFFFD0];
	v8 =	vadd.f32 v16, v8;
	v9 =	vmul.f32 v18, v7  }
0x366: {  	v16 =	vmov s1;
	s1 =	sadd.s32 $0x1, s1;
	v13 =	vld [tilespmem:s31+$0xFFFFFFE0];
	v6 =	vadd.f32 v17, v6;
	v7 =	vmul.f32 v19, v7  }
0x367: {  	_ =	sdelay $0x3  }
0x368: {  	v16 =	vld.idx.msk [tilespmem:v16+s16+$0x0], $0xffff;
	s1 =	sadd.s32 $0x80, s31  }
0x369: {  	v17 =	vld [tilespmem:s1+$0xFFFFFFC0];
	_ =	sdelay $0x2  }
0x36a: {  	v15 =	vmul.f32 v15, v2;
	_ =	sdelay $0x1  }
0x36b: {  	v12 =	vadd.f32 v15, v12;
	v15 =	vmul.f32 v17, v16;
	_ =	sdelay $0x1  }
0x36c: {  	v12 =	vadd.f32 v15, v12;
	_ =	sdelay $0x1  }
0x36d: {  	v12 =	vadd.f32 v12, v0;
	_ =	sdelay $0x1  }
0x36e: {  	v12 =	vmax.f32 v12, $0.0e+00  }
0x36f: {  	v12 =	vsub.f32 $0.0e+00, v12  }
0x370: {  	v15 =	vld [tilespmem:s1+$0xFFFFFFD0]  }
0x371: {  	v12 =	vmul.f32 $1.442695020e+00, v12;
	_ =	sdelay $0x1  }
0x372: {  	v14 =	vmul.f32 v14, v2;
	(erf) = vpow2.f32 v12;
	_ =	sdelay $0x1  }
0x373: {  	v11 =	vadd.f32 v14, v11;
	v12 =	vmul.f32 v15, v16;
	_ =	sdelay $0x1  }
0x374: {  	v11 =	vadd.f32 v12, v11;
	_ =	sdelay $0x1  }
0x375: {  	v11 =	vadd.f32 v11, v0;
	_ =	sdelay $0x1  }
0x376: {  	v11 =	vmax.f32 v11, $0.0e+00  }
0x377: {  	v11 =	vsub.f32 $0.0e+00, v11;
	v12 =	vpop (erf)  }
0x378: {  	v14 =	vld [tilespmem:s1+$0xFFFFFFE0];
	v12 =	vadd.f32 $1.000000000e+00, v12  }
0x379: {  	v11 =	vmul.f32 $1.442695020e+00, v11  }
0x37a: {  	(erf) = vrcp.f32 v12  }
0x37b: {  	v12 =	vmul.f32 v13, v2;
	(erf) = vpow2.f32 v11;
	_ =	sdelay $0x1  }
0x37c: {  	v11 =	vmul.f32 v14, v16;
	v10 =	vadd.f32 v12, v10;
	_ =	sdelay $0x1  }
0x37d: {  	v10 =	vadd.f32 v11, v10;
	_ =	sdelay $0x1  }
0x37e: {  	v10 =	vadd.f32 v10, v0;
	_ =	sdelay $0x1  }
0x37f: {  	v11 =	vld [tilespmem:s31+$0xFFFFFFF0];
	v10 =	vmax.f32 v10, $0.0e+00;
	v12 =	vpop (erf)  }
0x380: {  	v10 =	vsub.f32 $0.0e+00, v10;
	v13 =	vpop (erf)  }
0x381: {  	v14 =	vld [tilespmem:s1+$0xFFFFFFF0];
	v13 =	vadd.f32 $1.000000000e+00, v13  }
0x382: {  	v10 =	vmul.f32 $1.442695020e+00, v10  }
0x383: {  	(erf) = vrcp.f32 v13  }
0x384: {  	v11 =	vmul.f32 v11, v2;
	(erf) = vpow2.f32 v10;
	_ =	sdelay $0x1  }
0x385: {  	v8 =	vadd.f32 v11, v8;
	v10 =	vmul.f32 v14, v16;
	_ =	sdelay $0x1  }
0x386: {  	v8 =	vadd.f32 v10, v8;
	_ =	sdelay $0x1  }
0x387: {  	v8 =	vadd.f32 v8, v0;
	_ =	sdelay $0x1  }
0x388: {  	v10 =	vld [tilespmem:s31+$0x0];
	v8 =	vmax.f32 v8, $0.0e+00;
	v11 =	vpop (erf)  }
0x389: {  	v8 =	vsub.f32 $0.0e+00, v8;
	v13 =	vpop (erf)  }
0x38a: {  	v14 =	vld [tilespmem:s1+$0x0];
	v13 =	vadd.f32 $1.000000000e+00, v13  }
0x38b: {  	v8 =	vmul.f32 $1.442695020e+00, v8  }
0x38c: {  	(erf) = vrcp.f32 v13  }
0x38d: {  	v10 =	vmul.f32 v10, v2;
	(erf) = vpow2.f32 v8;
	_ =	sdelay $0x1  }
0x38e: {  	v6 =	vadd.f32 v10, v6;
	v8 =	vmul.f32 v14, v16;
	_ =	sdelay $0x1  }
0x38f: {  	v6 =	vadd.f32 v8, v6;
	_ =	sdelay $0x1  }
0x390: {  	v6 =	vadd.f32 v6, v0;
	_ =	sdelay $0x1  }
0x391: {  	v8 =	vld [tilespmem:s31+$0x10];
	v6 =	vmax.f32 v6, $0.0e+00;
	v10 =	vpop (erf)  }
0x392: {  	v6 =	vsub.f32 $0.0e+00, v6;
	v13 =	vpop (erf)  }
0x393: {  	v14 =	vld [tilespmem:s1+$0x10];
	v13 =	vadd.f32 $1.000000000e+00, v13  }
0x394: {  	v6 =	vmul.f32 $1.442695020e+00, v6  }
0x395: {  	(erf) = vrcp.f32 v13  }
0x396: {  	v4 =	vadd.f32 v9, v4;
	v8 =	vmul.f32 v8, v2;
	(erf) = vpow2.f32 v6;
	_ =	sdelay $0x1  }
0x397: {  	v4 =	vadd.f32 v8, v4;
	v6 =	vmul.f32 v14, v16;
	_ =	sdelay $0x1  }
0x398: {  	v4 =	vadd.f32 v6, v4;
	_ =	sdelay $0x1  }
0x399: {  	v4 =	vadd.f32 v4, v0;
	_ =	sdelay $0x1  }
0x39a: {  	v6 =	vld [tilespmem:s31+$0x20];
	v4 =	vmax.f32 v4, $0.0e+00;
	v8 =	vpop (erf)  }
0x39b: {  	v4 =	vsub.f32 $0.0e+00, v4;
	v9 =	vpop (erf)  }
0x39c: {  	v13 =	vld [tilespmem:s1+$0x20];
	v9 =	vadd.f32 $1.000000000e+00, v9  }
0x39d: {  	v4 =	vmul.f32 $1.442695020e+00, v4  }
0x39e: {  	(erf) = vrcp.f32 v9  }
0x39f: {  	v5 =	vadd.f32 v7, v5;
	v6 =	vmul.f32 v6, v2;
	(erf) = vpow2.f32 v4;
	_ =	sdelay $0x1  }
0x3a0: {  	v4 =	vadd.f32 v6, v5;
	v5 =	vmul.f32 v13, v16;
	_ =	sdelay $0x1  }
0x3a1: {  	v4 =	vadd.f32 v5, v4;
	_ =	sdelay $0x1  }
0x3a2: {  	v4 =	vadd.f32 v4, v0;
	_ =	sdelay $0x1  }
0x3a3: {  	v4 =	vmax.f32 v4, $0.0e+00;
	v5 =	vpop (erf)  }
0x3a4: {  	v4 =	vsub.f32 $0.0e+00, v4;
	v6 =	vpop (erf)  }
0x3a5: {  	v7 =	vld [tilespmem:s1+$0x30];
	v6 =	vadd.f32 $1.000000000e+00, v6  }
0x3a6: {  	v4 =	vmul.f32 $1.442695020e+00, v4  }
0x3a7: {  	(erf) = vrcp.f32 v6  }
0x3a8: {  	v2 =	vmul.f32 v3, v2;
	(erf) = vpow2.f32 v4;
	_ =	sdelay $0x1  }
0x3a9: {  	v1 =	vadd.f32 v2, v1;
	v2 =	vmul.f32 v7, v16;
	_ =	sdelay $0x1  }
0x3aa: {  	v1 =	vadd.f32 v2, v1;
	_ =	sdelay $0x1  }
0x3ab: {  	v1 =	vadd.f32 v1, v0;
	_ =	sdelay $0x1  }
0x3ac: {  	v1 =	vmax.f32 v1, $0.0e+00;
	v2 =	vpop (erf)  }
0x3ad: {  	v1 =	vsub.f32 $0.0e+00, v1;
	v3 =	vpop (erf)  }
0x3ae: {  	v3 =	vadd.f32 $1.000000000e+00, v3  }
0x3af: {  	v1 =	vmul.f32 $1.442695020e+00, v1  }
0x3b0: {  	(erf) = vrcp.f32 v3  }
0x3b1: {  	(erf) = vpow2.f32 v1;
	_ =	sdelay $0x7  }
0x3b2: {  	v1 =	vpop (erf)  }
0x3b3: {  	v3 =	vpop (erf)  }
0x3b4: {  	v3 =	vadd.f32 $1.000000000e+00, v3;
	_ =	sdelay $0x1  }
0x3b5: {  	(erf) = vrcp.f32 v3;
	_ =	sdelay $0x2  }
0x3b6: {  	[tilespmem:$0x13580] =	vst v12  }
0x3b7: {  	[tilespmem:$0x13590] =	vst v11  }
0x3b8: {  	[tilespmem:$0x135A0] =	vst v10  }
0x3b9: {  	[tilespmem:$0x135B0] =	vst v8  }
0x3ba: {  	[tilespmem:$0x135C0] =	vst v5  }
0x3bb: {  	s1 =	simm.s32 $0x0;
	[tilespmem:$0x135D0] =	vst v2  }
0x3bc: {  	v2 =	vmov s1;
	[tilespmem:$0x135E0] =	vst v1;
	v1 =	vpop (erf)  }
0x3bd: {  	[tilespmem:$0x135F0] =	vst v1  }
0x3be: {  	_ =	swait.ge [sflag:s26], $0x9600  }
0x3bf: {  	[sflag:s26] =	ssyncset.done $0x0  }
0x3c0: {  	[sflag:s26] =	ssyncadd.s32 $0xFFFF6A00  }
0x3c1: {  	s1 =	simm.s32 $0x40;
	v5 =	vld.idx.msk [tilespmem:v2+s16+$0x0], $0xffff  }
0x3c2: {  	v1 =	vld [tilespmem:s1+$0x30]  }
0x3c3: {  	v2 =	vld [tilespmem:s1+$0xFFFFFFC0]  }
0x3c4: {  	s31 =	simm.s32 $0x1;
	v3 =	vld [tilespmem:s1+$0xFFFFFFD0]  }
0x3c5: {  	v6 =	vmov s31;
	v7 =	vld [tilespmem:s1+$0xFFFFFFE0]  }
0x3c6: {  	v8 =	vld [tilespmem:s1+$0xFFFFFFF0]  }
0x3c7: {  	v9 =	vld [tilespmem:s1+$0x0]  }
0x3c8: {  	v13 =	vld [tilespmem:s1+$0x10]  }
0x3c9: {  	v4 =	vimm.f32 $0.0e+00;
	v17 =	vld [tilespmem:s1+$0x20];
	s1 =	simm.s32 $0x2;
	v1 =	vmul.f32 v1, v5  }
0x3ca: {  	s31 =	simm.s32 $0xC0;
	v16 =	vmov s1;
	v10 =	vmul.f32 v2, v5;
	v2 =	vld.idx.msk [tilespmem:v6+s16+$0x0], $0xffff;
	v6 =	vmul.f32 v7, v5  }
0x3cb: {  	v11 =	vmul.f32 v3, v5;
	v3 =	vld [tilespmem:s31+$0x30];
	v7 =	vmul.f32 v8, v5;
	v1 =	vadd.f32 v1, v4  }
0x3cc: {  	v15 =	vld [tilespmem:s31+$0xFFFFFFC0];
	v12 =	vadd.f32 v10, v4;
	v10 =	vadd.f32 v6, v4;
	v6 =	vmul.f32 v9, v5  }
0x3cd: {  	v14 =	vld [tilespmem:s31+$0xFFFFFFD0];
	v11 =	vadd.f32 v11, v4;
	v8 =	vadd.f32 v7, v4;
	v9 =	vmul.f32 v13, v5  }
0x3ce: {  	s1 =	simm.s32 $0x3;
	v13 =	vld [tilespmem:s31+$0xFFFFFFE0];
	v7 =	vmul.f32 v17, v5;
	v5 =	vimm.f32 $0.0e+00;
	v6 =	vadd.f32 v6, v4  }
.LBB2_18:
0x3cf: {  	p0 =	sne.s32 s1, $0x12B;
	v17 =	vld [tilespmem:s31+$0xFFFFFFF0];
	v4 =	vadd.f32 v9, v4  }
0x3d0: {  	v9 =	vld [tilespmem:s31+$0x0];
	v3 =	vmul.f32 v3, v2;
	v5 =	vadd.f32 v7, v5;
	v7 =	vmov v2  }
0x3d1: {  	v15 =	vmul.f32 v15, v7;
	v18 =	vld [tilespmem:s31+$0x10]  }
0x3d2: {  	v14 =	vmul.f32 v14, v7;
	v19 =	vld [tilespmem:s31+$0x20];
	v1 =	vadd.f32 v3, v1  }
.Ltmp8:
0x3d3: {  	s31 =	sadd.s32 $0x80, s31;
	v2 =	vld.idx.msk [tilespmem:v16+s16+$0x0], $0xffff;
	v12 =	vadd.f32 v15, v12;
	v13 =	vmul.f32 v13, v7;
	(pc) =	sbr.rel @p0 .LBB2_18-.Ltmp8, $4  }
0x3d4: {  	v3 =	vld [tilespmem:s31+$0x30];
	v11 =	vadd.f32 v14, v11;
	v16 =	vmul.f32 v17, v7  }
0x3d5: {  	v15 =	vld [tilespmem:s31+$0xFFFFFFC0];
	v10 =	vadd.f32 v13, v10;
	v17 =	vmul.f32 v9, v7  }
0x3d6: {  	v14 =	vld [tilespmem:s31+$0xFFFFFFD0];
	v8 =	vadd.f32 v16, v8;
	v9 =	vmul.f32 v18, v7  }
0x3d7: {  	v16 =	vmov s1;
	s1 =	sadd.s32 $0x1, s1;
	v13 =	vld [tilespmem:s31+$0xFFFFFFE0];
	v6 =	vadd.f32 v17, v6;
	v7 =	vmul.f32 v19, v7  }
0x3d8: {  	_ =	sdelay $0x3  }
0x3d9: {  	v16 =	vld.idx.msk [tilespmem:v16+s16+$0x0], $0xffff;
	s1 =	sadd.s32 $0x80, s31  }
0x3da: {  	v17 =	vld [tilespmem:s1+$0xFFFFFFC0];
	_ =	sdelay $0x2  }
0x3db: {  	v15 =	vmul.f32 v15, v2;
	_ =	sdelay $0x1  }
0x3dc: {  	v12 =	vadd.f32 v15, v12;
	v25 =	vmul.f32 v17, v16;
	_ =	sdelay $0x1  }
0x3dd: {  	v12 =	vadd.f32 v25, v12;
	_ =	sdelay $0x1  }
0x3de: {  	v12 =	vadd.f32 v12, v0;
	_ =	sdelay $0x1  }
0x3df: {  	v12 =	vmax.f32 v12, $0.0e+00  }
0x3e0: {  	v12 =	vsub.f32 $0.0e+00, v12  }
0x3e1: {  	v26 =	vld [tilespmem:s1+$0xFFFFFFD0]  }
0x3e2: {  	v12 =	vmul.f32 $1.442695020e+00, v12;
	_ =	sdelay $0x1  }
0x3e3: {  	v14 =	vmul.f32 v14, v2;
	(erf) = vpow2.f32 v12;
	_ =	sdelay $0x1  }
0x3e4: {  	v11 =	vadd.f32 v14, v11;
	v27 =	vmul.f32 v26, v16;
	_ =	sdelay $0x1  }
0x3e5: {  	v11 =	vadd.f32 v27, v11;
	_ =	sdelay $0x1  }
0x3e6: {  	v11 =	vadd.f32 v11, v0;
	_ =	sdelay $0x1  }
0x3e7: {  	v11 =	vmax.f32 v11, $0.0e+00  }
0x3e8: {  	v11 =	vsub.f32 $0.0e+00, v11;
	v28 =	vpop (erf)  }
0x3e9: {  	v29 =	vld [tilespmem:s1+$0xFFFFFFE0];
	v12 =	vadd.f32 $1.000000000e+00, v28  }
0x3ea: {  	v11 =	vmul.f32 $1.442695020e+00, v11  }
0x3eb: {  	(erf) = vrcp.f32 v12  }
0x3ec: {  	v30 =	vmul.f32 v13, v2;
	(erf) = vpow2.f32 v11;
	_ =	sdelay $0x1  }
0x3ed: {  	v10 =	vadd.f32 v30, v10;
	v31 =	vmul.f32 v29, v16;
	_ =	sdelay $0x1  }
0x3ee: {  	v10 =	vadd.f32 v31, v10;
	_ =	sdelay $0x1  }
0x3ef: {  	v10 =	vadd.f32 v10, v0;
	_ =	sdelay $0x1  }
0x3f0: {  	v32 =	vld [tilespmem:s31+$0xFFFFFFF0];
	v10 =	vmax.f32 v10, $0.0e+00;
	v33 =	vpop (erf)  }
0x3f1: {  	v10 =	vsub.f32 $0.0e+00, v10;
	v34 =	vpop (erf)  }
0x3f2: {  	v35 =	vld [tilespmem:s1+$0xFFFFFFF0];
	v13 =	vadd.f32 $1.000000000e+00, v34  }
0x3f3: {  	v10 =	vmul.f32 $1.442695020e+00, v10  }
0x3f4: {  	(erf) = vrcp.f32 v13  }
0x3f5: {  	v11 =	vmul.f32 v32, v2;
	(erf) = vpow2.f32 v10;
	_ =	sdelay $0x1  }
0x3f6: {  	v36 =	vmul.f32 v35, v16;
	v8 =	vadd.f32 v11, v8;
	_ =	sdelay $0x1  }
0x3f7: {  	v8 =	vadd.f32 v36, v8;
	_ =	sdelay $0x1  }
0x3f8: {  	v8 =	vadd.f32 v8, v0;
	_ =	sdelay $0x1  }
0x3f9: {  	v37 =	vld [tilespmem:s31+$0x0];
	v8 =	vmax.f32 v8, $0.0e+00;
	v38 =	vpop (erf)  }
0x3fa: {  	v8 =	vsub.f32 $0.0e+00, v8;
	v39 =	vpop (erf)  }
0x3fb: {  	v40 =	vld [tilespmem:s1+$0x0];
	v13 =	vadd.f32 $1.000000000e+00, v39  }
0x3fc: {  	v8 =	vmul.f32 $1.442695020e+00, v8  }
0x3fd: {  	(erf) = vrcp.f32 v13  }
0x3fe: {  	v10 =	vmul.f32 v37, v2;
	(erf) = vpow2.f32 v8;
	_ =	sdelay $0x1  }
0x3ff: {  	v41 =	vmul.f32 v40, v16;
	v6 =	vadd.f32 v10, v6;
	_ =	sdelay $0x1  }
0x400: {  	v6 =	vadd.f32 v41, v6;
	_ =	sdelay $0x1  }
0x401: {  	v6 =	vadd.f32 v6, v0;
	_ =	sdelay $0x1  }
0x402: {  	v42 =	vld [tilespmem:s31+$0x10];
	v6 =	vmax.f32 v6, $0.0e+00;
	v43 =	vpop (erf)  }
0x403: {  	v6 =	vsub.f32 $0.0e+00, v6;
	v44 =	vpop (erf)  }
0x404: {  	v45 =	vld [tilespmem:s1+$0x10];
	v13 =	vadd.f32 $1.000000000e+00, v44  }
0x405: {  	v6 =	vmul.f32 $1.442695020e+00, v6  }
0x406: {  	(erf) = vrcp.f32 v13  }
0x407: {  	v4 =	vadd.f32 v9, v4;
	v8 =	vmul.f32 v42, v2;
	(erf) = vpow2.f32 v6;
	_ =	sdelay $0x1  }
0x408: {  	v46 =	vmul.f32 v45, v16;
	v4 =	vadd.f32 v8, v4;
	_ =	sdelay $0x1  }
0x409: {  	v4 =	vadd.f32 v46, v4;
	_ =	sdelay $0x1  }
0x40a: {  	v4 =	vadd.f32 v4, v0;
	_ =	sdelay $0x1  }
0x40b: {  	v47 =	vld [tilespmem:s31+$0x20];
	v4 =	vmax.f32 v4, $0.0e+00;
	v48 =	vpop (erf)  }
0x40c: {  	v4 =	vsub.f32 $0.0e+00, v4;
	v49 =	vpop (erf)  }
0x40d: {  	v50 =	vld [tilespmem:s1+$0x20];
	v9 =	vadd.f32 $1.000000000e+00, v49  }
0x40e: {  	v4 =	vmul.f32 $1.442695020e+00, v4  }
0x40f: {  	(erf) = vrcp.f32 v9  }
0x410: {  	v5 =	vadd.f32 v7, v5;
	v6 =	vmul.f32 v47, v2;
	(erf) = vpow2.f32 v4;
	_ =	sdelay $0x1  }
0x411: {  	v52 =	vmul.f32 v50, v16;
	v51 =	vadd.f32 v6, v5;
	_ =	sdelay $0x1  }
0x412: {  	v4 =	vadd.f32 v52, v51;
	_ =	sdelay $0x1  }
0x413: {  	v4 =	vadd.f32 v4, v0;
	_ =	sdelay $0x1  }
0x414: {  	v4 =	vmax.f32 v4, $0.0e+00;
	v53 =	vpop (erf)  }
0x415: {  	v4 =	vsub.f32 $0.0e+00, v4;
	v54 =	vpop (erf)  }
0x416: {  	v55 =	vld [tilespmem:s1+$0x30];
	v6 =	vadd.f32 $1.000000000e+00, v54  }
0x417: {  	v4 =	vmul.f32 $1.442695020e+00, v4  }
0x418: {  	(erf) = vrcp.f32 v6  }
0x419: {  	v56 =	vmul.f32 v3, v2;
	(erf) = vpow2.f32 v4;
	_ =	sdelay $0x1  }
0x41a: {  	v1 =	vadd.f32 v56, v1;
	v57 =	vmul.f32 v55, v16;
	_ =	sdelay $0x1  }
0x41b: {  	v1 =	vadd.f32 v57, v1;
	_ =	sdelay $0x1  }
0x41c: {  	v58 =	vadd.f32 v1, v0;
	_ =	sdelay $0x1  }
0x41d: {  	v0 =	vmax.f32 v58, $0.0e+00;
	v59 =	vpop (erf)  }
0x41e: {  	v0 =	vsub.f32 $0.0e+00, v0;
	v60 =	vpop (erf)  }
0x41f: {  	v2 =	vadd.f32 $1.000000000e+00, v60  }
0x420: {  	v0 =	vmul.f32 $1.442695020e+00, v0  }
0x421: {  	(erf) = vrcp.f32 v2  }
0x422: {  	(erf) = vpow2.f32 v0;
	_ =	sdelay $0x7  }
0x423: {  	v61 =	vpop (erf)  }
0x424: {  	v62 =	vpop (erf)  }
0x425: {  	v2 =	vadd.f32 $1.000000000e+00, v62;
	_ =	sdelay $0x1  }
0x426: {  	(erf) = vrcp.f32 v2;
	_ =	sdelay $0x2  }
0x427: {  	[tilespmem:$0x13600] =	vst v33  }
0x428: {  	[tilespmem:$0x13610] =	vst v38  }
0x429: {  	[tilespmem:$0x13620] =	vst v43  }
0x42a: {  	[tilespmem:$0x13630] =	vst v48  }
0x42b: {  	[tilespmem:$0x13640] =	vst v53  }
0x42c: {  	s30 =	sadd.s32 $0x1, s30;
	[tilespmem:$0x13650] =	vst v59  }
0x42d: {  	p0 =	sne.s32 s30, s15;
	[tilespmem:$0x13660] =	vst v61;
	v63 =	vpop (erf)  }
.Ltmp9:
0x42e: {  	[tilespmem:$0x13670] =	vst v63;
	(pc) =	sbr.rel @p0 .LBB2_1-.Ltmp9, $4  }
0x42f: {  	[hbm4b:s14+s3] =	stream.linear.scatter [tilespmem:s29], [sflag:$0x3], $0x480, $0x38;
	[tilespmem:$0x13680] =	vst v63  }
0x430: {  	_ =	swait.ge [sflag:s17], $0x480  }
0x431: {  	[sflag:s17] =	ssyncset.done $0x0  }
0x432: {  	[sflag:s17] =	ssyncadd.s32 $0xFFFFFB80  }
0x433: {  	_ =	sfence.sel $0x180000  }
0x434: {  	[bflag:$0x0] =	sbarrier.arrive $0xFFFF  }
0x435: {  	_ =	strace $0x90000047  }
0x436: {  	[bflag:$0x2] =	sbarrier.arrive $0xFFFF  }
0x437: {  	p0 =	sne.s32 s0, $0x0;
	s0 =	rddreg [dreg:$0x3]  }
0x438: {  	s0 =	sadd.s32 @!p0 $0x100000, s0  }
0x439: {  	[sflag:s0] =	ssyncadd.tile.s32 @!p0 $0x1;
	_ =	shalt  }
.Lfunc_end2:
_tile_overlayer_lowered:
.L_overlay_start_2:
0x43a: {  	(tag) =	ssettag $0x2  }
0x43b: {  	s0 =	rddreg [dreg:$0x0];
	s2 =	stileid.u32  }
0x43c: {  	s1 =	rddreg [dreg:$0x1];
	p0 =	sne.s32 s2, $0x0  }
0x43d: {  	s3 =	rddreg [dreg:$0x2];
	[bflag:$0x3] =	sbarrier.arrive $0xFFFF;
	s2 =	simm.s32 @!p0 $0x1C03  }
0x43e: {  	[timem:s3], [sflag:s2] =	dma.local @!p0 [hbm:s0], s1  }
0x43f: {  	s0 =	simm.s32 @!p0 $0x3  }
0x440: {  	_ =	swait.ge @!p0 [sflag:s0], s1  }
0x441: {  	s1 =	ssub.s32 @!p0 $0x0, s1;
	[sflag:s0] =	ssyncset.done @!p0 $0x0  }
0x442: {  	[sflag:s0] =	ssyncadd.s32 @!p0 s1  }
0x443: {  	[bflag:$0x3] =	sbarrier.arrive $0xFFFF  }
0x444: {  	_ =	shalt  }

// kernel: kernel.8.cloned.1.call-start
scs
__scs_entry_jumppad:
0x0: {  	(pc) =	sbr.rel $0x88, $3  }
0x1: {  	(tag) =	ssettag $0x0;
	lr =	simm.s32 $0x1  }
0x2: {  	[smem:$0x3F9D] =	sst lr;
	_ =	strace $0xD0000000  }
0x3: {  	_ = 	snop  }
0x4: {  	_ = 	snop  }
0x5: {  	_ = 	snop  }
0x6: {  	_ = 	snop  }
0x7: {  	_ = 	snop  }
__scs_overlays_trampoline_lowered:
0x8: {  	[smem:$0x3FAC] =	sst s0  }
0x9: {  	[smem:$0x3FAD] =	sst s1  }
0xa: {  	[smem:$0x3FAE] =	sst s2  }
0xb: {  	[smem:$0x3FAF] =	sst s3  }
0xc: {  	[smem:$0x3FB0] =	sst s4  }
0xd: {  	[smem:$0x3FB1] =	sst s5  }
0xe: {  	[smem:$0x3FB2] =	sst s6  }
0xf: {  	[smem:$0x3FB3] =	sst s7  }
0x10: {  	[smem:$0x3FB4] =	sst s8  }
0x11: {  	[smem:$0x3FB5] =	sst s9;
	s0 =	simm.s32 @!p0 $0x0  }
0x12: {  	s1 =	sld [smem:$0x3F9B];
	s0 =	simm.s32 @p0 $0x1  }
0x13: {  	[smem:$0x3FB6] =	sst s0;
	s0 =	simm.s32 @!p1 $0x0  }
0x14: {  	s2 =	sld [smem:$0x3F9A];
	s0 =	simm.s32 @p1 $0x1  }
0x15: {  	[smem:$0x3FB7] =	sst s0;
	s0 =	simm.s32 @!p2 $0x0  }
0x16: {  	s3 =	sld [smem:$0x3FDB];
	s0 =	simm.s32 @p2 $0x1  }
0x17: {  	s4 =	simm.s32 $0x1BF5;
	[smem:$0x3FB9] =	sst s0  }
0x18: {  	s0 =	sld [smem:$0x3F9C];
	_ =	swait.ge [sflag:s4], $0x0  }
0x19: {  	s7 =	sld [smem:$0x3F9D]  }
0x1a: {  	s8 =	sadd.s32 $0xFFFFE003, lr  }
0x1b: {  	s9 =	sadd.s32 $0xFFFFFEF7, lr;
	s5 =	simm.s32 $0xFFFFFFFF;
	p2 =	slt.u32 s8, $0xFFFFF086  }
0x1c: {  	p1 =	slt.u32 s9, $0xF7A;
	s5 =	simm.s32 @!p2 $0x0  }
0x1d: {  	s5 =	simm.s32 @p1 $0x1;
	p0 =	seq.s32 s7, s2  }
0x1e: {  	s7 =	smul.u32 @!p0 $0xF7A, s2;
	p2 =	seq.s32 @!p0 s5, $0x0  }
0x1f: {  	s9 =	smul.u32 $0xF7A, s1;
	s8 =	simm.s32 @!p0 $0x1BF5;
	p2 =	por !p2, p0  }
0x20: {  	[sflag:s8] =	ssyncset.s32 @!p0 $0xFFFFF086;
	s6 =	sadd.s32 @!p0 s3, s7;
	s7 =	simm.s32 @!p0 $0x108  }
0x21: {  	s3 =	sadd.s32 s3, s9;
	s6 =	sadd.s32 @!p0 $0x88, s6;
	s7 =	simm.s32 @p2 $0x1082  }
0x22: {  	[simem:s7], [sflag:s8] =	dma.local @!p0 [hbm:s6], $0xF7A  }
0x23: {  	s9 =	sor.u32 $0xD0000000, s2;
	s6 =	simm.s32 $0x108;
	_ =	swait.ge @!p0 [sflag:s8], $0x0  }
0x24: {  	s3 =	sadd.s32 $0x88, s3;
	s6 =	simm.s32 @!p1 $0x1082;
	[sflag:s4] =	ssyncset.s32 $0xFFFFF086  }
0x25: {  	[simem:s6], [sflag:s4] =	dma.local [hbm:s3], $0xF7A  }
0x26: {  	[smem:$0x3F9D] =	sst s1;
	(tag) =	ssettag s2;
	_ =	strace s9  }
0x27: {  	s1 =	sld [smem:$0x3FAD]  }
0x28: {  	s2 =	sld [smem:$0x3FAE]  }
0x29: {  	s4 =	sld [smem:$0x3FB0]  }
0x2a: {  	p0 =	seq.s32 s5, $0x0;
	s5 =	sld [smem:$0x3FB1]  }
0x2b: {  	s6 =	sld [smem:$0x3FB2]  }
0x2c: {  	s7 =	sld [smem:$0x3FB3]  }
0x2d: {  	s3 =	simm.s32 $0x108;
	s8 =	sld [smem:$0x3FB4]  }
0x2e: {  	s3 =	simm.s32 @!p0 $0x1082;
	s9 =	sld [smem:$0x3FB5]  }
0x2f: {  	lr =	sadd.s32 s0, s3;
	s0 =	sld [smem:$0x3FAC]  }
0x30: {  	s3 =	sld [smem:$0x3FAF]  }
0x31: {  	[smem:$0x3FB8] =	sst s10  }
0x32: {  	s10 =	sld [smem:$0x3FB6];
	_ =	sdelay $0x3  }
0x33: {  	p0 =	seq.s32 s10, $0x1;
	s10 =	sld [smem:$0x3FB8];
	_ =	sdelay $0x3  }
0x34: {  	[smem:$0x3FB8] =	sst s10  }
0x35: {  	s10 =	sld [smem:$0x3FB7];
	_ =	sdelay $0x3  }
0x36: {  	p1 =	seq.s32 s10, $0x1;
	s10 =	sld [smem:$0x3FB8];
	_ =	sdelay $0x3  }
0x37: {  	[smem:$0x3FB8] =	sst s10  }
0x38: {  	s10 =	sld [smem:$0x3FB9]  }
0x39: {  	_ = 	snop;
	(pc) =	sbr.ind lr, $3  }
0x3a: {  	_ = 	snop  }
0x3b: {  	_ = 	snop  }
0x3c: {  	p2 =	seq.s32 s10, $0x1;
	s10 =	sld [smem:$0x3FB8]  }
0x3d: {  	_ =	shalt  }
0x3e: {  	_ =	shalt  }
0x3f: {  	_ =	shalt  }
0x40: {  	_ =	shalt  }
0x41: {  	_ =	shalt  }
0x42: {  	_ =	shalt  }
0x43: {  	_ =	shalt  }
0x44: {  	_ =	shalt  }
0x45: {  	_ =	shalt  }
0x46: {  	_ =	shalt  }
0x47: {  	_ =	shalt  }
0x48: {  	_ =	shalt  }
0x49: {  	_ =	shalt  }
0x4a: {  	_ =	shalt  }
0x4b: {  	_ =	shalt  }
0x4c: {  	_ =	shalt  }
0x4d: {  	_ =	shalt  }
0x4e: {  	_ =	shalt  }
0x4f: {  	_ =	shalt  }
0x50: {  	_ =	shalt  }
0x51: {  	_ =	shalt  }
0x52: {  	_ =	shalt  }
0x53: {  	_ =	shalt  }
0x54: {  	_ =	shalt  }
0x55: {  	_ =	shalt  }
0x56: {  	_ =	shalt  }
0x57: {  	_ =	shalt  }
0x58: {  	_ =	shalt  }
0x59: {  	_ =	shalt  }
0x5a: {  	_ =	shalt  }
0x5b: {  	_ =	shalt  }
0x5c: {  	_ =	shalt  }
0x5d: {  	_ =	shalt  }
0x5e: {  	_ =	shalt  }
0x5f: {  	_ =	shalt  }
0x60: {  	_ =	shalt  }
0x61: {  	_ =	shalt  }
0x62: {  	_ =	shalt  }
0x63: {  	_ =	shalt  }
0x64: {  	_ =	shalt  }
0x65: {  	_ =	shalt  }
0x66: {  	_ =	shalt  }
0x67: {  	_ =	shalt  }
0x68: {  	_ =	shalt  }
0x69: {  	_ =	shalt  }
0x6a: {  	_ =	shalt  }
0x6b: {  	_ =	shalt  }
0x6c: {  	_ =	shalt  }
0x6d: {  	_ =	shalt  }
0x6e: {  	_ =	shalt  }
0x6f: {  	_ =	shalt  }
0x70: {  	_ =	shalt  }
0x71: {  	_ =	shalt  }
0x72: {  	_ =	shalt  }
0x73: {  	_ =	shalt  }
0x74: {  	_ =	shalt  }
0x75: {  	_ =	shalt  }
0x76: {  	_ =	shalt  }
0x77: {  	_ =	shalt  }
0x78: {  	_ =	shalt  }
0x79: {  	_ =	shalt  }
0x7a: {  	_ =	shalt  }
0x7b: {  	_ =	shalt  }
0x7c: {  	_ =	shalt  }
0x7d: {  	_ =	shalt  }
0x7e: {  	_ =	shalt  }
0x7f: {  	_ =	shalt  }
0x80: {  	_ =	shalt  }
0x81: {  	_ =	shalt  }
0x82: {  	_ =	shalt  }
0x83: {  	_ =	shalt  }
0x84: {  	_ =	shalt  }
0x85: {  	_ =	shalt  }
0x86: {  	_ =	shalt  }
0x87: {  	_ =	shalt  }
.Lfunc_end0:
.L_simem_size_0:
called_computation.1_lowered:
.L_overlay_start_0:
0x88: {  	s2 =	sld [smem:$0x3FD9]  }
0x89: {  	s3 =	sld [smem:$0x3FFE];
	_ =	sdelay $0x1  }
0x8a: {  	s1 =	srdreg.scid  }
0x8b: {  	s0 =	sand.u32 $0x1, s1  }
0x8c: {  	s17 =	sshll.u32 s0, $0xA;
	s2 =	sadd.s32 s3, s2  }
0x8d: {  	s2 =	sadd.s32 s2, s17  }
0x8e: {  	[smem:$0x3FC4] =	sst s2  }
0x8f: {  	_ = 	snop  }
0x90: {  	s2 =	sld [smem:$0x3FD0];
	(tm) =	ssettm $0x1  }
0x91: {  	s18 =	sld [smem:$0x3FFB];
	_ =	sdelay $0x3  }
0x92: {  	_ =	strace s18  }
0x93: {  	s3 =	sld [smem:$0x3FFC];
	_ =	sdelay $0x3  }
0x94: {  	_ =	strace s3  }
0x95: {  	s3 =	sld [smem:$0x3FFD];
	_ =	sdelay $0x3  }
0x96: {  	_ =	strace s3  }
0x97: {  	_ =	strace $0x8FFFFFFF  }
0x98: {  	s19 =	sld [smem:$0x3FDB];
	_ =	sdelay $0x1  }
0x99: {  	s4 =	simm.s32 $_scs_section_size  }
0x9a: {  	s5 =	simm.s32 $_size__tile_overlayer_lowered;
	s6 =	simm.s32 $_tile_overlayer_lowered  }
0x9b: {  	s22 =	simm.s32 $0x1BFF;
	s21 =	sshll.u32 s6, $0x1;
	s3 =	sadd.s32 s4, s19  }
0x9c: {  	s7 =	simm.s32 $0x0;
	s20 =	sshll.u32 s5, $0x1;
	s5 =	sadd.s32 s21, s3  }
0x9d: {  	[timem:s7], [sflag:s22] =	dma.local [hbm:s5], s20  }
0x9e: {  	_ =	swait.ge [sflag:s22], s20  }
0x9f: {  	s4 =	ssub.s32 $0x0, s20;
	[sflag:s22] =	ssyncset.done $0x0  }
0xa0: {  	[sflag:s22] =	ssyncadd.s32 s4;
	_ =	sdelay $0x1  }
0xa1: {  	s23 =	simm.s32 $0x1B8B  }
0xa2: {  	_ =	swait.ge [sflag:s23], $0x1  }
0xa3: {  	[sflag:s23] =	ssyncset.done $0x0  }
0xa4: {  	s25 =	simm.s32 $0x1B8E;
	s24 =	sld [smem:$0x3FFE];
	[sflag:s23] =	ssyncadd.s32 $0xFFFFFFFF  }
0xa5: {  	s26 =	simm.s32 $execute0_lowered;
	[smem:$0x3FD2] =	sst s25  }
0xa6: {  	s5 =	sshll.u32 s26, $0x1;
	_ =	strace $0x80000049;
	[dreg:$0x1] =	wrdreg $0xFFFFFFFF  }
0xa7: {  	s28 =	simm.s32 $_size_execute0_lowered;
	s3 =	sadd.s32 s3, s5;
	[dreg:$0x0] =	wrdreg $0x0  }
0xa8: {  	s5 =	sshll.u32 s28, $0x1;
	[dreg:$0x2] =	wrdreg s3  }
0xa9: {  	[dreg:$0x3] =	wrdreg s5  }
0xaa: {  	[dreg:$0x4] =	wrdreg $0xC0  }
0xab: {  	_ =	task [dreg:s7], $0x5FFFF  }
0xac: {  	[dreg:$0x1] =	wrdreg $0xFFFFFFFF  }
0xad: {  	[dreg:$0x0] =	wrdreg $0x60  }
0xae: {  	[dreg:$0x2] =	wrdreg s24  }
0xaf: {  	[dreg:$0x3] =	wrdreg s2  }
0xb0: {  	[dreg:$0x4] =	wrdreg $0x9  }
0xb1: {  	_ =	task.clear_ibuf [dreg:s7], $0x5FFFF;
	_ =	strace $0x90000049  }
0xb2: {  	s29 =	simm.s32 $0x9;
	_ =	strace $0x8000004B  }
0xb3: {  	_ =	swait.ge [sflag:s29], $0x1  }
0xb4: {  	[sflag:s29] =	ssyncadd.s32 $0xFFFFFFFF  }
0xb5: {  	_ =	strace $0x9000004B  }
0xb6: {  	_ =	sfence  }
0xb7: {  	s30 =	sld [smem:$0x0];
	_ =	sdelay $0x2  }
0xb8: {  	s31 =	sshll.u32 s1, $0xD;
	s1 =	sshrl.u32 s1, $0x2  }
0xb9: {  	s3 =	sand.u32 $0x4000, s31;
	s1 =	sadd.s32 s1, s30  }
0xba: {  	s0 =	sor.u32 s3, s0;
	s1 =	sshll.u32 s1, $0x11  }
0xbb: {  	s0 =	sor.u32 s1, s0  }
0xbc: {  	s0 =	sadd.s32 $0x8F2B, s0  }
0xbd: {  	[sflag:s0] =	ssyncadd.remote.s32 $0x1  }
0xbe: {  	_ =	sfence.sel $0xFFFF  }
0xbf: {  	[dreg:$0x0] =	wrdreg $0xFFFFFFFF;
	(pc) =	sbr.abs _section_cstart, $3  }
0xc0: {  	[dreg:$0x1] =	wrdreg $0xFFFFFFFF  }
0xc1: {  	_ =	task.clear_ibuf [dreg:s7], $0x2FFFF;
	_ =	strace $0x9FFFFFFF  }
0xc2: {  	(tm) =	ssettm $0x7FFFFFFF  }
0xc3: {  	_ =	shalt  }
tec
execute0_lowered:
.L_overlay_start_1:
0x0: {  	(tag) =	ssettag $0x1  }
0x1: {  	s5 =	rddreg [dreg:$0x0]  }
0x2: {  	s12 =	rddreg [dreg:$0x1]  }
0x3: {  	s0 =	rddreg [dreg:$0x2]  }
0x4: {  	s3 =	srdreg.scid;
	s1 =	stileid.u32;
	s2 =	simm.s32 $0x0  }
0x5: {  	s16 =	simm.s32 $0x2;
	s17 =	simm.s32 $0x3;
	s18 =	simm.s32 $0x4  }
0x6: {  	s19 =	simm.s32 $0x5;
	s6 =	sand.u32 $0x1, s3;
	s30 =	sshll.u32 s1, $0x1  }
0x7: {  	s20 =	simm.s32 $0x6;
	s21 =	simm.s32 $0x0;
	s3 =	sor.u32 s6, s30  }
0x8: {  	[smem:$0x7FF] =	sst s2;
	s6 =	ssub.s32 $0x2, s6;
	s7 =	smul.u32 $0x6400, s3  }
0x9: {  	s4 =	sadd.s32 $0x1B000, s5;
	s10 =	sadd.s32 $0x2000, s5;
	s31 =	sshrl.u32 s6, $0x1  }
0xa: {  	_ =	strace $0x8000004A;
	s13 =	ssub.s32 s6, s31;
	s11 =	sshrl.u32 s7, $0x3  }
0xb: {  	s3 =	sadd.s32 $0xE00, s5;
	s13 =	smax.u32 s13, $0x1;
	s5 =	sadd.s32 s10, s11  }
0xc: {  	s9 =	sadd.s32 $0x320, s11;
	s7 =	sadd.s32 s12, s11;
	s14 =	sadd.s32 $0x640, s11  }
0xd: {  	s15 =	sadd.s32 $0x960, s11;
	s6 =	sadd.s32 s10, s9;
	s8 =	sadd.s32 s10, s14  }
0xe: {  	s9 =	sadd.s32 s12, s9;
	s10 =	sadd.s32 s10, s15;
	s11 =	sadd.s32 s12, s14  }
0xf: {  	s12 =	sadd.s32 s12, s15;
	s14 =	simm.s32 $0x9000;
	s15 =	simm.s32 $0x1  }
.LBB2_1:
0x10: {  	[tilespmem:s2], [sflag:$0x1] =	stream.linear.gather [hbm4b:s3+s2], $0x9000, $0x38;
	[tilespmem:$0x1EB00] =	vst v63  }
0x11: {  	s22 =	simm.s32 $0x18700  }
0x12: {  	s23 =	simm.s32 $0x10;
	s25 =	sadd.s32 $0x0, s5;
	s24 =	simm.s32 $0x18800  }
0x13: {  	[tilespmem:s14], [sflag:$0x2] =	stream.linear.gather [hbm4b:s4+s2], $0xF6A0, $0x38;
	[tilespmem:$0x1EB00] =	vst v63  }
.LBB2_2:
0x14: {  	[tilespmem:s22], [sflag:$0x3] =	stream.linear.gather [hbm4b:s25+s2], $0x80, $0x38;
	[tilespmem:$0x1EB00] =	vst v63  }
0x15: {  	s25 =	smov.u32 s23;
	s22 =	smov.u32 s24;
	p0 =	sne.s32 s23, $0x310  }
.Ltmp0:
0x16: {  	s23 =	sadd.s32 $0x10, s23;
	(pc) =	sbr.rel @p0 .LBB2_2-.Ltmp0, $2  }
0x17: {  	_ =	sdelay $0x2  }
0x18: {  	s24 =	sadd.s32 $0x100, s24;
	s25 =	sadd.s32 s25, s5  }
0x19: {  	[tilespmem:s22], [sflag:$0x3] =	stream.linear.gather [hbm4b:s25+s2], $0x80, $0x38;
	[tilespmem:$0x1EB00] =	vst v63  }
0x1a: {  	s22 =	simm.s32 $0x18780  }
0x1b: {  	s23 =	simm.s32 $0x10;
	s25 =	sadd.s32 $0x0, s6;
	s24 =	simm.s32 $0x18880  }
.LBB2_4:
0x1c: {  	[tilespmem:s22], [sflag:$0x4] =	stream.linear.gather [hbm4b:s25+s2], $0x80, $0x38;
	[tilespmem:$0x1EB00] =	vst v63  }
0x1d: {  	s25 =	smov.u32 s23;
	s22 =	smov.u32 s24;
	p0 =	sne.s32 s23, $0x310  }
.Ltmp1:
0x1e: {  	s23 =	sadd.s32 $0x10, s23;
	(pc) =	sbr.rel @p0 .LBB2_4-.Ltmp1, $2  }
0x1f: {  	_ =	sdelay $0x2  }
0x20: {  	s24 =	sadd.s32 $0x100, s24;
	s25 =	sadd.s32 s25, s6  }
0x21: {  	[tilespmem:s22], [sflag:$0x4] =	stream.linear.gather [hbm4b:s25+s2], $0x80, $0x38;
	[tilespmem:$0x1EB00] =	vst v63  }
0x22: {  	_ =	swait.ge [sflag:s15], $0x9000  }
0x23: {  	[sflag:s15] =	ssyncset.done $0x0  }
0x24: {  	[sflag:s15] =	ssyncadd.s32 $0xFFFF7000  }
0x25: {  	_ =	swait.ge [sflag:s16], $0xF6A0  }
0x26: {  	[sflag:s16] =	ssyncset.done $0x0  }
0x27: {  	[sflag:s16] =	ssyncadd.s32 $0xFFFF0960  }
0x28: {  	_ =	swait.ge [sflag:s17], $0x1900  }
0x29: {  	[sflag:s17] =	ssyncset.done $0x0  }
0x2a: {  	s31 =	simm.s32 $0x18740;
	[sflag:s17] =	ssyncadd.s32 $0xFFFFE700  }
0x2b: {  	v0 =	vld [tilespmem:s31+$0x30]  }
0x2c: {  	v1 =	vld [tilespmem:s31+$0xFFFFFFD0]  }
0x2d: {  	v2 =	vld [tilespmem:s31+$0xFFFFFFE0]  }
0x2e: {  	v3 =	vld [tilespmem:s31+$0xFFFFFFF0]  }
0x2f: {  	v4 =	vld [tilespmem:s31+$0x0]  }
0x30: {  	v6 =	vld [tilespmem:s31+$0x10]  }
0x31: {  	v7 =	vld [tilespmem:s31+$0x20]  }
0x32: {  	v8 =	vld [tilespmem:s31+$0xFFFFFFC0]  }
0x33: {  	v9 =	vld.idx.msk [tilespmem:v0+s2+$0x0], $0xffff  }
0x34: {  	v10 =	vld.idx.msk [tilespmem:v1+s2+$0x0], $0xffff  }
0x35: {  	v5 =	vld.idx.msk [tilespmem:v2+s2+$0x0], $0xffff  }
0x36: {  	v3 =	vld.idx.msk [tilespmem:v3+s2+$0x0], $0xffff  }
0x37: {  	v0 =	vld.idx.msk [tilespmem:v4+s2+$0x0], $0xffff  }
0x38: {  	s22 =	simm.s32 $0x1B940;
	v1 =	vld.idx.msk [tilespmem:v6+s2+$0x0], $0xffff  }
0x39: {  	v2 =	vld.idx.msk [tilespmem:v7+s2+$0x0], $0xffff;
	[tilespmem:s22+$0x30] =	vst v9  }
0x3a: {  	s23 =	simm.s32 $0x0;
	s24 =	simm.s32 $0x18840;
	v4 =	vld.idx.msk [tilespmem:v8+s2+$0x0], $0xffff;
	[tilespmem:s22+$0xFFFFFFD0] =	vst v10  }
.LBB2_6:
0x3b: {  	v6 =	vld [tilespmem:s24+$0x30];
	s23 =	sadd.s32 $0x8, s23;
	[tilespmem:s22+$0xFFFFFFE0] =	vst v5  }
0x3c: {  	v5 =	vld [tilespmem:s24+$0xFFFFFFD0];
	p0 =	slt.u32 s23, $0x188;
	[tilespmem:s22+$0xFFFFFFF0] =	vst v3  }
0x3d: {  	v3 =	vld [tilespmem:s24+$0xFFFFFFE0];
	[tilespmem:s22+$0x0] =	vst v0  }
0x3e: {  	v0 =	vld [tilespmem:s24+$0xFFFFFFF0];
	[tilespmem:s22+$0x10] =	vst v1  }
0x3f: {  	v1 =	vld [tilespmem:s24+$0x0];
	[tilespmem:s22+$0x20] =	vst v2  }
0x40: {  	v2 =	vld [tilespmem:s24+$0x10];
	[tilespmem:s22+$0xFFFFFFC0] =	vst v4  }
0x41: {  	v4 =	vld [tilespmem:s24+$0x20]  }
0x42: {  	v7 =	vld [tilespmem:s24+$0xFFFFFFC0]  }
0x43: {  	v6 =	vld.idx.msk [tilespmem:v6+s2+$0x0], $0xffff  }
0x44: {  	v8 =	vld.idx.msk [tilespmem:v5+s2+$0x0], $0xffff  }
0x45: {  	v5 =	vld.idx.msk [tilespmem:v3+s2+$0x0], $0xffff  }
.Ltmp2:
0x46: {  	v3 =	vld.idx.msk [tilespmem:v0+s2+$0x0], $0xffff;
	(pc) =	sbr.rel @p0 .LBB2_6-.Ltmp2, $4  }
0x47: {  	v0 =	vld.idx.msk [tilespmem:v1+s2+$0x0], $0xffff  }
0x48: {  	s22 =	sadd.s32 $0x100, s22;
	v1 =	vld.idx.msk [tilespmem:v2+s2+$0x0], $0xffff  }
0x49: {  	v2 =	vld.idx.msk [tilespmem:v4+s2+$0x0], $0xffff;
	[tilespmem:s22+$0x30] =	vst v6  }
0x4a: {  	s24 =	sadd.s32 $0x100, s24;
	v4 =	vld.idx.msk [tilespmem:v7+s2+$0x0], $0xffff;
	[tilespmem:s22+$0xFFFFFFD0] =	vst v8  }
0x4b: {  	[tilespmem:s22+$0xFFFFFFE0] =	vst v5  }
0x4c: {  	[tilespmem:s22+$0xFFFFFFF0] =	vst v3  }
0x4d: {  	[tilespmem:s22+$0x0] =	vst v0  }
0x4e: {  	[tilespmem:s22+$0x10] =	vst v1  }
0x4f: {  	s23 =	simm.s32 $0x1B900;
	[tilespmem:s22+$0x20] =	vst v2  }
0x50: {  	s25 =	sadd.s32 $0x0, s7;
	s24 =	simm.s32 $0x1BA00;
	[tilespmem:s22+$0xFFFFFFC0] =	vst v4;
	s22 =	simm.s32 $0x10  }
.LBB2_8:
0x51: {  	[hbm4b:s25+s2] =	stream.linear.scatter [tilespmem:s23], [sflag:$0x5], $0x80, $0x38;
	[tilespmem:$0x1EB00] =	vst v63  }
0x52: {  	s25 =	smov.u32 s22;
	s23 =	smov.u32 s24;
	p0 =	sne.s32 s22, $0x310  }
.Ltmp3:
0x53: {  	s22 =	sadd.s32 $0x10, s22;
	(pc) =	sbr.rel @p0 .LBB2_8-.Ltmp3, $2  }
0x54: {  	_ =	sdelay $0x2  }
0x55: {  	s24 =	sadd.s32 $0x100, s24;
	s25 =	sadd.s32 s25, s7  }
0x56: {  	[hbm4b:s25+s2] =	stream.linear.scatter [tilespmem:s23], [sflag:$0x5], $0x80, $0x38;
	[tilespmem:$0x1EB00] =	vst v63  }
0x57: {  	s22 =	simm.s32 $0x18700  }
0x58: {  	s23 =	simm.s32 $0x10;
	s25 =	sadd.s32 $0x0, s8;
	s24 =	simm.s32 $0x18800  }
.LBB2_10:
0x59: {  	[tilespmem:s22], [sflag:$0x3] =	stream.linear.gather [hbm4b:s25+s2], $0x80, $0x38;
	[tilespmem:$0x1EB00] =	vst v63  }
0x5a: {  	s25 =	smov.u32 s23;
	s22 =	smov.u32 s24;
	p0 =	sne.s32 s23, $0x310  }
.Ltmp4:
0x5b: {  	s23 =	sadd.s32 $0x10, s23;
	(pc) =	sbr.rel @p0 .LBB2_10-.Ltmp4, $2  }
0x5c: {  	_ =	sdelay $0x2  }
0x5d: {  	s24 =	sadd.s32 $0x100, s24;
	s25 =	sadd.s32 s25, s8  }
0x5e: {  	[tilespmem:s22], [sflag:$0x3] =	stream.linear.gather [hbm4b:s25+s2], $0x80, $0x38;
	[tilespmem:$0x1EB00] =	vst v63  }
0x5f: {  	_ =	swait.ge [sflag:s18], $0x1900  }
0x60: {  	[sflag:s18] =	ssyncset.done $0x0  }
0x61: {  	s31 =	simm.s32 $0x187F0;
	[sflag:s18] =	ssyncadd.s32 $0xFFFFE700  }
0x62: {  	v0 =	vld [tilespmem:s31+$0x0]  }
0x63: {  	v1 =	vld [tilespmem:s31+$0xFFFFFFA0]  }
0x64: {  	v2 =	vld [tilespmem:s31+$0xFFFFFFB0]  }
0x65: {  	v3 =	vld [tilespmem:s31+$0xFFFFFFC0]  }
0x66: {  	v4 =	vld [tilespmem:s31+$0xFFFFFFD0]  }
0x67: {  	v6 =	vld [tilespmem:s31+$0xFFFFFFE0]  }
0x68: {  	v7 =	vld [tilespmem:s31+$0xFFFFFFF0]  }
0x69: {  	v8 =	vld [tilespmem:s31+$0xFFFFFF90]  }
0x6a: {  	v9 =	vld.idx.msk [tilespmem:v0+s2+$0x0], $0xffff  }
0x6b: {  	v10 =	vld.idx.msk [tilespmem:v1+s2+$0x0], $0xffff  }
0x6c: {  	v5 =	vld.idx.msk [tilespmem:v2+s2+$0x0], $0xffff  }
0x6d: {  	v3 =	vld.idx.msk [tilespmem:v3+s2+$0x0], $0xffff  }
0x6e: {  	v0 =	vld.idx.msk [tilespmem:v4+s2+$0x0], $0xffff  }
0x6f: {  	s22 =	simm.s32 $0x1B9F0;
	v1 =	vld.idx.msk [tilespmem:v6+s2+$0x0], $0xffff  }
0x70: {  	v2 =	vld.idx.msk [tilespmem:v7+s2+$0x0], $0xffff;
	[tilespmem:s22+$0x0] =	vst v9  }
0x71: {  	s23 =	simm.s32 $0x0;
	s24 =	simm.s32 $0x188F0;
	v4 =	vld.idx.msk [tilespmem:v8+s2+$0x0], $0xffff;
	[tilespmem:s22+$0xFFFFFFA0] =	vst v10  }
.LBB2_12:
0x72: {  	v6 =	vld [tilespmem:s24+$0x0];
	s23 =	sadd.s32 $0x8, s23;
	[tilespmem:s22+$0xFFFFFFB0] =	vst v5  }
0x73: {  	v5 =	vld [tilespmem:s24+$0xFFFFFFA0];
	p0 =	slt.u32 s23, $0x188;
	[tilespmem:s22+$0xFFFFFFC0] =	vst v3  }
0x74: {  	v3 =	vld [tilespmem:s24+$0xFFFFFFB0];
	[tilespmem:s22+$0xFFFFFFD0] =	vst v0  }
0x75: {  	v0 =	vld [tilespmem:s24+$0xFFFFFFC0];
	[tilespmem:s22+$0xFFFFFFE0] =	vst v1  }
0x76: {  	v1 =	vld [tilespmem:s24+$0xFFFFFFD0];
	[tilespmem:s22+$0xFFFFFFF0] =	vst v2  }
0x77: {  	v2 =	vld [tilespmem:s24+$0xFFFFFFE0];
	[tilespmem:s22+$0xFFFFFF90] =	vst v4  }
0x78: {  	v4 =	vld [tilespmem:s24+$0xFFFFFFF0]  }
0x79: {  	v7 =	vld [tilespmem:s24+$0xFFFFFF90]  }
0x7a: {  	v6 =	vld.idx.msk [tilespmem:v6+s2+$0x0], $0xffff  }
0x7b: {  	v8 =	vld.idx.msk [tilespmem:v5+s2+$0x0], $0xffff  }
0x7c: {  	v5 =	vld.idx.msk [tilespmem:v3+s2+$0x0], $0xffff  }
.Ltmp5:
0x7d: {  	v3 =	vld.idx.msk [tilespmem:v0+s2+$0x0], $0xffff;
	(pc) =	sbr.rel @p0 .LBB2_12-.Ltmp5, $4  }
0x7e: {  	v0 =	vld.idx.msk [tilespmem:v1+s2+$0x0], $0xffff  }
0x7f: {  	s22 =	sadd.s32 $0x100, s22;
	v1 =	vld.idx.msk [tilespmem:v2+s2+$0x0], $0xffff  }
0x80: {  	v2 =	vld.idx.msk [tilespmem:v4+s2+$0x0], $0xffff;
	[tilespmem:s22+$0x0] =	vst v6  }
0x81: {  	s24 =	sadd.s32 $0x100, s24;
	v4 =	vld.idx.msk [tilespmem:v7+s2+$0x0], $0xffff;
	[tilespmem:s22+$0xFFFFFFA0] =	vst v8  }
0x82: {  	[tilespmem:s22+$0xFFFFFFB0] =	vst v5  }
0x83: {  	[tilespmem:s22+$0xFFFFFFC0] =	vst v3  }
0x84: {  	[tilespmem:s22+$0xFFFFFFD0] =	vst v0  }
0x85: {  	[tilespmem:s22+$0xFFFFFFE0] =	vst v1  }
0x86: {  	s23 =	simm.s32 $0x1B980;
	[tilespmem:s22+$0xFFFFFFF0] =	vst v2  }
0x87: {  	s25 =	sadd.s32 $0x0, s9;
	s24 =	simm.s32 $0x1BA80;
	[tilespmem:s22+$0xFFFFFF90] =	vst v4;
	s22 =	simm.s32 $0x10  }
.LBB2_14:
0x88: {  	[hbm4b:s25+s2] =	stream.linear.scatter [tilespmem:s23], [sflag:$0x6], $0x80, $0x38;
	[tilespmem:$0x1EB00] =	vst v63  }
0x89: {  	s25 =	smov.u32 s22;
	s23 =	smov.u32 s24;
	p0 =	sne.s32 s22, $0x310  }
.Ltmp6:
0x8a: {  	s22 =	sadd.s32 $0x10, s22;
	(pc) =	sbr.rel @p0 .LBB2_14-.Ltmp6, $2  }
0x8b: {  	_ =	sdelay $0x2  }
0x8c: {  	s24 =	sadd.s32 $0x100, s24;
	s25 =	sadd.s32 s25, s9  }
0x8d: {  	[hbm4b:s25+s2] =	stream.linear.scatter [tilespmem:s23], [sflag:$0x6], $0x80, $0x38;
	[tilespmem:$0x1EB00] =	vst v63  }
0x8e: {  	s22 =	simm.s32 $0x18780  }
0x8f: {  	s23 =	simm.s32 $0x10;
	s25 =	sadd.s32 $0x0, s10;
	s24 =	simm.s32 $0x18880  }
.LBB2_16:
0x90: {  	[tilespmem:s22], [sflag:$0x4] =	stream.linear.gather [hbm4b:s25+s2], $0x80, $0x38;
	[tilespmem:$0x1EB00] =	vst v63  }
0x91: {  	s25 =	smov.u32 s23;
	s22 =	smov.u32 s24;
	p0 =	sne.s32 s23, $0x310  }
.Ltmp7:
0x92: {  	s23 =	sadd.s32 $0x10, s23;
	(pc) =	sbr.rel @p0 .LBB2_16-.Ltmp7, $2  }
0x93: {  	_ =	sdelay $0x2  }
0x94: {  	s24 =	sadd.s32 $0x100, s24;
	s25 =	sadd.s32 s25, s10  }
0x95: {  	[tilespmem:s22], [sflag:$0x4] =	stream.linear.gather [hbm4b:s25+s2], $0x80, $0x38;
	[tilespmem:$0x1EB00] =	vst v63  }
0x96: {  	_ =	swait.ge [sflag:s17], $0x1900  }
0x97: {  	[sflag:s17] =	ssyncset.done $0x0  }
0x98: {  	[sflag:s17] =	ssyncadd.s32 $0xFFFFE700  }
0x99: {  	_ =	swait.ge [sflag:s19], $0x1900  }
0x9a: {  	[sflag:s19] =	ssyncset.done $0x0  }
0x9b: {  	s31 =	simm.s32 $0x18740;
	[sflag:s19] =	ssyncadd.s32 $0xFFFFE700  }
0x9c: {  	v0 =	vld [tilespmem:s31+$0x30]  }
0x9d: {  	v1 =	vld [tilespmem:s31+$0xFFFFFFD0]  }
0x9e: {  	v2 =	vld [tilespmem:s31+$0xFFFFFFE0]  }
0x9f: {  	v3 =	vld [tilespmem:s31+$0xFFFFFFF0]  }
0xa0: {  	v4 =	vld [tilespmem:s31+$0x0]  }
0xa1: {  	v6 =	vld [tilespmem:s31+$0x10]  }
0xa2: {  	v7 =	vld [tilespmem:s31+$0x20]  }
0xa3: {  	v8 =	vld [tilespmem:s31+$0xFFFFFFC0]  }
0xa4: {  	v9 =	vld.idx.msk [tilespmem:v0+s2+$0x0], $0xffff  }
0xa5: {  	v10 =	vld.idx.msk [tilespmem:v1+s2+$0x0], $0xffff  }
0xa6: {  	v5 =	vld.idx.msk [tilespmem:v2+s2+$0x0], $0xffff  }
0xa7: {  	v3 =	vld.idx.msk [tilespmem:v3+s2+$0x0], $0xffff  }
0xa8: {  	v0 =	vld.idx.msk [tilespmem:v4+s2+$0x0], $0xffff  }
0xa9: {  	s22 =	simm.s32 $0x1B940;
	v1 =	vld.idx.msk [tilespmem:v6+s2+$0x0], $0xffff  }
0xaa: {  	v2 =	vld.idx.msk [tilespmem:v7+s2+$0x0], $0xffff;
	[tilespmem:s22+$0x30] =	vst v9  }
0xab: {  	s23 =	simm.s32 $0x0;
	s24 =	simm.s32 $0x18840;
	v4 =	vld.idx.msk [tilespmem:v8+s2+$0x0], $0xffff;
	[tilespmem:s22+$0xFFFFFFD0] =	vst v10  }
.LBB2_18:
0xac: {  	v6 =	vld [tilespmem:s24+$0x30];
	s23 =	sadd.s32 $0x8, s23;
	[tilespmem:s22+$0xFFFFFFE0] =	vst v5  }
0xad: {  	v5 =	vld [tilespmem:s24+$0xFFFFFFD0];
	p0 =	slt.u32 s23, $0x188;
	[tilespmem:s22+$0xFFFFFFF0] =	vst v3  }
0xae: {  	v3 =	vld [tilespmem:s24+$0xFFFFFFE0];
	[tilespmem:s22+$0x0] =	vst v0  }
0xaf: {  	v0 =	vld [tilespmem:s24+$0xFFFFFFF0];
	[tilespmem:s22+$0x10] =	vst v1  }
0xb0: {  	v1 =	vld [tilespmem:s24+$0x0];
	[tilespmem:s22+$0x20] =	vst v2  }
0xb1: {  	v2 =	vld [tilespmem:s24+$0x10];
	[tilespmem:s22+$0xFFFFFFC0] =	vst v4  }
0xb2: {  	v4 =	vld [tilespmem:s24+$0x20]  }
0xb3: {  	v7 =	vld [tilespmem:s24+$0xFFFFFFC0]  }
0xb4: {  	v6 =	vld.idx.msk [tilespmem:v6+s2+$0x0], $0xffff  }
0xb5: {  	v8 =	vld.idx.msk [tilespmem:v5+s2+$0x0], $0xffff  }
0xb6: {  	v5 =	vld.idx.msk [tilespmem:v3+s2+$0x0], $0xffff  }
.Ltmp8:
0xb7: {  	v3 =	vld.idx.msk [tilespmem:v0+s2+$0x0], $0xffff;
	(pc) =	sbr.rel @p0 .LBB2_18-.Ltmp8, $4  }
0xb8: {  	v0 =	vld.idx.msk [tilespmem:v1+s2+$0x0], $0xffff  }
0xb9: {  	s22 =	sadd.s32 $0x100, s22;
	v1 =	vld.idx.msk [tilespmem:v2+s2+$0x0], $0xffff  }
0xba: {  	v2 =	vld.idx.msk [tilespmem:v4+s2+$0x0], $0xffff;
	[tilespmem:s22+$0x30] =	vst v6  }
0xbb: {  	s24 =	sadd.s32 $0x100, s24;
	v4 =	vld.idx.msk [tilespmem:v7+s2+$0x0], $0xffff;
	[tilespmem:s22+$0xFFFFFFD0] =	vst v8  }
0xbc: {  	[tilespmem:s22+$0xFFFFFFE0] =	vst v5  }
0xbd: {  	[tilespmem:s22+$0xFFFFFFF0] =	vst v3  }
0xbe: {  	[tilespmem:s22+$0x0] =	vst v0  }
0xbf: {  	[tilespmem:s22+$0x10] =	vst v1  }
0xc0: {  	s23 =	simm.s32 $0x1B900;
	[tilespmem:s22+$0x20] =	vst v2  }
0xc1: {  	s25 =	sadd.s32 $0x0, s11;
	s24 =	simm.s32 $0x1BA00;
	[tilespmem:s22+$0xFFFFFFC0] =	vst v4;
	s22 =	simm.s32 $0x10  }
.LBB2_20:
0xc2: {  	[hbm4b:s25+s2] =	stream.linear.scatter [tilespmem:s23], [sflag:$0x5], $0x80, $0x38;
	[tilespmem:$0x1EB00] =	vst v63  }
0xc3: {  	s25 =	smov.u32 s22;
	s23 =	smov.u32 s24;
	p0 =	sne.s32 s22, $0x310  }
.Ltmp9:
0xc4: {  	s22 =	sadd.s32 $0x10, s22;
	(pc) =	sbr.rel @p0 .LBB2_20-.Ltmp9, $2  }
0xc5: {  	_ =	sdelay $0x2  }
0xc6: {  	s24 =	sadd.s32 $0x100, s24;
	s25 =	sadd.s32 s25, s11  }
0xc7: {  	[hbm4b:s25+s2] =	stream.linear.scatter [tilespmem:s23], [sflag:$0x5], $0x80, $0x38;
	[tilespmem:$0x1EB00] =	vst v63  }
0xc8: {  	_ =	swait.ge [sflag:s18], $0x1900  }
0xc9: {  	[sflag:s18] =	ssyncset.done $0x0  }
0xca: {  	[sflag:s18] =	ssyncadd.s32 $0xFFFFE700  }
0xcb: {  	_ =	swait.ge [sflag:s20], $0x1900  }
0xcc: {  	[sflag:s20] =	ssyncset.done $0x0  }
0xcd: {  	s22 =	simm.s32 $0x187F0;
	[sflag:s20] =	ssyncadd.s32 $0xFFFFE700  }
0xce: {  	v0 =	vld [tilespmem:s22+$0x0]  }
0xcf: {  	v1 =	vld [tilespmem:s22+$0xFFFFFFA0]  }
0xd0: {  	v2 =	vld [tilespmem:s22+$0xFFFFFFB0]  }
0xd1: {  	v3 =	vld [tilespmem:s22+$0xFFFFFFC0]  }
0xd2: {  	v4 =	vld [tilespmem:s22+$0xFFFFFFD0]  }
0xd3: {  	v6 =	vld [tilespmem:s22+$0xFFFFFFE0]  }
0xd4: {  	v7 =	vld [tilespmem:s22+$0xFFFFFFF0]  }
0xd5: {  	v8 =	vld [tilespmem:s22+$0xFFFFFF90]  }
0xd6: {  	v9 =	vld.idx.msk [tilespmem:v0+s2+$0x0], $0xffff  }
0xd7: {  	v10 =	vld.idx.msk [tilespmem:v1+s2+$0x0], $0xffff  }
0xd8: {  	v5 =	vld.idx.msk [tilespmem:v2+s2+$0x0], $0xffff  }
0xd9: {  	v3 =	vld.idx.msk [tilespmem:v3+s2+$0x0], $0xffff  }
0xda: {  	v0 =	vld.idx.msk [tilespmem:v4+s2+$0x0], $0xffff  }
0xdb: {  	s22 =	simm.s32 $0x1B9F0;
	v1 =	vld.idx.msk [tilespmem:v6+s2+$0x0], $0xffff  }
0xdc: {  	v2 =	vld.idx.msk [tilespmem:v7+s2+$0x0], $0xffff;
	[tilespmem:s22+$0x0] =	vst v9  }
0xdd: {  	s23 =	simm.s32 $0x0;
	s24 =	simm.s32 $0x188F0;
	v4 =	vld.idx.msk [tilespmem:v8+s2+$0x0], $0xffff;
	[tilespmem:s22+$0xFFFFFFA0] =	vst v10  }
.LBB2_22:
0xde: {  	v6 =	vld [tilespmem:s24+$0x0];
	s23 =	sadd.s32 $0x8, s23;
	[tilespmem:s22+$0xFFFFFFB0] =	vst v5  }
0xdf: {  	v5 =	vld [tilespmem:s24+$0xFFFFFFA0];
	p0 =	slt.u32 s23, $0x188;
	[tilespmem:s22+$0xFFFFFFC0] =	vst v3  }
0xe0: {  	v3 =	vld [tilespmem:s24+$0xFFFFFFB0];
	[tilespmem:s22+$0xFFFFFFD0] =	vst v0  }
0xe1: {  	v0 =	vld [tilespmem:s24+$0xFFFFFFC0];
	[tilespmem:s22+$0xFFFFFFE0] =	vst v1  }
0xe2: {  	v1 =	vld [tilespmem:s24+$0xFFFFFFD0];
	[tilespmem:s22+$0xFFFFFFF0] =	vst v2  }
0xe3: {  	v2 =	vld [tilespmem:s24+$0xFFFFFFE0];
	[tilespmem:s22+$0xFFFFFF90] =	vst v4  }
0xe4: {  	v4 =	vld [tilespmem:s24+$0xFFFFFFF0]  }
0xe5: {  	v7 =	vld [tilespmem:s24+$0xFFFFFF90]  }
0xe6: {  	v6 =	vld.idx.msk [tilespmem:v6+s2+$0x0], $0xffff  }
0xe7: {  	v8 =	vld.idx.msk [tilespmem:v5+s2+$0x0], $0xffff  }
0xe8: {  	v5 =	vld.idx.msk [tilespmem:v3+s2+$0x0], $0xffff  }
.Ltmp10:
0xe9: {  	v3 =	vld.idx.msk [tilespmem:v0+s2+$0x0], $0xffff;
	(pc) =	sbr.rel @p0 .LBB2_22-.Ltmp10, $4  }
0xea: {  	v0 =	vld.idx.msk [tilespmem:v1+s2+$0x0], $0xffff  }
0xeb: {  	s22 =	sadd.s32 $0x100, s22;
	v1 =	vld.idx.msk [tilespmem:v2+s2+$0x0], $0xffff  }
0xec: {  	v2 =	vld.idx.msk [tilespmem:v4+s2+$0x0], $0xffff;
	[tilespmem:s22+$0x0] =	vst v6  }
0xed: {  	s24 =	sadd.s32 $0x100, s24;
	v4 =	vld.idx.msk [tilespmem:v7+s2+$0x0], $0xffff;
	[tilespmem:s22+$0xFFFFFFA0] =	vst v8  }
0xee: {  	[tilespmem:s22+$0xFFFFFFB0] =	vst v5  }
0xef: {  	[tilespmem:s22+$0xFFFFFFC0] =	vst v3  }
0xf0: {  	[tilespmem:s22+$0xFFFFFFD0] =	vst v0  }
0xf1: {  	[tilespmem:s22+$0xFFFFFFE0] =	vst v1  }
0xf2: {  	s23 =	simm.s32 $0x1B980;
	[tilespmem:s22+$0xFFFFFFF0] =	vst v2  }
0xf3: {  	s25 =	sadd.s32 $0x0, s12;
	s24 =	simm.s32 $0x1BA80;
	[tilespmem:s22+$0xFFFFFF90] =	vst v4;
	s22 =	simm.s32 $0x10  }
.LBB2_24:
0xf4: {  	[hbm4b:s25+s2] =	stream.linear.scatter [tilespmem:s23], [sflag:$0x6], $0x80, $0x38;
	[tilespmem:$0x1EB00] =	vst v63  }
0xf5: {  	s25 =	smov.u32 s22;
	s23 =	smov.u32 s24;
	p0 =	sne.s32 s22, $0x310  }
.Ltmp11:
0xf6: {  	s22 =	sadd.s32 $0x10, s22;
	(pc) =	sbr.rel @p0 .LBB2_24-.Ltmp11, $2  }
0xf7: {  	_ =	sdelay $0x2  }
0xf8: {  	s24 =	sadd.s32 $0x100, s24;
	s25 =	sadd.s32 s25, s12  }
0xf9: {  	[hbm4b:s25+s2] =	stream.linear.scatter [tilespmem:s23], [sflag:$0x6], $0x80, $0x38;
	[tilespmem:$0x1EB00] =	vst v63  }
0xfa: {  	s21 =	sadd.s32 $0x1, s21  }
0xfb: {  	_ =	swait.ge [sflag:s19], $0x1900;
	p0 =	sne.s32 s21, s13  }
.Ltmp12:
0xfc: {  	[sflag:s19] =	ssyncset.done $0x0;
	(pc) =	sbr.rel @p0 .LBB2_1-.Ltmp12, $4  }
0xfd: {  	[sflag:s19] =	ssyncadd.s32 $0xFFFFE700  }
0xfe: {  	_ =	swait.ge [sflag:s20], $0x1900  }
0xff: {  	[sflag:s20] =	ssyncset.done $0x0  }
0x100: {  	[sflag:s20] =	ssyncadd.s32 $0xFFFFE700  }
0x101: {  	_ =	sfence.sel $0x180000  }
0x102: {  	[bflag:$0x0] =	sbarrier.arrive $0xFFFF  }
0x103: {  	p0 =	sne.s32 s1, $0x0;
	_ =	strace $0x9000004A  }
0x104: {  	s0 =	sadd.s32 @!p0 $0x100000, s0;
	[bflag:$0x2] =	sbarrier.arrive $0xFFFF  }
0x105: {  	[sflag:s0] =	ssyncadd.tile.s32 @!p0 $0x1;
	_ =	shalt  }
.Lfunc_end2:
_tile_overlayer_lowered:
.L_overlay_start_2:
0x106: {  	(tag) =	ssettag $0x2  }
0x107: {  	s0 =	rddreg [dreg:$0x0];
	s2 =	stileid.u32  }
0x108: {  	s1 =	rddreg [dreg:$0x1];
	p0 =	sne.s32 s2, $0x0  }
0x109: {  	s3 =	rddreg [dreg:$0x2];
	[bflag:$0x3] =	sbarrier.arrive $0xFFFF;
	s2 =	simm.s32 @!p0 $0x1C07  }
0x10a: {  	[timem:s3], [sflag:s2] =	dma.local @!p0 [hbm:s0], s1  }
0x10b: {  	s0 =	simm.s32 @!p0 $0x7  }
0x10c: {  	_ =	swait.ge @!p0 [sflag:s0], s1  }
0x10d: {  	s1 =	ssub.s32 @!p0 $0x0, s1;
	[sflag:s0] =	ssyncset.done @!p0 $0x0  }
0x10e: {  	[sflag:s0] =	ssyncadd.s32 @!p0 s1  }
0x10f: {  	[bflag:$0x3] =	sbarrier.arrive $0xFFFF  }
0x110: {  	_ =	shalt  }

</sc_bundles>
